<compile_context>
chip_gen: v7x
topology: tpu7x:2x2x1
jax: 0.10.2.dev20260603
libtpu: 0.0.44.dev20260713+nightly
codegen_flags: <defaults>
</compile_context>

<pallas_src>
import functools

import jax
import jax.numpy as jnp
from jax import lax
from jax.experimental import pallas as pl
from jax.experimental.pallas import tpu as pltpu
from jax.experimental.pallas import tpu_sc as plsc



def _bn_cols(x, g, b):
    m = jnp.mean(x, axis=0, keepdims=True)
    v = jnp.mean((x - m) ** 2, axis=0, keepdims=True)
    return (x - m) * jax.lax.rsqrt(v + 1e-5) * g + b


def _dot(a, b):
    return jnp.dot(a, b, preferred_element_type=jnp.float32)



def _pre_body(feat_ref, g_ref, b_ref, wself_t_ref, fb_ref, s_ref):
    fb = _bn_cols(feat_ref[...], g_ref[...], b_ref[...])
    fb_ref[...] = fb
    s_ref[...] = _dot(fb, wself_t_ref[...])


_GRU_BLK = 2048


def _gru_mega_body(nsteps_ref, countsf_ref, wih_t_ref, bih_ref, whh_t_ref,
                   bhh_ref, xs_ref, out_ref, xbuf_ref, sem_ref):
    blk = _GRU_BLK
    d = out_ref.shape[1]
    out_ref[...] = jnp.zeros(out_ref.shape, out_ref.dtype)
    nsteps = nsteps_ref[0]
    cf = countsf_ref[...]
    wih = wih_t_ref[...]
    whh = whh_t_ref[...]
    bih = bih_ref[...]
    bhh = bhh_ref[...]

    def dma(slot, start):
        return pltpu.make_async_copy(
            xs_ref.at[pl.ds(start, blk)], xbuf_ref.at[slot], sem_ref.at[slot])

    def step(t, R):
        tf = t.astype(jnp.float32)
        K = jnp.sum((cf > tf).astype(jnp.float32)).astype(jnp.int32)
        nblk = (K + blk - 1) // blk
        dma(0, R).start()

        def body(b, _):
            base = b * blk
            slot = jax.lax.rem(b, 2)

            @pl.when(b + 1 < nblk)
            def _():
                dma(jax.lax.rem(b + 1, 2), R + base + blk).start()

            dma(slot, R + base).wait()
            x = xbuf_ref[slot]
            gi = _dot(x.astype(jnp.bfloat16), wih) + bih
            h = out_ref[pl.ds(base, blk), :]
            gh = _dot(h.astype(jnp.bfloat16), whh) + bhh
            ir, iz, inew = gi[:, :d], gi[:, d:2 * d], gi[:, 2 * d:]
            hr, hz, hnn = gh[:, :d], gh[:, d:2 * d], gh[:, 2 * d:]
            r = jax.nn.sigmoid(ir + hr)
            z = jax.nn.sigmoid(iz + hz)
            cand = jnp.tanh(inew + r * hnn)
            hn = (1.0 - z) * cand + z * h
            rowid = base + jax.lax.broadcasted_iota(jnp.int32, (blk, 1), 0)
            out_ref[pl.ds(base, blk), :] = jnp.where(rowid < K, hn, h)
            return 0

        jax.lax.fori_loop(0, nblk, body, 0)
        return R + K

    jax.lax.fori_loop(0, nsteps, step, jnp.int32(0))


def _post_eopa_body(s_ref, h_ref, wneigh_t_ref, a0_ref, feat_ref,
                    g1_ref, b1_ref, wqv_t_ref, qvb_ref, wk_t_ref,
                    feat1_ref, qv_ref, k_ref):
    out0 = s_ref[...] + _dot(h_ref[...], wneigh_t_ref[...])
    a0 = a0_ref[...]
    out0 = jnp.where(out0 > 0, out0, a0 * out0)
    feat1 = jnp.concatenate([out0, feat_ref[...]], axis=1)
    feat1_ref[...] = feat1
    fb1 = _bn_cols(feat1, g1_ref[...], b1_ref[...])
    qv_ref[...] = _dot(fb1, wqv_t_ref[...]) + qvb_ref[...]
    k_ref[...] = _dot(fb1, wk_t_ref[...])


def _feat2_body(rst_ref, a1_ref, feat1_ref, feat2_ref):
    rst = rst_ref[...]
    a1 = a1_ref[...]
    out1 = jnp.where(rst > 0, rst, a1 * rst)
    feat2_ref[...] = jnp.concatenate([out1, feat1_ref[...]], axis=1)


def _bn2_body(feat2_ref, g2_ref, b2_ref, wu_t_ref, fb2_ref, fu_ref,
              mean_ref, rstd_ref):
    x = feat2_ref[...]
    m = jnp.mean(x, axis=0, keepdims=True)
    v = jnp.mean((x - m) ** 2, axis=0, keepdims=True)
    rs = jax.lax.rsqrt(v + 1e-5)
    mean_ref[...] = m
    rstd_ref[...] = rs
    fb2 = (x - m) * rs * g2_ref[...] + b2_ref[...]
    fb2_ref[...] = fb2
    fu_ref[...] = _dot(fb2, wu_t_ref[...])


def _fv_body(f2l_ref, mean_ref, rstd_ref, g2_ref, b2_ref, wv2_t_ref,
             bv2_ref, fv_ref):
    fb2l = ((f2l_ref[...] - mean_ref[...]) * rstd_ref[...] * g2_ref[...]
            + b2_ref[...])
    fv_ref[...] = _dot(fb2l, wv2_t_ref[...]) + bv2_ref[...]


def _read_a_body(fu_ref, seg_ref, fv_ref, we2_ref, e2_ref):
    nb = fu_ref.shape[0]
    nseg = fv_ref.shape[0]
    oh = (seg_ref[...] ==
          jax.lax.broadcasted_iota(jnp.int32, (nb, nseg), 1)).astype(
              jnp.float32)
    fvn = _dot(oh, fv_ref[...])
    sig = jax.nn.sigmoid(fu_ref[...] + fvn)
    e2_ref[...] = jnp.sum(sig * we2_ref[...], axis=1, keepdims=True)


def _read_b_body(e2_ref, mx_ref, seg_ref, fb2_ref, s_ref, den_ref):
    i = pl.program_id(0)

    @pl.when(i == 0)
    def _():
        s_ref[...] = jnp.zeros(s_ref.shape, s_ref.dtype)
        den_ref[...] = jnp.zeros(den_ref.shape, den_ref.dtype)

    nb = e2_ref.shape[0]
    nseg = s_ref.shape[0]
    ex = jnp.exp(e2_ref[...] - mx_ref[0])
    oh = (seg_ref[...] ==
          jax.lax.broadcasted_iota(jnp.int32, (nb, nseg), 1)).astype(
              jnp.float32)
    w = oh * ex
    dn = (((0,), (0,)), ((), ()))
    s_ref[...] += jax.lax.dot_general(
        w, fb2_ref[...], dn, preferred_element_type=jnp.float32)
    den_ref[...] += jax.lax.dot_general(
        w, jnp.ones((nb, den_ref.shape[1]), jnp.float32), dn,
        preferred_element_type=jnp.float32)


def _final_body(s_ref, den_ref, wout_t_ref, a2_ref, feat2l_ref, wrf_t_ref,
                rfb_ref, wsr_t_ref, dec_ref, logits_ref):
    den0 = den_ref[...][:, :1]
    srg_raw = jnp.where(den0 > 0, s_ref[...] / den0, 0.0)
    srg = _dot(srg_raw, wout_t_ref[...])
    a2 = a2_ref[...]
    srg = jnp.where(srg > 0, srg, a2 * srg)
    sr = jnp.concatenate([feat2l_ref[...], srg], axis=1)
    dec_ref[...] = _dot(sr, wrf_t_ref[...]) + rfb_ref[...]
    logits_ref[...] = _dot(sr, wsr_t_ref[...])



_SC_NW = 32
_SC_CH = 128


def _sc_gather_rows(table, idx):
    m = idx.shape[0]
    d = table.shape[1]
    per_w = m // _SC_NW
    nch = per_w // _SC_CH
    idxm = idx.reshape(m // _SC_CH, _SC_CH)
    mesh = plsc.VectorSubcoreMesh(core_axis_name="c", subcore_axis_name="s")

    nbuf = 4 if d <= 128 else 2

    @functools.partial(
        pl.kernel, mesh=mesh,
        out_type=jax.ShapeDtypeStruct((m, d), table.dtype),
        scratch_types=[
            pltpu.VMEM((nch, _SC_CH), jnp.int32),
            pltpu.VMEM((nbuf, _SC_CH, d), table.dtype),
            pltpu.SemaphoreType.DMA((nbuf,)),
            pltpu.SemaphoreType.DMA((nbuf,)),
        ],
    )
    def gather_k(table_hbm, idxm_hbm, out_hbm, idx_v, rows_v, gsem, wsem):
        wid = lax.axis_index("s") * 2 + lax.axis_index("c")
        base = wid * per_w
        pltpu.sync_copy(idxm_hbm.at[pl.ds(wid * nch, nch)], idx_v)
        for j in range(nbuf - 1):
            if j < nch:
                pltpu.async_copy(table_hbm.at[idx_v.at[j]], rows_v.at[j],
                                 gsem.at[j])

        def body(c, _):
            slot = lax.rem(c, nbuf)
            pltpu.make_async_copy(
                table_hbm.at[idx_v.at[c]], rows_v.at[slot],
                gsem.at[slot]).wait()
            pltpu.async_copy(
                rows_v.at[slot], out_hbm.at[pl.ds(base + c * _SC_CH, _SC_CH)],
                wsem.at[slot])

            @pl.when(c + nbuf - 1 < nch)
            def _():
                ns = lax.rem(c + nbuf - 1, nbuf)

                @pl.when(c >= 1)
                def _():
                    pltpu.make_async_copy(
                        rows_v.at[ns], out_hbm.at[pl.ds(base, _SC_CH)],
                        wsem.at[ns]).wait()

                pltpu.async_copy(
                    table_hbm.at[idx_v.at[c + nbuf - 1]], rows_v.at[ns],
                    gsem.at[ns])

            return 0

        lax.fori_loop(0, nch, body, 0, unroll=False)
        for c in range(max(nch - nbuf, 0), nch):
            pltpu.make_async_copy(
                rows_v.at[c % nbuf], out_hbm.at[pl.ds(base, _SC_CH)],
                wsem.at[c % nbuf]).wait()

    return gather_k(table, idxm)


def _sc_build_x(fb0, src_m, rank_m, dst_m, g_tab, nodepos, m_out, dump):
    nch_all, ch = src_m.shape
    m = nch_all * ch
    d = fb0.shape[1]
    per_w = m // _SC_NW
    nch = per_w // ch
    mesh = plsc.VectorSubcoreMesh(core_axis_name="c", subcore_axis_name="s")

    @functools.partial(
        pl.kernel, mesh=mesh,
        out_type=jax.ShapeDtypeStruct((m_out, d), fb0.dtype),
        scratch_types=[
            pltpu.VMEM((nch, ch), jnp.int32),
            pltpu.VMEM((nch, ch), jnp.int32),
            pltpu.VMEM((nch, ch), jnp.int32),
            pltpu.VMEM((2, ch), jnp.int32),
            pltpu.VMEM((2, ch), jnp.int32),
            pltpu.VMEM((2, ch), jnp.int32),
            pltpu.VMEM((2, ch, d), jnp.float32),
            pltpu.SemaphoreType.DMA((2,)),
            pltpu.SemaphoreType.DMA((2,)),
            pltpu.SemaphoreType.DMA((2,)),
            pltpu.SemaphoreType.DMA((2,)),
        ],
    )
    def build_k(fb_hbm, srcm_hbm, rankm_hbm, dstm_hbm, gt_hbm, np_hbm,
                out_hbm, src_v, rank_v, dst_v, gt_v, np_v, pos_v,
                rows_v, gsem, s1sem, s2sem, wsem):
        wid = lax.axis_index("s") * 2 + lax.axis_index("c")
        pltpu.sync_copy(srcm_hbm.at[pl.ds(wid * nch, nch)], src_v)
        pltpu.sync_copy(rankm_hbm.at[pl.ds(wid * nch, nch)], rank_v)
        pltpu.sync_copy(dstm_hbm.at[pl.ds(wid * nch, nch)], dst_v)
        pltpu.async_copy(fb_hbm.at[src_v.at[0]], rows_v.at[0], gsem.at[0])
        pltpu.async_copy(gt_hbm.at[rank_v.at[0]], gt_v.at[0], s1sem.at[0])
        pltpu.async_copy(np_hbm.at[dst_v.at[0]], np_v.at[0], s2sem.at[0])

        def body(c, _):
            slot = lax.rem(c, 2)
            nslot = lax.rem(c + 1, 2)

            @pl.when(c + 1 < nch)
            def _():
                @pl.when(c >= 1)
                def _():
                    pltpu.make_async_copy(rows_v.at[nslot],
                                          out_hbm.at[pos_v.at[nslot]],
                                          wsem.at[nslot]).wait()

                pltpu.async_copy(fb_hbm.at[src_v.at[c + 1]],
                                 rows_v.at[nslot], gsem.at[nslot])
                pltpu.async_copy(gt_hbm.at[rank_v.at[c + 1]],
                                 gt_v.at[nslot], s1sem.at[nslot])
                pltpu.async_copy(np_hbm.at[dst_v.at[c + 1]],
                                 np_v.at[nslot], s2sem.at[nslot])

            pltpu.make_async_copy(gt_hbm.at[rank_v.at[c]], gt_v.at[slot],
                                  s1sem.at[slot]).wait()
            pltpu.make_async_copy(np_hbm.at[dst_v.at[c]], np_v.at[slot],
                                  s2sem.at[slot]).wait()
            for s in (0, 1):
                @pl.when(slot == s)
                def _():
                    for i in range(ch // 16):
                        sl = pl.ds(i * 16, 16)
                        pos_v[s, sl] = jnp.minimum(
                            gt_v[s, sl] + np_v[s, sl], dump)

            pltpu.make_async_copy(fb_hbm.at[src_v.at[c]], rows_v.at[slot],
                                  gsem.at[slot]).wait()
            pltpu.async_copy(rows_v.at[slot], out_hbm.at[pos_v.at[slot]],
                             wsem.at[slot])
            return 0

        lax.fori_loop(0, nch, body, 0, unroll=False)
        for c in range(max(nch - 2, 0), nch):
            pltpu.make_async_copy(rows_v.at[c % 2],
                                  out_hbm.at[pos_v.at[c % 2]],
                                  wsem.at[c % 2]).wait()

    return build_k(fb0, src_m, rank_m, dst_m, g_tab, nodepos)


def _sc_gather_two(table_a, idx_a, table_b, idx_b):
    m = idx_a.shape[0]
    da = table_a.shape[1]
    db = table_b.shape[1]
    per_w = m // _SC_NW
    nch = per_w // _SC_CH
    idxm_a = idx_a.reshape(m // _SC_CH, _SC_CH)
    idxm_b = idx_b.reshape(m // _SC_CH, _SC_CH)
    mesh = plsc.VectorSubcoreMesh(core_axis_name="c", subcore_axis_name="s")

    @functools.partial(
        pl.kernel, mesh=mesh,
        out_type=(jax.ShapeDtypeStruct((m, da), table_a.dtype),
                  jax.ShapeDtypeStruct((m, db), table_b.dtype)),
        scratch_types=[
            pltpu.VMEM((nch, _SC_CH), jnp.int32),
            pltpu.VMEM((nch, _SC_CH), jnp.int32),
            pltpu.VMEM((2, _SC_CH, da), table_a.dtype),
            pltpu.VMEM((2, _SC_CH, db), table_b.dtype),
            pltpu.SemaphoreType.DMA((2,)),
            pltpu.SemaphoreType.DMA((2,)),
            pltpu.SemaphoreType.DMA((2,)),
            pltpu.SemaphoreType.DMA((2,)),
        ],
    )
    def gather2_k(ta_hbm, ia_hbm, tb_hbm, ib_hbm, oa_hbm, ob_hbm,
                  ia_v, ib_v, ra_v, rb_v, gasem, gbsem, wasem, wbsem):
        wid = lax.axis_index("s") * 2 + lax.axis_index("c")
        base = wid * per_w
        pltpu.sync_copy(ia_hbm.at[pl.ds(wid * nch, nch)], ia_v)
        pltpu.sync_copy(ib_hbm.at[pl.ds(wid * nch, nch)], ib_v)
        pltpu.async_copy(ta_hbm.at[ia_v.at[0]], ra_v.at[0], gasem.at[0])
        pltpu.async_copy(tb_hbm.at[ib_v.at[0]], rb_v.at[0], gbsem.at[0])

        def body(c, _):
            slot = lax.rem(c, 2)
            nslot = lax.rem(c + 1, 2)

            @pl.when(c + 1 < nch)
            def _():
                @pl.when(c >= 1)
                def _():
                    pltpu.make_async_copy(
                        ra_v.at[nslot], oa_hbm.at[pl.ds(base, _SC_CH)],
                        wasem.at[nslot]).wait()
                    pltpu.make_async_copy(
                        rb_v.at[nslot], ob_hbm.at[pl.ds(base, _SC_CH)],
                        wbsem.at[nslot]).wait()

                pltpu.async_copy(ta_hbm.at[ia_v.at[c + 1]], ra_v.at[nslot],
                                 gasem.at[nslot])
                pltpu.async_copy(tb_hbm.at[ib_v.at[c + 1]], rb_v.at[nslot],
                                 gbsem.at[nslot])

            pltpu.make_async_copy(ta_hbm.at[ia_v.at[c]], ra_v.at[slot],
                                  gasem.at[slot]).wait()
            pltpu.async_copy(
                ra_v.at[slot], oa_hbm.at[pl.ds(base + c * _SC_CH, _SC_CH)],
                wasem.at[slot])
            pltpu.make_async_copy(tb_hbm.at[ib_v.at[c]], rb_v.at[slot],
                                  gbsem.at[slot]).wait()
            pltpu.async_copy(
                rb_v.at[slot], ob_hbm.at[pl.ds(base + c * _SC_CH, _SC_CH)],
                wbsem.at[slot])
            return 0

        lax.fori_loop(0, nch, body, 0, unroll=False)
        for c in range(max(nch - 2, 0), nch):
            pltpu.make_async_copy(ra_v.at[c % 2],
                                  oa_hbm.at[pl.ds(base, _SC_CH)],
                                  wasem.at[c % 2]).wait()
            pltpu.make_async_copy(rb_v.at[c % 2],
                                  ob_hbm.at[pl.ds(base, _SC_CH)],
                                  wbsem.at[c % 2]).wait()

    return gather2_k(table_a, idxm_a, table_b, idxm_b)


def _sc_scatter_add(rows, idx_m, zeros_init):
    m, dext = rows.shape
    nch_all, ch = idx_m.shape
    nseg = zeros_init.shape[0]
    per_w = m // _SC_NW
    nch = per_w // ch
    mesh = plsc.VectorSubcoreMesh(core_axis_name="c", subcore_axis_name="s")

    @functools.partial(
        pl.kernel, mesh=mesh,
        out_type=jax.ShapeDtypeStruct((2, nseg, dext), jnp.float32),
        scratch_types=[
            pltpu.VMEM((nch, ch), jnp.int32),
            pltpu.VMEM((2, ch, dext), jnp.float32),
            pltpu.VMEM_SHARED((nseg, dext), jnp.float32),
            pltpu.SemaphoreType.DMA((2,)),
            pltpu.SemaphoreType.DMA((2,)),
        ],
    )
    def scat_k(rows_hbm, idxm_hbm, zeros_hbm, out_hbm, idx_v, rows_v,
               acc_sh, lsem, ssem):
        cid = lax.axis_index("c")
        sid = lax.axis_index("s")
        wid = sid * 2 + cid

        @pl.when(sid == 0)
        def _():
            pltpu.sync_copy(zeros_hbm, acc_sh)

        plsc.subcore_barrier()
        pltpu.sync_copy(idxm_hbm.at[pl.ds(wid * nch, nch)], idx_v)
        base = wid * per_w
        pltpu.async_copy(rows_hbm.at[pl.ds(base, ch)], rows_v.at[0],
                         lsem.at[0])

        def body(c, _):
            slot = lax.rem(c, 2)
            nslot = lax.rem(c + 1, 2)

            @pl.when(c + 1 < nch)
            def _():
                @pl.when(c >= 1)
                def _():
                    pltpu.make_async_copy(
                        rows_v.at[nslot], acc_sh.at[idx_v.at[c - 1]],
                        ssem.at[nslot]).wait()

                pltpu.async_copy(
                    rows_hbm.at[pl.ds(base + (c + 1) * ch, ch)],
                    rows_v.at[nslot], lsem.at[nslot])

            pltpu.make_async_copy(
                rows_hbm.at[pl.ds(base, ch)], rows_v.at[slot],
                lsem.at[slot]).wait()
            pltpu.async_copy(rows_v.at[slot], acc_sh.at[idx_v.at[c]],
                             ssem.at[slot], add=True)
            return 0

        lax.fori_loop(0, nch, body, 0, unroll=False)
        for c in range(max(nch - 2, 0), nch):
            pltpu.make_async_copy(rows_v.at[c % 2],
                                  acc_sh.at[idx_v.at[c]],
                                  ssem.at[c % 2]).wait()
        plsc.subcore_barrier()

        @pl.when(sid == 0)
        def _():
            pltpu.sync_copy(acc_sh, out_hbm.at[cid])

    return scat_k(rows, idx_m, zeros_init)


def _edge_e_body(qvs_ref, kd_ref, w_ref, out_ref):
    d = kd_ref.shape[1]
    sig = jax.nn.sigmoid(qvs_ref[...][:, :d] + kd_ref[...])
    out_ref[...] = jnp.sum(sig * w_ref[...], axis=1, keepdims=True)


def _call(body, out_shapes, *args):
    return pl.pallas_call(
        body,
        out_shape=out_shapes,
    )(*args)


def _seg_softmax(e, seg, num):
    ex = jnp.exp(e - jnp.max(e))
    den = jax.ops.segment_sum(ex, seg, num_segments=num)
    return ex / den[seg]



def kernel(iid, edge_index_mg, edge_index_sg, segment_ids, last_nodes,
           emb_table, bn0_gamma, bn0_beta, gru_Wih, gru_Whh, gru_bih, gru_bhh,
           fc_self_W, fc_neigh_W, prelu0_a, bn1_gamma, bn1_beta,
           fc_q_W, fc_q_b, fc_k_W, fc_v_W, fc_e1_W, prelu1_a,
           bn2_gamma, bn2_beta, fc_u_W, fc_v2_W, fc_v2_b, fc_e2_W, fc_out_W,
           prelu2_a, fc_RF_W, fc_RF_b, fc_sr_W):
    n = iid.shape[0]
    d = emb_table.shape[1]
    b = last_nodes.shape[0]
    f32 = jnp.float32

    def row(x):
        return x.reshape(1, -1).astype(f32)

    feat = emb_table[iid]

    src, dst = edge_index_mg[0], edge_index_mg[1]
    e = src.shape[0]
    order = jnp.argsort(dst)
    src_s = src[order].astype(jnp.int32)
    dst_s = dst[order].astype(jnp.int32)
    counts = jnp.bincount(dst, length=n)
    ar = jnp.arange(e, dtype=jnp.int32)
    is_start = jnp.concatenate(
        [jnp.ones((1,), jnp.bool_), dst_s[1:] != dst_s[:-1]])
    seg_start = jax.lax.cummax(jnp.where(is_start, ar, 0))
    rank_s = ar - seg_start
    maxdeg = counts.max()

    fb0, S = _call(
        _pre_body,
        (jax.ShapeDtypeStruct((n, d), f32),
         jax.ShapeDtypeStruct((n, d), f32)),
        feat, row(bn0_gamma), row(bn0_beta), fc_self_W.T.astype(f32))

    blk = _GRU_BLK
    np_pad = ((n + blk - 1) // blk) * blk
    perm = jnp.argsort(-counts, stable=False)
    nodepos = jnp.zeros((n,), jnp.int32).at[perm].set(
        jnp.arange(n, dtype=jnp.int32))
    counts_p = jnp.zeros((np_pad,), jnp.int32).at[:n].set(counts[perm])
    countsf = counts_p.astype(f32).reshape(np_pad // 128, 128)

    hist = jnp.bincount(counts, length=e + 1)
    k_of_t = n - jnp.cumsum(hist)
    g_tab = jnp.concatenate(
        [jnp.zeros((1,), jnp.int32),
         jnp.cumsum(k_of_t).astype(jnp.int32)])
    m_e = ((e + 4095) // 4096) * 4096
    m_g = ((e + blk + 8 + 4095) // 4096) * 4096 + 4096

    def padm(x, fill):
        return jnp.full((m_e,), fill, jnp.int32).at[:e].set(x).reshape(
            m_e // _SC_CH, _SC_CH)

    x_stream = _sc_build_x(
        fb0, padm(src_s, 0), padm(rank_s, e + 1), padm(dst_s, 0),
        g_tab, nodepos, m_g, m_g - 1)

    nsteps = maxdeg.astype(jnp.int32).reshape(1)
    h_p = pl.pallas_call(
        _gru_mega_body,
        out_shape=jax.ShapeDtypeStruct((np_pad, d), f32),
        in_specs=[
            pl.BlockSpec(memory_space=pltpu.SMEM),
            pl.BlockSpec(memory_space=pltpu.MemorySpace.VMEM),
            pl.BlockSpec(memory_space=pltpu.MemorySpace.VMEM),
            pl.BlockSpec(memory_space=pltpu.MemorySpace.VMEM),
            pl.BlockSpec(memory_space=pltpu.MemorySpace.VMEM),
            pl.BlockSpec(memory_space=pltpu.MemorySpace.VMEM),
            pl.BlockSpec(memory_space=pltpu.MemorySpace.HBM),
        ],
        out_specs=pl.BlockSpec(memory_space=pltpu.MemorySpace.VMEM),
        scratch_shapes=[
            pltpu.VMEM((2, blk, d), f32),
            pltpu.SemaphoreType.DMA((2,)),
        ],
    )(nsteps, countsf, gru_Wih.T.astype(jnp.bfloat16), row(gru_bih),
      gru_Whh.T.astype(jnp.bfloat16), row(gru_bhh), x_stream)
    neigh = jnp.take(h_p, nodepos, axis=0)

    wqv_t = jnp.concatenate(
        [fc_q_W.T.astype(f32), fc_v_W.T.astype(f32)], axis=1)
    qvb = jnp.concatenate(
        [fc_q_b.astype(f32), jnp.zeros((d,), f32)]).reshape(1, 2 * d)
    feat1, qv, k = _call(
        _post_eopa_body,
        (jax.ShapeDtypeStruct((n, 2 * d), f32),
         jax.ShapeDtypeStruct((n, 2 * d), f32),
         jax.ShapeDtypeStruct((n, d), f32)),
        S, neigh, fc_neigh_W.T.astype(f32), row(prelu0_a), feat,
        row(bn1_gamma), row(bn1_beta), wqv_t, qvb, fc_k_W.T.astype(f32))

    src2 = edge_index_sg[0].astype(jnp.int32)
    dst2 = edge_index_sg[1].astype(jnp.int32)
    src2_p = jnp.zeros((m_e,), jnp.int32).at[:e].set(src2)
    dst2_p = jnp.zeros((m_e,), jnp.int32).at[:e].set(dst2)
    qvs, kd = _sc_gather_two(qv, src2_p, k, dst2_p)

    eblk = 8192
    e_att = pl.pallas_call(
        _edge_e_body,
        grid=(m_e // eblk,),
        in_specs=[
            pl.BlockSpec((eblk, 2 * d), lambda i: (i, 0)),
            pl.BlockSpec((eblk, d), lambda i: (i, 0)),
            pl.BlockSpec((1, d), lambda i: (0, 0)),
        ],
        out_specs=pl.BlockSpec((eblk, 1), lambda i: (i, 0)),
        out_shape=jax.ShapeDtypeStruct((m_e, 1), f32),
    )(qvs, kd, fc_e1_W.astype(f32))
    ex_full = jnp.exp(e_att[:, 0] - jnp.max(e_att))
    wrows = qvs[:, d:] * ex_full[:, None]
    dst2_dump = jnp.full((m_e,), n, jnp.int32).at[:e].set(dst2)
    acc = _sc_scatter_add(
        wrows, dst2_dump.reshape(m_e // _SC_CH, _SC_CH),
        jnp.zeros((n + 8, d), f32))
    rst_u = (acc[0] + acc[1])[:n]
    den = jax.ops.segment_sum(ex_full[:e], dst2, num_segments=n)
    rst = jnp.where(den[:, None] > 0, rst_u / den[:, None], 0.0)

    feat2 = _call(
        _feat2_body,
        jax.ShapeDtypeStruct((n, 3 * d), f32),
        rst, row(prelu1_a), feat1)
    fb2, fu, mean2, rstd2 = _call(
        _bn2_body,
        (jax.ShapeDtypeStruct((n, 3 * d), f32),
         jax.ShapeDtypeStruct((n, d), f32),
         jax.ShapeDtypeStruct((1, 3 * d), f32),
         jax.ShapeDtypeStruct((1, 3 * d), f32)),
        feat2, row(bn2_gamma), row(bn2_beta), fc_u_W.T.astype(f32))

    feat2_last = feat2[last_nodes]
    fv = _call(
        _fv_body, jax.ShapeDtypeStruct((b, d), f32),
        feat2_last, mean2, rstd2, row(bn2_gamma), row(bn2_beta),
        fc_v2_W.T.astype(f32), row(fc_v2_b))

    segc = segment_ids.astype(jnp.int32).reshape(n, 1)
    rblk = 2000
    e2 = pl.pallas_call(
        _read_a_body,
        grid=(n // rblk,),
        in_specs=[
            pl.BlockSpec((rblk, d), lambda i: (i, 0)),
            pl.BlockSpec((rblk, 1), lambda i: (i, 0)),
            pl.BlockSpec((b, d), lambda i: (0, 0)),
            pl.BlockSpec((1, d), lambda i: (0, 0)),
        ],
        out_specs=pl.BlockSpec((rblk, 1), lambda i: (i, 0)),
        out_shape=jax.ShapeDtypeStruct((n, 1), f32),
    )(fu, segc, fv, fc_e2_W.astype(f32))

    mx = jnp.max(e2).reshape(1)
    s_acc, den = pl.pallas_call(
        _read_b_body,
        grid=(n // rblk,),
        in_specs=[
            pl.BlockSpec((rblk, 1), lambda i: (i, 0)),
            pl.BlockSpec(memory_space=pltpu.SMEM),
            pl.BlockSpec((rblk, 1), lambda i: (i, 0)),
            pl.BlockSpec((rblk, 3 * d), lambda i: (i, 0)),
        ],
        out_specs=(pl.BlockSpec((b, 3 * d), lambda i: (0, 0)),
                   pl.BlockSpec((b, 8), lambda i: (0, 0))),
        out_shape=(jax.ShapeDtypeStruct((b, 3 * d), f32),
                   jax.ShapeDtypeStruct((b, 8), f32)),
    )(e2, mx, segc, fb2)

    dec, logits = _call(
        _final_body,
        (jax.ShapeDtypeStruct((b, fc_RF_W.shape[0]), f32),
         jax.ShapeDtypeStruct((b, fc_sr_W.shape[0]), f32)),
        s_acc, den, fc_out_W.T.astype(f32), row(prelu2_a), feat2_last,
        fc_RF_W.T.astype(f32), row(fc_RF_b), fc_sr_W.T.astype(f32))

    return (dec, logits)

# --- scband reference (transcript-rebuilt; emitter-appended) ---
"""Pipeline reference for scband-lessr-dec-90091234001301 (READ-ONLY COPY).

The authoritative reference and input builder live on the scoring server;
editing this copy changes nothing except your own understanding.
"""

import jax, jax.numpy as jnp
import numpy as np

N = 10000
E = 160000
B = 512
D = 128
NUM_ITEMS = 100000
NUM_LEAVES = 512
EMB_DIM = 128


def _bn(x, g, b):
    m = x.mean(axis=0)
    v = x.var(axis=0)
    return (x - m) / jnp.sqrt(v + 1e-5) * g + b


def _prelu(x, a):
    return jnp.where(x > 0, x, a * x)


def _seg_softmax(e, seg, num):
    m = jax.lax.stop_gradient(jax.ops.segment_max(e, seg, num_segments=num))
    m = jnp.where(jnp.isfinite(m), m, 0.0)
    ex = jnp.exp(e - m[seg])
    den = jax.ops.segment_sum(ex, seg, num_segments=num)
    return ex / den[seg]


def _mail_struct(src, dst, n):
    order = jnp.argsort(dst)
    dst_s = dst[order]
    src_s = src[order]
    counts = jnp.bincount(dst, length=n)
    offsets = jnp.cumsum(counts) - counts
    rank = jnp.arange(dst.shape[0]) - offsets[dst_s]
    maxdeg = counts.max()
    return src_s, dst_s, rank, maxdeg, counts, offsets


def _gru_agg(ft, src_s, dst_s, rank, maxdeg, counts, offsets, Wih, Whh, bih, bhh):
    n, d = ft.shape

    def step(t, h):
        mk = t < counts
        idx = jnp.where(mk, offsets + t, 0)
        x = ft[src_s[idx]]
        gi = x @ Wih.T + bih
        gh = h @ Whh.T + bhh
        ir, iz, inew = jnp.split(gi, 3, axis=1)
        hr, hz, hnn = jnp.split(gh, 3, axis=1)
        r = jax.nn.sigmoid(ir + hr)
        z = jax.nn.sigmoid(iz + hz)
        cand = jnp.tanh(inew + r * hnn)
        hn = (1.0 - z) * cand + z * h
        return jnp.where(mk[:, None], hn, h)

    h0 = jnp.zeros((n, d), ft.dtype)
    h = jax.lax.fori_loop(0, maxdeg, step, h0)
    return h


def setup_inputs(seed: int = 0):
    key = jax.random.key(seed)
    ks = jax.random.split(key, 25)
    s = 0.05

    def nrm(k, shape):
        return jax.random.normal(k, shape, dtype=jnp.float32) * s

    inp = {
        "iid": jax.random.randint(ks[0], (N,), 0, NUM_ITEMS),
        "edge_index_mg": jax.random.randint(ks[1], (2, E), 0, N),
        "edge_index_sg": jax.random.randint(ks[2], (2, E), 0, N),
        "segment_ids": jnp.sort(jax.random.randint(ks[3], (N,), 0, B)),
        "last_nodes": jax.random.randint(ks[4], (B,), 0, N),
        "emb_table": nrm(ks[5], (NUM_ITEMS, D)),
        "bn0_gamma": jnp.ones((D,), jnp.float32),
        "bn0_beta": jnp.zeros((D,), jnp.float32),
        "gru_Wih": nrm(ks[6], (3 * D, D)),
        "gru_Whh": nrm(ks[7], (3 * D, D)),
        "gru_bih": jnp.zeros((3 * D,), jnp.float32),
        "gru_bhh": jnp.zeros((3 * D,), jnp.float32),
        "fc_self_W": nrm(ks[8], (D, D)),
        "fc_neigh_W": nrm(ks[9], (D, D)),
        "prelu0_a": jnp.full((D,), 0.25, jnp.float32),
        "bn1_gamma": jnp.ones((2 * D,), jnp.float32),
        "bn1_beta": jnp.zeros((2 * D,), jnp.float32),
        "fc_q_W": nrm(ks[10], (D, 2 * D)),
        "fc_q_b": jnp.zeros((D,), jnp.float32),
        "fc_k_W": nrm(ks[11], (D, 2 * D)),
        "fc_v_W": nrm(ks[12], (D, 2 * D)),
        "fc_e1_W": nrm(ks[13], (1, D)),
        "prelu1_a": jnp.full((D,), 0.25, jnp.float32),
        "bn2_gamma": jnp.ones((3 * D,), jnp.float32),
        "bn2_beta": jnp.zeros((3 * D,), jnp.float32),
        "fc_u_W": nrm(ks[14], (D, 3 * D)),
        "fc_v2_W": nrm(ks[15], (D, 3 * D)),
        "fc_v2_b": jnp.zeros((D,), jnp.float32),
        "fc_e2_W": nrm(ks[16], (1, D)),
        "fc_out_W": nrm(ks[17], (D, 3 * D)),
        "prelu2_a": jnp.full((D,), 0.25, jnp.float32),
        "fc_RF_W": nrm(ks[18], (NUM_LEAVES, 4 * D)),
        "fc_RF_b": jnp.zeros((NUM_LEAVES,), jnp.float32),
        "fc_sr_W": nrm(ks[19], (EMB_DIM, 4 * D)),
    }
    return inp


def reference(iid, edge_index_mg, edge_index_sg, segment_ids, last_nodes,
              emb_table, bn0_gamma, bn0_beta, gru_Wih, gru_Whh, gru_bih, gru_bhh,
              fc_self_W, fc_neigh_W, prelu0_a, bn1_gamma, bn1_beta,
              fc_q_W, fc_q_b, fc_k_W, fc_v_W, fc_e1_W, prelu1_a,
              bn2_gamma, bn2_beta, fc_u_W, fc_v2_W, fc_v2_b, fc_e2_W, fc_out_W, prelu2_a,
              fc_RF_W, fc_RF_b, fc_sr_W):
    feat = emb_table[iid]
    # EOPA layer (GRU aggregation over incoming edges of multigraph)
    fb = _bn(feat, bn0_gamma, bn0_beta)
    src_s, dst_s, rank, maxdeg, counts, offsets = _mail_struct(edge_index_mg[0], edge_index_mg[1], N)
    neigh = _gru_agg(fb, src_s, dst_s, rank, maxdeg, counts, offsets, gru_Wih, gru_Whh, gru_bih, gru_bhh)
    out = _prelu(fb @ fc_self_W.T + neigh @ fc_neigh_W.T, prelu0_a)
    feat = jnp.concatenate([out, feat], axis=1)
    # SGAT layer (edge-softmax attention on shortcut graph)
    fb = _bn(feat, bn1_gamma, bn1_beta)
    q = fb @ fc_q_W.T + fc_q_b
    k = fb @ fc_k_W.T
    v = fb @ fc_v_W.T
    src, dst = edge_index_sg[0], edge_index_sg[1]
    e = jax.nn.sigmoid(q[src] + k[dst]) @ fc_e1_W.T
    a = _seg_softmax(e, dst, N)
    rst = jax.ops.segment_sum(v[src] * a, dst, num_segments=N)
    out = _prelu(rst, prelu1_a)
    feat = jnp.concatenate([out, feat], axis=1)
    # attention readout over session segments
    fb = _bn(feat, bn2_gamma, bn2_beta)
    fu = fb @ fc_u_W.T
    fv = fb[last_nodes] @ fc_v2_W.T + fc_v2_b
    e = jax.nn.sigmoid(fu + fv[segment_ids]) @ fc_e2_W.T
    alpha = _seg_softmax(e, segment_ids, B)
    sr_g = jax.ops.segment_sum(fb * alpha, segment_ids, num_segments=B)
    sr_g = _prelu(sr_g @ fc_out_W.T, prelu2_a)
    sr_l = feat[last_nodes]
    sr = jnp.concatenate([sr_l, sr_g], axis=1)
    dec = sr @ fc_RF_W.T + fc_RF_b
    logits = sr @ fc_sr_W.T
    return (dec, logits)

if __name__ == "__main__":
    import jax
    _d = setup_inputs()
    print(jax.jit(kernel)(*tuple(_d.values())))

</pallas_src>

<mosaic_0001>
#map = affine_map<(d0, d1) -> (0, 0)>
#map1 = affine_map<(d0, d1) -> (0)>
module attributes {stable_mosaic.version = 14 : i64} {
  func.func @build_k(%arg0: i32, %arg1: i32, %arg2: memref<10000x128xf32, #tpu.memory_space<hbm>>, %arg3: memref<1280x128xi32, #tpu.memory_space<hbm>>, %arg4: memref<1280x128xi32, #tpu.memory_space<hbm>>, %arg5: memref<1280x128xi32, #tpu.memory_space<hbm>>, %arg6: memref<160002xi32, #tpu.memory_space<hbm>>, %arg7: memref<10000xi32, #tpu.memory_space<hbm>>, %arg8: memref<167936x128xf32, #tpu.memory_space<hbm>>, %arg9: memref<40x128xi32, #tpu.memory_space<vmem>>, %arg10: memref<40x128xi32, #tpu.memory_space<vmem>>, %arg11: memref<40x128xi32, #tpu.memory_space<vmem>>, %arg12: memref<2x128xi32, #tpu.memory_space<vmem>>, %arg13: memref<2x128xi32, #tpu.memory_space<vmem>>, %arg14: memref<2x128xi32, #tpu.memory_space<vmem>>, %arg15: memref<2x128x128xf32, #tpu.memory_space<vmem>>, %arg16: memref<2x!tpu.dma_semaphore, #tpu.memory_space<semaphore_mem>>, %arg17: memref<2x!tpu.dma_semaphore, #tpu.memory_space<semaphore_mem>>, %arg18: memref<2x!tpu.dma_semaphore, #tpu.memory_space<semaphore_mem>>, %arg19: memref<2x!tpu.dma_semaphore, #tpu.memory_space<semaphore_mem>>) attributes {dimension_semantics = [#tpu.dimension_semantics<core_parallel>, #tpu.dimension_semantics<subcore_parallel>], iteration_bounds = array<i64: 2, 16>, scalar_prefetch = 0 : i64, scratch_operands = 11 : i64, tpu.core_type = #tpu.core_type<sc_vector_subcore>, window_params = [{transform_indices = #map}, {transform_indices = #map}, {transform_indices = #map}, {transform_indices = #map}, {transform_indices = #map1}, {transform_indices = #map1}, {transform_indices = #map}]} {
    %mul3A = arith.constant 2 : i32
    %mul3A_0 = arith.muli %arg1, %mul3A : i32
    %add3A = arith.addi %mul3A_0, %arg0 : i32
    %mul3A_1 = arith.constant 40 : i32
    %mul3A_2 = arith.muli %add3A, %mul3A_1 : i32
    "tpu.region"() ({
      %run_scoped3A = tpu.sem_alloc : memref<!tpu.dma_semaphore, #tpu.memory_space<semaphore_mem>>
      %dma_start3A_82 = arith.constant 0 : i32
      %dma_start3A_83 = tpu.memref_slice %arg3[%mul3A_2, %dma_start3A_82] : memref<1280x128xi32, #tpu.memory_space<hbm>> -> memref<40x128xi32, #tpu.memory_space<hbm>>
      %dma_start3A_84 = arith.constant 0 : i32
      %dma_start3A_85 = tpu.memref_slice %arg3[%mul3A_2, %dma_start3A_84] : memref<1280x128xi32, #tpu.memory_space<hbm>> -> memref<40x128xi32, #tpu.memory_space<hbm>>
      tpu.enqueue_dma source(%dma_start3A_85 : memref<40x128xi32, #tpu.memory_space<hbm>>) target(%arg9 : memref<40x128xi32, #tpu.memory_space<vmem>>) target_semaphore(%run_scoped3A : memref<!tpu.dma_semaphore, #tpu.memory_space<semaphore_mem>>)
      %dma_wait3A_86 = arith.constant 0 : i32
      %dma_wait3A_87 = tpu.memref_slice %arg3[%mul3A_2, %dma_wait3A_86] : memref<1280x128xi32, #tpu.memory_space<hbm>> -> memref<40x128xi32, #tpu.memory_space<hbm>>
      %dma_wait3A_88 = arith.constant 0 : i32
      %dma_wait3A_89 = tpu.memref_slice %arg3[%mul3A_2, %dma_wait3A_88] : memref<1280x128xi32, #tpu.memory_space<hbm>> -> memref<40x128xi32, #tpu.memory_space<hbm>>
      tpu.wait_dma2 semaphore(%run_scoped3A : memref<!tpu.dma_semaphore, #tpu.memory_space<semaphore_mem>>) src(%dma_wait3A_89 : memref<40x128xi32, #tpu.memory_space<hbm>>) dst(%arg9 : memref<40x128xi32, #tpu.memory_space<vmem>>)
      tpu.yield
    }) : () -> ()
    %mul3A_3 = arith.constant 40 : i32
    %mul3A_4 = arith.muli %add3A, %mul3A_3 : i32
    "tpu.region"() ({
      %run_scoped3A = tpu.sem_alloc : memref<!tpu.dma_semaphore, #tpu.memory_space<semaphore_mem>>
      %dma_start3A_82 = arith.constant 0 : i32
      %dma_start3A_83 = tpu.memref_slice %arg4[%mul3A_4, %dma_start3A_82] : memref<1280x128xi32, #tpu.memory_space<hbm>> -> memref<40x128xi32, #tpu.memory_space<hbm>>
      %dma_start3A_84 = arith.constant 0 : i32
      %dma_start3A_85 = tpu.memref_slice %arg4[%mul3A_4, %dma_start3A_84] : memref<1280x128xi32, #tpu.memory_space<hbm>> -> memref<40x128xi32, #tpu.memory_space<hbm>>
      tpu.enqueue_dma source(%dma_start3A_85 : memref<40x128xi32, #tpu.memory_space<hbm>>) target(%arg10 : memref<40x128xi32, #tpu.memory_space<vmem>>) target_semaphore(%run_scoped3A : memref<!tpu.dma_semaphore, #tpu.memory_space<semaphore_mem>>)
      %dma_wait3A_86 = arith.constant 0 : i32
      %dma_wait3A_87 = tpu.memref_slice %arg4[%mul3A_4, %dma_wait3A_86] : memref<1280x128xi32, #tpu.memory_space<hbm>> -> memref<40x128xi32, #tpu.memory_space<hbm>>
      %dma_wait3A_88 = arith.constant 0 : i32
      %dma_wait3A_89 = tpu.memref_slice %arg4[%mul3A_4, %dma_wait3A_88] : memref<1280x128xi32, #tpu.memory_space<hbm>> -> memref<40x128xi32, #tpu.memory_space<hbm>>
      tpu.wait_dma2 semaphore(%run_scoped3A : memref<!tpu.dma_semaphore, #tpu.memory_space<semaphore_mem>>) src(%dma_wait3A_89 : memref<40x128xi32, #tpu.memory_space<hbm>>) dst(%arg10 : memref<40x128xi32, #tpu.memory_space<vmem>>)
      tpu.yield
    }) : () -> ()
    %mul3A_5 = arith.constant 40 : i32
    %mul3A_6 = arith.muli %add3A, %mul3A_5 : i32
    "tpu.region"() ({
      %run_scoped3A = tpu.sem_alloc : memref<!tpu.dma_semaphore, #tpu.memory_space<semaphore_mem>>
      %dma_start3A_82 = arith.constant 0 : i32
      %dma_start3A_83 = tpu.memref_slice %arg5[%mul3A_6, %dma_start3A_82] : memref<1280x128xi32, #tpu.memory_space<hbm>> -> memref<40x128xi32, #tpu.memory_space<hbm>>
      %dma_start3A_84 = arith.constant 0 : i32
      %dma_start3A_85 = tpu.memref_slice %arg5[%mul3A_6, %dma_start3A_84] : memref<1280x128xi32, #tpu.memory_space<hbm>> -> memref<40x128xi32, #tpu.memory_space<hbm>>
      tpu.enqueue_dma source(%dma_start3A_85 : memref<40x128xi32, #tpu.memory_space<hbm>>) target(%arg11 : memref<40x128xi32, #tpu.memory_space<vmem>>) target_semaphore(%run_scoped3A : memref<!tpu.dma_semaphore, #tpu.memory_space<semaphore_mem>>)
      %dma_wait3A_86 = arith.constant 0 : i32
      %dma_wait3A_87 = tpu.memref_slice %arg5[%mul3A_6, %dma_wait3A_86] : memref<1280x128xi32, #tpu.memory_space<hbm>> -> memref<40x128xi32, #tpu.memory_space<hbm>>
      %dma_wait3A_88 = arith.constant 0 : i32
      %dma_wait3A_89 = tpu.memref_slice %arg5[%mul3A_6, %dma_wait3A_88] : memref<1280x128xi32, #tpu.memory_space<hbm>> -> memref<40x128xi32, #tpu.memory_space<hbm>>
      tpu.wait_dma2 semaphore(%run_scoped3A : memref<!tpu.dma_semaphore, #tpu.memory_space<semaphore_mem>>) src(%dma_wait3A_89 : memref<40x128xi32, #tpu.memory_space<hbm>>) dst(%arg11 : memref<40x128xi32, #tpu.memory_space<vmem>>)
      tpu.yield
    }) : () -> ()
    %dma_start3A = arith.constant 0 : i32
    %dma_start3A_7 = arith.constant 0 : i32
    %dma_start3A_8 = arith.constant 0 : i32
    %dma_start3A_9 = arith.constant 0 : i32
    %dma_start3A_10 = arith.constant 0 : i32
    %dma_start3A_11 = tpu.memref_slice %arg15[%dma_start3A_7, %dma_start3A_9, %dma_start3A_10] : memref<2x128x128xf32, #tpu.memory_space<vmem>> -> memref<1x128x128xf32, #tpu.memory_space<vmem>>
    %dma_start3A_12 = tpu.memref_squeeze %dma_start3A_11 : memref<1x128x128xf32, #tpu.memory_space<vmem>> -> memref<128x128xf32, #tpu.memory_space<vmem>>
    %dma_start3A_13 = arith.constant 0 : i32
    %dma_start3A_14 = tpu.memref_slice %arg9[%dma_start3A, %dma_start3A_13] : memref<40x128xi32, #tpu.memory_space<vmem>> -> memref<1x128xi32, #tpu.memory_space<vmem>>
    %dma_start3A_15 = tpu.memref_squeeze %dma_start3A_14 : memref<1x128xi32, #tpu.memory_space<vmem>> -> memref<128xi32, #tpu.memory_space<vmem>>
    %dma_start3A_16 = arith.constant 0 : i32
    %dma_start3A_17 = arith.constant 0 : i32
    %dma_start3A_18 = tpu.memref_slice %arg2[%dma_start3A_16, %dma_start3A_17] : memref<10000x128xf32, #tpu.memory_space<hbm>> -> memref<10000x128xf32, #tpu.memory_space<hbm>>
    %dma_start3A_19 = tpu.memref_slice %arg16[%dma_start3A_8] : memref<2x!tpu.dma_semaphore, #tpu.memory_space<semaphore_mem>> -> memref<1x!tpu.dma_semaphore, #tpu.memory_space<semaphore_mem>>
    %dma_start3A_20 = tpu.memref_squeeze %dma_start3A_19 : memref<1x!tpu.dma_semaphore, #tpu.memory_space<semaphore_mem>> -> memref<!tpu.dma_semaphore, #tpu.memory_space<semaphore_mem>>
    tpu.enqueue_indirect_dma source(%dma_start3A_18 : memref<10000x128xf32, #tpu.memory_space<hbm>>) target(%dma_start3A_12 : memref<128x128xf32, #tpu.memory_space<vmem>>) offsets(%dma_start3A_15 : memref<128xi32, #tpu.memory_space<vmem>>) semaphore(%dma_start3A_20 : memref<!tpu.dma_semaphore, #tpu.memory_space<semaphore_mem>>)
    %dma_start3A_21 = arith.constant 0 : i32
    %dma_start3A_22 = arith.constant 0 : i32
    %dma_start3A_23 = arith.constant 0 : i32
    %dma_start3A_24 = arith.constant 0 : i32
    %dma_start3A_25 = tpu.memref_slice %arg12[%dma_start3A_22, %dma_start3A_24] : memref<2x128xi32, #tpu.memory_space<vmem>> -> memref<1x128xi32, #tpu.memory_space<vmem>>
    %dma_start3A_26 = tpu.memref_squeeze %dma_start3A_25 : memref<1x128xi32, #tpu.memory_space<vmem>> -> memref<128xi32, #tpu.memory_space<vmem>>
    %dma_start3A_27 = arith.constant 0 : i32
    %dma_start3A_28 = tpu.memref_slice %arg10[%dma_start3A_21, %dma_start3A_27] : memref<40x128xi32, #tpu.memory_space<vmem>> -> memref<1x128xi32, #tpu.memory_space<vmem>>
    %dma_start3A_29 = tpu.memref_squeeze %dma_start3A_28 : memref<1x128xi32, #tpu.memory_space<vmem>> -> memref<128xi32, #tpu.memory_space<vmem>>
    %dma_start3A_30 = arith.constant 0 : i32
    %dma_start3A_31 = tpu.memref_slice %arg6[%dma_start3A_30] : memref<160002xi32, #tpu.memory_space<hbm>> -> memref<160002xi32, #tpu.memory_space<hbm>>
    %dma_start3A_32 = tpu.memref_slice %arg17[%dma_start3A_23] : memref<2x!tpu.dma_semaphore, #tpu.memory_space<semaphore_mem>> -> memref<1x!tpu.dma_semaphore, #tpu.memory_space<semaphore_mem>>
    %dma_start3A_33 = tpu.memref_squeeze %dma_start3A_32 : memref<1x!tpu.dma_semaphore, #tpu.memory_space<semaphore_mem>> -> memref<!tpu.dma_semaphore, #tpu.memory_space<semaphore_mem>>
    tpu.enqueue_indirect_dma source(%dma_start3A_31 : memref<160002xi32, #tpu.memory_space<hbm>>) target(%dma_start3A_26 : memref<128xi32, #tpu.memory_space<vmem>>) offsets(%dma_start3A_29 : memref<128xi32, #tpu.memory_space<vmem>>) semaphore(%dma_start3A_33 : memref<!tpu.dma_semaphore, #tpu.memory_space<semaphore_mem>>)
    %dma_start3A_34 = arith.constant 0 : i32
    %dma_start3A_35 = arith.constant 0 : i32
    %dma_start3A_36 = arith.constant 0 : i32
    %dma_start3A_37 = arith.constant 0 : i32
    %dma_start3A_38 = tpu.memref_slice %arg13[%dma_start3A_35, %dma_start3A_37] : memref<2x128xi32, #tpu.memory_space<vmem>> -> memref<1x128xi32, #tpu.memory_space<vmem>>
    %dma_start3A_39 = tpu.memref_squeeze %dma_start3A_38 : memref<1x128xi32, #tpu.memory_space<vmem>> -> memref<128xi32, #tpu.memory_space<vmem>>
    %dma_start3A_40 = arith.constant 0 : i32
    %dma_start3A_41 = tpu.memref_slice %arg11[%dma_start3A_34, %dma_start3A_40] : memref<40x128xi32, #tpu.memory_space<vmem>> -> memref<1x128xi32, #tpu.memory_space<vmem>>
    %dma_start3A_42 = tpu.memref_squeeze %dma_start3A_41 : memref<1x128xi32, #tpu.memory_space<vmem>> -> memref<128xi32, #tpu.memory_space<vmem>>
    %dma_start3A_43 = arith.constant 0 : i32
    %dma_start3A_44 = tpu.memref_slice %arg7[%dma_start3A_43] : memref<10000xi32, #tpu.memory_space<hbm>> -> memref<10000xi32, #tpu.memory_space<hbm>>
    %dma_start3A_45 = tpu.memref_slice %arg18[%dma_start3A_36] : memref<2x!tpu.dma_semaphore, #tpu.memory_space<semaphore_mem>> -> memref<1x!tpu.dma_semaphore, #tpu.memory_space<semaphore_mem>>
    %dma_start3A_46 = tpu.memref_squeeze %dma_start3A_45 : memref<1x!tpu.dma_semaphore, #tpu.memory_space<semaphore_mem>> -> memref<!tpu.dma_semaphore, #tpu.memory_space<semaphore_mem>>
    tpu.enqueue_indirect_dma source(%dma_start3A_44 : memref<10000xi32, #tpu.memory_space<hbm>>) target(%dma_start3A_39 : memref<128xi32, #tpu.memory_space<vmem>>) offsets(%dma_start3A_42 : memref<128xi32, #tpu.memory_space<vmem>>) semaphore(%dma_start3A_46 : memref<!tpu.dma_semaphore, #tpu.memory_space<semaphore_mem>>)
    %scan3A = arith.constant 0 : i32
    %scan3A_47 = arith.constant 0 : i32
    %scan3A_48 = arith.constant 40 : i32
    %scan3A_49 = arith.addi %scan3A_47, %scan3A_48 : i32
    %scan3A_50 = arith.constant 1 : i32
    %scan3A_51 = scf.for %scan3A_82 = %scan3A_47 to %scan3A_49 step %scan3A_50 iter_args(%scan3A_83 = %scan3A) -> (i32)  : i32 {
      %rem3A = arith.constant 2 : i32
      %rem3A_84 = arith.remsi %scan3A_82, %rem3A : i32
      %add3A_85 = arith.constant 1 : i32
      %add3A_86 = arith.addi %scan3A_82, %add3A_85 : i32
      %rem3A_87 = arith.constant 2 : i32
      %rem3A_88 = arith.remsi %add3A_86, %rem3A_87 : i32
      %add3A_89 = arith.constant 1 : i32
      %add3A_90 = arith.addi %scan3A_82, %add3A_89 : i32
      %lt3A = arith.constant 40 : i32
      %lt3A_91 = arith.cmpi slt, %add3A_90, %lt3A : i32
      %convert_element_type3A = arith.extui %lt3A_91 : i1 to i32
      %cond3A = arith.constant 0 : i32
      %cond3A_92 = arith.cmpi ne, %convert_element_type3A, %cond3A : i32
      scf.if %cond3A_92 {
        %ge3A = arith.constant 1 : i32
        %ge3A_147 = arith.cmpi sge, %scan3A_82, %ge3A : i32
        %convert_element_type3A_148 = arith.extui %ge3A_147 : i1 to i32
        %cond3A_149 = arith.constant 0 : i32
        %cond3A_150 = arith.cmpi ne, %convert_element_type3A_148, %cond3A_149 : i32
        scf.if %cond3A_150 {
          %dma_wait3A_189 = arith.constant 0 : i32
          %dma_wait3A_190 = arith.constant 0 : i32
          %dma_wait3A_191 = tpu.memref_slice %arg15[%rem3A_88, %dma_wait3A_189, %dma_wait3A_190] : memref<2x128x128xf32, #tpu.memory_space<vmem>> -> memref<1x128x128xf32, #tpu.memory_space<vmem>>
          %dma_wait3A_192 = tpu.memref_squeeze %dma_wait3A_191 : memref<1x128x128xf32, #tpu.memory_space<vmem>> -> memref<128x128xf32, #tpu.memory_space<vmem>>
          %dma_wait3A_193 = arith.constant 0 : i32
          %dma_wait3A_194 = tpu.memref_slice %arg14[%rem3A_88, %dma_wait3A_193] : memref<2x128xi32, #tpu.memory_space<vmem>> -> memref<1x128xi32, #tpu.memory_space<vmem>>
          %dma_wait3A_195 = tpu.memref_squeeze %dma_wait3A_194 : memref<1x128xi32, #tpu.memory_space<vmem>> -> memref<128xi32, #tpu.memory_space<vmem>>
          %dma_wait3A_196 = arith.constant 0 : i32
          %dma_wait3A_197 = arith.constant 0 : i32
          %dma_wait3A_198 = tpu.memref_slice %arg8[%dma_wait3A_196, %dma_wait3A_197] : memref<167936x128xf32, #tpu.memory_space<hbm>> -> memref<167936x128xf32, #tpu.memory_space<hbm>>
          %dma_wait3A_199 = tpu.memref_slice %arg19[%rem3A_88] : memref<2x!tpu.dma_semaphore, #tpu.memory_space<semaphore_mem>> -> memref<1x!tpu.dma_semaphore, #tpu.memory_space<semaphore_mem>>
          %dma_wait3A_200 = tpu.memref_squeeze %dma_wait3A_199 : memref<1x!tpu.dma_semaphore, #tpu.memory_space<semaphore_mem>> -> memref<!tpu.dma_semaphore, #tpu.memory_space<semaphore_mem>>
          tpu.wait_indirect_dma semaphore(%dma_wait3A_200 : memref<!tpu.dma_semaphore, #tpu.memory_space<semaphore_mem>>) src(%dma_wait3A_192 : memref<128x128xf32, #tpu.memory_space<vmem>>) dst(%dma_wait3A_198 : memref<167936x128xf32, #tpu.memory_space<hbm>>)
        } else {
        }
        %add3A_151 = arith.constant 1 : i32
        %add3A_152 = arith.addi %scan3A_82, %add3A_151 : i32
        %dma_start3A_153 = arith.constant 0 : i32
        %dma_start3A_154 = arith.constant 0 : i32
        %dma_start3A_155 = tpu.memref_slice %arg15[%rem3A_88, %dma_start3A_153, %dma_start3A_154] : memref<2x128x128xf32, #tpu.memory_space<vmem>> -> memref<1x128x128xf32, #tpu.memory_space<vmem>>
        %dma_start3A_156 = tpu.memref_squeeze %dma_start3A_155 : memref<1x128x128xf32, #tpu.memory_space<vmem>> -> memref<128x128xf32, #tpu.memory_space<vmem>>
        %dma_start3A_157 = arith.constant 0 : i32
        %dma_start3A_158 = tpu.memref_slice %arg9[%add3A_152, %dma_start3A_157] : memref<40x128xi32, #tpu.memory_space<vmem>> -> memref<1x128xi32, #tpu.memory_space<vmem>>
        %dma_start3A_159 = tpu.memref_squeeze %dma_start3A_158 : memref<1x128xi32, #tpu.memory_space<vmem>> -> memref<128xi32, #tpu.memory_space<vmem>>
        %dma_start3A_160 = arith.constant 0 : i32
        %dma_start3A_161 = arith.constant 0 : i32
        %dma_start3A_162 = tpu.memref_slice %arg2[%dma_start3A_160, %dma_start3A_161] : memref<10000x128xf32, #tpu.memory_space<hbm>> -> memref<10000x128xf32, #tpu.memory_space<hbm>>
        %dma_start3A_163 = tpu.memref_slice %arg16[%rem3A_88] : memref<2x!tpu.dma_semaphore, #tpu.memory_space<semaphore_mem>> -> memref<1x!tpu.dma_semaphore, #tpu.memory_space<semaphore_mem>>
        %dma_start3A_164 = tpu.memref_squeeze %dma_start3A_163 : memref<1x!tpu.dma_semaphore, #tpu.memory_space<semaphore_mem>> -> memref<!tpu.dma_semaphore, #tpu.memory_space<semaphore_mem>>
        tpu.enqueue_indirect_dma source(%dma_start3A_162 : memref<10000x128xf32, #tpu.memory_space<hbm>>) target(%dma_start3A_156 : memref<128x128xf32, #tpu.memory_space<vmem>>) offsets(%dma_start3A_159 : memref<128xi32, #tpu.memory_space<vmem>>) semaphore(%dma_start3A_164 : memref<!tpu.dma_semaphore, #tpu.memory_space<semaphore_mem>>)
        %add3A_165 = arith.constant 1 : i32
        %add3A_166 = arith.addi %scan3A_82, %add3A_165 : i32
        %dma_start3A_167 = arith.constant 0 : i32
        %dma_start3A_168 = tpu.memref_slice %arg12[%rem3A_88, %dma_start3A_167] : memref<2x128xi32, #tpu.memory_space<vmem>> -> memref<1x128xi32, #tpu.memory_space<vmem>>
        %dma_start3A_169 = tpu.memref_squeeze %dma_start3A_168 : memref<1x128xi32, #tpu.memory_space<vmem>> -> memref<128xi32, #tpu.memory_space<vmem>>
        %dma_start3A_170 = arith.constant 0 : i32
        %dma_start3A_171 = tpu.memref_slice %arg10[%add3A_166, %dma_start3A_170] : memref<40x128xi32, #tpu.memory_space<vmem>> -> memref<1x128xi32, #tpu.memory_space<vmem>>
        %dma_start3A_172 = tpu.memref_squeeze %dma_start3A_171 : memref<1x128xi32, #tpu.memory_space<vmem>> -> memref<128xi32, #tpu.memory_space<vmem>>
        %dma_start3A_173 = arith.constant 0 : i32
        %dma_start3A_174 = tpu.memref_slice %arg6[%dma_start3A_173] : memref<160002xi32, #tpu.memory_space<hbm>> -> memref<160002xi32, #tpu.memory_space<hbm>>
        %dma_start3A_175 = tpu.memref_slice %arg17[%rem3A_88] : memref<2x!tpu.dma_semaphore, #tpu.memory_space<semaphore_mem>> -> memref<1x!tpu.dma_semaphore, #tpu.memory_space<semaphore_mem>>
        %dma_start3A_176 = tpu.memref_squeeze %dma_start3A_175 : memref<1x!tpu.dma_semaphore, #tpu.memory_space<semaphore_mem>> -> memref<!tpu.dma_semaphore, #tpu.memory_space<semaphore_mem>>
        tpu.enqueue_indirect_dma source(%dma_start3A_174 : memref<160002xi32, #tpu.memory_space<hbm>>) target(%dma_start3A_169 : memref<128xi32, #tpu.memory_space<vmem>>) offsets(%dma_start3A_172 : memref<128xi32, #tpu.memory_space<vmem>>) semaphore(%dma_start3A_176 : memref<!tpu.dma_semaphore, #tpu.memory_space<semaphore_mem>>)
        %add3A_177 = arith.constant 1 : i32
        %add3A_178 = arith.addi %scan3A_82, %add3A_177 : i32
        %dma_start3A_179 = arith.constant 0 : i32
        %dma_start3A_180 = tpu.memref_slice %arg13[%rem3A_88, %dma_start3A_179] : memref<2x128xi32, #tpu.memory_space<vmem>> -> memref<1x128xi32, #tpu.memory_space<vmem>>
        %dma_start3A_181 = tpu.memref_squeeze %dma_start3A_180 : memref<1x128xi32, #tpu.memory_space<vmem>> -> memref<128xi32, #tpu.memory_space<vmem>>
        %dma_start3A_182 = arith.constant 0 : i32
        %dma_start3A_183 = tpu.memref_slice %arg11[%add3A_178, %dma_start3A_182] : memref<40x128xi32, #tpu.memory_space<vmem>> -> memref<1x128xi32, #tpu.memory_space<vmem>>
        %dma_start3A_184 = tpu.memref_squeeze %dma_start3A_183 : memref<1x128xi32, #tpu.memory_space<vmem>> -> memref<128xi32, #tpu.memory_space<vmem>>
        %dma_start3A_185 = arith.constant 0 : i32
        %dma_start3A_186 = tpu.memref_slice %arg7[%dma_start3A_185] : memref<10000xi32, #tpu.memory_space<hbm>> -> memref<10000xi32, #tpu.memory_space<hbm>>
        %dma_start3A_187 = tpu.memref_slice %arg18[%rem3A_88] : memref<2x!tpu.dma_semaphore, #tpu.memory_space<semaphore_mem>> -> memref<1x!tpu.dma_semaphore, #tpu.memory_space<semaphore_mem>>
        %dma_start3A_188 = tpu.memref_squeeze %dma_start3A_187 : memref<1x!tpu.dma_semaphore, #tpu.memory_space<semaphore_mem>> -> memref<!tpu.dma_semaphore, #tpu.memory_space<semaphore_mem>>
        tpu.enqueue_indirect_dma source(%dma_start3A_186 : memref<10000xi32, #tpu.memory_space<hbm>>) target(%dma_start3A_181 : memref<128xi32, #tpu.memory_space<vmem>>) offsets(%dma_start3A_184 : memref<128xi32, #tpu.memory_space<vmem>>) semaphore(%dma_start3A_188 : memref<!tpu.dma_semaphore, #tpu.memory_space<semaphore_mem>>)
      } else {
      }
      %dma_wait3A_93 = arith.constant 0 : i32
      %dma_wait3A_94 = tpu.memref_slice %arg12[%rem3A_84, %dma_wait3A_93] : memref<2x128xi32, #tpu.memory_space<vmem>> -> memref<1x128xi32, #tpu.memory_space<vmem>>
      %dma_wait3A_95 = tpu.memref_squeeze %dma_wait3A_94 : memref<1x128xi32, #tpu.memory_space<vmem>> -> memref<128xi32, #tpu.memory_space<vmem>>
      %dma_wait3A_96 = arith.constant 0 : i32
      %dma_wait3A_97 = tpu.memref_slice %arg10[%scan3A_82, %dma_wait3A_96] : memref<40x128xi32, #tpu.memory_space<vmem>> -> memref<1x128xi32, #tpu.memory_space<vmem>>
      %dma_wait3A_98 = tpu.memref_squeeze %dma_wait3A_97 : memref<1x128xi32, #tpu.memory_space<vmem>> -> memref<128xi32, #tpu.memory_space<vmem>>
      %dma_wait3A_99 = arith.constant 0 : i32
      %dma_wait3A_100 = tpu.memref_slice %arg6[%dma_wait3A_99] : memref<160002xi32, #tpu.memory_space<hbm>> -> memref<160002xi32, #tpu.memory_space<hbm>>
      %dma_wait3A_101 = tpu.memref_slice %arg17[%rem3A_84] : memref<2x!tpu.dma_semaphore, #tpu.memory_space<semaphore_mem>> -> memref<1x!tpu.dma_semaphore, #tpu.memory_space<semaphore_mem>>
      %dma_wait3A_102 = tpu.memref_squeeze %dma_wait3A_101 : memref<1x!tpu.dma_semaphore, #tpu.memory_space<semaphore_mem>> -> memref<!tpu.dma_semaphore, #tpu.memory_space<semaphore_mem>>
      tpu.wait_indirect_dma semaphore(%dma_wait3A_102 : memref<!tpu.dma_semaphore, #tpu.memory_space<semaphore_mem>>) src(%dma_wait3A_100 : memref<160002xi32, #tpu.memory_space<hbm>>) dst(%dma_wait3A_95 : memref<128xi32, #tpu.memory_space<vmem>>)
      %dma_wait3A_103 = arith.constant 0 : i32
      %dma_wait3A_104 = tpu.memref_slice %arg13[%rem3A_84, %dma_wait3A_103] : memref<2x128xi32, #tpu.memory_space<vmem>> -> memref<1x128xi32, #tpu.memory_space<vmem>>
      %dma_wait3A_105 = tpu.memref_squeeze %dma_wait3A_104 : memref<1x128xi32, #tpu.memory_space<vmem>> -> memref<128xi32, #tpu.memory_space<vmem>>
      %dma_wait3A_106 = arith.constant 0 : i32
      %dma_wait3A_107 = tpu.memref_slice %arg11[%scan3A_82, %dma_wait3A_106] : memref<40x128xi32, #tpu.memory_space<vmem>> -> memref<1x128xi32, #tpu.memory_space<vmem>>
      %dma_wait3A_108 = tpu.memref_squeeze %dma_wait3A_107 : memref<1x128xi32, #tpu.memory_space<vmem>> -> memref<128xi32, #tpu.memory_space<vmem>>
      %dma_wait3A_109 = arith.constant 0 : i32
      %dma_wait3A_110 = tpu.memref_slice %arg7[%dma_wait3A_109] : memref<10000xi32, #tpu.memory_space<hbm>> -> memref<10000xi32, #tpu.memory_space<hbm>>
      %dma_wait3A_111 = tpu.memref_slice %arg18[%rem3A_84] : memref<2x!tpu.dma_semaphore, #tpu.memory_space<semaphore_mem>> -> memref<1x!tpu.dma_semaphore, #tpu.memory_space<semaphore_mem>>
      %dma_wait3A_112 = tpu.memref_squeeze %dma_wait3A_111 : memref<1x!tpu.dma_semaphore, #tpu.memory_space<semaphore_mem>> -> memref<!tpu.dma_semaphore, #tpu.memory_space<semaphore_mem>>
      tpu.wait_indirect_dma semaphore(%dma_wait3A_112 : memref<!tpu.dma_semaphore, #tpu.memory_space<semaphore_mem>>) src(%dma_wait3A_110 : memref<10000xi32, #tpu.memory_space<hbm>>) dst(%dma_wait3A_105 : memref<128xi32, #tpu.memory_space<vmem>>)
      %eq3A = arith.constant 0 : i32
      %eq3A_113 = arith.cmpi eq, %rem3A_84, %eq3A : i32
      %convert_element_type3A_114 = arith.extui %eq3A_113 : i1 to i32
      %cond3A_115 = arith.constant 0 : i32
      %cond3A_116 = arith.cmpi ne, %convert_element_type3A_114, %cond3A_115 : i32
      scf.if %cond3A_116 {
        %get3A = arith.constant 0 : i32
        %get3A_147 = arith.index_cast %get3A : i32 to index
        %get3A_148 = arith.constant 0 : index
        %get3A_149 = tpu.vector_load %arg12[%get3A_147, %get3A_148] {strides = array<i32>} : memref<2x128xi32, #tpu.memory_space<vmem>>, vector<1x16xi32>,
        %get3A_150 = vector.shape_cast %get3A_149 : vector<1x16xi32> to vector<16xi32>
        %get3A_151 = arith.constant 0 : i32
        %get3A_152 = arith.index_cast %get3A_151 : i32 to index
        %get3A_153 = arith.constant 0 : index
        %get3A_154 = tpu.vector_load %arg13[%get3A_152, %get3A_153] {strides = array<i32>} : memref<2x128xi32, #tpu.memory_space<vmem>>, vector<1x16xi32>,
        %get3A_155 = vector.shape_cast %get3A_154 : vector<1x16xi32> to vector<16xi32>
        %add3A_156 = arith.addi %get3A_150, %get3A_155 : vector<16xi32>
        %min3A = arith.constant 167935 : i32
        %min3A_157 = vector.broadcast %min3A : i32 to vector<16xi32>
        %min3A_158 = arith.minsi %add3A_156, %min3A_157 : vector<16xi32>
        %swap3A = arith.constant 0 : i32
        %swap3A_159 = arith.index_cast %swap3A : i32 to index
        %swap3A_160 = arith.constant 0 : index
        %swap3A_161 = tpu.vector_load %arg14[%swap3A_159, %swap3A_160] {strides = array<i32>} : memref<2x128xi32, #tpu.memory_space<vmem>>, vector<1x16xi32>,
        %swap3A_162 = vector.shape_cast %swap3A_161 : vector<1x16xi32> to vector<16xi32>
        %swap3A_163 = vector.shape_cast %min3A_158 : vector<16xi32> to vector<1x16xi32>
        tpu.vector_store %arg14[%swap3A_159, %swap3A_160], %swap3A_163 {strides = array<i32>} : memref<2x128xi32, #tpu.memory_space<vmem>>, vector<1x16xi32>,
        %get3A_164 = arith.constant 0 : i32
        %get3A_165 = arith.index_cast %get3A_164 : i32 to index
        %get3A_166 = arith.constant 16 : index
        %get3A_167 = tpu.vector_load %arg12[%get3A_165, %get3A_166] {strides = array<i32>} : memref<2x128xi32, #tpu.memory_space<vmem>>, vector<1x16xi32>,
        %get3A_168 = vector.shape_cast %get3A_167 : vector<1x16xi32> to vector<16xi32>
        %get3A_169 = arith.constant 0 : i32
        %get3A_170 = arith.index_cast %get3A_169 : i32 to index
        %get3A_171 = arith.constant 16 : index
        %get3A_172 = tpu.vector_load %arg13[%get3A_170, %get3A_171] {strides = array<i32>} : memref<2x128xi32, #tpu.memory_space<vmem>>, vector<1x16xi32>,
        %get3A_173 = vector.shape_cast %get3A_172 : vector<1x16xi32> to vector<16xi32>
        %add3A_174 = arith.addi %get3A_168, %get3A_173 : vector<16xi32>
        %min3A_175 = arith.constant 167935 : i32
        %min3A_176 = vector.broadcast %min3A_175 : i32 to vector<16xi32>
        %min3A_177 = arith.minsi %add3A_174, %min3A_176 : vector<16xi32>
        %swap3A_178 = arith.constant 0 : i32
        %swap3A_179 = arith.index_cast %swap3A_178 : i32 to index
        %swap3A_180 = arith.constant 16 : index
        %swap3A_181 = tpu.vector_load %arg14[%swap3A_179, %swap3A_180] {strides = array<i32>} : memref<2x128xi32, #tpu.memory_space<vmem>>, vector<1x16xi32>,
        %swap3A_182 = vector.shape_cast %swap3A_181 : vector<1x16xi32> to vector<16xi32>
        %swap3A_183 = vector.shape_cast %min3A_177 : vector<16xi32> to vector<1x16xi32>
        tpu.vector_store %arg14[%swap3A_179, %swap3A_180], %swap3A_183 {strides = array<i32>} : memref<2x128xi32, #tpu.memory_space<vmem>>, vector<1x16xi32>,
        %get3A_184 = arith.constant 0 : i32
        %get3A_185 = arith.index_cast %get3A_184 : i32 to index
        %get3A_186 = arith.constant 32 : index
        %get3A_187 = tpu.vector_load %arg12[%get3A_185, %get3A_186] {strides = array<i32>} : memref<2x128xi32, #tpu.memory_space<vmem>>, vector<1x16xi32>,
        %get3A_188 = vector.shape_cast %get3A_187 : vector<1x16xi32> to vector<16xi32>
        %get3A_189 = arith.constant 0 : i32
        %get3A_190 = arith.index_cast %get3A_189 : i32 to index
        %get3A_191 = arith.constant 32 : index
        %get3A_192 = tpu.vector_load %arg13[%get3A_190, %get3A_191] {strides = array<i32>} : memref<2x128xi32, #tpu.memory_space<vmem>>, vector<1x16xi32>,
        %get3A_193 = vector.shape_cast %get3A_192 : vector<1x16xi32> to vector<16xi32>
        %add3A_194 = arith.addi %get3A_188, %get3A_193 : vector<16xi32>
        %min3A_195 = arith.constant 167935 : i32
        %min3A_196 = vector.broadcast %min3A_195 : i32 to vector<16xi32>
        %min3A_197 = arith.minsi %add3A_194, %min3A_196 : vector<16xi32>
        %swap3A_198 = arith.constant 0 : i32
        %swap3A_199 = arith.index_cast %swap3A_198 : i32 to index
        %swap3A_200 = arith.constant 32 : index
        %swap3A_201 = tpu.vector_load %arg14[%swap3A_199, %swap3A_200] {strides = array<i32>} : memref<2x128xi32, #tpu.memory_space<vmem>>, vector<1x16xi32>,
        %swap3A_202 = vector.shape_cast %swap3A_201 : vector<1x16xi32> to vector<16xi32>
        %swap3A_203 = vector.shape_cast %min3A_197 : vector<16xi32> to vector<1x16xi32>
        tpu.vector_store %arg14[%swap3A_199, %swap3A_200], %swap3A_203 {strides = array<i32>} : memref<2x128xi32, #tpu.memory_space<vmem>>, vector<1x16xi32>,
        %get3A_204 = arith.constant 0 : i32
        %get3A_205 = arith.index_cast %get3A_204 : i32 to index
        %get3A_206 = arith.constant 48 : index
        %get3A_207 = tpu.vector_load %arg12[%get3A_205, %get3A_206] {strides = array<i32>} : memref<2x128xi32, #tpu.memory_space<vmem>>, vector<1x16xi32>,
        %get3A_208 = vector.shape_cast %get3A_207 : vector<1x16xi32> to vector<16xi32>
        %get3A_209 = arith.constant 0 : i32
        %get3A_210 = arith.index_cast %get3A_209 : i32 to index
        %get3A_211 = arith.constant 48 : index
        %get3A_212 = tpu.vector_load %arg13[%get3A_210, %get3A_211] {strides = array<i32>} : memref<2x128xi32, #tpu.memory_space<vmem>>, vector<1x16xi32>,
        %get3A_213 = vector.shape_cast %get3A_212 : vector<1x16xi32> to vector<16xi32>
        %add3A_214 = arith.addi %get3A_208, %get3A_213 : vector<16xi32>
        %min3A_215 = arith.constant 167935 : i32
        %min3A_216 = vector.broadcast %min3A_215 : i32 to vector<16xi32>
        %min3A_217 = arith.minsi %add3A_214, %min3A_216 : vector<16xi32>
        %swap3A_218 = arith.constant 0 : i32
        %swap3A_219 = arith.index_cast %swap3A_218 : i32 to index
        %swap3A_220 = arith.constant 48 : index
        %swap3A_221 = tpu.vector_load %arg14[%swap3A_219, %swap3A_220] {strides = array<i32>} : memref<2x128xi32, #tpu.memory_space<vmem>>, vector<1x16xi32>,
        %swap3A_222 = vector.shape_cast %swap3A_221 : vector<1x16xi32> to vector<16xi32>
        %swap3A_223 = vector.shape_cast %min3A_217 : vector<16xi32> to vector<1x16xi32>
        tpu.vector_store %arg14[%swap3A_219, %swap3A_220], %swap3A_223 {strides = array<i32>} : memref<2x128xi32, #tpu.memory_space<vmem>>, vector<1x16xi32>,
        %get3A_224 = arith.constant 0 : i32
        %get3A_225 = arith.index_cast %get3A_224 : i32 to index
        %get3A_226 = arith.constant 64 : index
        %get3A_227 = tpu.vector_load %arg12[%get3A_225, %get3A_226] {strides = array<i32>} : memref<2x128xi32, #tpu.memory_space<vmem>>, vector<1x16xi32>,
        %get3A_228 = vector.shape_cast %get3A_227 : vector<1x16xi32> to vector<16xi32>
        %get3A_229 = arith.constant 0 : i32
        %get3A_230 = arith.index_cast %get3A_229 : i32 to index
        %get3A_231 = arith.constant 64 : index
        %get3A_232 = tpu.vector_load %arg13[%get3A_230, %get3A_231] {strides = array<i32>} : memref<2x128xi32, #tpu.memory_space<vmem>>, vector<1x16xi32>,
        %get3A_233 = vector.shape_cast %get3A_232 : vector<1x16xi32> to vector<16xi32>
        %add3A_234 = arith.addi %get3A_228, %get3A_233 : vector<16xi32>
        %min3A_235 = arith.constant 167935 : i32
        %min3A_236 = vector.broadcast %min3A_235 : i32 to vector<16xi32>
        %min3A_237 = arith.minsi %add3A_234, %min3A_236 : vector<16xi32>
        %swap3A_238 = arith.constant 0 : i32
        %swap3A_239 = arith.index_cast %swap3A_238 : i32 to index
        %swap3A_240 = arith.constant 64 : index
        %swap3A_241 = tpu.vector_load %arg14[%swap3A_239, %swap3A_240] {strides = array<i32>} : memref<2x128xi32, #tpu.memory_space<vmem>>, vector<1x16xi32>,
        %swap3A_242 = vector.shape_cast %swap3A_241 : vector<1x16xi32> to vector<16xi32>
        %swap3A_243 = vector.shape_cast %min3A_237 : vector<16xi32> to vector<1x16xi32>
        tpu.vector_store %arg14[%swap3A_239, %swap3A_240], %swap3A_243 {strides = array<i32>} : memref<2x128xi32, #tpu.memory_space<vmem>>, vector<1x16xi32>,
        %get3A_244 = arith.constant 0 : i32
        %get3A_245 = arith.index_cast %get3A_244 : i32 to index
        %get3A_246 = arith.constant 80 : index
        %get3A_247 = tpu.vector_load %arg12[%get3A_245, %get3A_246] {strides = array<i32>} : memref<2x128xi32, #tpu.memory_space<vmem>>, vector<1x16xi32>,
        %get3A_248 = vector.shape_cast %get3A_247 : vector<1x16xi32> to vector<16xi32>
        %get3A_249 = arith.constant 0 : i32
        %get3A_250 = arith.index_cast %get3A_249 : i32 to index
        %get3A_251 = arith.constant 80 : index
        %get3A_252 = tpu.vector_load %arg13[%get3A_250, %get3A_251] {strides = array<i32>} : memref<2x128xi32, #tpu.memory_space<vmem>>, vector<1x16xi32>,
        %get3A_253 = vector.shape_cast %get3A_252 : vector<1x16xi32> to vector<16xi32>
        %add3A_254 = arith.addi %get3A_248, %get3A_253 : vector<16xi32>
        %min3A_255 = arith.constant 167935 : i32
        %min3A_256 = vector.broadcast %min3A_255 : i32 to vector<16xi32>
        %min3A_257 = arith.minsi %add3A_254, %min3A_256 : vector<16xi32>
        %swap3A_258 = arith.constant 0 : i32
        %swap3A_259 = arith.index_cast %swap3A_258 : i32 to index
        %swap3A_260 = arith.constant 80 : index
        %swap3A_261 = tpu.vector_load %arg14[%swap3A_259, %swap3A_260] {strides = array<i32>} : memref<2x128xi32, #tpu.memory_space<vmem>>, vector<1x16xi32>,
        %swap3A_262 = vector.shape_cast %swap3A_261 : vector<1x16xi32> to vector<16xi32>
        %swap3A_263 = vector.shape_cast %min3A_257 : vector<16xi32> to vector<1x16xi32>
        tpu.vector_store %arg14[%swap3A_259, %swap3A_260], %swap3A_263 {strides = array<i32>} : memref<2x128xi32, #tpu.memory_space<vmem>>, vector<1x16xi32>,
        %get3A_264 = arith.constant 0 : i32
        %get3A_265 = arith.index_cast %get3A_264 : i32 to index
        %get3A_266 = arith.constant 96 : index
        %get3A_267 = tpu.vector_load %arg12[%get3A_265, %get3A_266] {strides = array<i32>} : memref<2x128xi32, #tpu.memory_space<vmem>>, vector<1x16xi32>,
        %get3A_268 = vector.shape_cast %get3A_267 : vector<1x16xi32> to vector<16xi32>
        %get3A_269 = arith.constant 0 : i32
        %get3A_270 = arith.index_cast %get3A_269 : i32 to index
        %get3A_271 = arith.constant 96 : index
        %get3A_272 = tpu.vector_load %arg13[%get3A_270, %get3A_271] {strides = array<i32>} : memref<2x128xi32, #tpu.memory_space<vmem>>, vector<1x16xi32>,
        %get3A_273 = vector.shape_cast %get3A_272 : vector<1x16xi32> to vector<16xi32>
        %add3A_274 = arith.addi %get3A_268, %get3A_273 : vector<16xi32>
        %min3A_275 = arith.constant 167935 : i32
        %min3A_276 = vector.broadcast %min3A_275 : i32 to vector<16xi32>
        %min3A_277 = arith.minsi %add3A_274, %min3A_276 : vector<16xi32>
        %swap3A_278 = arith.constant 0 : i32
        %swap3A_279 = arith.index_cast %swap3A_278 : i32 to index
        %swap3A_280 = arith.constant 96 : index
        %swap3A_281 = tpu.vector_load %arg14[%swap3A_279, %swap3A_280] {strides = array<i32>} : memref<2x128xi32, #tpu.memory_space<vmem>>, vector<1x16xi32>,
        %swap3A_282 = vector.shape_cast %swap3A_281 : vector<1x16xi32> to vector<16xi32>
        %swap3A_283 = vector.shape_cast %min3A_277 : vector<16xi32> to vector<1x16xi32>
        tpu.vector_store %arg14[%swap3A_279, %swap3A_280], %swap3A_283 {strides = array<i32>} : memref<2x128xi32, #tpu.memory_space<vmem>>, vector<1x16xi32>,
        %get3A_284 = arith.constant 0 : i32
        %get3A_285 = arith.index_cast %get3A_284 : i32 to index
        %get3A_286 = arith.constant 112 : index
        %get3A_287 = tpu.vector_load %arg12[%get3A_285, %get3A_286] {strides = array<i32>} : memref<2x128xi32, #tpu.memory_space<vmem>>, vector<1x16xi32>,
        %get3A_288 = vector.shape_cast %get3A_287 : vector<1x16xi32> to vector<16xi32>
        %get3A_289 = arith.constant 0 : i32
        %get3A_290 = arith.index_cast %get3A_289 : i32 to index
        %get3A_291 = arith.constant 112 : index
        %get3A_292 = tpu.vector_load %arg13[%get3A_290, %get3A_291] {strides = array<i32>} : memref<2x128xi32, #tpu.memory_space<vmem>>, vector<1x16xi32>,
        %get3A_293 = vector.shape_cast %get3A_292 : vector<1x16xi32> to vector<16xi32>
        %add3A_294 = arith.addi %get3A_288, %get3A_293 : vector<16xi32>
        %min3A_295 = arith.constant 167935 : i32
        %min3A_296 = vector.broadcast %min3A_295 : i32 to vector<16xi32>
        %min3A_297 = arith.minsi %add3A_294, %min3A_296 : vector<16xi32>
        %swap3A_298 = arith.constant 0 : i32
        %swap3A_299 = arith.index_cast %swap3A_298 : i32 to index
        %swap3A_300 = arith.constant 112 : index
        %swap3A_301 = tpu.vector_load %arg14[%swap3A_299, %swap3A_300] {strides = array<i32>} : memref<2x128xi32, #tpu.memory_space<vmem>>, vector<1x16xi32>,
        %swap3A_302 = vector.shape_cast %swap3A_301 : vector<1x16xi32> to vector<16xi32>
        %swap3A_303 = vector.shape_cast %min3A_297 : vector<16xi32> to vector<1x16xi32>
        tpu.vector_store %arg14[%swap3A_299, %swap3A_300], %swap3A_303 {strides = array<i32>} : memref<2x128xi32, #tpu.memory_space<vmem>>, vector<1x16xi32>,
      } else {
      }
      %eq3A_117 = arith.constant 1 : i32
      %eq3A_118 = arith.cmpi eq, %rem3A_84, %eq3A_117 : i32
      %convert_element_type3A_119 = arith.extui %eq3A_118 : i1 to i32
      %cond3A_120 = arith.constant 0 : i32
      %cond3A_121 = arith.cmpi ne, %convert_element_type3A_119, %cond3A_120 : i32
      scf.if %cond3A_121 {
        %get3A = arith.constant 1 : i32
        %get3A_147 = arith.index_cast %get3A : i32 to index
        %get3A_148 = arith.constant 0 : index
        %get3A_149 = tpu.vector_load %arg12[%get3A_147, %get3A_148] {strides = array<i32>} : memref<2x128xi32, #tpu.memory_space<vmem>>, vector<1x16xi32>,
        %get3A_150 = vector.shape_cast %get3A_149 : vector<1x16xi32> to vector<16xi32>
        %get3A_151 = arith.constant 1 : i32
        %get3A_152 = arith.index_cast %get3A_151 : i32 to index
        %get3A_153 = arith.constant 0 : index
        %get3A_154 = tpu.vector_load %arg13[%get3A_152, %get3A_153] {strides = array<i32>} : memref<2x128xi32, #tpu.memory_space<vmem>>, vector<1x16xi32>,
        %get3A_155 = vector.shape_cast %get3A_154 : vector<1x16xi32> to vector<16xi32>
        %add3A_156 = arith.addi %get3A_150, %get3A_155 : vector<16xi32>
        %min3A = arith.constant 167935 : i32
        %min3A_157 = vector.broadcast %min3A : i32 to vector<16xi32>
        %min3A_158 = arith.minsi %add3A_156, %min3A_157 : vector<16xi32>
        %swap3A = arith.constant 1 : i32
        %swap3A_159 = arith.index_cast %swap3A : i32 to index
        %swap3A_160 = arith.constant 0 : index
        %swap3A_161 = tpu.vector_load %arg14[%swap3A_159, %swap3A_160] {strides = array<i32>} : memref<2x128xi32, #tpu.memory_space<vmem>>, vector<1x16xi32>,
        %swap3A_162 = vector.shape_cast %swap3A_161 : vector<1x16xi32> to vector<16xi32>
        %swap3A_163 = vector.shape_cast %min3A_158 : vector<16xi32> to vector<1x16xi32>
        tpu.vector_store %arg14[%swap3A_159, %swap3A_160], %swap3A_163 {strides = array<i32>} : memref<2x128xi32, #tpu.memory_space<vmem>>, vector<1x16xi32>,
        %get3A_164 = arith.constant 1 : i32
        %get3A_165 = arith.index_cast %get3A_164 : i32 to index
        %get3A_166 = arith.constant 16 : index
        %get3A_167 = tpu.vector_load %arg12[%get3A_165, %get3A_166] {strides = array<i32>} : memref<2x128xi32, #tpu.memory_space<vmem>>, vector<1x16xi32>,
        %get3A_168 = vector.shape_cast %get3A_167 : vector<1x16xi32> to vector<16xi32>
        %get3A_169 = arith.constant 1 : i32
        %get3A_170 = arith.index_cast %get3A_169 : i32 to index
        %get3A_171 = arith.constant 16 : index
        %get3A_172 = tpu.vector_load %arg13[%get3A_170, %get3A_171] {strides = array<i32>} : memref<2x128xi32, #tpu.memory_space<vmem>>, vector<1x16xi32>,
        %get3A_173 = vector.shape_cast %get3A_172 : vector<1x16xi32> to vector<16xi32>
        %add3A_174 = arith.addi %get3A_168, %get3A_173 : vector<16xi32>
        %min3A_175 = arith.constant 167935 : i32
        %min3A_176 = vector.broadcast %min3A_175 : i32 to vector<16xi32>
        %min3A_177 = arith.minsi %add3A_174, %min3A_176 : vector<16xi32>
        %swap3A_178 = arith.constant 1 : i32
        %swap3A_179 = arith.index_cast %swap3A_178 : i32 to index
        %swap3A_180 = arith.constant 16 : index
        %swap3A_181 = tpu.vector_load %arg14[%swap3A_179, %swap3A_180] {strides = array<i32>} : memref<2x128xi32, #tpu.memory_space<vmem>>, vector<1x16xi32>,
        %swap3A_182 = vector.shape_cast %swap3A_181 : vector<1x16xi32> to vector<16xi32>
        %swap3A_183 = vector.shape_cast %min3A_177 : vector<16xi32> to vector<1x16xi32>
        tpu.vector_store %arg14[%swap3A_179, %swap3A_180], %swap3A_183 {strides = array<i32>} : memref<2x128xi32, #tpu.memory_space<vmem>>, vector<1x16xi32>,
        %get3A_184 = arith.constant 1 : i32
        %get3A_185 = arith.index_cast %get3A_184 : i32 to index
        %get3A_186 = arith.constant 32 : index
        %get3A_187 = tpu.vector_load %arg12[%get3A_185, %get3A_186] {strides = array<i32>} : memref<2x128xi32, #tpu.memory_space<vmem>>, vector<1x16xi32>,
        %get3A_188 = vector.shape_cast %get3A_187 : vector<1x16xi32> to vector<16xi32>
        %get3A_189 = arith.constant 1 : i32
        %get3A_190 = arith.index_cast %get3A_189 : i32 to index
        %get3A_191 = arith.constant 32 : index
        %get3A_192 = tpu.vector_load %arg13[%get3A_190, %get3A_191] {strides = array<i32>} : memref<2x128xi32, #tpu.memory_space<vmem>>, vector<1x16xi32>,
        %get3A_193 = vector.shape_cast %get3A_192 : vector<1x16xi32> to vector<16xi32>
        %add3A_194 = arith.addi %get3A_188, %get3A_193 : vector<16xi32>
        %min3A_195 = arith.constant 167935 : i32
        %min3A_196 = vector.broadcast %min3A_195 : i32 to vector<16xi32>
        %min3A_197 = arith.minsi %add3A_194, %min3A_196 : vector<16xi32>
        %swap3A_198 = arith.constant 1 : i32
        %swap3A_199 = arith.index_cast %swap3A_198 : i32 to index
        %swap3A_200 = arith.constant 32 : index
        %swap3A_201 = tpu.vector_load %arg14[%swap3A_199, %swap3A_200] {strides = array<i32>} : memref<2x128xi32, #tpu.memory_space<vmem>>, vector<1x16xi32>,
        %swap3A_202 = vector.shape_cast %swap3A_201 : vector<1x16xi32> to vector<16xi32>
        %swap3A_203 = vector.shape_cast %min3A_197 : vector<16xi32> to vector<1x16xi32>
        tpu.vector_store %arg14[%swap3A_199, %swap3A_200], %swap3A_203 {strides = array<i32>} : memref<2x128xi32, #tpu.memory_space<vmem>>, vector<1x16xi32>,
        %get3A_204 = arith.constant 1 : i32
        %get3A_205 = arith.index_cast %get3A_204 : i32 to index
        %get3A_206 = arith.constant 48 : index
        %get3A_207 = tpu.vector_load %arg12[%get3A_205, %get3A_206] {strides = array<i32>} : memref<2x128xi32, #tpu.memory_space<vmem>>, vector<1x16xi32>,
        %get3A_208 = vector.shape_cast %get3A_207 : vector<1x16xi32> to vector<16xi32>
        %get3A_209 = arith.constant 1 : i32
        %get3A_210 = arith.index_cast %get3A_209 : i32 to index
        %get3A_211 = arith.constant 48 : index
        %get3A_212 = tpu.vector_load %arg13[%get3A_210, %get3A_211] {strides = array<i32>} : memref<2x128xi32, #tpu.memory_space<vmem>>, vector<1x16xi32>,
        %get3A_213 = vector.shape_cast %get3A_212 : vector<1x16xi32> to vector<16xi32>
        %add3A_214 = arith.addi %get3A_208, %get3A_213 : vector<16xi32>
        %min3A_215 = arith.constant 167935 : i32
        %min3A_216 = vector.broadcast %min3A_215 : i32 to vector<16xi32>
        %min3A_217 = arith.minsi %add3A_214, %min3A_216 : vector<16xi32>
        %swap3A_218 = arith.constant 1 : i32
        %swap3A_219 = arith.index_cast %swap3A_218 : i32 to index
        %swap3A_220 = arith.constant 48 : index
        %swap3A_221 = tpu.vector_load %arg14[%swap3A_219, %swap3A_220] {strides = array<i32>} : memref<2x128xi32, #tpu.memory_space<vmem>>, vector<1x16xi32>,
        %swap3A_222 = vector.shape_cast %swap3A_221 : vector<1x16xi32> to vector<16xi32>
        %swap3A_223 = vector.shape_cast %min3A_217 : vector<16xi32> to vector<1x16xi32>
        tpu.vector_store %arg14[%swap3A_219, %swap3A_220], %swap3A_223 {strides = array<i32>} : memref<2x128xi32, #tpu.memory_space<vmem>>, vector<1x16xi32>,
        %get3A_224 = arith.constant 1 : i32
        %get3A_225 = arith.index_cast %get3A_224 : i32 to index
        %get3A_226 = arith.constant 64 : index
        %get3A_227 = tpu.vector_load %arg12[%get3A_225, %get3A_226] {strides = array<i32>} : memref<2x128xi32, #tpu.memory_space<vmem>>, vector<1x16xi32>,
        %get3A_228 = vector.shape_cast %get3A_227 : vector<1x16xi32> to vector<16xi32>
        %get3A_229 = arith.constant 1 : i32
        %get3A_230 = arith.index_cast %get3A_229 : i32 to index
        %get3A_231 = arith.constant 64 : index
        %get3A_232 = tpu.vector_load %arg13[%get3A_230, %get3A_231] {strides = array<i32>} : memref<2x128xi32, #tpu.memory_space<vmem>>, vector<1x16xi32>,
        %get3A_233 = vector.shape_cast %get3A_232 : vector<1x16xi32> to vector<16xi32>
        %add3A_234 = arith.addi %get3A_228, %get3A_233 : vector<16xi32>
        %min3A_235 = arith.constant 167935 : i32
        %min3A_236 = vector.broadcast %min3A_235 : i32 to vector<16xi32>
        %min3A_237 = arith.minsi %add3A_234, %min3A_236 : vector<16xi32>
        %swap3A_238 = arith.constant 1 : i32
        %swap3A_239 = arith.index_cast %swap3A_238 : i32 to index
        %swap3A_240 = arith.constant 64 : index
        %swap3A_241 = tpu.vector_load %arg14[%swap3A_239, %swap3A_240] {strides = array<i32>} : memref<2x128xi32, #tpu.memory_space<vmem>>, vector<1x16xi32>,
        %swap3A_242 = vector.shape_cast %swap3A_241 : vector<1x16xi32> to vector<16xi32>
        %swap3A_243 = vector.shape_cast %min3A_237 : vector<16xi32> to vector<1x16xi32>
        tpu.vector_store %arg14[%swap3A_239, %swap3A_240], %swap3A_243 {strides = array<i32>} : memref<2x128xi32, #tpu.memory_space<vmem>>, vector<1x16xi32>,
        %get3A_244 = arith.constant 1 : i32
        %get3A_245 = arith.index_cast %get3A_244 : i32 to index
        %get3A_246 = arith.constant 80 : index
        %get3A_247 = tpu.vector_load %arg12[%get3A_245, %get3A_246] {strides = array<i32>} : memref<2x128xi32, #tpu.memory_space<vmem>>, vector<1x16xi32>,
        %get3A_248 = vector.shape_cast %get3A_247 : vector<1x16xi32> to vector<16xi32>
        %get3A_249 = arith.constant 1 : i32
        %get3A_250 = arith.index_cast %get3A_249 : i32 to index
        %get3A_251 = arith.constant 80 : index
        %get3A_252 = tpu.vector_load %arg13[%get3A_250, %get3A_251] {strides = array<i32>} : memref<2x128xi32, #tpu.memory_space<vmem>>, vector<1x16xi32>,
        %get3A_253 = vector.shape_cast %get3A_252 : vector<1x16xi32> to vector<16xi32>
        %add3A_254 = arith.addi %get3A_248, %get3A_253 : vector<16xi32>
        %min3A_255 = arith.constant 167935 : i32
        %min3A_256 = vector.broadcast %min3A_255 : i32 to vector<16xi32>
        %min3A_257 = arith.minsi %add3A_254, %min3A_256 : vector<16xi32>
        %swap3A_258 = arith.constant 1 : i32
        %swap3A_259 = arith.index_cast %swap3A_258 : i32 to index
        %swap3A_260 = arith.constant 80 : index
        %swap3A_261 = tpu.vector_load %arg14[%swap3A_259, %swap3A_260] {strides = array<i32>} : memref<2x128xi32, #tpu.memory_space<vmem>>, vector<1x16xi32>,
        %swap3A_262 = vector.shape_cast %swap3A_261 : vector<1x16xi32> to vector<16xi32>
        %swap3A_263 = vector.shape_cast %min3A_257 : vector<16xi32> to vector<1x16xi32>
        tpu.vector_store %arg14[%swap3A_259, %swap3A_260], %swap3A_263 {strides = array<i32>} : memref<2x128xi32, #tpu.memory_space<vmem>>, vector<1x16xi32>,
        %get3A_264 = arith.constant 1 : i32
        %get3A_265 = arith.index_cast %get3A_264 : i32 to index
        %get3A_266 = arith.constant 96 : index
        %get3A_267 = tpu.vector_load %arg12[%get3A_265, %get3A_266] {strides = array<i32>} : memref<2x128xi32, #tpu.memory_space<vmem>>, vector<1x16xi32>,
        %get3A_268 = vector.shape_cast %get3A_267 : vector<1x16xi32> to vector<16xi32>
        %get3A_269 = arith.constant 1 : i32
        %get3A_270 = arith.index_cast %get3A_269 : i32 to index
        %get3A_271 = arith.constant 96 : index
        %get3A_272 = tpu.vector_load %arg13[%get3A_270, %get3A_271] {strides = array<i32>} : memref<2x128xi32, #tpu.memory_space<vmem>>, vector<1x16xi32>,
        %get3A_273 = vector.shape_cast %get3A_272 : vector<1x16xi32> to vector<16xi32>
        %add3A_274 = arith.addi %get3A_268, %get3A_273 : vector<16xi32>
        %min3A_275 = arith.constant 167935 : i32
        %min3A_276 = vector.broadcast %min3A_275 : i32 to vector<16xi32>
        %min3A_277 = arith.minsi %add3A_274, %min3A_276 : vector<16xi32>
        %swap3A_278 = arith.constant 1 : i32
        %swap3A_279 = arith.index_cast %swap3A_278 : i32 to index
        %swap3A_280 = arith.constant 96 : index
        %swap3A_281 = tpu.vector_load %arg14[%swap3A_279, %swap3A_280] {strides = array<i32>} : memref<2x128xi32, #tpu.memory_space<vmem>>, vector<1x16xi32>,
        %swap3A_282 = vector.shape_cast %swap3A_281 : vector<1x16xi32> to vector<16xi32>
        %swap3A_283 = vector.shape_cast %min3A_277 : vector<16xi32> to vector<1x16xi32>
        tpu.vector_store %arg14[%swap3A_279, %swap3A_280], %swap3A_283 {strides = array<i32>} : memref<2x128xi32, #tpu.memory_space<vmem>>, vector<1x16xi32>,
        %get3A_284 = arith.constant 1 : i32
        %get3A_285 = arith.index_cast %get3A_284 : i32 to index
        %get3A_286 = arith.constant 112 : index
        %get3A_287 = tpu.vector_load %arg12[%get3A_285, %get3A_286] {strides = array<i32>} : memref<2x128xi32, #tpu.memory_space<vmem>>, vector<1x16xi32>,
        %get3A_288 = vector.shape_cast %get3A_287 : vector<1x16xi32> to vector<16xi32>
        %get3A_289 = arith.constant 1 : i32
        %get3A_290 = arith.index_cast %get3A_289 : i32 to index
        %get3A_291 = arith.constant 112 : index
        %get3A_292 = tpu.vector_load %arg13[%get3A_290, %get3A_291] {strides = array<i32>} : memref<2x128xi32, #tpu.memory_space<vmem>>, vector<1x16xi32>,
        %get3A_293 = vector.shape_cast %get3A_292 : vector<1x16xi32> to vector<16xi32>
        %add3A_294 = arith.addi %get3A_288, %get3A_293 : vector<16xi32>
        %min3A_295 = arith.constant 167935 : i32
        %min3A_296 = vector.broadcast %min3A_295 : i32 to vector<16xi32>
        %min3A_297 = arith.minsi %add3A_294, %min3A_296 : vector<16xi32>
        %swap3A_298 = arith.constant 1 : i32
        %swap3A_299 = arith.index_cast %swap3A_298 : i32 to index
        %swap3A_300 = arith.constant 112 : index
        %swap3A_301 = tpu.vector_load %arg14[%swap3A_299, %swap3A_300] {strides = array<i32>} : memref<2x128xi32, #tpu.memory_space<vmem>>, vector<1x16xi32>,
        %swap3A_302 = vector.shape_cast %swap3A_301 : vector<1x16xi32> to vector<16xi32>
        %swap3A_303 = vector.shape_cast %min3A_297 : vector<16xi32> to vector<1x16xi32>
        tpu.vector_store %arg14[%swap3A_299, %swap3A_300], %swap3A_303 {strides = array<i32>} : memref<2x128xi32, #tpu.memory_space<vmem>>, vector<1x16xi32>,
      } else {
      }
      %dma_wait3A_122 = arith.constant 0 : i32
      %dma_wait3A_123 = arith.constant 0 : i32
      %dma_wait3A_124 = tpu.memref_slice %arg15[%rem3A_84, %dma_wait3A_122, %dma_wait3A_123] : memref<2x128x128xf32, #tpu.memory_space<vmem>> -> memref<1x128x128xf32, #tpu.memory_space<vmem>>
      %dma_wait3A_125 = tpu.memref_squeeze %dma_wait3A_124 : memref<1x128x128xf32, #tpu.memory_space<vmem>> -> memref<128x128xf32, #tpu.memory_space<vmem>>
      %dma_wait3A_126 = arith.constant 0 : i32
      %dma_wait3A_127 = tpu.memref_slice %arg9[%scan3A_82, %dma_wait3A_126] : memref<40x128xi32, #tpu.memory_space<vmem>> -> memref<1x128xi32, #tpu.memory_space<vmem>>
      %dma_wait3A_128 = tpu.memref_squeeze %dma_wait3A_127 : memref<1x128xi32, #tpu.memory_space<vmem>> -> memref<128xi32, #tpu.memory_space<vmem>>
      %dma_wait3A_129 = arith.constant 0 : i32
      %dma_wait3A_130 = arith.constant 0 : i32
      %dma_wait3A_131 = tpu.memref_slice %arg2[%dma_wait3A_129, %dma_wait3A_130] : memref<10000x128xf32, #tpu.memory_space<hbm>> -> memref<10000x128xf32, #tpu.memory_space<hbm>>
      %dma_wait3A_132 = tpu.memref_slice %arg16[%rem3A_84] : memref<2x!tpu.dma_semaphore, #tpu.memory_space<semaphore_mem>> -> memref<1x!tpu.dma_semaphore, #tpu.memory_space<semaphore_mem>>
      %dma_wait3A_133 = tpu.memref_squeeze %dma_wait3A_132 : memref<1x!tpu.dma_semaphore, #tpu.memory_space<semaphore_mem>> -> memref<!tpu.dma_semaphore, #tpu.memory_space<semaphore_mem>>
      tpu.wait_indirect_dma semaphore(%dma_wait3A_133 : memref<!tpu.dma_semaphore, #tpu.memory_space<semaphore_mem>>) src(%dma_wait3A_131 : memref<10000x128xf32, #tpu.memory_space<hbm>>) dst(%dma_wait3A_125 : memref<128x128xf32, #tpu.memory_space<vmem>>)
      %dma_start3A_134 = arith.constant 0 : i32
      %dma_start3A_135 = arith.constant 0 : i32
      %dma_start3A_136 = tpu.memref_slice %arg15[%rem3A_84, %dma_start3A_134, %dma_start3A_135] : memref<2x128x128xf32, #tpu.memory_space<vmem>> -> memref<1x128x128xf32, #tpu.memory_space<vmem>>
      %dma_start3A_137 = tpu.memref_squeeze %dma_start3A_136 : memref<1x128x128xf32, #tpu.memory_space<vmem>> -> memref<128x128xf32, #tpu.memory_space<vmem>>
      %dma_start3A_138 = arith.constant 0 : i32
      %dma_start3A_139 = tpu.memref_slice %arg14[%rem3A_84, %dma_start3A_138] : memref<2x128xi32, #tpu.memory_space<vmem>> -> memref<1x128xi32, #tpu.memory_space<vmem>>
      %dma_start3A_140 = tpu.memref_squeeze %dma_start3A_139 : memref<1x128xi32, #tpu.memory_space<vmem>> -> memref<128xi32, #tpu.memory_space<vmem>>
      %dma_start3A_141 = arith.constant 0 : i32
      %dma_start3A_142 = arith.constant 0 : i32
      %dma_start3A_143 = tpu.memref_slice %arg8[%dma_start3A_141, %dma_start3A_142] : memref<167936x128xf32, #tpu.memory_space<hbm>> -> memref<167936x128xf32, #tpu.memory_space<hbm>>
      %dma_start3A_144 = tpu.memref_slice %arg19[%rem3A_84] : memref<2x!tpu.dma_semaphore, #tpu.memory_space<semaphore_mem>> -> memref<1x!tpu.dma_semaphore, #tpu.memory_space<semaphore_mem>>
      %dma_start3A_145 = tpu.memref_squeeze %dma_start3A_144 : memref<1x!tpu.dma_semaphore, #tpu.memory_space<semaphore_mem>> -> memref<!tpu.dma_semaphore, #tpu.memory_space<semaphore_mem>>
      tpu.enqueue_indirect_dma source(%dma_start3A_137 : memref<128x128xf32, #tpu.memory_space<vmem>>) target(%dma_start3A_143 : memref<167936x128xf32, #tpu.memory_space<hbm>>) offsets(%dma_start3A_140 : memref<128xi32, #tpu.memory_space<vmem>>) semaphore(%dma_start3A_145 : memref<!tpu.dma_semaphore, #tpu.memory_space<semaphore_mem>>)
      %scan3A_146 = arith.constant 0 : i32
      scf.yield %scan3A_146 : i32
    }
    %scan3A_52 = arith.constant 40 : i32
    %dma_wait3A = arith.constant 0 : i32
    %dma_wait3A_53 = arith.constant 0 : i32
    %dma_wait3A_54 = arith.constant 0 : i32
    %dma_wait3A_55 = arith.constant 0 : i32
    %dma_wait3A_56 = arith.constant 0 : i32
    %dma_wait3A_57 = tpu.memref_slice %arg15[%dma_wait3A, %dma_wait3A_55, %dma_wait3A_56] : memref<2x128x128xf32, #tpu.memory_space<vmem>> -> memref<1x128x128xf32, #tpu.memory_space<vmem>>
    %dma_wait3A_58 = tpu.memref_squeeze %dma_wait3A_57 : memref<1x128x128xf32, #tpu.memory_space<vmem>> -> memref<128x128xf32, #tpu.memory_space<vmem>>
    %dma_wait3A_59 = arith.constant 0 : i32
    %dma_wait3A_60 = tpu.memref_slice %arg14[%dma_wait3A_53, %dma_wait3A_59] : memref<2x128xi32, #tpu.memory_space<vmem>> -> memref<1x128xi32, #tpu.memory_space<vmem>>
    %dma_wait3A_61 = tpu.memref_squeeze %dma_wait3A_60 : memref<1x128xi32, #tpu.memory_space<vmem>> -> memref<128xi32, #tpu.memory_space<vmem>>
    %dma_wait3A_62 = arith.constant 0 : i32
    %dma_wait3A_63 = arith.constant 0 : i32
    %dma_wait3A_64 = tpu.memref_slice %arg8[%dma_wait3A_62, %dma_wait3A_63] : memref<167936x128xf32, #tpu.memory_space<hbm>> -> memref<167936x128xf32, #tpu.memory_space<hbm>>
    %dma_wait3A_65 = tpu.memref_slice %arg19[%dma_wait3A_54] : memref<2x!tpu.dma_semaphore, #tpu.memory_space<semaphore_mem>> -> memref<1x!tpu.dma_semaphore, #tpu.memory_space<semaphore_mem>>
    %dma_wait3A_66 = tpu.memref_squeeze %dma_wait3A_65 : memref<1x!tpu.dma_semaphore, #tpu.memory_space<semaphore_mem>> -> memref<!tpu.dma_semaphore, #tpu.memory_space<semaphore_mem>>
    tpu.wait_indirect_dma semaphore(%dma_wait3A_66 : memref<!tpu.dma_semaphore, #tpu.memory_space<semaphore_mem>>) src(%dma_wait3A_58 : memref<128x128xf32, #tpu.memory_space<vmem>>) dst(%dma_wait3A_64 : memref<167936x128xf32, #tpu.memory_space<hbm>>)
    %dma_wait3A_67 = arith.constant 1 : i32
    %dma_wait3A_68 = arith.constant 1 : i32
    %dma_wait3A_69 = arith.constant 1 : i32
    %dma_wait3A_70 = arith.constant 0 : i32
    %dma_wait3A_71 = arith.constant 0 : i32
    %dma_wait3A_72 = tpu.memref_slice %arg15[%dma_wait3A_67, %dma_wait3A_70, %dma_wait3A_71] : memref<2x128x128xf32, #tpu.memory_space<vmem>> -> memref<1x128x128xf32, #tpu.memory_space<vmem>>
    %dma_wait3A_73 = tpu.memref_squeeze %dma_wait3A_72 : memref<1x128x128xf32, #tpu.memory_space<vmem>> -> memref<128x128xf32, #tpu.memory_space<vmem>>
    %dma_wait3A_74 = arith.constant 0 : i32
    %dma_wait3A_75 = tpu.memref_slice %arg14[%dma_wait3A_68, %dma_wait3A_74] : memref<2x128xi32, #tpu.memory_space<vmem>> -> memref<1x128xi32, #tpu.memory_space<vmem>>
    %dma_wait3A_76 = tpu.memref_squeeze %dma_wait3A_75 : memref<1x128xi32, #tpu.memory_space<vmem>> -> memref<128xi32, #tpu.memory_space<vmem>>
    %dma_wait3A_77 = arith.constant 0 : i32
    %dma_wait3A_78 = arith.constant 0 : i32
    %dma_wait3A_79 = tpu.memref_slice %arg8[%dma_wait3A_77, %dma_wait3A_78] : memref<167936x128xf32, #tpu.memory_space<hbm>> -> memref<167936x128xf32, #tpu.memory_space<hbm>>
    %dma_wait3A_80 = tpu.memref_slice %arg19[%dma_wait3A_69] : memref<2x!tpu.dma_semaphore, #tpu.memory_space<semaphore_mem>> -> memref<1x!tpu.dma_semaphore, #tpu.memory_space<semaphore_mem>>
    %dma_wait3A_81 = tpu.memref_squeeze %dma_wait3A_80 : memref<1x!tpu.dma_semaphore, #tpu.memory_space<semaphore_mem>> -> memref<!tpu.dma_semaphore, #tpu.memory_space<semaphore_mem>>
    tpu.wait_indirect_dma semaphore(%dma_wait3A_81 : memref<!tpu.dma_semaphore, #tpu.memory_space<semaphore_mem>>) src(%dma_wait3A_73 : memref<128x128xf32, #tpu.memory_space<vmem>>) dst(%dma_wait3A_79 : memref<167936x128xf32, #tpu.memory_space<hbm>>)
    return
  }
}

#map = affine_map<(d0, d1) -> (0, 0)>
module attributes {stable_mosaic.version = 14 : i64} {
  func.func @gather2_k(%arg0: i32, %arg1: i32, %arg2: memref<10000x256xf32, #tpu.memory_space<hbm>>, %arg3: memref<1280x128xi32, #tpu.memory_space<hbm>>, %arg4: memref<10000x128xf32, #tpu.memory_space<hbm>>, %arg5: memref<1280x128xi32, #tpu.memory_space<hbm>>, %arg6: memref<163840x256xf32, #tpu.memory_space<hbm>>, %arg7: memref<163840x128xf32, #tpu.memory_space<hbm>>, %arg8: memref<40x128xi32, #tpu.memory_space<vmem>>, %arg9: memref<40x128xi32, #tpu.memory_space<vmem>>, %arg10: memref<2x128x256xf32, #tpu.memory_space<vmem>>, %arg11: memref<2x128x128xf32, #tpu.memory_space<vmem>>, %arg12: memref<2x!tpu.dma_semaphore, #tpu.memory_space<semaphore_mem>>, %arg13: memref<2x!tpu.dma_semaphore, #tpu.memory_space<semaphore_mem>>, %arg14: memref<2x!tpu.dma_semaphore, #tpu.memory_space<semaphore_mem>>, %arg15: memref<2x!tpu.dma_semaphore, #tpu.memory_space<semaphore_mem>>) attributes {dimension_semantics = [#tpu.dimension_semantics<core_parallel>, #tpu.dimension_semantics<subcore_parallel>], iteration_bounds = array<i64: 2, 16>, scalar_prefetch = 0 : i64, scratch_operands = 8 : i64, tpu.core_type = #tpu.core_type<sc_vector_subcore>, window_params = [{transform_indices = #map}, {transform_indices = #map}, {transform_indices = #map}, {transform_indices = #map}, {transform_indices = #map}, {transform_indices = #map}]} {
    %mul3A = arith.constant 2 : i32
    %mul3A_0 = arith.muli %arg1, %mul3A : i32
    %add3A = arith.addi %mul3A_0, %arg0 : i32
    %mul3A_1 = arith.constant 5120 : i32
    %mul3A_2 = arith.muli %add3A, %mul3A_1 : i32
    %mul3A_3 = arith.constant 40 : i32
    %mul3A_4 = arith.muli %add3A, %mul3A_3 : i32
    "tpu.region"() ({
      %run_scoped3A = tpu.sem_alloc : memref<!tpu.dma_semaphore, #tpu.memory_space<semaphore_mem>>
      %dma_start3A_105 = arith.constant 0 : i32
      %dma_start3A_106 = tpu.memref_slice %arg3[%mul3A_4, %dma_start3A_105] : memref<1280x128xi32, #tpu.memory_space<hbm>> -> memref<40x128xi32, #tpu.memory_space<hbm>>
      %dma_start3A_107 = arith.constant 0 : i32
      %dma_start3A_108 = tpu.memref_slice %arg3[%mul3A_4, %dma_start3A_107] : memref<1280x128xi32, #tpu.memory_space<hbm>> -> memref<40x128xi32, #tpu.memory_space<hbm>>
      tpu.enqueue_dma source(%dma_start3A_108 : memref<40x128xi32, #tpu.memory_space<hbm>>) target(%arg8 : memref<40x128xi32, #tpu.memory_space<vmem>>) target_semaphore(%run_scoped3A : memref<!tpu.dma_semaphore, #tpu.memory_space<semaphore_mem>>)
      %dma_wait3A_109 = arith.constant 0 : i32
      %dma_wait3A_110 = tpu.memref_slice %arg3[%mul3A_4, %dma_wait3A_109] : memref<1280x128xi32, #tpu.memory_space<hbm>> -> memref<40x128xi32, #tpu.memory_space<hbm>>
      %dma_wait3A_111 = arith.constant 0 : i32
      %dma_wait3A_112 = tpu.memref_slice %arg3[%mul3A_4, %dma_wait3A_111] : memref<1280x128xi32, #tpu.memory_space<hbm>> -> memref<40x128xi32, #tpu.memory_space<hbm>>
      tpu.wait_dma2 semaphore(%run_scoped3A : memref<!tpu.dma_semaphore, #tpu.memory_space<semaphore_mem>>) src(%dma_wait3A_112 : memref<40x128xi32, #tpu.memory_space<hbm>>) dst(%arg8 : memref<40x128xi32, #tpu.memory_space<vmem>>)
      tpu.yield
    }) : () -> ()
    %mul3A_5 = arith.constant 40 : i32
    %mul3A_6 = arith.muli %add3A, %mul3A_5 : i32
    "tpu.region"() ({
      %run_scoped3A = tpu.sem_alloc : memref<!tpu.dma_semaphore, #tpu.memory_space<semaphore_mem>>
      %dma_start3A_105 = arith.constant 0 : i32
      %dma_start3A_106 = tpu.memref_slice %arg5[%mul3A_6, %dma_start3A_105] : memref<1280x128xi32, #tpu.memory_space<hbm>> -> memref<40x128xi32, #tpu.memory_space<hbm>>
      %dma_start3A_107 = arith.constant 0 : i32
      %dma_start3A_108 = tpu.memref_slice %arg5[%mul3A_6, %dma_start3A_107] : memref<1280x128xi32, #tpu.memory_space<hbm>> -> memref<40x128xi32, #tpu.memory_space<hbm>>
      tpu.enqueue_dma source(%dma_start3A_108 : memref<40x128xi32, #tpu.memory_space<hbm>>) target(%arg9 : memref<40x128xi32, #tpu.memory_space<vmem>>) target_semaphore(%run_scoped3A : memref<!tpu.dma_semaphore, #tpu.memory_space<semaphore_mem>>)
      %dma_wait3A_109 = arith.constant 0 : i32
      %dma_wait3A_110 = tpu.memref_slice %arg5[%mul3A_6, %dma_wait3A_109] : memref<1280x128xi32, #tpu.memory_space<hbm>> -> memref<40x128xi32, #tpu.memory_space<hbm>>
      %dma_wait3A_111 = arith.constant 0 : i32
      %dma_wait3A_112 = tpu.memref_slice %arg5[%mul3A_6, %dma_wait3A_111] : memref<1280x128xi32, #tpu.memory_space<hbm>> -> memref<40x128xi32, #tpu.memory_space<hbm>>
      tpu.wait_dma2 semaphore(%run_scoped3A : memref<!tpu.dma_semaphore, #tpu.memory_space<semaphore_mem>>) src(%dma_wait3A_112 : memref<40x128xi32, #tpu.memory_space<hbm>>) dst(%arg9 : memref<40x128xi32, #tpu.memory_space<vmem>>)
      tpu.yield
    }) : () -> ()
    %dma_start3A = arith.constant 0 : i32
    %dma_start3A_7 = arith.constant 0 : i32
    %dma_start3A_8 = arith.constant 0 : i32
    %dma_start3A_9 = arith.constant 0 : i32
    %dma_start3A_10 = arith.constant 0 : i32
    %dma_start3A_11 = tpu.memref_slice %arg10[%dma_start3A_7, %dma_start3A_9, %dma_start3A_10] : memref<2x128x256xf32, #tpu.memory_space<vmem>> -> memref<1x128x256xf32, #tpu.memory_space<vmem>>
    %dma_start3A_12 = tpu.memref_squeeze %dma_start3A_11 : memref<1x128x256xf32, #tpu.memory_space<vmem>> -> memref<128x256xf32, #tpu.memory_space<vmem>>
    %dma_start3A_13 = arith.constant 0 : i32
    %dma_start3A_14 = tpu.memref_slice %arg8[%dma_start3A, %dma_start3A_13] : memref<40x128xi32, #tpu.memory_space<vmem>> -> memref<1x128xi32, #tpu.memory_space<vmem>>
    %dma_start3A_15 = tpu.memref_squeeze %dma_start3A_14 : memref<1x128xi32, #tpu.memory_space<vmem>> -> memref<128xi32, #tpu.memory_space<vmem>>
    %dma_start3A_16 = arith.constant 0 : i32
    %dma_start3A_17 = arith.constant 0 : i32
    %dma_start3A_18 = tpu.memref_slice %arg2[%dma_start3A_16, %dma_start3A_17] : memref<10000x256xf32, #tpu.memory_space<hbm>> -> memref<10000x256xf32, #tpu.memory_space<hbm>>
    %dma_start3A_19 = tpu.memref_slice %arg12[%dma_start3A_8] : memref<2x!tpu.dma_semaphore, #tpu.memory_space<semaphore_mem>> -> memref<1x!tpu.dma_semaphore, #tpu.memory_space<semaphore_mem>>
    %dma_start3A_20 = tpu.memref_squeeze %dma_start3A_19 : memref<1x!tpu.dma_semaphore, #tpu.memory_space<semaphore_mem>> -> memref<!tpu.dma_semaphore, #tpu.memory_space<semaphore_mem>>
    tpu.enqueue_indirect_dma source(%dma_start3A_18 : memref<10000x256xf32, #tpu.memory_space<hbm>>) target(%dma_start3A_12 : memref<128x256xf32, #tpu.memory_space<vmem>>) offsets(%dma_start3A_15 : memref<128xi32, #tpu.memory_space<vmem>>) semaphore(%dma_start3A_20 : memref<!tpu.dma_semaphore, #tpu.memory_space<semaphore_mem>>)
    %dma_start3A_21 = arith.constant 0 : i32
    %dma_start3A_22 = arith.constant 0 : i32
    %dma_start3A_23 = arith.constant 0 : i32
    %dma_start3A_24 = arith.constant 0 : i32
    %dma_start3A_25 = arith.constant 0 : i32
    %dma_start3A_26 = tpu.memref_slice %arg11[%dma_start3A_22, %dma_start3A_24, %dma_start3A_25] : memref<2x128x128xf32, #tpu.memory_space<vmem>> -> memref<1x128x128xf32, #tpu.memory_space<vmem>>
    %dma_start3A_27 = tpu.memref_squeeze %dma_start3A_26 : memref<1x128x128xf32, #tpu.memory_space<vmem>> -> memref<128x128xf32, #tpu.memory_space<vmem>>
    %dma_start3A_28 = arith.constant 0 : i32
    %dma_start3A_29 = tpu.memref_slice %arg9[%dma_start3A_21, %dma_start3A_28] : memref<40x128xi32, #tpu.memory_space<vmem>> -> memref<1x128xi32, #tpu.memory_space<vmem>>
    %dma_start3A_30 = tpu.memref_squeeze %dma_start3A_29 : memref<1x128xi32, #tpu.memory_space<vmem>> -> memref<128xi32, #tpu.memory_space<vmem>>
    %dma_start3A_31 = arith.constant 0 : i32
    %dma_start3A_32 = arith.constant 0 : i32
    %dma_start3A_33 = tpu.memref_slice %arg4[%dma_start3A_31, %dma_start3A_32] : memref<10000x128xf32, #tpu.memory_space<hbm>> -> memref<10000x128xf32, #tpu.memory_space<hbm>>
    %dma_start3A_34 = tpu.memref_slice %arg13[%dma_start3A_23] : memref<2x!tpu.dma_semaphore, #tpu.memory_space<semaphore_mem>> -> memref<1x!tpu.dma_semaphore, #tpu.memory_space<semaphore_mem>>
    %dma_start3A_35 = tpu.memref_squeeze %dma_start3A_34 : memref<1x!tpu.dma_semaphore, #tpu.memory_space<semaphore_mem>> -> memref<!tpu.dma_semaphore, #tpu.memory_space<semaphore_mem>>
    tpu.enqueue_indirect_dma source(%dma_start3A_33 : memref<10000x128xf32, #tpu.memory_space<hbm>>) target(%dma_start3A_27 : memref<128x128xf32, #tpu.memory_space<vmem>>) offsets(%dma_start3A_30 : memref<128xi32, #tpu.memory_space<vmem>>) semaphore(%dma_start3A_35 : memref<!tpu.dma_semaphore, #tpu.memory_space<semaphore_mem>>)
    %scan3A = arith.constant 0 : i32
    %scan3A_36 = arith.constant 0 : i32
    %scan3A_37 = arith.constant 40 : i32
    %scan3A_38 = arith.addi %scan3A_36, %scan3A_37 : i32
    %scan3A_39 = arith.constant 1 : i32
    %scan3A_40 = scf.for %scan3A_105 = %scan3A_36 to %scan3A_38 step %scan3A_39 iter_args(%scan3A_106 = %scan3A) -> (i32)  : i32 {
      %rem3A = arith.constant 2 : i32
      %rem3A_107 = arith.remsi %scan3A_105, %rem3A : i32
      %add3A_108 = arith.constant 1 : i32
      %add3A_109 = arith.addi %scan3A_105, %add3A_108 : i32
      %rem3A_110 = arith.constant 2 : i32
      %rem3A_111 = arith.remsi %add3A_109, %rem3A_110 : i32
      %add3A_112 = arith.constant 1 : i32
      %add3A_113 = arith.addi %scan3A_105, %add3A_112 : i32
      %lt3A = arith.constant 40 : i32
      %lt3A_114 = arith.cmpi slt, %add3A_113, %lt3A : i32
      %convert_element_type3A = arith.extui %lt3A_114 : i1 to i32
      %cond3A = arith.constant 0 : i32
      %cond3A_115 = arith.cmpi ne, %convert_element_type3A, %cond3A : i32
      scf.if %cond3A_115 {
        %ge3A = arith.constant 1 : i32
        %ge3A_175 = arith.cmpi sge, %scan3A_105, %ge3A : i32
        %convert_element_type3A_176 = arith.extui %ge3A_175 : i1 to i32
        %cond3A_177 = arith.constant 0 : i32
        %cond3A_178 = arith.cmpi ne, %convert_element_type3A_176, %cond3A_177 : i32
        scf.if %cond3A_178 {
          %dma_wait3A_207 = arith.constant 0 : i32
          %dma_wait3A_208 = arith.constant 0 : i32
          %dma_wait3A_209 = tpu.memref_slice %arg10[%rem3A_111, %dma_wait3A_207, %dma_wait3A_208] : memref<2x128x256xf32, #tpu.memory_space<vmem>> -> memref<1x128x256xf32, #tpu.memory_space<vmem>>
          %dma_wait3A_210 = tpu.memref_squeeze %dma_wait3A_209 : memref<1x128x256xf32, #tpu.memory_space<vmem>> -> memref<128x256xf32, #tpu.memory_space<vmem>>
          %dma_wait3A_211 = arith.constant 0 : i32
          %dma_wait3A_212 = tpu.memref_slice %arg6[%mul3A_2, %dma_wait3A_211] : memref<163840x256xf32, #tpu.memory_space<hbm>> -> memref<128x256xf32, #tpu.memory_space<hbm>>
          %dma_wait3A_213 = tpu.memref_slice %arg14[%rem3A_111] : memref<2x!tpu.dma_semaphore, #tpu.memory_space<semaphore_mem>> -> memref<1x!tpu.dma_semaphore, #tpu.memory_space<semaphore_mem>>
          %dma_wait3A_214 = tpu.memref_squeeze %dma_wait3A_213 : memref<1x!tpu.dma_semaphore, #tpu.memory_space<semaphore_mem>> -> memref<!tpu.dma_semaphore, #tpu.memory_space<semaphore_mem>>
          %dma_wait3A_215 = arith.constant 0 : i32
          %dma_wait3A_216 = tpu.memref_slice %arg6[%mul3A_2, %dma_wait3A_215] : memref<163840x256xf32, #tpu.memory_space<hbm>> -> memref<128x256xf32, #tpu.memory_space<hbm>>
          %dma_wait3A_217 = arith.constant 0 : i32
          %dma_wait3A_218 = arith.constant 0 : i32
          %dma_wait3A_219 = tpu.memref_slice %arg10[%rem3A_111, %dma_wait3A_217, %dma_wait3A_218] : memref<2x128x256xf32, #tpu.memory_space<vmem>> -> memref<1x128x256xf32, #tpu.memory_space<vmem>>
          %dma_wait3A_220 = tpu.memref_squeeze %dma_wait3A_219 : memref<1x128x256xf32, #tpu.memory_space<vmem>> -> memref<128x256xf32, #tpu.memory_space<vmem>>
          tpu.wait_dma2 semaphore(%dma_wait3A_214 : memref<!tpu.dma_semaphore, #tpu.memory_space<semaphore_mem>>) src(%dma_wait3A_220 : memref<128x256xf32, #tpu.memory_space<vmem>>) dst(%dma_wait3A_216 : memref<128x256xf32, #tpu.memory_space<hbm>>)
          %dma_wait3A_221 = arith.constant 0 : i32
          %dma_wait3A_222 = arith.constant 0 : i32
          %dma_wait3A_223 = tpu.memref_slice %arg11[%rem3A_111, %dma_wait3A_221, %dma_wait3A_222] : memref<2x128x128xf32, #tpu.memory_space<vmem>> -> memref<1x128x128xf32, #tpu.memory_space<vmem>>
          %dma_wait3A_224 = tpu.memref_squeeze %dma_wait3A_223 : memref<1x128x128xf32, #tpu.memory_space<vmem>> -> memref<128x128xf32, #tpu.memory_space<vmem>>
          %dma_wait3A_225 = arith.constant 0 : i32
          %dma_wait3A_226 = tpu.memref_slice %arg7[%mul3A_2, %dma_wait3A_225] : memref<163840x128xf32, #tpu.memory_space<hbm>> -> memref<128x128xf32, #tpu.memory_space<hbm>>
          %dma_wait3A_227 = tpu.memref_slice %arg15[%rem3A_111] : memref<2x!tpu.dma_semaphore, #tpu.memory_space<semaphore_mem>> -> memref<1x!tpu.dma_semaphore, #tpu.memory_space<semaphore_mem>>
          %dma_wait3A_228 = tpu.memref_squeeze %dma_wait3A_227 : memref<1x!tpu.dma_semaphore, #tpu.memory_space<semaphore_mem>> -> memref<!tpu.dma_semaphore, #tpu.memory_space<semaphore_mem>>
          %dma_wait3A_229 = arith.constant 0 : i32
          %dma_wait3A_230 = tpu.memref_slice %arg7[%mul3A_2, %dma_wait3A_229] : memref<163840x128xf32, #tpu.memory_space<hbm>> -> memref<128x128xf32, #tpu.memory_space<hbm>>
          %dma_wait3A_231 = arith.constant 0 : i32
          %dma_wait3A_232 = arith.constant 0 : i32
          %dma_wait3A_233 = tpu.memref_slice %arg11[%rem3A_111, %dma_wait3A_231, %dma_wait3A_232] : memref<2x128x128xf32, #tpu.memory_space<vmem>> -> memref<1x128x128xf32, #tpu.memory_space<vmem>>
          %dma_wait3A_234 = tpu.memref_squeeze %dma_wait3A_233 : memref<1x128x128xf32, #tpu.memory_space<vmem>> -> memref<128x128xf32, #tpu.memory_space<vmem>>
          tpu.wait_dma2 semaphore(%dma_wait3A_228 : memref<!tpu.dma_semaphore, #tpu.memory_space<semaphore_mem>>) src(%dma_wait3A_234 : memref<128x128xf32, #tpu.memory_space<vmem>>) dst(%dma_wait3A_230 : memref<128x128xf32, #tpu.memory_space<hbm>>)
        } else {
        }
        %add3A_179 = arith.constant 1 : i32
        %add3A_180 = arith.addi %scan3A_105, %add3A_179 : i32
        %dma_start3A_181 = arith.constant 0 : i32
        %dma_start3A_182 = arith.constant 0 : i32
        %dma_start3A_183 = tpu.memref_slice %arg10[%rem3A_111, %dma_start3A_181, %dma_start3A_182] : memref<2x128x256xf32, #tpu.memory_space<vmem>> -> memref<1x128x256xf32, #tpu.memory_space<vmem>>
        %dma_start3A_184 = tpu.memref_squeeze %dma_start3A_183 : memref<1x128x256xf32, #tpu.memory_space<vmem>> -> memref<128x256xf32, #tpu.memory_space<vmem>>
        %dma_start3A_185 = arith.constant 0 : i32
        %dma_start3A_186 = tpu.memref_slice %arg8[%add3A_180, %dma_start3A_185] : memref<40x128xi32, #tpu.memory_space<vmem>> -> memref<1x128xi32, #tpu.memory_space<vmem>>
        %dma_start3A_187 = tpu.memref_squeeze %dma_start3A_186 : memref<1x128xi32, #tpu.memory_space<vmem>> -> memref<128xi32, #tpu.memory_space<vmem>>
        %dma_start3A_188 = arith.constant 0 : i32
        %dma_start3A_189 = arith.constant 0 : i32
        %dma_start3A_190 = tpu.memref_slice %arg2[%dma_start3A_188, %dma_start3A_189] : memref<10000x256xf32, #tpu.memory_space<hbm>> -> memref<10000x256xf32, #tpu.memory_space<hbm>>
        %dma_start3A_191 = tpu.memref_slice %arg12[%rem3A_111] : memref<2x!tpu.dma_semaphore, #tpu.memory_space<semaphore_mem>> -> memref<1x!tpu.dma_semaphore, #tpu.memory_space<semaphore_mem>>
        %dma_start3A_192 = tpu.memref_squeeze %dma_start3A_191 : memref<1x!tpu.dma_semaphore, #tpu.memory_space<semaphore_mem>> -> memref<!tpu.dma_semaphore, #tpu.memory_space<semaphore_mem>>
        tpu.enqueue_indirect_dma source(%dma_start3A_190 : memref<10000x256xf32, #tpu.memory_space<hbm>>) target(%dma_start3A_184 : memref<128x256xf32, #tpu.memory_space<vmem>>) offsets(%dma_start3A_187 : memref<128xi32, #tpu.memory_space<vmem>>) semaphore(%dma_start3A_192 : memref<!tpu.dma_semaphore, #tpu.memory_space<semaphore_mem>>)
        %add3A_193 = arith.constant 1 : i32
        %add3A_194 = arith.addi %scan3A_105, %add3A_193 : i32
        %dma_start3A_195 = arith.constant 0 : i32
        %dma_start3A_196 = arith.constant 0 : i32
        %dma_start3A_197 = tpu.memref_slice %arg11[%rem3A_111, %dma_start3A_195, %dma_start3A_196] : memref<2x128x128xf32, #tpu.memory_space<vmem>> -> memref<1x128x128xf32, #tpu.memory_space<vmem>>
        %dma_start3A_198 = tpu.memref_squeeze %dma_start3A_197 : memref<1x128x128xf32, #tpu.memory_space<vmem>> -> memref<128x128xf32, #tpu.memory_space<vmem>>
        %dma_start3A_199 = arith.constant 0 : i32
        %dma_start3A_200 = tpu.memref_slice %arg9[%add3A_194, %dma_start3A_199] : memref<40x128xi32, #tpu.memory_space<vmem>> -> memref<1x128xi32, #tpu.memory_space<vmem>>
        %dma_start3A_201 = tpu.memref_squeeze %dma_start3A_200 : memref<1x128xi32, #tpu.memory_space<vmem>> -> memref<128xi32, #tpu.memory_space<vmem>>
        %dma_start3A_202 = arith.constant 0 : i32
        %dma_start3A_203 = arith.constant 0 : i32
        %dma_start3A_204 = tpu.memref_slice %arg4[%dma_start3A_202, %dma_start3A_203] : memref<10000x128xf32, #tpu.memory_space<hbm>> -> memref<10000x128xf32, #tpu.memory_space<hbm>>
        %dma_start3A_205 = tpu.memref_slice %arg13[%rem3A_111] : memref<2x!tpu.dma_semaphore, #tpu.memory_space<semaphore_mem>> -> memref<1x!tpu.dma_semaphore, #tpu.memory_space<semaphore_mem>>
        %dma_start3A_206 = tpu.memref_squeeze %dma_start3A_205 : memref<1x!tpu.dma_semaphore, #tpu.memory_space<semaphore_mem>> -> memref<!tpu.dma_semaphore, #tpu.memory_space<semaphore_mem>>
        tpu.enqueue_indirect_dma source(%dma_start3A_204 : memref<10000x128xf32, #tpu.memory_space<hbm>>) target(%dma_start3A_198 : memref<128x128xf32, #tpu.memory_space<vmem>>) offsets(%dma_start3A_201 : memref<128xi32, #tpu.memory_space<vmem>>) semaphore(%dma_start3A_206 : memref<!tpu.dma_semaphore, #tpu.memory_space<semaphore_mem>>)
      } else {
      }
      %dma_wait3A_116 = arith.constant 0 : i32
      %dma_wait3A_117 = arith.constant 0 : i32
      %dma_wait3A_118 = tpu.memref_slice %arg10[%rem3A_107, %dma_wait3A_116, %dma_wait3A_117] : memref<2x128x256xf32, #tpu.memory_space<vmem>> -> memref<1x128x256xf32, #tpu.memory_space<vmem>>
      %dma_wait3A_119 = tpu.memref_squeeze %dma_wait3A_118 : memref<1x128x256xf32, #tpu.memory_space<vmem>> -> memref<128x256xf32, #tpu.memory_space<vmem>>
      %dma_wait3A_120 = arith.constant 0 : i32
      %dma_wait3A_121 = tpu.memref_slice %arg8[%scan3A_105, %dma_wait3A_120] : memref<40x128xi32, #tpu.memory_space<vmem>> -> memref<1x128xi32, #tpu.memory_space<vmem>>
      %dma_wait3A_122 = tpu.memref_squeeze %dma_wait3A_121 : memref<1x128xi32, #tpu.memory_space<vmem>> -> memref<128xi32, #tpu.memory_space<vmem>>
      %dma_wait3A_123 = arith.constant 0 : i32
      %dma_wait3A_124 = arith.constant 0 : i32
      %dma_wait3A_125 = tpu.memref_slice %arg2[%dma_wait3A_123, %dma_wait3A_124] : memref<10000x256xf32, #tpu.memory_space<hbm>> -> memref<10000x256xf32, #tpu.memory_space<hbm>>
      %dma_wait3A_126 = tpu.memref_slice %arg12[%rem3A_107] : memref<2x!tpu.dma_semaphore, #tpu.memory_space<semaphore_mem>> -> memref<1x!tpu.dma_semaphore, #tpu.memory_space<semaphore_mem>>
      %dma_wait3A_127 = tpu.memref_squeeze %dma_wait3A_126 : memref<1x!tpu.dma_semaphore, #tpu.memory_space<semaphore_mem>> -> memref<!tpu.dma_semaphore, #tpu.memory_space<semaphore_mem>>
      tpu.wait_indirect_dma semaphore(%dma_wait3A_127 : memref<!tpu.dma_semaphore, #tpu.memory_space<semaphore_mem>>) src(%dma_wait3A_125 : memref<10000x256xf32, #tpu.memory_space<hbm>>) dst(%dma_wait3A_119 : memref<128x256xf32, #tpu.memory_space<vmem>>)
      %mul3A_128 = arith.constant 128 : i32
      %mul3A_129 = arith.muli %scan3A_105, %mul3A_128 : i32
      %add3A_130 = arith.addi %mul3A_2, %mul3A_129 : i32
      %dma_start3A_131 = arith.constant 0 : i32
      %dma_start3A_132 = arith.constant 0 : i32
      %dma_start3A_133 = tpu.memref_slice %arg10[%rem3A_107, %dma_start3A_131, %dma_start3A_132] : memref<2x128x256xf32, #tpu.memory_space<vmem>> -> memref<1x128x256xf32, #tpu.memory_space<vmem>>
      %dma_start3A_134 = tpu.memref_squeeze %dma_start3A_133 : memref<1x128x256xf32, #tpu.memory_space<vmem>> -> memref<128x256xf32, #tpu.memory_space<vmem>>
      %dma_start3A_135 = arith.constant 0 : i32
      %dma_start3A_136 = tpu.memref_slice %arg6[%add3A_130, %dma_start3A_135] : memref<163840x256xf32, #tpu.memory_space<hbm>> -> memref<128x256xf32, #tpu.memory_space<hbm>>
      %dma_start3A_137 = tpu.memref_slice %arg14[%rem3A_107] : memref<2x!tpu.dma_semaphore, #tpu.memory_space<semaphore_mem>> -> memref<1x!tpu.dma_semaphore, #tpu.memory_space<semaphore_mem>>
      %dma_start3A_138 = tpu.memref_squeeze %dma_start3A_137 : memref<1x!tpu.dma_semaphore, #tpu.memory_space<semaphore_mem>> -> memref<!tpu.dma_semaphore, #tpu.memory_space<semaphore_mem>>
      %dma_start3A_139 = arith.constant 0 : i32
      %dma_start3A_140 = tpu.memref_slice %arg6[%add3A_130, %dma_start3A_139] : memref<163840x256xf32, #tpu.memory_space<hbm>> -> memref<128x256xf32, #tpu.memory_space<hbm>>
      %dma_start3A_141 = arith.constant 0 : i32
      %dma_start3A_142 = arith.constant 0 : i32
      %dma_start3A_143 = tpu.memref_slice %arg10[%rem3A_107, %dma_start3A_141, %dma_start3A_142] : memref<2x128x256xf32, #tpu.memory_space<vmem>> -> memref<1x128x256xf32, #tpu.memory_space<vmem>>
      %dma_start3A_144 = tpu.memref_squeeze %dma_start3A_143 : memref<1x128x256xf32, #tpu.memory_space<vmem>> -> memref<128x256xf32, #tpu.memory_space<vmem>>
      tpu.enqueue_dma source(%dma_start3A_144 : memref<128x256xf32, #tpu.memory_space<vmem>>) target(%dma_start3A_140 : memref<128x256xf32, #tpu.memory_space<hbm>>) target_semaphore(%dma_start3A_138 : memref<!tpu.dma_semaphore, #tpu.memory_space<semaphore_mem>>)
      %dma_wait3A_145 = arith.constant 0 : i32
      %dma_wait3A_146 = arith.constant 0 : i32
      %dma_wait3A_147 = tpu.memref_slice %arg11[%rem3A_107, %dma_wait3A_145, %dma_wait3A_146] : memref<2x128x128xf32, #tpu.memory_space<vmem>> -> memref<1x128x128xf32, #tpu.memory_space<vmem>>
      %dma_wait3A_148 = tpu.memref_squeeze %dma_wait3A_147 : memref<1x128x128xf32, #tpu.memory_space<vmem>> -> memref<128x128xf32, #tpu.memory_space<vmem>>
      %dma_wait3A_149 = arith.constant 0 : i32
      %dma_wait3A_150 = tpu.memref_slice %arg9[%scan3A_105, %dma_wait3A_149] : memref<40x128xi32, #tpu.memory_space<vmem>> -> memref<1x128xi32, #tpu.memory_space<vmem>>
      %dma_wait3A_151 = tpu.memref_squeeze %dma_wait3A_150 : memref<1x128xi32, #tpu.memory_space<vmem>> -> memref<128xi32, #tpu.memory_space<vmem>>
      %dma_wait3A_152 = arith.constant 0 : i32
      %dma_wait3A_153 = arith.constant 0 : i32
      %dma_wait3A_154 = tpu.memref_slice %arg4[%dma_wait3A_152, %dma_wait3A_153] : memref<10000x128xf32, #tpu.memory_space<hbm>> -> memref<10000x128xf32, #tpu.memory_space<hbm>>
      %dma_wait3A_155 = tpu.memref_slice %arg13[%rem3A_107] : memref<2x!tpu.dma_semaphore, #tpu.memory_space<semaphore_mem>> -> memref<1x!tpu.dma_semaphore, #tpu.memory_space<semaphore_mem>>
      %dma_wait3A_156 = tpu.memref_squeeze %dma_wait3A_155 : memref<1x!tpu.dma_semaphore, #tpu.memory_space<semaphore_mem>> -> memref<!tpu.dma_semaphore, #tpu.memory_space<semaphore_mem>>
      tpu.wait_indirect_dma semaphore(%dma_wait3A_156 : memref<!tpu.dma_semaphore, #tpu.memory_space<semaphore_mem>>) src(%dma_wait3A_154 : memref<10000x128xf32, #tpu.memory_space<hbm>>) dst(%dma_wait3A_148 : memref<128x128xf32, #tpu.memory_space<vmem>>)
      %mul3A_157 = arith.constant 128 : i32
      %mul3A_158 = arith.muli %scan3A_105, %mul3A_157 : i32
      %add3A_159 = arith.addi %mul3A_2, %mul3A_158 : i32
      %dma_start3A_160 = arith.constant 0 : i32
      %dma_start3A_161 = arith.constant 0 : i32
      %dma_start3A_162 = tpu.memref_slice %arg11[%rem3A_107, %dma_start3A_160, %dma_start3A_161] : memref<2x128x128xf32, #tpu.memory_space<vmem>> -> memref<1x128x128xf32, #tpu.memory_space<vmem>>
      %dma_start3A_163 = tpu.memref_squeeze %dma_start3A_162 : memref<1x128x128xf32, #tpu.memory_space<vmem>> -> memref<128x128xf32, #tpu.memory_space<vmem>>
      %dma_start3A_164 = arith.constant 0 : i32
      %dma_start3A_165 = tpu.memref_slice %arg7[%add3A_159, %dma_start3A_164] : memref<163840x128xf32, #tpu.memory_space<hbm>> -> memref<128x128xf32, #tpu.memory_space<hbm>>
      %dma_start3A_166 = tpu.memref_slice %arg15[%rem3A_107] : memref<2x!tpu.dma_semaphore, #tpu.memory_space<semaphore_mem>> -> memref<1x!tpu.dma_semaphore, #tpu.memory_space<semaphore_mem>>
      %dma_start3A_167 = tpu.memref_squeeze %dma_start3A_166 : memref<1x!tpu.dma_semaphore, #tpu.memory_space<semaphore_mem>> -> memref<!tpu.dma_semaphore, #tpu.memory_space<semaphore_mem>>
      %dma_start3A_168 = arith.constant 0 : i32
      %dma_start3A_169 = tpu.memref_slice %arg7[%add3A_159, %dma_start3A_168] : memref<163840x128xf32, #tpu.memory_space<hbm>> -> memref<128x128xf32, #tpu.memory_space<hbm>>
      %dma_start3A_170 = arith.constant 0 : i32
      %dma_start3A_171 = arith.constant 0 : i32
      %dma_start3A_172 = tpu.memref_slice %arg11[%rem3A_107, %dma_start3A_170, %dma_start3A_171] : memref<2x128x128xf32, #tpu.memory_space<vmem>> -> memref<1x128x128xf32, #tpu.memory_space<vmem>>
      %dma_start3A_173 = tpu.memref_squeeze %dma_start3A_172 : memref<1x128x128xf32, #tpu.memory_space<vmem>> -> memref<128x128xf32, #tpu.memory_space<vmem>>
      tpu.enqueue_dma source(%dma_start3A_173 : memref<128x128xf32, #tpu.memory_space<vmem>>) target(%dma_start3A_169 : memref<128x128xf32, #tpu.memory_space<hbm>>) target_semaphore(%dma_start3A_167 : memref<!tpu.dma_semaphore, #tpu.memory_space<semaphore_mem>>)
      %scan3A_174 = arith.constant 0 : i32
      scf.yield %scan3A_174 : i32
    }
    %scan3A_41 = arith.constant 40 : i32
    %dma_wait3A = arith.constant 0 : i32
    %dma_wait3A_42 = arith.constant 0 : i32
    %dma_wait3A_43 = arith.constant 0 : i32
    %dma_wait3A_44 = arith.constant 0 : i32
    %dma_wait3A_45 = tpu.memref_slice %arg10[%dma_wait3A, %dma_wait3A_43, %dma_wait3A_44] : memref<2x128x256xf32, #tpu.memory_space<vmem>> -> memref<1x128x256xf32, #tpu.memory_space<vmem>>
    %dma_wait3A_46 = tpu.memref_squeeze %dma_wait3A_45 : memref<1x128x256xf32, #tpu.memory_space<vmem>> -> memref<128x256xf32, #tpu.memory_space<vmem>>
    %dma_wait3A_47 = arith.constant 0 : i32
    %dma_wait3A_48 = tpu.memref_slice %arg6[%mul3A_2, %dma_wait3A_47] : memref<163840x256xf32, #tpu.memory_space<hbm>> -> memref<128x256xf32, #tpu.memory_space<hbm>>
    %dma_wait3A_49 = tpu.memref_slice %arg14[%dma_wait3A_42] : memref<2x!tpu.dma_semaphore, #tpu.memory_space<semaphore_mem>> -> memref<1x!tpu.dma_semaphore, #tpu.memory_space<semaphore_mem>>
    %dma_wait3A_50 = tpu.memref_squeeze %dma_wait3A_49 : memref<1x!tpu.dma_semaphore, #tpu.memory_space<semaphore_mem>> -> memref<!tpu.dma_semaphore, #tpu.memory_space<semaphore_mem>>
    %dma_wait3A_51 = arith.constant 0 : i32
    %dma_wait3A_52 = tpu.memref_slice %arg6[%mul3A_2, %dma_wait3A_51] : memref<163840x256xf32, #tpu.memory_space<hbm>> -> memref<128x256xf32, #tpu.memory_space<hbm>>
    %dma_wait3A_53 = arith.constant 0 : i32
    %dma_wait3A_54 = arith.constant 0 : i32
    %dma_wait3A_55 = tpu.memref_slice %arg10[%dma_wait3A, %dma_wait3A_53, %dma_wait3A_54] : memref<2x128x256xf32, #tpu.memory_space<vmem>> -> memref<1x128x256xf32, #tpu.memory_space<vmem>>
    %dma_wait3A_56 = tpu.memref_squeeze %dma_wait3A_55 : memref<1x128x256xf32, #tpu.memory_space<vmem>> -> memref<128x256xf32, #tpu.memory_space<vmem>>
    tpu.wait_dma2 semaphore(%dma_wait3A_50 : memref<!tpu.dma_semaphore, #tpu.memory_space<semaphore_mem>>) src(%dma_wait3A_56 : memref<128x256xf32, #tpu.memory_space<vmem>>) dst(%dma_wait3A_52 : memref<128x256xf32, #tpu.memory_space<hbm>>)
    %dma_wait3A_57 = arith.constant 0 : i32
    %dma_wait3A_58 = arith.constant 0 : i32
    %dma_wait3A_59 = arith.constant 0 : i32
    %dma_wait3A_60 = arith.constant 0 : i32
    %dma_wait3A_61 = tpu.memref_slice %arg11[%dma_wait3A_57, %dma_wait3A_59, %dma_wait3A_60] : memref<2x128x128xf32, #tpu.memory_space<vmem>> -> memref<1x128x128xf32, #tpu.memory_space<vmem>>
    %dma_wait3A_62 = tpu.memref_squeeze %dma_wait3A_61 : memref<1x128x128xf32, #tpu.memory_space<vmem>> -> memref<128x128xf32, #tpu.memory_space<vmem>>
    %dma_wait3A_63 = arith.constant 0 : i32
    %dma_wait3A_64 = tpu.memref_slice %arg7[%mul3A_2, %dma_wait3A_63] : memref<163840x128xf32, #tpu.memory_space<hbm>> -> memref<128x128xf32, #tpu.memory_space<hbm>>
    %dma_wait3A_65 = tpu.memref_slice %arg15[%dma_wait3A_58] : memref<2x!tpu.dma_semaphore, #tpu.memory_space<semaphore_mem>> -> memref<1x!tpu.dma_semaphore, #tpu.memory_space<semaphore_mem>>
    %dma_wait3A_66 = tpu.memref_squeeze %dma_wait3A_65 : memref<1x!tpu.dma_semaphore, #tpu.memory_space<semaphore_mem>> -> memref<!tpu.dma_semaphore, #tpu.memory_space<semaphore_mem>>
    %dma_wait3A_67 = arith.constant 0 : i32
    %dma_wait3A_68 = tpu.memref_slice %arg7[%mul3A_2, %dma_wait3A_67] : memref<163840x128xf32, #tpu.memory_space<hbm>> -> memref<128x128xf32, #tpu.memory_space<hbm>>
    %dma_wait3A_69 = arith.constant 0 : i32
    %dma_wait3A_70 = arith.constant 0 : i32
    %dma_wait3A_71 = tpu.memref_slice %arg11[%dma_wait3A_57, %dma_wait3A_69, %dma_wait3A_70] : memref<2x128x128xf32, #tpu.memory_space<vmem>> -> memref<1x128x128xf32, #tpu.memory_space<vmem>>
    %dma_wait3A_72 = tpu.memref_squeeze %dma_wait3A_71 : memref<1x128x128xf32, #tpu.memory_space<vmem>> -> memref<128x128xf32, #tpu.memory_space<vmem>>
    tpu.wait_dma2 semaphore(%dma_wait3A_66 : memref<!tpu.dma_semaphore, #tpu.memory_space<semaphore_mem>>) src(%dma_wait3A_72 : memref<128x128xf32, #tpu.memory_space<vmem>>) dst(%dma_wait3A_68 : memref<128x128xf32, #tpu.memory_space<hbm>>)
    %dma_wait3A_73 = arith.constant 1 : i32
    %dma_wait3A_74 = arith.constant 1 : i32
    %dma_wait3A_75 = arith.constant 0 : i32
    %dma_wait3A_76 = arith.constant 0 : i32
    %dma_wait3A_77 = tpu.memref_slice %arg10[%dma_wait3A_73, %dma_wait3A_75, %dma_wait3A_76] : memref<2x128x256xf32, #tpu.memory_space<vmem>> -> memref<1x128x256xf32, #tpu.memory_space<vmem>>
    %dma_wait3A_78 = tpu.memref_squeeze %dma_wait3A_77 : memref<1x128x256xf32, #tpu.memory_space<vmem>> -> memref<128x256xf32, #tpu.memory_space<vmem>>
    %dma_wait3A_79 = arith.constant 0 : i32
    %dma_wait3A_80 = tpu.memref_slice %arg6[%mul3A_2, %dma_wait3A_79] : memref<163840x256xf32, #tpu.memory_space<hbm>> -> memref<128x256xf32, #tpu.memory_space<hbm>>
    %dma_wait3A_81 = tpu.memref_slice %arg14[%dma_wait3A_74] : memref<2x!tpu.dma_semaphore, #tpu.memory_space<semaphore_mem>> -> memref<1x!tpu.dma_semaphore, #tpu.memory_space<semaphore_mem>>
    %dma_wait3A_82 = tpu.memref_squeeze %dma_wait3A_81 : memref<1x!tpu.dma_semaphore, #tpu.memory_space<semaphore_mem>> -> memref<!tpu.dma_semaphore, #tpu.memory_space<semaphore_mem>>
    %dma_wait3A_83 = arith.constant 0 : i32
    %dma_wait3A_84 = tpu.memref_slice %arg6[%mul3A_2, %dma_wait3A_83] : memref<163840x256xf32, #tpu.memory_space<hbm>> -> memref<128x256xf32, #tpu.memory_space<hbm>>
    %dma_wait3A_85 = arith.constant 0 : i32
    %dma_wait3A_86 = arith.constant 0 : i32
    %dma_wait3A_87 = tpu.memref_slice %arg10[%dma_wait3A_73, %dma_wait3A_85, %dma_wait3A_86] : memref<2x128x256xf32, #tpu.memory_space<vmem>> -> memref<1x128x256xf32, #tpu.memory_space<vmem>>
    %dma_wait3A_88 = tpu.memref_squeeze %dma_wait3A_87 : memref<1x128x256xf32, #tpu.memory_space<vmem>> -> memref<128x256xf32, #tpu.memory_space<vmem>>
    tpu.wait_dma2 semaphore(%dma_wait3A_82 : memref<!tpu.dma_semaphore, #tpu.memory_space<semaphore_mem>>) src(%dma_wait3A_88 : memref<128x256xf32, #tpu.memory_space<vmem>>) dst(%dma_wait3A_84 : memref<128x256xf32, #tpu.memory_space<hbm>>)
    %dma_wait3A_89 = arith.constant 1 : i32
    %dma_wait3A_90 = arith.constant 1 : i32
    %dma_wait3A_91 = arith.constant 0 : i32
    %dma_wait3A_92 = arith.constant 0 : i32
    %dma_wait3A_93 = tpu.memref_slice %arg11[%dma_wait3A_89, %dma_wait3A_91, %dma_wait3A_92] : memref<2x128x128xf32, #tpu.memory_space<vmem>> -> memref<1x128x128xf32, #tpu.memory_space<vmem>>
    %dma_wait3A_94 = tpu.memref_squeeze %dma_wait3A_93 : memref<1x128x128xf32, #tpu.memory_space<vmem>> -> memref<128x128xf32, #tpu.memory_space<vmem>>
    %dma_wait3A_95 = arith.constant 0 : i32
    %dma_wait3A_96 = tpu.memref_slice %arg7[%mul3A_2, %dma_wait3A_95] : memref<163840x128xf32, #tpu.memory_space<hbm>> -> memref<128x128xf32, #tpu.memory_space<hbm>>
    %dma_wait3A_97 = tpu.memref_slice %arg15[%dma_wait3A_90] : memref<2x!tpu.dma_semaphore, #tpu.memory_space<semaphore_mem>> -> memref<1x!tpu.dma_semaphore, #tpu.memory_space<semaphore_mem>>
    %dma_wait3A_98 = tpu.memref_squeeze %dma_wait3A_97 : memref<1x!tpu.dma_semaphore, #tpu.memory_space<semaphore_mem>> -> memref<!tpu.dma_semaphore, #tpu.memory_space<semaphore_mem>>
    %dma_wait3A_99 = arith.constant 0 : i32
    %dma_wait3A_100 = tpu.memref_slice %arg7[%mul3A_2, %dma_wait3A_99] : memref<163840x128xf32, #tpu.memory_space<hbm>> -> memref<128x128xf32, #tpu.memory_space<hbm>>
    %dma_wait3A_101 = arith.constant 0 : i32
    %dma_wait3A_102 = arith.constant 0 : i32
    %dma_wait3A_103 = tpu.memref_slice %arg11[%dma_wait3A_89, %dma_wait3A_101, %dma_wait3A_102] : memref<2x128x128xf32, #tpu.memory_space<vmem>> -> memref<1x128x128xf32, #tpu.memory_space<vmem>>
    %dma_wait3A_104 = tpu.memref_squeeze %dma_wait3A_103 : memref<1x128x128xf32, #tpu.memory_space<vmem>> -> memref<128x128xf32, #tpu.memory_space<vmem>>
    tpu.wait_dma2 semaphore(%dma_wait3A_98 : memref<!tpu.dma_semaphore, #tpu.memory_space<semaphore_mem>>) src(%dma_wait3A_104 : memref<128x128xf32, #tpu.memory_space<vmem>>) dst(%dma_wait3A_100 : memref<128x128xf32, #tpu.memory_space<hbm>>)
    return
  }
}

#map = affine_map<(d0, d1) -> (0, 0)>
#map1 = affine_map<(d0, d1) -> (0, 0, 0)>
module attributes {stable_mosaic.version = 14 : i64} {
  func.func @scat_k(%arg0: i32, %arg1: i32, %arg2: memref<163840x128xf32, #tpu.memory_space<hbm>>, %arg3: memref<1280x128xi32, #tpu.memory_space<hbm>>, %arg4: memref<10008x128xf32, #tpu.memory_space<hbm>>, %arg5: memref<2x10008x128xf32, #tpu.memory_space<hbm>>, %arg6: memref<40x128xi32, #tpu.memory_space<vmem>>, %arg7: memref<2x128x128xf32, #tpu.memory_space<vmem>>, %arg8: memref<10008x128xf32, #tpu.memory_space<vmem_shared>>, %arg9: memref<2x!tpu.dma_semaphore, #tpu.memory_space<semaphore_mem>>, %arg10: memref<2x!tpu.dma_semaphore, #tpu.memory_space<semaphore_mem>>) attributes {dimension_semantics = [#tpu.dimension_semantics<core_parallel>, #tpu.dimension_semantics<subcore_parallel>], iteration_bounds = array<i64: 2, 16>, scalar_prefetch = 0 : i64, scratch_operands = 5 : i64, tpu.core_type = #tpu.core_type<sc_vector_subcore>, window_params = [{transform_indices = #map}, {transform_indices = #map}, {transform_indices = #map}, {transform_indices = #map1}]} {
    %mul3A = arith.constant 2 : i32
    %mul3A_0 = arith.muli %arg1, %mul3A : i32
    %add3A = arith.addi %mul3A_0, %arg0 : i32
    %eq3A = arith.constant 0 : i32
    %eq3A_1 = arith.cmpi eq, %arg1, %eq3A : i32
    %convert_element_type3A = arith.extui %eq3A_1 : i1 to i32
    %cond3A = arith.constant 0 : i32
    %cond3A_2 = arith.cmpi ne, %convert_element_type3A, %cond3A : i32
    scf.if %cond3A_2 {
      "tpu.region"() ({
        %run_scoped3A = tpu.sem_alloc : memref<!tpu.dma_semaphore, #tpu.memory_space<semaphore_mem>>
        tpu.enqueue_dma source(%arg4 : memref<10008x128xf32, #tpu.memory_space<hbm>>) target(%arg8 : memref<10008x128xf32, #tpu.memory_space<vmem_shared>>) target_semaphore(%run_scoped3A : memref<!tpu.dma_semaphore, #tpu.memory_space<semaphore_mem>>)
        tpu.wait_dma2 semaphore(%run_scoped3A : memref<!tpu.dma_semaphore, #tpu.memory_space<semaphore_mem>>) src(%arg4 : memref<10008x128xf32, #tpu.memory_space<hbm>>) dst(%arg8 : memref<10008x128xf32, #tpu.memory_space<vmem_shared>>)
        tpu.yield
      }) : () -> ()
    } else {
    }
    %barrier3A = arith.constant 0 : index
    tpu.barrier barrier_id(%barrier3A)
    %mul3A_3 = arith.constant 40 : i32
    %mul3A_4 = arith.muli %add3A, %mul3A_3 : i32
    "tpu.region"() ({
      %run_scoped3A = tpu.sem_alloc : memref<!tpu.dma_semaphore, #tpu.memory_space<semaphore_mem>>
      %dma_start3A_63 = arith.constant 0 : i32
      %dma_start3A_64 = tpu.memref_slice %arg3[%mul3A_4, %dma_start3A_63] : memref<1280x128xi32, #tpu.memory_space<hbm>> -> memref<40x128xi32, #tpu.memory_space<hbm>>
      %dma_start3A_65 = arith.constant 0 : i32
      %dma_start3A_66 = tpu.memref_slice %arg3[%mul3A_4, %dma_start3A_65] : memref<1280x128xi32, #tpu.memory_space<hbm>> -> memref<40x128xi32, #tpu.memory_space<hbm>>
      tpu.enqueue_dma source(%dma_start3A_66 : memref<40x128xi32, #tpu.memory_space<hbm>>) target(%arg6 : memref<40x128xi32, #tpu.memory_space<vmem>>) target_semaphore(%run_scoped3A : memref<!tpu.dma_semaphore, #tpu.memory_space<semaphore_mem>>)
      %dma_wait3A_67 = arith.constant 0 : i32
      %dma_wait3A_68 = tpu.memref_slice %arg3[%mul3A_4, %dma_wait3A_67] : memref<1280x128xi32, #tpu.memory_space<hbm>> -> memref<40x128xi32, #tpu.memory_space<hbm>>
      %dma_wait3A_69 = arith.constant 0 : i32
      %dma_wait3A_70 = tpu.memref_slice %arg3[%mul3A_4, %dma_wait3A_69] : memref<1280x128xi32, #tpu.memory_space<hbm>> -> memref<40x128xi32, #tpu.memory_space<hbm>>
      tpu.wait_dma2 semaphore(%run_scoped3A : memref<!tpu.dma_semaphore, #tpu.memory_space<semaphore_mem>>) src(%dma_wait3A_70 : memref<40x128xi32, #tpu.memory_space<hbm>>) dst(%arg6 : memref<40x128xi32, #tpu.memory_space<vmem>>)
      tpu.yield
    }) : () -> ()
    %mul3A_5 = arith.constant 5120 : i32
    %mul3A_6 = arith.muli %add3A, %mul3A_5 : i32
    %dma_start3A = arith.constant 0 : i32
    %dma_start3A_7 = arith.constant 0 : i32
    %dma_start3A_8 = arith.constant 0 : i32
    %dma_start3A_9 = arith.constant 0 : i32
    %dma_start3A_10 = tpu.memref_slice %arg7[%dma_start3A, %dma_start3A_8, %dma_start3A_9] : memref<2x128x128xf32, #tpu.memory_space<vmem>> -> memref<1x128x128xf32, #tpu.memory_space<vmem>>
    %dma_start3A_11 = tpu.memref_squeeze %dma_start3A_10 : memref<1x128x128xf32, #tpu.memory_space<vmem>> -> memref<128x128xf32, #tpu.memory_space<vmem>>
    %dma_start3A_12 = arith.constant 0 : i32
    %dma_start3A_13 = tpu.memref_slice %arg2[%mul3A_6, %dma_start3A_12] : memref<163840x128xf32, #tpu.memory_space<hbm>> -> memref<128x128xf32, #tpu.memory_space<hbm>>
    %dma_start3A_14 = tpu.memref_slice %arg9[%dma_start3A_7] : memref<2x!tpu.dma_semaphore, #tpu.memory_space<semaphore_mem>> -> memref<1x!tpu.dma_semaphore, #tpu.memory_space<semaphore_mem>>
    %dma_start3A_15 = tpu.memref_squeeze %dma_start3A_14 : memref<1x!tpu.dma_semaphore, #tpu.memory_space<semaphore_mem>> -> memref<!tpu.dma_semaphore, #tpu.memory_space<semaphore_mem>>
    %dma_start3A_16 = arith.constant 0 : i32
    %dma_start3A_17 = arith.constant 0 : i32
    %dma_start3A_18 = tpu.memref_slice %arg7[%dma_start3A, %dma_start3A_16, %dma_start3A_17] : memref<2x128x128xf32, #tpu.memory_space<vmem>> -> memref<1x128x128xf32, #tpu.memory_space<vmem>>
    %dma_start3A_19 = tpu.memref_squeeze %dma_start3A_18 : memref<1x128x128xf32, #tpu.memory_space<vmem>> -> memref<128x128xf32, #tpu.memory_space<vmem>>
    %dma_start3A_20 = arith.constant 0 : i32
    %dma_start3A_21 = tpu.memref_slice %arg2[%mul3A_6, %dma_start3A_20] : memref<163840x128xf32, #tpu.memory_space<hbm>> -> memref<128x128xf32, #tpu.memory_space<hbm>>
    tpu.enqueue_dma source(%dma_start3A_21 : memref<128x128xf32, #tpu.memory_space<hbm>>) target(%dma_start3A_19 : memref<128x128xf32, #tpu.memory_space<vmem>>) target_semaphore(%dma_start3A_15 : memref<!tpu.dma_semaphore, #tpu.memory_space<semaphore_mem>>)
    %scan3A = arith.constant 0 : i32
    %scan3A_22 = arith.constant 0 : i32
    %scan3A_23 = arith.constant 40 : i32
    %scan3A_24 = arith.addi %scan3A_22, %scan3A_23 : i32
    %scan3A_25 = arith.constant 1 : i32
    %scan3A_26 = scf.for %scan3A_63 = %scan3A_22 to %scan3A_24 step %scan3A_25 iter_args(%scan3A_64 = %scan3A) -> (i32)  : i32 {
      %rem3A = arith.constant 2 : i32
      %rem3A_65 = arith.remsi %scan3A_63, %rem3A : i32
      %add3A_66 = arith.constant 1 : i32
      %add3A_67 = arith.addi %scan3A_63, %add3A_66 : i32
      %rem3A_68 = arith.constant 2 : i32
      %rem3A_69 = arith.remsi %add3A_67, %rem3A_68 : i32
      %add3A_70 = arith.constant 1 : i32
      %add3A_71 = arith.addi %scan3A_63, %add3A_70 : i32
      %lt3A = arith.constant 40 : i32
      %lt3A_72 = arith.cmpi slt, %add3A_71, %lt3A : i32
      %convert_element_type3A_73 = arith.extui %lt3A_72 : i1 to i32
      %cond3A_74 = arith.constant 0 : i32
      %cond3A_75 = arith.cmpi ne, %convert_element_type3A_73, %cond3A_74 : i32
      scf.if %cond3A_75 {
        %ge3A = arith.constant 1 : i32
        %ge3A_103 = arith.cmpi sge, %scan3A_63, %ge3A : i32
        %convert_element_type3A_104 = arith.extui %ge3A_103 : i1 to i32
        %cond3A_105 = arith.constant 0 : i32
        %cond3A_106 = arith.cmpi ne, %convert_element_type3A_104, %cond3A_105 : i32
        scf.if %cond3A_106 {
          %sub3A = arith.constant 1 : i32
          %sub3A_126 = arith.subi %scan3A_63, %sub3A : i32
          %dma_wait3A_127 = arith.constant 0 : i32
          %dma_wait3A_128 = arith.constant 0 : i32
          %dma_wait3A_129 = tpu.memref_slice %arg7[%rem3A_69, %dma_wait3A_127, %dma_wait3A_128] : memref<2x128x128xf32, #tpu.memory_space<vmem>> -> memref<1x128x128xf32, #tpu.memory_space<vmem>>
          %dma_wait3A_130 = tpu.memref_squeeze %dma_wait3A_129 : memref<1x128x128xf32, #tpu.memory_space<vmem>> -> memref<128x128xf32, #tpu.memory_space<vmem>>
          %dma_wait3A_131 = arith.constant 0 : i32
          %dma_wait3A_132 = tpu.memref_slice %arg6[%sub3A_126, %dma_wait3A_131] : memref<40x128xi32, #tpu.memory_space<vmem>> -> memref<1x128xi32, #tpu.memory_space<vmem>>
          %dma_wait3A_133 = tpu.memref_squeeze %dma_wait3A_132 : memref<1x128xi32, #tpu.memory_space<vmem>> -> memref<128xi32, #tpu.memory_space<vmem>>
          %dma_wait3A_134 = arith.constant 0 : i32
          %dma_wait3A_135 = arith.constant 0 : i32
          %dma_wait3A_136 = tpu.memref_slice %arg8[%dma_wait3A_134, %dma_wait3A_135] : memref<10008x128xf32, #tpu.memory_space<vmem_shared>> -> memref<10008x128xf32, #tpu.memory_space<vmem_shared>>
          %dma_wait3A_137 = tpu.memref_slice %arg10[%rem3A_69] : memref<2x!tpu.dma_semaphore, #tpu.memory_space<semaphore_mem>> -> memref<1x!tpu.dma_semaphore, #tpu.memory_space<semaphore_mem>>
          %dma_wait3A_138 = tpu.memref_squeeze %dma_wait3A_137 : memref<1x!tpu.dma_semaphore, #tpu.memory_space<semaphore_mem>> -> memref<!tpu.dma_semaphore, #tpu.memory_space<semaphore_mem>>
          tpu.wait_indirect_dma semaphore(%dma_wait3A_138 : memref<!tpu.dma_semaphore, #tpu.memory_space<semaphore_mem>>) src(%dma_wait3A_130 : memref<128x128xf32, #tpu.memory_space<vmem>>) dst(%dma_wait3A_136 : memref<10008x128xf32, #tpu.memory_space<vmem_shared>>)
        } else {
        }
        %add3A_107 = arith.constant 1 : i32
        %add3A_108 = arith.addi %scan3A_63, %add3A_107 : i32
        %mul3A_109 = arith.constant 128 : i32
        %mul3A_110 = arith.muli %add3A_108, %mul3A_109 : i32
        %add3A_111 = arith.addi %mul3A_6, %mul3A_110 : i32
        %dma_start3A_112 = arith.constant 0 : i32
        %dma_start3A_113 = arith.constant 0 : i32
        %dma_start3A_114 = tpu.memref_slice %arg7[%rem3A_69, %dma_start3A_112, %dma_start3A_113] : memref<2x128x128xf32, #tpu.memory_space<vmem>> -> memref<1x128x128xf32, #tpu.memory_space<vmem>>
        %dma_start3A_115 = tpu.memref_squeeze %dma_start3A_114 : memref<1x128x128xf32, #tpu.memory_space<vmem>> -> memref<128x128xf32, #tpu.memory_space<vmem>>
        %dma_start3A_116 = arith.constant 0 : i32
        %dma_start3A_117 = tpu.memref_slice %arg2[%add3A_111, %dma_start3A_116] : memref<163840x128xf32, #tpu.memory_space<hbm>> -> memref<128x128xf32, #tpu.memory_space<hbm>>
        %dma_start3A_118 = tpu.memref_slice %arg9[%rem3A_69] : memref<2x!tpu.dma_semaphore, #tpu.memory_space<semaphore_mem>> -> memref<1x!tpu.dma_semaphore, #tpu.memory_space<semaphore_mem>>
        %dma_start3A_119 = tpu.memref_squeeze %dma_start3A_118 : memref<1x!tpu.dma_semaphore, #tpu.memory_space<semaphore_mem>> -> memref<!tpu.dma_semaphore, #tpu.memory_space<semaphore_mem>>
        %dma_start3A_120 = arith.constant 0 : i32
        %dma_start3A_121 = arith.constant 0 : i32
        %dma_start3A_122 = tpu.memref_slice %arg7[%rem3A_69, %dma_start3A_120, %dma_start3A_121] : memref<2x128x128xf32, #tpu.memory_space<vmem>> -> memref<1x128x128xf32, #tpu.memory_space<vmem>>
        %dma_start3A_123 = tpu.memref_squeeze %dma_start3A_122 : memref<1x128x128xf32, #tpu.memory_space<vmem>> -> memref<128x128xf32, #tpu.memory_space<vmem>>
        %dma_start3A_124 = arith.constant 0 : i32
        %dma_start3A_125 = tpu.memref_slice %arg2[%add3A_111, %dma_start3A_124] : memref<163840x128xf32, #tpu.memory_space<hbm>> -> memref<128x128xf32, #tpu.memory_space<hbm>>
        tpu.enqueue_dma source(%dma_start3A_125 : memref<128x128xf32, #tpu.memory_space<hbm>>) target(%dma_start3A_123 : memref<128x128xf32, #tpu.memory_space<vmem>>) target_semaphore(%dma_start3A_119 : memref<!tpu.dma_semaphore, #tpu.memory_space<semaphore_mem>>)
      } else {
      }
      %dma_wait3A_76 = arith.constant 0 : i32
      %dma_wait3A_77 = arith.constant 0 : i32
      %dma_wait3A_78 = tpu.memref_slice %arg7[%rem3A_65, %dma_wait3A_76, %dma_wait3A_77] : memref<2x128x128xf32, #tpu.memory_space<vmem>> -> memref<1x128x128xf32, #tpu.memory_space<vmem>>
      %dma_wait3A_79 = tpu.memref_squeeze %dma_wait3A_78 : memref<1x128x128xf32, #tpu.memory_space<vmem>> -> memref<128x128xf32, #tpu.memory_space<vmem>>
      %dma_wait3A_80 = arith.constant 0 : i32
      %dma_wait3A_81 = tpu.memref_slice %arg2[%mul3A_6, %dma_wait3A_80] : memref<163840x128xf32, #tpu.memory_space<hbm>> -> memref<128x128xf32, #tpu.memory_space<hbm>>
      %dma_wait3A_82 = tpu.memref_slice %arg9[%rem3A_65] : memref<2x!tpu.dma_semaphore, #tpu.memory_space<semaphore_mem>> -> memref<1x!tpu.dma_semaphore, #tpu.memory_space<semaphore_mem>>
      %dma_wait3A_83 = tpu.memref_squeeze %dma_wait3A_82 : memref<1x!tpu.dma_semaphore, #tpu.memory_space<semaphore_mem>> -> memref<!tpu.dma_semaphore, #tpu.memory_space<semaphore_mem>>
      %dma_wait3A_84 = arith.constant 0 : i32
      %dma_wait3A_85 = arith.constant 0 : i32
      %dma_wait3A_86 = tpu.memref_slice %arg7[%rem3A_65, %dma_wait3A_84, %dma_wait3A_85] : memref<2x128x128xf32, #tpu.memory_space<vmem>> -> memref<1x128x128xf32, #tpu.memory_space<vmem>>
      %dma_wait3A_87 = tpu.memref_squeeze %dma_wait3A_86 : memref<1x128x128xf32, #tpu.memory_space<vmem>> -> memref<128x128xf32, #tpu.memory_space<vmem>>
      %dma_wait3A_88 = arith.constant 0 : i32
      %dma_wait3A_89 = tpu.memref_slice %arg2[%mul3A_6, %dma_wait3A_88] : memref<163840x128xf32, #tpu.memory_space<hbm>> -> memref<128x128xf32, #tpu.memory_space<hbm>>
      tpu.wait_dma2 semaphore(%dma_wait3A_83 : memref<!tpu.dma_semaphore, #tpu.memory_space<semaphore_mem>>) src(%dma_wait3A_89 : memref<128x128xf32, #tpu.memory_space<hbm>>) dst(%dma_wait3A_87 : memref<128x128xf32, #tpu.memory_space<vmem>>)
      %dma_start3A_90 = arith.constant 0 : i32
      %dma_start3A_91 = arith.constant 0 : i32
      %dma_start3A_92 = tpu.memref_slice %arg7[%rem3A_65, %dma_start3A_90, %dma_start3A_91] : memref<2x128x128xf32, #tpu.memory_space<vmem>> -> memref<1x128x128xf32, #tpu.memory_space<vmem>>
      %dma_start3A_93 = tpu.memref_squeeze %dma_start3A_92 : memref<1x128x128xf32, #tpu.memory_space<vmem>> -> memref<128x128xf32, #tpu.memory_space<vmem>>
      %dma_start3A_94 = arith.constant 0 : i32
      %dma_start3A_95 = tpu.memref_slice %arg6[%scan3A_63, %dma_start3A_94] : memref<40x128xi32, #tpu.memory_space<vmem>> -> memref<1x128xi32, #tpu.memory_space<vmem>>
      %dma_start3A_96 = tpu.memref_squeeze %dma_start3A_95 : memref<1x128xi32, #tpu.memory_space<vmem>> -> memref<128xi32, #tpu.memory_space<vmem>>
      %dma_start3A_97 = arith.constant 0 : i32
      %dma_start3A_98 = arith.constant 0 : i32
      %dma_start3A_99 = tpu.memref_slice %arg8[%dma_start3A_97, %dma_start3A_98] : memref<10008x128xf32, #tpu.memory_space<vmem_shared>> -> memref<10008x128xf32, #tpu.memory_space<vmem_shared>>
      %dma_start3A_100 = tpu.memref_slice %arg10[%rem3A_65] : memref<2x!tpu.dma_semaphore, #tpu.memory_space<semaphore_mem>> -> memref<1x!tpu.dma_semaphore, #tpu.memory_space<semaphore_mem>>
      %dma_start3A_101 = tpu.memref_squeeze %dma_start3A_100 : memref<1x!tpu.dma_semaphore, #tpu.memory_space<semaphore_mem>> -> memref<!tpu.dma_semaphore, #tpu.memory_space<semaphore_mem>>
      tpu.enqueue_indirect_dma source(%dma_start3A_93 : memref<128x128xf32, #tpu.memory_space<vmem>>) target(%dma_start3A_99 : memref<10008x128xf32, #tpu.memory_space<vmem_shared>>) offsets(%dma_start3A_96 : memref<128xi32, #tpu.memory_space<vmem>>) semaphore(%dma_start3A_101 : memref<!tpu.dma_semaphore, #tpu.memory_space<semaphore_mem>>) {add = true}
      %scan3A_102 = arith.constant 0 : i32
      scf.yield %scan3A_102 : i32
    }
    %scan3A_27 = arith.constant 40 : i32
    %dma_wait3A = arith.constant 0 : i32
    %dma_wait3A_28 = arith.constant 38 : i32
    %dma_wait3A_29 = arith.constant 0 : i32
    %dma_wait3A_30 = arith.constant 0 : i32
    %dma_wait3A_31 = arith.constant 0 : i32
    %dma_wait3A_32 = tpu.memref_slice %arg7[%dma_wait3A, %dma_wait3A_30, %dma_wait3A_31] : memref<2x128x128xf32, #tpu.memory_space<vmem>> -> memref<1x128x128xf32, #tpu.memory_space<vmem>>
    %dma_wait3A_33 = tpu.memref_squeeze %dma_wait3A_32 : memref<1x128x128xf32, #tpu.memory_space<vmem>> -> memref<128x128xf32, #tpu.memory_space<vmem>>
    %dma_wait3A_34 = arith.constant 0 : i32
    %dma_wait3A_35 = tpu.memref_slice %arg6[%dma_wait3A_28, %dma_wait3A_34] : memref<40x128xi32, #tpu.memory_space<vmem>> -> memref<1x128xi32, #tpu.memory_space<vmem>>
    %dma_wait3A_36 = tpu.memref_squeeze %dma_wait3A_35 : memref<1x128xi32, #tpu.memory_space<vmem>> -> memref<128xi32, #tpu.memory_space<vmem>>
    %dma_wait3A_37 = arith.constant 0 : i32
    %dma_wait3A_38 = arith.constant 0 : i32
    %dma_wait3A_39 = tpu.memref_slice %arg8[%dma_wait3A_37, %dma_wait3A_38] : memref<10008x128xf32, #tpu.memory_space<vmem_shared>> -> memref<10008x128xf32, #tpu.memory_space<vmem_shared>>
    %dma_wait3A_40 = tpu.memref_slice %arg10[%dma_wait3A_29] : memref<2x!tpu.dma_semaphore, #tpu.memory_space<semaphore_mem>> -> memref<1x!tpu.dma_semaphore, #tpu.memory_space<semaphore_mem>>
    %dma_wait3A_41 = tpu.memref_squeeze %dma_wait3A_40 : memref<1x!tpu.dma_semaphore, #tpu.memory_space<semaphore_mem>> -> memref<!tpu.dma_semaphore, #tpu.memory_space<semaphore_mem>>
    tpu.wait_indirect_dma semaphore(%dma_wait3A_41 : memref<!tpu.dma_semaphore, #tpu.memory_space<semaphore_mem>>) src(%dma_wait3A_33 : memref<128x128xf32, #tpu.memory_space<vmem>>) dst(%dma_wait3A_39 : memref<10008x128xf32, #tpu.memory_space<vmem_shared>>)
    %dma_wait3A_42 = arith.constant 1 : i32
    %dma_wait3A_43 = arith.constant 39 : i32
    %dma_wait3A_44 = arith.constant 1 : i32
    %dma_wait3A_45 = arith.constant 0 : i32
    %dma_wait3A_46 = arith.constant 0 : i32
    %dma_wait3A_47 = tpu.memref_slice %arg7[%dma_wait3A_42, %dma_wait3A_45, %dma_wait3A_46] : memref<2x128x128xf32, #tpu.memory_space<vmem>> -> memref<1x128x128xf32, #tpu.memory_space<vmem>>
    %dma_wait3A_48 = tpu.memref_squeeze %dma_wait3A_47 : memref<1x128x128xf32, #tpu.memory_space<vmem>> -> memref<128x128xf32, #tpu.memory_space<vmem>>
    %dma_wait3A_49 = arith.constant 0 : i32
    %dma_wait3A_50 = tpu.memref_slice %arg6[%dma_wait3A_43, %dma_wait3A_49] : memref<40x128xi32, #tpu.memory_space<vmem>> -> memref<1x128xi32, #tpu.memory_space<vmem>>
    %dma_wait3A_51 = tpu.memref_squeeze %dma_wait3A_50 : memref<1x128xi32, #tpu.memory_space<vmem>> -> memref<128xi32, #tpu.memory_space<vmem>>
    %dma_wait3A_52 = arith.constant 0 : i32
    %dma_wait3A_53 = arith.constant 0 : i32
    %dma_wait3A_54 = tpu.memref_slice %arg8[%dma_wait3A_52, %dma_wait3A_53] : memref<10008x128xf32, #tpu.memory_space<vmem_shared>> -> memref<10008x128xf32, #tpu.memory_space<vmem_shared>>
    %dma_wait3A_55 = tpu.memref_slice %arg10[%dma_wait3A_44] : memref<2x!tpu.dma_semaphore, #tpu.memory_space<semaphore_mem>> -> memref<1x!tpu.dma_semaphore, #tpu.memory_space<semaphore_mem>>
    %dma_wait3A_56 = tpu.memref_squeeze %dma_wait3A_55 : memref<1x!tpu.dma_semaphore, #tpu.memory_space<semaphore_mem>> -> memref<!tpu.dma_semaphore, #tpu.memory_space<semaphore_mem>>
    tpu.wait_indirect_dma semaphore(%dma_wait3A_56 : memref<!tpu.dma_semaphore, #tpu.memory_space<semaphore_mem>>) src(%dma_wait3A_48 : memref<128x128xf32, #tpu.memory_space<vmem>>) dst(%dma_wait3A_54 : memref<10008x128xf32, #tpu.memory_space<vmem_shared>>)
    %barrier3A_57 = arith.constant 0 : index
    tpu.barrier barrier_id(%barrier3A_57)
    %eq3A_58 = arith.constant 0 : i32
    %eq3A_59 = arith.cmpi eq, %arg1, %eq3A_58 : i32
    %convert_element_type3A_60 = arith.extui %eq3A_59 : i1 to i32
    %cond3A_61 = arith.constant 0 : i32
    %cond3A_62 = arith.cmpi ne, %convert_element_type3A_60, %cond3A_61 : i32
    scf.if %cond3A_62 {
      "tpu.region"() ({
        %run_scoped3A = tpu.sem_alloc : memref<!tpu.dma_semaphore, #tpu.memory_space<semaphore_mem>>
        %dma_start3A_63 = arith.constant 0 : i32
        %dma_start3A_64 = arith.constant 0 : i32
        %dma_start3A_65 = tpu.memref_slice %arg5[%arg0, %dma_start3A_63, %dma_start3A_64] : memref<2x10008x128xf32, #tpu.memory_space<hbm>> -> memref<1x10008x128xf32, #tpu.memory_space<hbm>>
        %dma_start3A_66 = tpu.memref_squeeze %dma_start3A_65 : memref<1x10008x128xf32, #tpu.memory_space<hbm>> -> memref<10008x128xf32, #tpu.memory_space<hbm>>
        tpu.enqueue_dma source(%arg8 : memref<10008x128xf32, #tpu.memory_space<vmem_shared>>) target(%dma_start3A_66 : memref<10008x128xf32, #tpu.memory_space<hbm>>) target_semaphore(%run_scoped3A : memref<!tpu.dma_semaphore, #tpu.memory_space<semaphore_mem>>)
        %dma_wait3A_67 = arith.constant 0 : i32
        %dma_wait3A_68 = arith.constant 0 : i32
        %dma_wait3A_69 = tpu.memref_slice %arg5[%arg0, %dma_wait3A_67, %dma_wait3A_68] : memref<2x10008x128xf32, #tpu.memory_space<hbm>> -> memref<1x10008x128xf32, #tpu.memory_space<hbm>>
        %dma_wait3A_70 = tpu.memref_squeeze %dma_wait3A_69 : memref<1x10008x128xf32, #tpu.memory_space<hbm>> -> memref<10008x128xf32, #tpu.memory_space<hbm>>
        tpu.wait_dma2 semaphore(%run_scoped3A : memref<!tpu.dma_semaphore, #tpu.memory_space<semaphore_mem>>) src(%arg8 : memref<10008x128xf32, #tpu.memory_space<vmem_shared>>) dst(%dma_wait3A_70 : memref<10008x128xf32, #tpu.memory_space<hbm>>)
        tpu.yield
      }) : () -> ()
    } else {
    }
    return
  }
}

module attributes {stable_mosaic.version = 14 : i64} {
  func.func @_pre_body(%arg0: memref<10000x128xf32, #tpu.memory_space<vmem>>, %arg1: memref<1x128xf32, #tpu.memory_space<vmem>>, %arg2: memref<1x128xf32, #tpu.memory_space<vmem>>, %arg3: memref<128x128xf32, #tpu.memory_space<vmem>>, %arg4: memref<10000x128xf32, #tpu.memory_space<vmem>>, %arg5: memref<10000x128xf32, #tpu.memory_space<vmem>>) attributes {dimension_semantics = [], scalar_prefetch = 0 : i64, scratch_operands = 0 : i64, tpu.core_type = #tpu.core_type<tc>} {
    %get3A = arith.constant 0 : index
    %get3A_0 = arith.constant 0 : index
    %get3A_1 = vector.load %arg0[%get3A, %get3A_0] : memref<10000x128xf32, #tpu.memory_space<vmem>>, vector<10000x128xf32>
    %get3A_2 = arith.constant 0 : index
    %get3A_3 = arith.constant 0 : index
    %get3A_4 = vector.load %arg1[%get3A_2, %get3A_3] : memref<1x128xf32, #tpu.memory_space<vmem>>, vector<1x128xf32>
    %get3A_5 = arith.constant 0 : index
    %get3A_6 = arith.constant 0 : index
    %get3A_7 = vector.load %arg2[%get3A_5, %get3A_6] : memref<1x128xf32, #tpu.memory_space<vmem>>, vector<1x128xf32>
    %reduce_sum3A = arith.constant dense<0.000000e+00> : vector<128xf32>
    %reduce_sum3A_8 = vector.multi_reduction <add>, %get3A_1, %reduce_sum3A [0] : vector<10000x128xf32> to vector<128xf32>
    %broadcast_in_dim3A = vector.shape_cast %reduce_sum3A_8 : vector<128xf32> to vector<1x128xf32>
    %div3A = arith.constant 1.000000e+04 : f32
    %div3A_9 = vector.broadcast %div3A : f32 to vector<1x128xf32>
    %div3A_10 = arith.divf %broadcast_in_dim3A, %div3A_9 : vector<1x128xf32>
    %sub3A = vector.broadcast %div3A_10 : vector<1x128xf32> to vector<10000x128xf32>
    %sub3A_11 = arith.subf %get3A_1, %sub3A : vector<10000x128xf32>
    %integer_pow3A = arith.mulf %sub3A_11, %sub3A_11 : vector<10000x128xf32>
    %reduce_sum3A_12 = arith.constant dense<0.000000e+00> : vector<128xf32>
    %reduce_sum3A_13 = vector.multi_reduction <add>, %integer_pow3A, %reduce_sum3A_12 [0] : vector<10000x128xf32> to vector<128xf32>
    %broadcast_in_dim3A_14 = vector.shape_cast %reduce_sum3A_13 : vector<128xf32> to vector<1x128xf32>
    %div3A_15 = arith.constant 1.000000e+04 : f32
    %div3A_16 = vector.broadcast %div3A_15 : f32 to vector<1x128xf32>
    %div3A_17 = arith.divf %broadcast_in_dim3A_14, %div3A_16 : vector<1x128xf32>
    %sub3A_18 = vector.broadcast %div3A_10 : vector<1x128xf32> to vector<10000x128xf32>
    %sub3A_19 = arith.subf %get3A_1, %sub3A_18 : vector<10000x128xf32>
    %add3A = arith.constant 9.99999974E-6 : f32
    %add3A_20 = vector.broadcast %add3A : f32 to vector<1x128xf32>
    %add3A_21 = arith.addf %div3A_17, %add3A_20 : vector<1x128xf32>
    %rsqrt3A = math.rsqrt %add3A_21 : vector<1x128xf32>
    %mul3A = vector.broadcast %rsqrt3A : vector<1x128xf32> to vector<10000x128xf32>
    %mul3A_22 = arith.mulf %sub3A_19, %mul3A : vector<10000x128xf32>
    %mul3A_23 = vector.broadcast %get3A_4 : vector<1x128xf32> to vector<10000x128xf32>
    %mul3A_24 = arith.mulf %mul3A_22, %mul3A_23 : vector<10000x128xf32>
    %add3A_25 = vector.broadcast %get3A_7 : vector<1x128xf32> to vector<10000x128xf32>
    %add3A_26 = arith.addf %mul3A_24, %add3A_25 : vector<10000x128xf32>
    %swap3A = arith.constant 0 : index
    %swap3A_27 = arith.constant 0 : index
    %swap3A_28 = vector.load %arg4[%swap3A, %swap3A_27] : memref<10000x128xf32, #tpu.memory_space<vmem>>, vector<10000x128xf32>
    tpu.vector_store %arg4[%swap3A, %swap3A_27], %add3A_26 {strides = array<i32>} : memref<10000x128xf32, #tpu.memory_space<vmem>>, vector<10000x128xf32>,
    %get3A_29 = arith.constant 0 : index
    %get3A_30 = arith.constant 0 : index
    %get3A_31 = vector.load %arg3[%get3A_29, %get3A_30] : memref<128x128xf32, #tpu.memory_space<vmem>>, vector<128x128xf32>
    %dot_general3A = arith.constant dense<0.000000e+00> : vector<10000x128xf32>
    %dot_general3A_32 = tpu.matmul %add3A_26, %get3A_31, %dot_general3A {dimension_numbers = #tpu.dot_dimension_numbers<[1], [0], [0], [1], [0, 0, 1, 1], [], []>, transpose_lhs_hint = false} : vector<10000x128xf32>, vector<128x128xf32>, vector<10000x128xf32> -> vector<10000x128xf32>
    %swap3A_33 = arith.constant 0 : index
    %swap3A_34 = arith.constant 0 : index
    %swap3A_35 = vector.load %arg5[%swap3A_33, %swap3A_34] : memref<10000x128xf32, #tpu.memory_space<vmem>>, vector<10000x128xf32>
    tpu.vector_store %arg5[%swap3A_33, %swap3A_34], %dot_general3A_32 {strides = array<i32>} : memref<10000x128xf32, #tpu.memory_space<vmem>>, vector<10000x128xf32>,
    return
  }
}

module attributes {stable_mosaic.version = 14 : i64} {
  func.func @_gru_mega_body(%arg0: memref<1xi32, #tpu.memory_space<smem>>, %arg1: memref<80x128xf32, #tpu.memory_space<vmem>>, %arg2: memref<128x384xbf16, #tpu.memory_space<vmem>>, %arg3: memref<1x384xf32, #tpu.memory_space<vmem>>, %arg4: memref<128x384xbf16, #tpu.memory_space<vmem>>, %arg5: memref<1x384xf32, #tpu.memory_space<vmem>>, %arg6: memref<167936x128xf32, #tpu.memory_space<hbm>>, %arg7: memref<10240x128xf32, #tpu.memory_space<vmem>>, %arg8: memref<2x2048x128xf32, #tpu.memory_space<vmem>>, %arg9: memref<2x!tpu.dma_semaphore, #tpu.memory_space<semaphore_mem>>) attributes {dimension_semantics = [], scalar_prefetch = 0 : i64, scratch_operands = 2 : i64, tpu.core_type = #tpu.core_type<tc>} {
    %broadcast_in_dim3A = arith.constant 0.000000e+00 : f32
    %broadcast_in_dim3A_0 = vector.broadcast %broadcast_in_dim3A : f32 to vector<10240x128xf32>
    %swap3A = arith.constant 0 : index
    %swap3A_1 = arith.constant 0 : index
    %swap3A_2 = vector.load %arg7[%swap3A, %swap3A_1] : memref<10240x128xf32, #tpu.memory_space<vmem>>, vector<10240x128xf32>
    tpu.vector_store %arg7[%swap3A, %swap3A_1], %broadcast_in_dim3A_0 {strides = array<i32>} : memref<10240x128xf32, #tpu.memory_space<vmem>>, vector<10240x128xf32>,
    %get3A = arith.constant 0 : index
    %get3A_3 = memref.load %arg0[%get3A] : memref<1xi32, #tpu.memory_space<smem>>
    %get3A_4 = arith.constant 0 : index
    %get3A_5 = arith.constant 0 : index
    %get3A_6 = vector.load %arg1[%get3A_4, %get3A_5] : memref<80x128xf32, #tpu.memory_space<vmem>>, vector<80x128xf32>
    %get3A_7 = arith.constant 0 : index
    %get3A_8 = arith.constant 0 : index
    %get3A_9 = vector.load %arg2[%get3A_7, %get3A_8] : memref<128x384xbf16, #tpu.memory_space<vmem>>, vector<128x384xbf16>
    %get3A_10 = arith.constant 0 : index
    %get3A_11 = arith.constant 0 : index
    %get3A_12 = vector.load %arg4[%get3A_10, %get3A_11] : memref<128x384xbf16, #tpu.memory_space<vmem>>, vector<128x384xbf16>
    %get3A_13 = arith.constant 0 : index
    %get3A_14 = arith.constant 0 : index
    %get3A_15 = vector.load %arg3[%get3A_13, %get3A_14] : memref<1x384xf32, #tpu.memory_space<vmem>>, vector<1x384xf32>
    %get3A_16 = arith.constant 0 : index
    %get3A_17 = arith.constant 0 : index
    %get3A_18 = vector.load %arg5[%get3A_16, %get3A_17] : memref<1x384xf32, #tpu.memory_space<vmem>>, vector<1x384xf32>
    %while3A = arith.constant 0 : i32
    %while3A_19 = arith.constant 0 : i32
    %while3A_20 = arith.subi %get3A_3, %while3A : i32
    %while3A_21 = arith.addi %while3A, %while3A_20 : i32
    %while3A_22 = arith.constant 1 : i32
    %while3A_23 = arith.divsi %while3A_20, %while3A_22 : i32
    %while3A_24 = arith.muli %while3A_23, %while3A_22 : i32
    %while3A_25 = arith.addi %while3A, %while3A_24 : i32
    %while3A_26 = arith.constant 1 : i32
    %while3A_27 = scf.for %while3A_30 = %while3A to %while3A_25 step %while3A_26 iter_args(%while3A_31 = %while3A_19) -> (i32)  : i32 {
      %convert_element_type3A = arith.sitofp %while3A_30 : i32 to f32
      %gt3A = vector.broadcast %convert_element_type3A : f32 to vector<80x128xf32>
      %gt3A_32 = arith.cmpf ogt, %get3A_6, %gt3A : vector<80x128xf32>
      %convert_element_type3A_33 = arith.extui %gt3A_32 : vector<80x128xi1> to vector<80x128xi32>
      %convert_element_type3A_34 = arith.sitofp %convert_element_type3A_33 : vector<80x128xi32> to vector<80x128xf32>
      %reduce_sum3A = vector.shape_cast %convert_element_type3A_34 : vector<80x128xf32> to vector<1x80x128xf32>
      %reduce_sum3A_35 = arith.constant dense<0.000000e+00> : vector<1xf32>
      %reduce_sum3A_36 = vector.multi_reduction <add>, %reduce_sum3A, %reduce_sum3A_35 [1, 2] : vector<1x80x128xf32> to vector<1xf32>
      %reduce_sum3A_37 = vector.shape_cast %reduce_sum3A_36 : vector<1xf32> to vector<1x1x1xf32>
      %reduce_sum3A_38 = vector.extract %reduce_sum3A_37[0, 0, 0] : f32 from vector<1x1x1xf32>
      %convert_element_type3A_39 = arith.fptosi %reduce_sum3A_38 : f32 to i32
      %add3A = arith.constant 2048 : i32
      %add3A_40 = arith.addi %convert_element_type3A_39, %add3A : i32
      %sub3A = arith.constant 1 : i32
      %sub3A_41 = arith.subi %add3A_40, %sub3A : i32
      %jit3A = arith.constant 2048 : i32
      %div3A = arith.divsi %sub3A_41, %jit3A : i32
      %sign3A = arith.constant 0 : i32
      %sign3A_42 = arith.cmpi sgt, %sub3A_41, %sign3A : i32
      %sign3A_43 = arith.extui %sign3A_42 : i1 to i32
      %sign3A_44 = arith.constant 0 : i32
      %sign3A_45 = arith.cmpi slt, %sub3A_41, %sign3A_44 : i32
      %sign3A_46 = arith.extui %sign3A_45 : i1 to i32
      %sign3A_47 = arith.subi %sign3A_43, %sign3A_46 : i32
      %sign3A_48 = arith.constant 0 : i32
      %sign3A_49 = arith.cmpi sgt, %jit3A, %sign3A_48 : i32
      %sign3A_50 = arith.extui %sign3A_49 : i1 to i32
      %sign3A_51 = arith.constant 0 : i32
      %sign3A_52 = arith.cmpi slt, %jit3A, %sign3A_51 : i32
      %sign3A_53 = arith.extui %sign3A_52 : i1 to i32
      %sign3A_54 = arith.subi %sign3A_50, %sign3A_53 : i32
      %ne3A = arith.cmpi ne, %sign3A_47, %sign3A_54 : i32
      %rem3A = arith.remsi %sub3A_41, %jit3A : i32
      %ne3A_55 = arith.constant 0 : i32
      %ne3A_56 = arith.cmpi ne, %rem3A, %ne3A_55 : i32
      %and3A = arith.andi %ne3A, %ne3A_56 : i1
      %sub3A_57 = arith.constant 1 : i32
      %sub3A_58 = arith.subi %div3A, %sub3A_57 : i32
      %select_n3A = arith.select %and3A, %sub3A_58, %div3A : i32
      %dma_start3A = arith.constant 0 : i32
      %dma_start3A_59 = arith.constant 0 : i32
      %dma_start3A_60 = tpu.memref_slice %arg9[%dma_start3A_59] : memref<2x!tpu.dma_semaphore, #tpu.memory_space<semaphore_mem>> -> memref<1x!tpu.dma_semaphore, #tpu.memory_space<semaphore_mem>>
      %dma_start3A_61 = tpu.memref_squeeze %dma_start3A_60 : memref<1x!tpu.dma_semaphore, #tpu.memory_space<semaphore_mem>> -> memref<!tpu.dma_semaphore, #tpu.memory_space<semaphore_mem>>
      %dma_start3A_62 = arith.constant 0 : i32
      %dma_start3A_63 = arith.constant 0 : i32
      %dma_start3A_64 = tpu.memref_slice %arg8[%dma_start3A, %dma_start3A_62, %dma_start3A_63] : memref<2x2048x128xf32, #tpu.memory_space<vmem>> -> memref<1x2048x128xf32, #tpu.memory_space<vmem>>
      %dma_start3A_65 = tpu.memref_squeeze %dma_start3A_64 : memref<1x2048x128xf32, #tpu.memory_space<vmem>> -> memref<2048x128xf32, #tpu.memory_space<vmem>>
      %dma_start3A_66 = arith.constant 0 : i32
      %dma_start3A_67 = tpu.memref_slice %arg6[%while3A_31, %dma_start3A_66] : memref<167936x128xf32, #tpu.memory_space<hbm>> -> memref<2048x128xf32, #tpu.memory_space<hbm>>
      tpu.enqueue_dma source(%dma_start3A_67 : memref<2048x128xf32, #tpu.memory_space<hbm>>) target(%dma_start3A_65 : memref<2048x128xf32, #tpu.memory_space<vmem>>) target_semaphore(%dma_start3A_61 : memref<!tpu.dma_semaphore, #tpu.memory_space<semaphore_mem>>)
      %while3A_68 = arith.constant 0 : i32
      %while3A_69 = arith.constant 0 : i32
      %while3A_70 = arith.subi %select_n3A, %while3A_68 : i32
      %while3A_71 = arith.addi %while3A_68, %while3A_70 : i32
      %while3A_72 = arith.constant 1 : i32
      %while3A_73 = arith.divsi %while3A_70, %while3A_72 : i32
      %while3A_74 = arith.muli %while3A_73, %while3A_72 : i32
      %while3A_75 = arith.addi %while3A_68, %while3A_74 : i32
      %while3A_76 = arith.constant 1 : i32
      %while3A_77 = scf.for %while3A_81 = %while3A_68 to %while3A_75 step %while3A_76 iter_args(%while3A_82 = %while3A_69) -> (i32)  : i32 {
        %mul3A = arith.constant 2048 : i32
        %mul3A_83 = arith.muli %while3A_81, %mul3A : i32
        %rem3A_84 = arith.constant 2 : i32
        %rem3A_85 = arith.remsi %while3A_81, %rem3A_84 : i32
        %add3A_86 = arith.constant 1 : i32
        %add3A_87 = arith.addi %while3A_81, %add3A_86 : i32
        %lt3A = arith.cmpi slt, %add3A_87, %select_n3A : i32
        %convert_element_type3A_88 = arith.extui %lt3A : i1 to i32
        %cond3A = arith.constant 0 : i32
        %cond3A_89 = arith.cmpi ne, %convert_element_type3A_88, %cond3A : i32
        scf.if %cond3A_89 {
          %add3A_152 = arith.constant 1 : i32
          %add3A_153 = arith.addi %while3A_81, %add3A_152 : i32
          %rem3A_154 = arith.constant 2 : i32
          %rem3A_155 = arith.remsi %add3A_153, %rem3A_154 : i32
          %add3A_156 = arith.addi %while3A_31, %mul3A_83 : i32
          %add3A_157 = arith.constant 2048 : i32
          %add3A_158 = arith.addi %add3A_156, %add3A_157 : i32
          %dma_start3A_159 = tpu.memref_slice %arg9[%rem3A_155] : memref<2x!tpu.dma_semaphore, #tpu.memory_space<semaphore_mem>> -> memref<1x!tpu.dma_semaphore, #tpu.memory_space<semaphore_mem>>
          %dma_start3A_160 = tpu.memref_squeeze %dma_start3A_159 : memref<1x!tpu.dma_semaphore, #tpu.memory_space<semaphore_mem>> -> memref<!tpu.dma_semaphore, #tpu.memory_space<semaphore_mem>>
          %dma_start3A_161 = arith.constant 0 : i32
          %dma_start3A_162 = arith.constant 0 : i32
          %dma_start3A_163 = tpu.memref_slice %arg8[%rem3A_155, %dma_start3A_161, %dma_start3A_162] : memref<2x2048x128xf32, #tpu.memory_space<vmem>> -> memref<1x2048x128xf32, #tpu.memory_space<vmem>>
          %dma_start3A_164 = tpu.memref_squeeze %dma_start3A_163 : memref<1x2048x128xf32, #tpu.memory_space<vmem>> -> memref<2048x128xf32, #tpu.memory_space<vmem>>
          %dma_start3A_165 = arith.constant 0 : i32
          %dma_start3A_166 = tpu.memref_slice %arg6[%add3A_158, %dma_start3A_165] : memref<167936x128xf32, #tpu.memory_space<hbm>> -> memref<2048x128xf32, #tpu.memory_space<hbm>>
          tpu.enqueue_dma source(%dma_start3A_166 : memref<2048x128xf32, #tpu.memory_space<hbm>>) target(%dma_start3A_164 : memref<2048x128xf32, #tpu.memory_space<vmem>>) target_semaphore(%dma_start3A_160 : memref<!tpu.dma_semaphore, #tpu.memory_space<semaphore_mem>>)
        } else {
        }
        %add3A_90 = arith.addi %while3A_31, %mul3A_83 : i32
        %dma_wait3A = tpu.memref_slice %arg9[%rem3A_85] : memref<2x!tpu.dma_semaphore, #tpu.memory_space<semaphore_mem>> -> memref<1x!tpu.dma_semaphore, #tpu.memory_space<semaphore_mem>>
        %dma_wait3A_91 = tpu.memref_squeeze %dma_wait3A : memref<1x!tpu.dma_semaphore, #tpu.memory_space<semaphore_mem>> -> memref<!tpu.dma_semaphore, #tpu.memory_space<semaphore_mem>>
        %dma_wait3A_92 = arith.constant 0 : i32
        %dma_wait3A_93 = arith.constant 0 : i32
        %dma_wait3A_94 = tpu.memref_slice %arg8[%rem3A_85, %dma_wait3A_92, %dma_wait3A_93] : memref<2x2048x128xf32, #tpu.memory_space<vmem>> -> memref<1x2048x128xf32, #tpu.memory_space<vmem>>
        %dma_wait3A_95 = tpu.memref_squeeze %dma_wait3A_94 : memref<1x2048x128xf32, #tpu.memory_space<vmem>> -> memref<2048x128xf32, #tpu.memory_space<vmem>>
        %dma_wait3A_96 = arith.constant 0 : i32
        %dma_wait3A_97 = tpu.memref_slice %arg6[%add3A_90, %dma_wait3A_96] : memref<167936x128xf32, #tpu.memory_space<hbm>> -> memref<2048x128xf32, #tpu.memory_space<hbm>>
        tpu.wait_dma2 semaphore(%dma_wait3A_91 : memref<!tpu.dma_semaphore, #tpu.memory_space<semaphore_mem>>) src(%dma_wait3A_97 : memref<2048x128xf32, #tpu.memory_space<hbm>>) dst(%dma_wait3A_95 : memref<2048x128xf32, #tpu.memory_space<vmem>>)
        %get3A_98 = arith.index_cast %rem3A_85 : i32 to index
        %get3A_99 = arith.constant 0 : index
        %get3A_100 = arith.constant 0 : index
        %get3A_101 = vector.load %arg8[%get3A_98, %get3A_99, %get3A_100] : memref<2x2048x128xf32, #tpu.memory_space<vmem>>, vector<1x2048x128xf32>
        %get3A_102 = vector.shape_cast %get3A_101 : vector<1x2048x128xf32> to vector<2048x128xf32>
        %convert_element_type3A_103 = arith.truncf %get3A_102 : vector<2048x128xf32> to vector<2048x128xbf16>
        %dot_general3A = arith.constant dense<0.000000e+00> : vector<2048x384xf32>
        %dot_general3A_104 = tpu.matmul %convert_element_type3A_103, %get3A_9, %dot_general3A {dimension_numbers = #tpu.dot_dimension_numbers<[1], [0], [0], [1], [0, 0, 1, 1], [], []>, transpose_lhs_hint = false} : vector<2048x128xbf16>, vector<128x384xbf16>, vector<2048x384xf32> -> vector<2048x384xf32>
        %add3A_105 = vector.broadcast %get3A_15 : vector<1x384xf32> to vector<2048x384xf32>
        %add3A_106 = arith.addf %dot_general3A_104, %add3A_105 : vector<2048x384xf32>
        %get3A_107 = arith.index_cast %mul3A_83 : i32 to index
        %get3A_108 = arith.constant 0 : index
        %get3A_109 = vector.load %arg7[%get3A_107, %get3A_108] : memref<10240x128xf32, #tpu.memory_space<vmem>>, vector<2048x128xf32>
        %convert_element_type3A_110 = arith.truncf %get3A_109 : vector<2048x128xf32> to vector<2048x128xbf16>
        %dot_general3A_111 = arith.constant dense<0.000000e+00> : vector<2048x384xf32>
        %dot_general3A_112 = tpu.matmul %convert_element_type3A_110, %get3A_12, %dot_general3A_111 {dimension_numbers = #tpu.dot_dimension_numbers<[1], [0], [0], [1], [0, 0, 1, 1], [], []>, transpose_lhs_hint = false} : vector<2048x128xbf16>, vector<128x384xbf16>, vector<2048x384xf32> -> vector<2048x384xf32>
        %add3A_113 = vector.broadcast %get3A_18 : vector<1x384xf32> to vector<2048x384xf32>
        %add3A_114 = arith.addf %dot_general3A_112, %add3A_113 : vector<2048x384xf32>
        %slice3A = vector.extract_strided_slice %add3A_106 {offsets = [0, 0], sizes = [2048, 128], strides = [1, 1]} : vector<2048x384xf32> to vector<2048x128xf32>
        %slice3A_115 = vector.extract_strided_slice %add3A_106 {offsets = [0, 128], sizes = [2048, 128], strides = [1, 1]} : vector<2048x384xf32> to vector<2048x128xf32>
        %slice3A_116 = vector.extract_strided_slice %add3A_106 {offsets = [0, 256], sizes = [2048, 128], strides = [1, 1]} : vector<2048x384xf32> to vector<2048x128xf32>
        %slice3A_117 = vector.extract_strided_slice %add3A_114 {offsets = [0, 0], sizes = [2048, 128], strides = [1, 1]} : vector<2048x384xf32> to vector<2048x128xf32>
        %slice3A_118 = vector.extract_strided_slice %add3A_114 {offsets = [0, 128], sizes = [2048, 128], strides = [1, 1]} : vector<2048x384xf32> to vector<2048x128xf32>
        %slice3A_119 = vector.extract_strided_slice %add3A_114 {offsets = [0, 256], sizes = [2048, 128], strides = [1, 1]} : vector<2048x384xf32> to vector<2048x128xf32>
        %add3A_120 = arith.addf %slice3A, %slice3A_117 : vector<2048x128xf32>
        %logistic3A = arith.negf %add3A_120 : vector<2048x128xf32>
        %logistic3A_121 = math.exp %logistic3A : vector<2048x128xf32>
        %logistic3A_122 = arith.constant 1.000000e+00 : f32
        %logistic3A_123 = vector.broadcast %logistic3A_122 : f32 to vector<2048x128xf32>
        %logistic3A_124 = arith.addf %logistic3A_123, %logistic3A_121 : vector<2048x128xf32>
        %logistic3A_125 = arith.divf %logistic3A_123, %logistic3A_124 : vector<2048x128xf32>
        %add3A_126 = arith.addf %slice3A_115, %slice3A_118 : vector<2048x128xf32>
        %logistic3A_127 = arith.negf %add3A_126 : vector<2048x128xf32>
        %logistic3A_128 = math.exp %logistic3A_127 : vector<2048x128xf32>
        %logistic3A_129 = arith.constant 1.000000e+00 : f32
        %logistic3A_130 = vector.broadcast %logistic3A_129 : f32 to vector<2048x128xf32>
        %logistic3A_131 = arith.addf %logistic3A_130, %logistic3A_128 : vector<2048x128xf32>
        %logistic3A_132 = arith.divf %logistic3A_130, %logistic3A_131 : vector<2048x128xf32>
        %mul3A_133 = arith.mulf %logistic3A_125, %slice3A_119 : vector<2048x128xf32>
        %add3A_134 = arith.addf %slice3A_116, %mul3A_133 : vector<2048x128xf32>
        %tanh3A = math.tanh %add3A_134 : vector<2048x128xf32>
        %sub3A_135 = arith.constant 1.000000e+00 : f32
        %sub3A_136 = vector.broadcast %sub3A_135 : f32 to vector<2048x128xf32>
        %sub3A_137 = arith.subf %sub3A_136, %logistic3A_132 : vector<2048x128xf32>
        %mul3A_138 = arith.mulf %sub3A_137, %tanh3A : vector<2048x128xf32>
        %mul3A_139 = arith.mulf %logistic3A_132, %get3A_109 : vector<2048x128xf32>
        %add3A_140 = arith.addf %mul3A_138, %mul3A_139 : vector<2048x128xf32>
        %iota3A = tpu.iota {dimensions = array<i32: 0>} : vector<2048x1xi32>
        %add3A_141 = vector.broadcast %mul3A_83 : i32 to vector<2048x1xi32>
        %add3A_142 = arith.addi %add3A_141, %iota3A : vector<2048x1xi32>
        %lt3A_143 = vector.broadcast %convert_element_type3A_39 : i32 to vector<2048x1xi32>
        %lt3A_144 = arith.cmpi slt, %add3A_142, %lt3A_143 : vector<2048x1xi32>
        %broadcast_in_dim3A_145 = vector.shape_cast %lt3A_144 : vector<2048x1xi1> to vector<2048x1xi1>
        %broadcast_in_dim3A_146 = vector.broadcast %broadcast_in_dim3A_145 : vector<2048x1xi1> to vector<2048x128xi1>
        %select_n3A_147 = arith.select %broadcast_in_dim3A_146, %add3A_140, %get3A_109 : vector<2048x128xi1>, vector<2048x128xf32>
        %swap3A_148 = arith.index_cast %mul3A_83 : i32 to index
        %swap3A_149 = arith.constant 0 : index
        %swap3A_150 = vector.load %arg7[%swap3A_148, %swap3A_149] : memref<10240x128xf32, #tpu.memory_space<vmem>>, vector<2048x128xf32>
        tpu.vector_store %arg7[%swap3A_148, %swap3A_149], %select_n3A_147 {strides = array<i32>} : memref<10240x128xf32, #tpu.memory_space<vmem>>, vector<2048x128xf32>,
        %while3A_151 = arith.constant 0 : i32
        scf.yield %while3A_151 : i32
      }
      %while3A_78 = arith.constant 1 : i32
      %while3A_79 = scf.for %while3A_81 = %while3A_75 to %while3A_71 step %while3A_78 iter_args(%while3A_82 = %while3A_77) -> (i32)  : i32 {
        %mul3A = arith.constant 2048 : i32
        %mul3A_83 = arith.muli %while3A_81, %mul3A : i32
        %rem3A_84 = arith.constant 2 : i32
        %rem3A_85 = arith.remsi %while3A_81, %rem3A_84 : i32
        %add3A_86 = arith.constant 1 : i32
        %add3A_87 = arith.addi %while3A_81, %add3A_86 : i32
        %lt3A = arith.cmpi slt, %add3A_87, %select_n3A : i32
        %convert_element_type3A_88 = arith.extui %lt3A : i1 to i32
        %cond3A = arith.constant 0 : i32
        %cond3A_89 = arith.cmpi ne, %convert_element_type3A_88, %cond3A : i32
        scf.if %cond3A_89 {
          %add3A_152 = arith.constant 1 : i32
          %add3A_153 = arith.addi %while3A_81, %add3A_152 : i32
          %rem3A_154 = arith.constant 2 : i32
          %rem3A_155 = arith.remsi %add3A_153, %rem3A_154 : i32
          %add3A_156 = arith.addi %while3A_31, %mul3A_83 : i32
          %add3A_157 = arith.constant 2048 : i32
          %add3A_158 = arith.addi %add3A_156, %add3A_157 : i32
          %dma_start3A_159 = tpu.memref_slice %arg9[%rem3A_155] : memref<2x!tpu.dma_semaphore, #tpu.memory_space<semaphore_mem>> -> memref<1x!tpu.dma_semaphore, #tpu.memory_space<semaphore_mem>>
          %dma_start3A_160 = tpu.memref_squeeze %dma_start3A_159 : memref<1x!tpu.dma_semaphore, #tpu.memory_space<semaphore_mem>> -> memref<!tpu.dma_semaphore, #tpu.memory_space<semaphore_mem>>
          %dma_start3A_161 = arith.constant 0 : i32
          %dma_start3A_162 = arith.constant 0 : i32
          %dma_start3A_163 = tpu.memref_slice %arg8[%rem3A_155, %dma_start3A_161, %dma_start3A_162] : memref<2x2048x128xf32, #tpu.memory_space<vmem>> -> memref<1x2048x128xf32, #tpu.memory_space<vmem>>
          %dma_start3A_164 = tpu.memref_squeeze %dma_start3A_163 : memref<1x2048x128xf32, #tpu.memory_space<vmem>> -> memref<2048x128xf32, #tpu.memory_space<vmem>>
          %dma_start3A_165 = arith.constant 0 : i32
          %dma_start3A_166 = tpu.memref_slice %arg6[%add3A_158, %dma_start3A_165] : memref<167936x128xf32, #tpu.memory_space<hbm>> -> memref<2048x128xf32, #tpu.memory_space<hbm>>
          tpu.enqueue_dma source(%dma_start3A_166 : memref<2048x128xf32, #tpu.memory_space<hbm>>) target(%dma_start3A_164 : memref<2048x128xf32, #tpu.memory_space<vmem>>) target_semaphore(%dma_start3A_160 : memref<!tpu.dma_semaphore, #tpu.memory_space<semaphore_mem>>)
        } else {
        }
        %add3A_90 = arith.addi %while3A_31, %mul3A_83 : i32
        %dma_wait3A = tpu.memref_slice %arg9[%rem3A_85] : memref<2x!tpu.dma_semaphore, #tpu.memory_space<semaphore_mem>> -> memref<1x!tpu.dma_semaphore, #tpu.memory_space<semaphore_mem>>
        %dma_wait3A_91 = tpu.memref_squeeze %dma_wait3A : memref<1x!tpu.dma_semaphore, #tpu.memory_space<semaphore_mem>> -> memref<!tpu.dma_semaphore, #tpu.memory_space<semaphore_mem>>
        %dma_wait3A_92 = arith.constant 0 : i32
        %dma_wait3A_93 = arith.constant 0 : i32
        %dma_wait3A_94 = tpu.memref_slice %arg8[%rem3A_85, %dma_wait3A_92, %dma_wait3A_93] : memref<2x2048x128xf32, #tpu.memory_space<vmem>> -> memref<1x2048x128xf32, #tpu.memory_space<vmem>>
        %dma_wait3A_95 = tpu.memref_squeeze %dma_wait3A_94 : memref<1x2048x128xf32, #tpu.memory_space<vmem>> -> memref<2048x128xf32, #tpu.memory_space<vmem>>
        %dma_wait3A_96 = arith.constant 0 : i32
        %dma_wait3A_97 = tpu.memref_slice %arg6[%add3A_90, %dma_wait3A_96] : memref<167936x128xf32, #tpu.memory_space<hbm>> -> memref<2048x128xf32, #tpu.memory_space<hbm>>
        tpu.wait_dma2 semaphore(%dma_wait3A_91 : memref<!tpu.dma_semaphore, #tpu.memory_space<semaphore_mem>>) src(%dma_wait3A_97 : memref<2048x128xf32, #tpu.memory_space<hbm>>) dst(%dma_wait3A_95 : memref<2048x128xf32, #tpu.memory_space<vmem>>)
        %get3A_98 = arith.index_cast %rem3A_85 : i32 to index
        %get3A_99 = arith.constant 0 : index
        %get3A_100 = arith.constant 0 : index
        %get3A_101 = vector.load %arg8[%get3A_98, %get3A_99, %get3A_100] : memref<2x2048x128xf32, #tpu.memory_space<vmem>>, vector<1x2048x128xf32>
        %get3A_102 = vector.shape_cast %get3A_101 : vector<1x2048x128xf32> to vector<2048x128xf32>
        %convert_element_type3A_103 = arith.truncf %get3A_102 : vector<2048x128xf32> to vector<2048x128xbf16>
        %dot_general3A = arith.constant dense<0.000000e+00> : vector<2048x384xf32>
        %dot_general3A_104 = tpu.matmul %convert_element_type3A_103, %get3A_9, %dot_general3A {dimension_numbers = #tpu.dot_dimension_numbers<[1], [0], [0], [1], [0, 0, 1, 1], [], []>, transpose_lhs_hint = false} : vector<2048x128xbf16>, vector<128x384xbf16>, vector<2048x384xf32> -> vector<2048x384xf32>
        %add3A_105 = vector.broadcast %get3A_15 : vector<1x384xf32> to vector<2048x384xf32>
        %add3A_106 = arith.addf %dot_general3A_104, %add3A_105 : vector<2048x384xf32>
        %get3A_107 = arith.index_cast %mul3A_83 : i32 to index
        %get3A_108 = arith.constant 0 : index
        %get3A_109 = vector.load %arg7[%get3A_107, %get3A_108] : memref<10240x128xf32, #tpu.memory_space<vmem>>, vector<2048x128xf32>
        %convert_element_type3A_110 = arith.truncf %get3A_109 : vector<2048x128xf32> to vector<2048x128xbf16>
        %dot_general3A_111 = arith.constant dense<0.000000e+00> : vector<2048x384xf32>
        %dot_general3A_112 = tpu.matmul %convert_element_type3A_110, %get3A_12, %dot_general3A_111 {dimension_numbers = #tpu.dot_dimension_numbers<[1], [0], [0], [1], [0, 0, 1, 1], [], []>, transpose_lhs_hint = false} : vector<2048x128xbf16>, vector<128x384xbf16>, vector<2048x384xf32> -> vector<2048x384xf32>
        %add3A_113 = vector.broadcast %get3A_18 : vector<1x384xf32> to vector<2048x384xf32>
        %add3A_114 = arith.addf %dot_general3A_112, %add3A_113 : vector<2048x384xf32>
        %slice3A = vector.extract_strided_slice %add3A_106 {offsets = [0, 0], sizes = [2048, 128], strides = [1, 1]} : vector<2048x384xf32> to vector<2048x128xf32>
        %slice3A_115 = vector.extract_strided_slice %add3A_106 {offsets = [0, 128], sizes = [2048, 128], strides = [1, 1]} : vector<2048x384xf32> to vector<2048x128xf32>
        %slice3A_116 = vector.extract_strided_slice %add3A_106 {offsets = [0, 256], sizes = [2048, 128], strides = [1, 1]} : vector<2048x384xf32> to vector<2048x128xf32>
        %slice3A_117 = vector.extract_strided_slice %add3A_114 {offsets = [0, 0], sizes = [2048, 128], strides = [1, 1]} : vector<2048x384xf32> to vector<2048x128xf32>
        %slice3A_118 = vector.extract_strided_slice %add3A_114 {offsets = [0, 128], sizes = [2048, 128], strides = [1, 1]} : vector<2048x384xf32> to vector<2048x128xf32>
        %slice3A_119 = vector.extract_strided_slice %add3A_114 {offsets = [0, 256], sizes = [2048, 128], strides = [1, 1]} : vector<2048x384xf32> to vector<2048x128xf32>
        %add3A_120 = arith.addf %slice3A, %slice3A_117 : vector<2048x128xf32>
        %logistic3A = arith.negf %add3A_120 : vector<2048x128xf32>
        %logistic3A_121 = math.exp %logistic3A : vector<2048x128xf32>
        %logistic3A_122 = arith.constant 1.000000e+00 : f32
        %logistic3A_123 = vector.broadcast %logistic3A_122 : f32 to vector<2048x128xf32>
        %logistic3A_124 = arith.addf %logistic3A_123, %logistic3A_121 : vector<2048x128xf32>
        %logistic3A_125 = arith.divf %logistic3A_123, %logistic3A_124 : vector<2048x128xf32>
        %add3A_126 = arith.addf %slice3A_115, %slice3A_118 : vector<2048x128xf32>
        %logistic3A_127 = arith.negf %add3A_126 : vector<2048x128xf32>
        %logistic3A_128 = math.exp %logistic3A_127 : vector<2048x128xf32>
        %logistic3A_129 = arith.constant 1.000000e+00 : f32
        %logistic3A_130 = vector.broadcast %logistic3A_129 : f32 to vector<2048x128xf32>
        %logistic3A_131 = arith.addf %logistic3A_130, %logistic3A_128 : vector<2048x128xf32>
        %logistic3A_132 = arith.divf %logistic3A_130, %logistic3A_131 : vector<2048x128xf32>
        %mul3A_133 = arith.mulf %logistic3A_125, %slice3A_119 : vector<2048x128xf32>
        %add3A_134 = arith.addf %slice3A_116, %mul3A_133 : vector<2048x128xf32>
        %tanh3A = math.tanh %add3A_134 : vector<2048x128xf32>
        %sub3A_135 = arith.constant 1.000000e+00 : f32
        %sub3A_136 = vector.broadcast %sub3A_135 : f32 to vector<2048x128xf32>
        %sub3A_137 = arith.subf %sub3A_136, %logistic3A_132 : vector<2048x128xf32>
        %mul3A_138 = arith.mulf %sub3A_137, %tanh3A : vector<2048x128xf32>
        %mul3A_139 = arith.mulf %logistic3A_132, %get3A_109 : vector<2048x128xf32>
        %add3A_140 = arith.addf %mul3A_138, %mul3A_139 : vector<2048x128xf32>
        %iota3A = tpu.iota {dimensions = array<i32: 0>} : vector<2048x1xi32>
        %add3A_141 = vector.broadcast %mul3A_83 : i32 to vector<2048x1xi32>
        %add3A_142 = arith.addi %add3A_141, %iota3A : vector<2048x1xi32>
        %lt3A_143 = vector.broadcast %convert_element_type3A_39 : i32 to vector<2048x1xi32>
        %lt3A_144 = arith.cmpi slt, %add3A_142, %lt3A_143 : vector<2048x1xi32>
        %broadcast_in_dim3A_145 = vector.shape_cast %lt3A_144 : vector<2048x1xi1> to vector<2048x1xi1>
        %broadcast_in_dim3A_146 = vector.broadcast %broadcast_in_dim3A_145 : vector<2048x1xi1> to vector<2048x128xi1>
        %select_n3A_147 = arith.select %broadcast_in_dim3A_146, %add3A_140, %get3A_109 : vector<2048x128xi1>, vector<2048x128xf32>
        %swap3A_148 = arith.index_cast %mul3A_83 : i32 to index
        %swap3A_149 = arith.constant 0 : index
        %swap3A_150 = vector.load %arg7[%swap3A_148, %swap3A_149] : memref<10240x128xf32, #tpu.memory_space<vmem>>, vector<2048x128xf32>
        tpu.vector_store %arg7[%swap3A_148, %swap3A_149], %select_n3A_147 {strides = array<i32>} : memref<10240x128xf32, #tpu.memory_space<vmem>>, vector<2048x128xf32>,
        %while3A_151 = arith.constant 0 : i32
        scf.yield %while3A_151 : i32
      }
      %add3A_80 = arith.addi %while3A_31, %convert_element_type3A_39 : i32
      scf.yield %add3A_80 : i32
    }
    %while3A_28 = arith.constant 1 : i32
    %while3A_29 = scf.for %while3A_30 = %while3A_25 to %while3A_21 step %while3A_28 iter_args(%while3A_31 = %while3A_27) -> (i32)  : i32 {
      %convert_element_type3A = arith.sitofp %while3A_30 : i32 to f32
      %gt3A = vector.broadcast %convert_element_type3A : f32 to vector<80x128xf32>
      %gt3A_32 = arith.cmpf ogt, %get3A_6, %gt3A : vector<80x128xf32>
      %convert_element_type3A_33 = arith.extui %gt3A_32 : vector<80x128xi1> to vector<80x128xi32>
      %convert_element_type3A_34 = arith.sitofp %convert_element_type3A_33 : vector<80x128xi32> to vector<80x128xf32>
      %reduce_sum3A = vector.shape_cast %convert_element_type3A_34 : vector<80x128xf32> to vector<1x80x128xf32>
      %reduce_sum3A_35 = arith.constant dense<0.000000e+00> : vector<1xf32>
      %reduce_sum3A_36 = vector.multi_reduction <add>, %reduce_sum3A, %reduce_sum3A_35 [1, 2] : vector<1x80x128xf32> to vector<1xf32>
      %reduce_sum3A_37 = vector.shape_cast %reduce_sum3A_36 : vector<1xf32> to vector<1x1x1xf32>
      %reduce_sum3A_38 = vector.extract %reduce_sum3A_37[0, 0, 0] : f32 from vector<1x1x1xf32>
      %convert_element_type3A_39 = arith.fptosi %reduce_sum3A_38 : f32 to i32
      %add3A = arith.constant 2048 : i32
      %add3A_40 = arith.addi %convert_element_type3A_39, %add3A : i32
      %sub3A = arith.constant 1 : i32
      %sub3A_41 = arith.subi %add3A_40, %sub3A : i32
      %jit3A = arith.constant 2048 : i32
      %div3A = arith.divsi %sub3A_41, %jit3A : i32
      %sign3A = arith.constant 0 : i32
      %sign3A_42 = arith.cmpi sgt, %sub3A_41, %sign3A : i32
      %sign3A_43 = arith.extui %sign3A_42 : i1 to i32
      %sign3A_44 = arith.constant 0 : i32
      %sign3A_45 = arith.cmpi slt, %sub3A_41, %sign3A_44 : i32
      %sign3A_46 = arith.extui %sign3A_45 : i1 to i32
      %sign3A_47 = arith.subi %sign3A_43, %sign3A_46 : i32
      %sign3A_48 = arith.constant 0 : i32
      %sign3A_49 = arith.cmpi sgt, %jit3A, %sign3A_48 : i32
      %sign3A_50 = arith.extui %sign3A_49 : i1 to i32
      %sign3A_51 = arith.constant 0 : i32
      %sign3A_52 = arith.cmpi slt, %jit3A, %sign3A_51 : i32
      %sign3A_53 = arith.extui %sign3A_52 : i1 to i32
      %sign3A_54 = arith.subi %sign3A_50, %sign3A_53 : i32
      %ne3A = arith.cmpi ne, %sign3A_47, %sign3A_54 : i32
      %rem3A = arith.remsi %sub3A_41, %jit3A : i32
      %ne3A_55 = arith.constant 0 : i32
      %ne3A_56 = arith.cmpi ne, %rem3A, %ne3A_55 : i32
      %and3A = arith.andi %ne3A, %ne3A_56 : i1
      %sub3A_57 = arith.constant 1 : i32
      %sub3A_58 = arith.subi %div3A, %sub3A_57 : i32
      %select_n3A = arith.select %and3A, %sub3A_58, %div3A : i32
      %dma_start3A = arith.constant 0 : i32
      %dma_start3A_59 = arith.constant 0 : i32
      %dma_start3A_60 = tpu.memref_slice %arg9[%dma_start3A_59] : memref<2x!tpu.dma_semaphore, #tpu.memory_space<semaphore_mem>> -> memref<1x!tpu.dma_semaphore, #tpu.memory_space<semaphore_mem>>
      %dma_start3A_61 = tpu.memref_squeeze %dma_start3A_60 : memref<1x!tpu.dma_semaphore, #tpu.memory_space<semaphore_mem>> -> memref<!tpu.dma_semaphore, #tpu.memory_space<semaphore_mem>>
      %dma_start3A_62 = arith.constant 0 : i32
      %dma_start3A_63 = arith.constant 0 : i32
      %dma_start3A_64 = tpu.memref_slice %arg8[%dma_start3A, %dma_start3A_62, %dma_start3A_63] : memref<2x2048x128xf32, #tpu.memory_space<vmem>> -> memref<1x2048x128xf32, #tpu.memory_space<vmem>>
      %dma_start3A_65 = tpu.memref_squeeze %dma_start3A_64 : memref<1x2048x128xf32, #tpu.memory_space<vmem>> -> memref<2048x128xf32, #tpu.memory_space<vmem>>
      %dma_start3A_66 = arith.constant 0 : i32
      %dma_start3A_67 = tpu.memref_slice %arg6[%while3A_31, %dma_start3A_66] : memref<167936x128xf32, #tpu.memory_space<hbm>> -> memref<2048x128xf32, #tpu.memory_space<hbm>>
      tpu.enqueue_dma source(%dma_start3A_67 : memref<2048x128xf32, #tpu.memory_space<hbm>>) target(%dma_start3A_65 : memref<2048x128xf32, #tpu.memory_space<vmem>>) target_semaphore(%dma_start3A_61 : memref<!tpu.dma_semaphore, #tpu.memory_space<semaphore_mem>>)
      %while3A_68 = arith.constant 0 : i32
      %while3A_69 = arith.constant 0 : i32
      %while3A_70 = arith.subi %select_n3A, %while3A_68 : i32
      %while3A_71 = arith.addi %while3A_68, %while3A_70 : i32
      %while3A_72 = arith.constant 1 : i32
      %while3A_73 = arith.divsi %while3A_70, %while3A_72 : i32
      %while3A_74 = arith.muli %while3A_73, %while3A_72 : i32
      %while3A_75 = arith.addi %while3A_68, %while3A_74 : i32
      %while3A_76 = arith.constant 1 : i32
      %while3A_77 = scf.for %while3A_81 = %while3A_68 to %while3A_75 step %while3A_76 iter_args(%while3A_82 = %while3A_69) -> (i32)  : i32 {
        %mul3A = arith.constant 2048 : i32
        %mul3A_83 = arith.muli %while3A_81, %mul3A : i32
        %rem3A_84 = arith.constant 2 : i32
        %rem3A_85 = arith.remsi %while3A_81, %rem3A_84 : i32
        %add3A_86 = arith.constant 1 : i32
        %add3A_87 = arith.addi %while3A_81, %add3A_86 : i32
        %lt3A = arith.cmpi slt, %add3A_87, %select_n3A : i32
        %convert_element_type3A_88 = arith.extui %lt3A : i1 to i32
        %cond3A = arith.constant 0 : i32
        %cond3A_89 = arith.cmpi ne, %convert_element_type3A_88, %cond3A : i32
        scf.if %cond3A_89 {
          %add3A_152 = arith.constant 1 : i32
          %add3A_153 = arith.addi %while3A_81, %add3A_152 : i32
          %rem3A_154 = arith.constant 2 : i32
          %rem3A_155 = arith.remsi %add3A_153, %rem3A_154 : i32
          %add3A_156 = arith.addi %while3A_31, %mul3A_83 : i32
          %add3A_157 = arith.constant 2048 : i32
          %add3A_158 = arith.addi %add3A_156, %add3A_157 : i32
          %dma_start3A_159 = tpu.memref_slice %arg9[%rem3A_155] : memref<2x!tpu.dma_semaphore, #tpu.memory_space<semaphore_mem>> -> memref<1x!tpu.dma_semaphore, #tpu.memory_space<semaphore_mem>>
          %dma_start3A_160 = tpu.memref_squeeze %dma_start3A_159 : memref<1x!tpu.dma_semaphore, #tpu.memory_space<semaphore_mem>> -> memref<!tpu.dma_semaphore, #tpu.memory_space<semaphore_mem>>
          %dma_start3A_161 = arith.constant 0 : i32
          %dma_start3A_162 = arith.constant 0 : i32
          %dma_start3A_163 = tpu.memref_slice %arg8[%rem3A_155, %dma_start3A_161, %dma_start3A_162] : memref<2x2048x128xf32, #tpu.memory_space<vmem>> -> memref<1x2048x128xf32, #tpu.memory_space<vmem>>
          %dma_start3A_164 = tpu.memref_squeeze %dma_start3A_163 : memref<1x2048x128xf32, #tpu.memory_space<vmem>> -> memref<2048x128xf32, #tpu.memory_space<vmem>>
          %dma_start3A_165 = arith.constant 0 : i32
          %dma_start3A_166 = tpu.memref_slice %arg6[%add3A_158, %dma_start3A_165] : memref<167936x128xf32, #tpu.memory_space<hbm>> -> memref<2048x128xf32, #tpu.memory_space<hbm>>
          tpu.enqueue_dma source(%dma_start3A_166 : memref<2048x128xf32, #tpu.memory_space<hbm>>) target(%dma_start3A_164 : memref<2048x128xf32, #tpu.memory_space<vmem>>) target_semaphore(%dma_start3A_160 : memref<!tpu.dma_semaphore, #tpu.memory_space<semaphore_mem>>)
        } else {
        }
        %add3A_90 = arith.addi %while3A_31, %mul3A_83 : i32
        %dma_wait3A = tpu.memref_slice %arg9[%rem3A_85] : memref<2x!tpu.dma_semaphore, #tpu.memory_space<semaphore_mem>> -> memref<1x!tpu.dma_semaphore, #tpu.memory_space<semaphore_mem>>
        %dma_wait3A_91 = tpu.memref_squeeze %dma_wait3A : memref<1x!tpu.dma_semaphore, #tpu.memory_space<semaphore_mem>> -> memref<!tpu.dma_semaphore, #tpu.memory_space<semaphore_mem>>
        %dma_wait3A_92 = arith.constant 0 : i32
        %dma_wait3A_93 = arith.constant 0 : i32
        %dma_wait3A_94 = tpu.memref_slice %arg8[%rem3A_85, %dma_wait3A_92, %dma_wait3A_93] : memref<2x2048x128xf32, #tpu.memory_space<vmem>> -> memref<1x2048x128xf32, #tpu.memory_space<vmem>>
        %dma_wait3A_95 = tpu.memref_squeeze %dma_wait3A_94 : memref<1x2048x128xf32, #tpu.memory_space<vmem>> -> memref<2048x128xf32, #tpu.memory_space<vmem>>
        %dma_wait3A_96 = arith.constant 0 : i32
        %dma_wait3A_97 = tpu.memref_slice %arg6[%add3A_90, %dma_wait3A_96] : memref<167936x128xf32, #tpu.memory_space<hbm>> -> memref<2048x128xf32, #tpu.memory_space<hbm>>
        tpu.wait_dma2 semaphore(%dma_wait3A_91 : memref<!tpu.dma_semaphore, #tpu.memory_space<semaphore_mem>>) src(%dma_wait3A_97 : memref<2048x128xf32, #tpu.memory_space<hbm>>) dst(%dma_wait3A_95 : memref<2048x128xf32, #tpu.memory_space<vmem>>)
        %get3A_98 = arith.index_cast %rem3A_85 : i32 to index
        %get3A_99 = arith.constant 0 : index
        %get3A_100 = arith.constant 0 : index
        %get3A_101 = vector.load %arg8[%get3A_98, %get3A_99, %get3A_100] : memref<2x2048x128xf32, #tpu.memory_space<vmem>>, vector<1x2048x128xf32>
        %get3A_102 = vector.shape_cast %get3A_101 : vector<1x2048x128xf32> to vector<2048x128xf32>
        %convert_element_type3A_103 = arith.truncf %get3A_102 : vector<2048x128xf32> to vector<2048x128xbf16>
        %dot_general3A = arith.constant dense<0.000000e+00> : vector<2048x384xf32>
        %dot_general3A_104 = tpu.matmul %convert_element_type3A_103, %get3A_9, %dot_general3A {dimension_numbers = #tpu.dot_dimension_numbers<[1], [0], [0], [1], [0, 0, 1, 1], [], []>, transpose_lhs_hint = false} : vector<2048x128xbf16>, vector<128x384xbf16>, vector<2048x384xf32> -> vector<2048x384xf32>
        %add3A_105 = vector.broadcast %get3A_15 : vector<1x384xf32> to vector<2048x384xf32>
        %add3A_106 = arith.addf %dot_general3A_104, %add3A_105 : vector<2048x384xf32>
        %get3A_107 = arith.index_cast %mul3A_83 : i32 to index
        %get3A_108 = arith.constant 0 : index
        %get3A_109 = vector.load %arg7[%get3A_107, %get3A_108] : memref<10240x128xf32, #tpu.memory_space<vmem>>, vector<2048x128xf32>
        %convert_element_type3A_110 = arith.truncf %get3A_109 : vector<2048x128xf32> to vector<2048x128xbf16>
        %dot_general3A_111 = arith.constant dense<0.000000e+00> : vector<2048x384xf32>
        %dot_general3A_112 = tpu.matmul %convert_element_type3A_110, %get3A_12, %dot_general3A_111 {dimension_numbers = #tpu.dot_dimension_numbers<[1], [0], [0], [1], [0, 0, 1, 1], [], []>, transpose_lhs_hint = false} : vector<2048x128xbf16>, vector<128x384xbf16>, vector<2048x384xf32> -> vector<2048x384xf32>
        %add3A_113 = vector.broadcast %get3A_18 : vector<1x384xf32> to vector<2048x384xf32>
        %add3A_114 = arith.addf %dot_general3A_112, %add3A_113 : vector<2048x384xf32>
        %slice3A = vector.extract_strided_slice %add3A_106 {offsets = [0, 0], sizes = [2048, 128], strides = [1, 1]} : vector<2048x384xf32> to vector<2048x128xf32>
        %slice3A_115 = vector.extract_strided_slice %add3A_106 {offsets = [0, 128], sizes = [2048, 128], strides = [1, 1]} : vector<2048x384xf32> to vector<2048x128xf32>
        %slice3A_116 = vector.extract_strided_slice %add3A_106 {offsets = [0, 256], sizes = [2048, 128], strides = [1, 1]} : vector<2048x384xf32> to vector<2048x128xf32>
        %slice3A_117 = vector.extract_strided_slice %add3A_114 {offsets = [0, 0], sizes = [2048, 128], strides = [1, 1]} : vector<2048x384xf32> to vector<2048x128xf32>
        %slice3A_118 = vector.extract_strided_slice %add3A_114 {offsets = [0, 128], sizes = [2048, 128], strides = [1, 1]} : vector<2048x384xf32> to vector<2048x128xf32>
        %slice3A_119 = vector.extract_strided_slice %add3A_114 {offsets = [0, 256], sizes = [2048, 128], strides = [1, 1]} : vector<2048x384xf32> to vector<2048x128xf32>
        %add3A_120 = arith.addf %slice3A, %slice3A_117 : vector<2048x128xf32>
        %logistic3A = arith.negf %add3A_120 : vector<2048x128xf32>
        %logistic3A_121 = math.exp %logistic3A : vector<2048x128xf32>
        %logistic3A_122 = arith.constant 1.000000e+00 : f32
        %logistic3A_123 = vector.broadcast %logistic3A_122 : f32 to vector<2048x128xf32>
        %logistic3A_124 = arith.addf %logistic3A_123, %logistic3A_121 : vector<2048x128xf32>
        %logistic3A_125 = arith.divf %logistic3A_123, %logistic3A_124 : vector<2048x128xf32>
        %add3A_126 = arith.addf %slice3A_115, %slice3A_118 : vector<2048x128xf32>
        %logistic3A_127 = arith.negf %add3A_126 : vector<2048x128xf32>
        %logistic3A_128 = math.exp %logistic3A_127 : vector<2048x128xf32>
        %logistic3A_129 = arith.constant 1.000000e+00 : f32
        %logistic3A_130 = vector.broadcast %logistic3A_129 : f32 to vector<2048x128xf32>
        %logistic3A_131 = arith.addf %logistic3A_130, %logistic3A_128 : vector<2048x128xf32>
        %logistic3A_132 = arith.divf %logistic3A_130, %logistic3A_131 : vector<2048x128xf32>
        %mul3A_133 = arith.mulf %logistic3A_125, %slice3A_119 : vector<2048x128xf32>
        %add3A_134 = arith.addf %slice3A_116, %mul3A_133 : vector<2048x128xf32>
        %tanh3A = math.tanh %add3A_134 : vector<2048x128xf32>
        %sub3A_135 = arith.constant 1.000000e+00 : f32
        %sub3A_136 = vector.broadcast %sub3A_135 : f32 to vector<2048x128xf32>
        %sub3A_137 = arith.subf %sub3A_136, %logistic3A_132 : vector<2048x128xf32>
        %mul3A_138 = arith.mulf %sub3A_137, %tanh3A : vector<2048x128xf32>
        %mul3A_139 = arith.mulf %logistic3A_132, %get3A_109 : vector<2048x128xf32>
        %add3A_140 = arith.addf %mul3A_138, %mul3A_139 : vector<2048x128xf32>
        %iota3A = tpu.iota {dimensions = array<i32: 0>} : vector<2048x1xi32>
        %add3A_141 = vector.broadcast %mul3A_83 : i32 to vector<2048x1xi32>
        %add3A_142 = arith.addi %add3A_141, %iota3A : vector<2048x1xi32>
        %lt3A_143 = vector.broadcast %convert_element_type3A_39 : i32 to vector<2048x1xi32>
        %lt3A_144 = arith.cmpi slt, %add3A_142, %lt3A_143 : vector<2048x1xi32>
        %broadcast_in_dim3A_145 = vector.shape_cast %lt3A_144 : vector<2048x1xi1> to vector<2048x1xi1>
        %broadcast_in_dim3A_146 = vector.broadcast %broadcast_in_dim3A_145 : vector<2048x1xi1> to vector<2048x128xi1>
        %select_n3A_147 = arith.select %broadcast_in_dim3A_146, %add3A_140, %get3A_109 : vector<2048x128xi1>, vector<2048x128xf32>
        %swap3A_148 = arith.index_cast %mul3A_83 : i32 to index
        %swap3A_149 = arith.constant 0 : index
        %swap3A_150 = vector.load %arg7[%swap3A_148, %swap3A_149] : memref<10240x128xf32, #tpu.memory_space<vmem>>, vector<2048x128xf32>
        tpu.vector_store %arg7[%swap3A_148, %swap3A_149], %select_n3A_147 {strides = array<i32>} : memref<10240x128xf32, #tpu.memory_space<vmem>>, vector<2048x128xf32>,
        %while3A_151 = arith.constant 0 : i32
        scf.yield %while3A_151 : i32
      }
      %while3A_78 = arith.constant 1 : i32
      %while3A_79 = scf.for %while3A_81 = %while3A_75 to %while3A_71 step %while3A_78 iter_args(%while3A_82 = %while3A_77) -> (i32)  : i32 {
        %mul3A = arith.constant 2048 : i32
        %mul3A_83 = arith.muli %while3A_81, %mul3A : i32
        %rem3A_84 = arith.constant 2 : i32
        %rem3A_85 = arith.remsi %while3A_81, %rem3A_84 : i32
        %add3A_86 = arith.constant 1 : i32
        %add3A_87 = arith.addi %while3A_81, %add3A_86 : i32
        %lt3A = arith.cmpi slt, %add3A_87, %select_n3A : i32
        %convert_element_type3A_88 = arith.extui %lt3A : i1 to i32
        %cond3A = arith.constant 0 : i32
        %cond3A_89 = arith.cmpi ne, %convert_element_type3A_88, %cond3A : i32
        scf.if %cond3A_89 {
          %add3A_152 = arith.constant 1 : i32
          %add3A_153 = arith.addi %while3A_81, %add3A_152 : i32
          %rem3A_154 = arith.constant 2 : i32
          %rem3A_155 = arith.remsi %add3A_153, %rem3A_154 : i32
          %add3A_156 = arith.addi %while3A_31, %mul3A_83 : i32
          %add3A_157 = arith.constant 2048 : i32
          %add3A_158 = arith.addi %add3A_156, %add3A_157 : i32
          %dma_start3A_159 = tpu.memref_slice %arg9[%rem3A_155] : memref<2x!tpu.dma_semaphore, #tpu.memory_space<semaphore_mem>> -> memref<1x!tpu.dma_semaphore, #tpu.memory_space<semaphore_mem>>
          %dma_start3A_160 = tpu.memref_squeeze %dma_start3A_159 : memref<1x!tpu.dma_semaphore, #tpu.memory_space<semaphore_mem>> -> memref<!tpu.dma_semaphore, #tpu.memory_space<semaphore_mem>>
          %dma_start3A_161 = arith.constant 0 : i32
          %dma_start3A_162 = arith.constant 0 : i32
          %dma_start3A_163 = tpu.memref_slice %arg8[%rem3A_155, %dma_start3A_161, %dma_start3A_162] : memref<2x2048x128xf32, #tpu.memory_space<vmem>> -> memref<1x2048x128xf32, #tpu.memory_space<vmem>>
          %dma_start3A_164 = tpu.memref_squeeze %dma_start3A_163 : memref<1x2048x128xf32, #tpu.memory_space<vmem>> -> memref<2048x128xf32, #tpu.memory_space<vmem>>
          %dma_start3A_165 = arith.constant 0 : i32
          %dma_start3A_166 = tpu.memref_slice %arg6[%add3A_158, %dma_start3A_165] : memref<167936x128xf32, #tpu.memory_space<hbm>> -> memref<2048x128xf32, #tpu.memory_space<hbm>>
          tpu.enqueue_dma source(%dma_start3A_166 : memref<2048x128xf32, #tpu.memory_space<hbm>>) target(%dma_start3A_164 : memref<2048x128xf32, #tpu.memory_space<vmem>>) target_semaphore(%dma_start3A_160 : memref<!tpu.dma_semaphore, #tpu.memory_space<semaphore_mem>>)
        } else {
        }
        %add3A_90 = arith.addi %while3A_31, %mul3A_83 : i32
        %dma_wait3A = tpu.memref_slice %arg9[%rem3A_85] : memref<2x!tpu.dma_semaphore, #tpu.memory_space<semaphore_mem>> -> memref<1x!tpu.dma_semaphore, #tpu.memory_space<semaphore_mem>>
        %dma_wait3A_91 = tpu.memref_squeeze %dma_wait3A : memref<1x!tpu.dma_semaphore, #tpu.memory_space<semaphore_mem>> -> memref<!tpu.dma_semaphore, #tpu.memory_space<semaphore_mem>>
        %dma_wait3A_92 = arith.constant 0 : i32
        %dma_wait3A_93 = arith.constant 0 : i32
        %dma_wait3A_94 = tpu.memref_slice %arg8[%rem3A_85, %dma_wait3A_92, %dma_wait3A_93] : memref<2x2048x128xf32, #tpu.memory_space<vmem>> -> memref<1x2048x128xf32, #tpu.memory_space<vmem>>
        %dma_wait3A_95 = tpu.memref_squeeze %dma_wait3A_94 : memref<1x2048x128xf32, #tpu.memory_space<vmem>> -> memref<2048x128xf32, #tpu.memory_space<vmem>>
        %dma_wait3A_96 = arith.constant 0 : i32
        %dma_wait3A_97 = tpu.memref_slice %arg6[%add3A_90, %dma_wait3A_96] : memref<167936x128xf32, #tpu.memory_space<hbm>> -> memref<2048x128xf32, #tpu.memory_space<hbm>>
        tpu.wait_dma2 semaphore(%dma_wait3A_91 : memref<!tpu.dma_semaphore, #tpu.memory_space<semaphore_mem>>) src(%dma_wait3A_97 : memref<2048x128xf32, #tpu.memory_space<hbm>>) dst(%dma_wait3A_95 : memref<2048x128xf32, #tpu.memory_space<vmem>>)
        %get3A_98 = arith.index_cast %rem3A_85 : i32 to index
        %get3A_99 = arith.constant 0 : index
        %get3A_100 = arith.constant 0 : index
        %get3A_101 = vector.load %arg8[%get3A_98, %get3A_99, %get3A_100] : memref<2x2048x128xf32, #tpu.memory_space<vmem>>, vector<1x2048x128xf32>
        %get3A_102 = vector.shape_cast %get3A_101 : vector<1x2048x128xf32> to vector<2048x128xf32>
        %convert_element_type3A_103 = arith.truncf %get3A_102 : vector<2048x128xf32> to vector<2048x128xbf16>
        %dot_general3A = arith.constant dense<0.000000e+00> : vector<2048x384xf32>
        %dot_general3A_104 = tpu.matmul %convert_element_type3A_103, %get3A_9, %dot_general3A {dimension_numbers = #tpu.dot_dimension_numbers<[1], [0], [0], [1], [0, 0, 1, 1], [], []>, transpose_lhs_hint = false} : vector<2048x128xbf16>, vector<128x384xbf16>, vector<2048x384xf32> -> vector<2048x384xf32>
        %add3A_105 = vector.broadcast %get3A_15 : vector<1x384xf32> to vector<2048x384xf32>
        %add3A_106 = arith.addf %dot_general3A_104, %add3A_105 : vector<2048x384xf32>
        %get3A_107 = arith.index_cast %mul3A_83 : i32 to index
        %get3A_108 = arith.constant 0 : index
        %get3A_109 = vector.load %arg7[%get3A_107, %get3A_108] : memref<10240x128xf32, #tpu.memory_space<vmem>>, vector<2048x128xf32>
        %convert_element_type3A_110 = arith.truncf %get3A_109 : vector<2048x128xf32> to vector<2048x128xbf16>
        %dot_general3A_111 = arith.constant dense<0.000000e+00> : vector<2048x384xf32>
        %dot_general3A_112 = tpu.matmul %convert_element_type3A_110, %get3A_12, %dot_general3A_111 {dimension_numbers = #tpu.dot_dimension_numbers<[1], [0], [0], [1], [0, 0, 1, 1], [], []>, transpose_lhs_hint = false} : vector<2048x128xbf16>, vector<128x384xbf16>, vector<2048x384xf32> -> vector<2048x384xf32>
        %add3A_113 = vector.broadcast %get3A_18 : vector<1x384xf32> to vector<2048x384xf32>
        %add3A_114 = arith.addf %dot_general3A_112, %add3A_113 : vector<2048x384xf32>
        %slice3A = vector.extract_strided_slice %add3A_106 {offsets = [0, 0], sizes = [2048, 128], strides = [1, 1]} : vector<2048x384xf32> to vector<2048x128xf32>
        %slice3A_115 = vector.extract_strided_slice %add3A_106 {offsets = [0, 128], sizes = [2048, 128], strides = [1, 1]} : vector<2048x384xf32> to vector<2048x128xf32>
        %slice3A_116 = vector.extract_strided_slice %add3A_106 {offsets = [0, 256], sizes = [2048, 128], strides = [1, 1]} : vector<2048x384xf32> to vector<2048x128xf32>
        %slice3A_117 = vector.extract_strided_slice %add3A_114 {offsets = [0, 0], sizes = [2048, 128], strides = [1, 1]} : vector<2048x384xf32> to vector<2048x128xf32>
        %slice3A_118 = vector.extract_strided_slice %add3A_114 {offsets = [0, 128], sizes = [2048, 128], strides = [1, 1]} : vector<2048x384xf32> to vector<2048x128xf32>
        %slice3A_119 = vector.extract_strided_slice %add3A_114 {offsets = [0, 256], sizes = [2048, 128], strides = [1, 1]} : vector<2048x384xf32> to vector<2048x128xf32>
        %add3A_120 = arith.addf %slice3A, %slice3A_117 : vector<2048x128xf32>
        %logistic3A = arith.negf %add3A_120 : vector<2048x128xf32>
        %logistic3A_121 = math.exp %logistic3A : vector<2048x128xf32>
        %logistic3A_122 = arith.constant 1.000000e+00 : f32
        %logistic3A_123 = vector.broadcast %logistic3A_122 : f32 to vector<2048x128xf32>
        %logistic3A_124 = arith.addf %logistic3A_123, %logistic3A_121 : vector<2048x128xf32>
        %logistic3A_125 = arith.divf %logistic3A_123, %logistic3A_124 : vector<2048x128xf32>
        %add3A_126 = arith.addf %slice3A_115, %slice3A_118 : vector<2048x128xf32>
        %logistic3A_127 = arith.negf %add3A_126 : vector<2048x128xf32>
        %logistic3A_128 = math.exp %logistic3A_127 : vector<2048x128xf32>
        %logistic3A_129 = arith.constant 1.000000e+00 : f32
        %logistic3A_130 = vector.broadcast %logistic3A_129 : f32 to vector<2048x128xf32>
        %logistic3A_131 = arith.addf %logistic3A_130, %logistic3A_128 : vector<2048x128xf32>
        %logistic3A_132 = arith.divf %logistic3A_130, %logistic3A_131 : vector<2048x128xf32>
        %mul3A_133 = arith.mulf %logistic3A_125, %slice3A_119 : vector<2048x128xf32>
        %add3A_134 = arith.addf %slice3A_116, %mul3A_133 : vector<2048x128xf32>
        %tanh3A = math.tanh %add3A_134 : vector<2048x128xf32>
        %sub3A_135 = arith.constant 1.000000e+00 : f32
        %sub3A_136 = vector.broadcast %sub3A_135 : f32 to vector<2048x128xf32>
        %sub3A_137 = arith.subf %sub3A_136, %logistic3A_132 : vector<2048x128xf32>
        %mul3A_138 = arith.mulf %sub3A_137, %tanh3A : vector<2048x128xf32>
        %mul3A_139 = arith.mulf %logistic3A_132, %get3A_109 : vector<2048x128xf32>
        %add3A_140 = arith.addf %mul3A_138, %mul3A_139 : vector<2048x128xf32>
        %iota3A = tpu.iota {dimensions = array<i32: 0>} : vector<2048x1xi32>
        %add3A_141 = vector.broadcast %mul3A_83 : i32 to vector<2048x1xi32>
        %add3A_142 = arith.addi %add3A_141, %iota3A : vector<2048x1xi32>
        %lt3A_143 = vector.broadcast %convert_element_type3A_39 : i32 to vector<2048x1xi32>
        %lt3A_144 = arith.cmpi slt, %add3A_142, %lt3A_143 : vector<2048x1xi32>
        %broadcast_in_dim3A_145 = vector.shape_cast %lt3A_144 : vector<2048x1xi1> to vector<2048x1xi1>
        %broadcast_in_dim3A_146 = vector.broadcast %broadcast_in_dim3A_145 : vector<2048x1xi1> to vector<2048x128xi1>
        %select_n3A_147 = arith.select %broadcast_in_dim3A_146, %add3A_140, %get3A_109 : vector<2048x128xi1>, vector<2048x128xf32>
        %swap3A_148 = arith.index_cast %mul3A_83 : i32 to index
        %swap3A_149 = arith.constant 0 : index
        %swap3A_150 = vector.load %arg7[%swap3A_148, %swap3A_149] : memref<10240x128xf32, #tpu.memory_space<vmem>>, vector<2048x128xf32>
        tpu.vector_store %arg7[%swap3A_148, %swap3A_149], %select_n3A_147 {strides = array<i32>} : memref<10240x128xf32, #tpu.memory_space<vmem>>, vector<2048x128xf32>,
        %while3A_151 = arith.constant 0 : i32
        scf.yield %while3A_151 : i32
      }
      %add3A_80 = arith.addi %while3A_31, %convert_element_type3A_39 : i32
      scf.yield %add3A_80 : i32
    }
    return
  }
}

module attributes {stable_mosaic.version = 14 : i64} {
  func.func @_post_eopa_body(%arg0: memref<10000x128xf32, #tpu.memory_space<vmem>>, %arg1: memref<10000x128xf32, #tpu.memory_space<vmem>>, %arg2: memref<128x128xf32, #tpu.memory_space<vmem>>, %arg3: memref<1x128xf32, #tpu.memory_space<vmem>>, %arg4: memref<10000x128xf32, #tpu.memory_space<vmem>>, %arg5: memref<1x256xf32, #tpu.memory_space<vmem>>, %arg6: memref<1x256xf32, #tpu.memory_space<vmem>>, %arg7: memref<256x256xf32, #tpu.memory_space<vmem>>, %arg8: memref<1x256xf32, #tpu.memory_space<vmem>>, %arg9: memref<256x128xf32, #tpu.memory_space<vmem>>, %arg10: memref<10000x256xf32, #tpu.memory_space<vmem>>, %arg11: memref<10000x256xf32, #tpu.memory_space<vmem>>, %arg12: memref<10000x128xf32, #tpu.memory_space<vmem>>) attributes {dimension_semantics = [], scalar_prefetch = 0 : i64, scratch_operands = 0 : i64, tpu.core_type = #tpu.core_type<tc>} {
    %get3A = arith.constant 0 : index
    %get3A_0 = arith.constant 0 : index
    %get3A_1 = vector.load %arg0[%get3A, %get3A_0] : memref<10000x128xf32, #tpu.memory_space<vmem>>, vector<10000x128xf32>
    %get3A_2 = arith.constant 0 : index
    %get3A_3 = arith.constant 0 : index
    %get3A_4 = vector.load %arg1[%get3A_2, %get3A_3] : memref<10000x128xf32, #tpu.memory_space<vmem>>, vector<10000x128xf32>
    %get3A_5 = arith.constant 0 : index
    %get3A_6 = arith.constant 0 : index
    %get3A_7 = vector.load %arg2[%get3A_5, %get3A_6] : memref<128x128xf32, #tpu.memory_space<vmem>>, vector<128x128xf32>
    %dot_general3A = arith.constant dense<0.000000e+00> : vector<10000x128xf32>
    %dot_general3A_8 = tpu.matmul %get3A_4, %get3A_7, %dot_general3A {dimension_numbers = #tpu.dot_dimension_numbers<[1], [0], [0], [1], [0, 0, 1, 1], [], []>, transpose_lhs_hint = false} : vector<10000x128xf32>, vector<128x128xf32>, vector<10000x128xf32> -> vector<10000x128xf32>
    %add3A = arith.addf %get3A_1, %dot_general3A_8 : vector<10000x128xf32>
    %get3A_9 = arith.constant 0 : index
    %get3A_10 = arith.constant 0 : index
    %get3A_11 = vector.load %arg3[%get3A_9, %get3A_10] : memref<1x128xf32, #tpu.memory_space<vmem>>, vector<1x128xf32>
    %gt3A = arith.constant 0.000000e+00 : f32
    %gt3A_12 = vector.broadcast %gt3A : f32 to vector<10000x128xf32>
    %gt3A_13 = arith.cmpf ogt, %add3A, %gt3A_12 : vector<10000x128xf32>
    %mul3A = vector.broadcast %get3A_11 : vector<1x128xf32> to vector<10000x128xf32>
    %mul3A_14 = arith.mulf %mul3A, %add3A : vector<10000x128xf32>
    %select_n3A = arith.select %gt3A_13, %add3A, %mul3A_14 : vector<10000x128xi1>, vector<10000x128xf32>
    %get3A_15 = arith.constant 0 : index
    %get3A_16 = arith.constant 0 : index
    %get3A_17 = vector.load %arg4[%get3A_15, %get3A_16] : memref<10000x128xf32, #tpu.memory_space<vmem>>, vector<10000x128xf32>
    %concatenate3A = tpu.concatenate %select_n3A, %get3A_17 in 1 : vector<10000x128xf32>, vector<10000x128xf32> -> vector<10000x256xf32>
    %swap3A = arith.constant 0 : index
    %swap3A_18 = arith.constant 0 : index
    %swap3A_19 = vector.load %arg10[%swap3A, %swap3A_18] : memref<10000x256xf32, #tpu.memory_space<vmem>>, vector<10000x256xf32>
    tpu.vector_store %arg10[%swap3A, %swap3A_18], %concatenate3A {strides = array<i32>} : memref<10000x256xf32, #tpu.memory_space<vmem>>, vector<10000x256xf32>,
    %get3A_20 = arith.constant 0 : index
    %get3A_21 = arith.constant 0 : index
    %get3A_22 = vector.load %arg5[%get3A_20, %get3A_21] : memref<1x256xf32, #tpu.memory_space<vmem>>, vector<1x256xf32>
    %get3A_23 = arith.constant 0 : index
    %get3A_24 = arith.constant 0 : index
    %get3A_25 = vector.load %arg6[%get3A_23, %get3A_24] : memref<1x256xf32, #tpu.memory_space<vmem>>, vector<1x256xf32>
    %reduce_sum3A = arith.constant dense<0.000000e+00> : vector<256xf32>
    %reduce_sum3A_26 = vector.multi_reduction <add>, %concatenate3A, %reduce_sum3A [0] : vector<10000x256xf32> to vector<256xf32>
    %broadcast_in_dim3A = vector.shape_cast %reduce_sum3A_26 : vector<256xf32> to vector<1x256xf32>
    %div3A = arith.constant 1.000000e+04 : f32
    %div3A_27 = vector.broadcast %div3A : f32 to vector<1x256xf32>
    %div3A_28 = arith.divf %broadcast_in_dim3A, %div3A_27 : vector<1x256xf32>
    %sub3A = vector.broadcast %div3A_28 : vector<1x256xf32> to vector<10000x256xf32>
    %sub3A_29 = arith.subf %concatenate3A, %sub3A : vector<10000x256xf32>
    %integer_pow3A = arith.mulf %sub3A_29, %sub3A_29 : vector<10000x256xf32>
    %reduce_sum3A_30 = arith.constant dense<0.000000e+00> : vector<256xf32>
    %reduce_sum3A_31 = vector.multi_reduction <add>, %integer_pow3A, %reduce_sum3A_30 [0] : vector<10000x256xf32> to vector<256xf32>
    %broadcast_in_dim3A_32 = vector.shape_cast %reduce_sum3A_31 : vector<256xf32> to vector<1x256xf32>
    %div3A_33 = arith.constant 1.000000e+04 : f32
    %div3A_34 = vector.broadcast %div3A_33 : f32 to vector<1x256xf32>
    %div3A_35 = arith.divf %broadcast_in_dim3A_32, %div3A_34 : vector<1x256xf32>
    %sub3A_36 = vector.broadcast %div3A_28 : vector<1x256xf32> to vector<10000x256xf32>
    %sub3A_37 = arith.subf %concatenate3A, %sub3A_36 : vector<10000x256xf32>
    %add3A_38 = arith.constant 9.99999974E-6 : f32
    %add3A_39 = vector.broadcast %add3A_38 : f32 to vector<1x256xf32>
    %add3A_40 = arith.addf %div3A_35, %add3A_39 : vector<1x256xf32>
    %rsqrt3A = math.rsqrt %add3A_40 : vector<1x256xf32>
    %mul3A_41 = vector.broadcast %rsqrt3A : vector<1x256xf32> to vector<10000x256xf32>
    %mul3A_42 = arith.mulf %sub3A_37, %mul3A_41 : vector<10000x256xf32>
    %mul3A_43 = vector.broadcast %get3A_22 : vector<1x256xf32> to vector<10000x256xf32>
    %mul3A_44 = arith.mulf %mul3A_42, %mul3A_43 : vector<10000x256xf32>
    %add3A_45 = vector.broadcast %get3A_25 : vector<1x256xf32> to vector<10000x256xf32>
    %add3A_46 = arith.addf %mul3A_44, %add3A_45 : vector<10000x256xf32>
    %get3A_47 = arith.constant 0 : index
    %get3A_48 = arith.constant 0 : index
    %get3A_49 = vector.load %arg7[%get3A_47, %get3A_48] : memref<256x256xf32, #tpu.memory_space<vmem>>, vector<256x256xf32>
    %dot_general3A_50 = arith.constant dense<0.000000e+00> : vector<10000x256xf32>
    %dot_general3A_51 = tpu.matmul %add3A_46, %get3A_49, %dot_general3A_50 {dimension_numbers = #tpu.dot_dimension_numbers<[1], [0], [0], [1], [0, 0, 1, 1], [], []>, transpose_lhs_hint = false} : vector<10000x256xf32>, vector<256x256xf32>, vector<10000x256xf32> -> vector<10000x256xf32>
    %get3A_52 = arith.constant 0 : index
    %get3A_53 = arith.constant 0 : index
    %get3A_54 = vector.load %arg8[%get3A_52, %get3A_53] : memref<1x256xf32, #tpu.memory_space<vmem>>, vector<1x256xf32>
    %add3A_55 = vector.broadcast %get3A_54 : vector<1x256xf32> to vector<10000x256xf32>
    %add3A_56 = arith.addf %dot_general3A_51, %add3A_55 : vector<10000x256xf32>
    %swap3A_57 = arith.constant 0 : index
    %swap3A_58 = arith.constant 0 : index
    %swap3A_59 = vector.load %arg11[%swap3A_57, %swap3A_58] : memref<10000x256xf32, #tpu.memory_space<vmem>>, vector<10000x256xf32>
    tpu.vector_store %arg11[%swap3A_57, %swap3A_58], %add3A_56 {strides = array<i32>} : memref<10000x256xf32, #tpu.memory_space<vmem>>, vector<10000x256xf32>,
    %get3A_60 = arith.constant 0 : index
    %get3A_61 = arith.constant 0 : index
    %get3A_62 = vector.load %arg9[%get3A_60, %get3A_61] : memref<256x128xf32, #tpu.memory_space<vmem>>, vector<256x128xf32>
    %dot_general3A_63 = arith.constant dense<0.000000e+00> : vector<10000x128xf32>
    %dot_general3A_64 = tpu.matmul %add3A_46, %get3A_62, %dot_general3A_63 {dimension_numbers = #tpu.dot_dimension_numbers<[1], [0], [0], [1], [0, 0, 1, 1], [], []>, transpose_lhs_hint = false} : vector<10000x256xf32>, vector<256x128xf32>, vector<10000x128xf32> -> vector<10000x128xf32>
    %swap3A_65 = arith.constant 0 : index
    %swap3A_66 = arith.constant 0 : index
    %swap3A_67 = vector.load %arg12[%swap3A_65, %swap3A_66] : memref<10000x128xf32, #tpu.memory_space<vmem>>, vector<10000x128xf32>
    tpu.vector_store %arg12[%swap3A_65, %swap3A_66], %dot_general3A_64 {strides = array<i32>} : memref<10000x128xf32, #tpu.memory_space<vmem>>, vector<10000x128xf32>,
    return
  }
}

module attributes {stable_mosaic.version = 14 : i64} {
  func.func @_edge_e_body(%arg0: i32, %arg1: memref<8192x256xf32, #tpu.memory_space<vmem>>, %arg2: memref<8192x128xf32, #tpu.memory_space<vmem>>, %arg3: memref<1x128xf32, #tpu.memory_space<vmem>>, %arg4: memref<8192x1xf32, #tpu.memory_space<vmem>>) attributes {dimension_semantics = [#tpu.dimension_semantics<arbitrary>], iteration_bounds = array<i64: 20>, scalar_prefetch = 0 : i64, scratch_operands = 0 : i64, tpu.core_type = #tpu.core_type<tc>, window_params = [{transform_indices = @transform_0, window_bounds = array<i64: 8192, 256>}, {transform_indices = @transform_1, window_bounds = array<i64: 8192, 128>}, {pipeline_mode = #tpu.pipeline_mode<synchronous>, transform_indices = @transform_2, window_bounds = array<i64: 1, 128>}, {transform_indices = @transform_3, window_bounds = array<i64: 8192, 1>}]} {
    %get3A = arith.constant 0 : index
    %get3A_0 = arith.constant 0 : index
    %get3A_1 = vector.load %arg1[%get3A, %get3A_0] : memref<8192x256xf32, #tpu.memory_space<vmem>>, vector<8192x256xf32>
    %slice3A = vector.extract_strided_slice %get3A_1 {offsets = [0, 0], sizes = [8192, 128], strides = [1, 1]} : vector<8192x256xf32> to vector<8192x128xf32>
    %get3A_2 = arith.constant 0 : index
    %get3A_3 = arith.constant 0 : index
    %get3A_4 = vector.load %arg2[%get3A_2, %get3A_3] : memref<8192x128xf32, #tpu.memory_space<vmem>>, vector<8192x128xf32>
    %add3A = arith.addf %slice3A, %get3A_4 : vector<8192x128xf32>
    %logistic3A = arith.negf %add3A : vector<8192x128xf32>
    %logistic3A_5 = math.exp %logistic3A : vector<8192x128xf32>
    %logistic3A_6 = arith.constant 1.000000e+00 : f32
    %logistic3A_7 = vector.broadcast %logistic3A_6 : f32 to vector<8192x128xf32>
    %logistic3A_8 = arith.addf %logistic3A_7, %logistic3A_5 : vector<8192x128xf32>
    %logistic3A_9 = arith.divf %logistic3A_7, %logistic3A_8 : vector<8192x128xf32>
    %get3A_10 = arith.constant 0 : index
    %get3A_11 = arith.constant 0 : index
    %get3A_12 = vector.load %arg3[%get3A_10, %get3A_11] : memref<1x128xf32, #tpu.memory_space<vmem>>, vector<1x128xf32>
    %mul3A = vector.broadcast %get3A_12 : vector<1x128xf32> to vector<8192x128xf32>
    %mul3A_13 = arith.mulf %logistic3A_9, %mul3A : vector<8192x128xf32>
    %reduce_sum3A = arith.constant dense<0.000000e+00> : vector<8192xf32>
    %reduce_sum3A_14 = vector.multi_reduction <add>, %mul3A_13, %reduce_sum3A [1] : vector<8192x128xf32> to vector<8192xf32>
    %broadcast_in_dim3A = vector.shape_cast %reduce_sum3A_14 : vector<8192xf32> to vector<8192x1xf32>
    %swap3A = arith.constant 0 : index
    %swap3A_15 = arith.constant 0 : index
    %swap3A_16 = vector.load %arg4[%swap3A, %swap3A_15] : memref<8192x1xf32, #tpu.memory_space<vmem>>, vector<8192x1xf32>
    tpu.vector_store %arg4[%swap3A, %swap3A_15], %broadcast_in_dim3A {strides = array<i32>} : memref<8192x1xf32, #tpu.memory_space<vmem>>, vector<8192x1xf32>,
    return
  }
  func.func @transform_0(%arg0: i32) -> (i32, i32) {
    %c0_i32 = arith.constant 0 : i32
    %c0_i32_0 = arith.constant 0 : i32
    return %arg0, %c0_i32 : i32, i32
  }
  func.func @transform_1(%arg0: i32) -> (i32, i32) {
    %c0_i32 = arith.constant 0 : i32
    %c0_i32_0 = arith.constant 0 : i32
    return %arg0, %c0_i32 : i32, i32
  }
  func.func @transform_2(%arg0: i32) -> (i32, i32) {
    %c0_i32 = arith.constant 0 : i32
    %c0_i32_0 = arith.constant 0 : i32
    %c0_i32_1 = arith.constant 0 : i32
    return %c0_i32, %c0_i32_0 : i32, i32
  }
  func.func @transform_3(%arg0: i32) -> (i32, i32) {
    %c0_i32 = arith.constant 0 : i32
    %c0_i32_0 = arith.constant 0 : i32
    return %arg0, %c0_i32 : i32, i32
  }
}

module attributes {stable_mosaic.version = 14 : i64} {
  func.func @_feat2_body(%arg0: memref<10000x128xf32, #tpu.memory_space<vmem>>, %arg1: memref<1x128xf32, #tpu.memory_space<vmem>>, %arg2: memref<10000x256xf32, #tpu.memory_space<vmem>>, %arg3: memref<10000x384xf32, #tpu.memory_space<vmem>>) attributes {dimension_semantics = [], scalar_prefetch = 0 : i64, scratch_operands = 0 : i64, tpu.core_type = #tpu.core_type<tc>} {
    %get3A = arith.constant 0 : index
    %get3A_0 = arith.constant 0 : index
    %get3A_1 = vector.load %arg0[%get3A, %get3A_0] : memref<10000x128xf32, #tpu.memory_space<vmem>>, vector<10000x128xf32>
    %get3A_2 = arith.constant 0 : index
    %get3A_3 = arith.constant 0 : index
    %get3A_4 = vector.load %arg1[%get3A_2, %get3A_3] : memref<1x128xf32, #tpu.memory_space<vmem>>, vector<1x128xf32>
    %gt3A = arith.constant 0.000000e+00 : f32
    %gt3A_5 = vector.broadcast %gt3A : f32 to vector<10000x128xf32>
    %gt3A_6 = arith.cmpf ogt, %get3A_1, %gt3A_5 : vector<10000x128xf32>
    %mul3A = vector.broadcast %get3A_4 : vector<1x128xf32> to vector<10000x128xf32>
    %mul3A_7 = arith.mulf %mul3A, %get3A_1 : vector<10000x128xf32>
    %select_n3A = arith.select %gt3A_6, %get3A_1, %mul3A_7 : vector<10000x128xi1>, vector<10000x128xf32>
    %get3A_8 = arith.constant 0 : index
    %get3A_9 = arith.constant 0 : index
    %get3A_10 = vector.load %arg2[%get3A_8, %get3A_9] : memref<10000x256xf32, #tpu.memory_space<vmem>>, vector<10000x256xf32>
    %concatenate3A = tpu.concatenate %select_n3A, %get3A_10 in 1 : vector<10000x128xf32>, vector<10000x256xf32> -> vector<10000x384xf32>
    %swap3A = arith.constant 0 : index
    %swap3A_11 = arith.constant 0 : index
    %swap3A_12 = vector.load %arg3[%swap3A, %swap3A_11] : memref<10000x384xf32, #tpu.memory_space<vmem>>, vector<10000x384xf32>
    tpu.vector_store %arg3[%swap3A, %swap3A_11], %concatenate3A {strides = array<i32>} : memref<10000x384xf32, #tpu.memory_space<vmem>>, vector<10000x384xf32>,
    return
  }
}

module attributes {stable_mosaic.version = 14 : i64} {
  func.func @_bn2_body(%arg0: memref<10000x384xf32, #tpu.memory_space<vmem>>, %arg1: memref<1x384xf32, #tpu.memory_space<vmem>>, %arg2: memref<1x384xf32, #tpu.memory_space<vmem>>, %arg3: memref<384x128xf32, #tpu.memory_space<vmem>>, %arg4: memref<10000x384xf32, #tpu.memory_space<vmem>>, %arg5: memref<10000x128xf32, #tpu.memory_space<vmem>>, %arg6: memref<1x384xf32, #tpu.memory_space<vmem>>, %arg7: memref<1x384xf32, #tpu.memory_space<vmem>>) attributes {dimension_semantics = [], scalar_prefetch = 0 : i64, scratch_operands = 0 : i64, tpu.core_type = #tpu.core_type<tc>} {
    %get3A = arith.constant 0 : index
    %get3A_0 = arith.constant 0 : index
    %get3A_1 = vector.load %arg0[%get3A, %get3A_0] : memref<10000x384xf32, #tpu.memory_space<vmem>>, vector<10000x384xf32>
    %reduce_sum3A = arith.constant dense<0.000000e+00> : vector<384xf32>
    %reduce_sum3A_2 = vector.multi_reduction <add>, %get3A_1, %reduce_sum3A [0] : vector<10000x384xf32> to vector<384xf32>
    %broadcast_in_dim3A = vector.shape_cast %reduce_sum3A_2 : vector<384xf32> to vector<1x384xf32>
    %div3A = arith.constant 1.000000e+04 : f32
    %div3A_3 = vector.broadcast %div3A : f32 to vector<1x384xf32>
    %div3A_4 = arith.divf %broadcast_in_dim3A, %div3A_3 : vector<1x384xf32>
    %sub3A = vector.broadcast %div3A_4 : vector<1x384xf32> to vector<10000x384xf32>
    %sub3A_5 = arith.subf %get3A_1, %sub3A : vector<10000x384xf32>
    %integer_pow3A = arith.mulf %sub3A_5, %sub3A_5 : vector<10000x384xf32>
    %reduce_sum3A_6 = arith.constant dense<0.000000e+00> : vector<384xf32>
    %reduce_sum3A_7 = vector.multi_reduction <add>, %integer_pow3A, %reduce_sum3A_6 [0] : vector<10000x384xf32> to vector<384xf32>
    %broadcast_in_dim3A_8 = vector.shape_cast %reduce_sum3A_7 : vector<384xf32> to vector<1x384xf32>
    %div3A_9 = arith.constant 1.000000e+04 : f32
    %div3A_10 = vector.broadcast %div3A_9 : f32 to vector<1x384xf32>
    %div3A_11 = arith.divf %broadcast_in_dim3A_8, %div3A_10 : vector<1x384xf32>
    %add3A = arith.constant 9.99999974E-6 : f32
    %add3A_12 = vector.broadcast %add3A : f32 to vector<1x384xf32>
    %add3A_13 = arith.addf %div3A_11, %add3A_12 : vector<1x384xf32>
    %rsqrt3A = math.rsqrt %add3A_13 : vector<1x384xf32>
    %swap3A = arith.constant 0 : index
    %swap3A_14 = arith.constant 0 : index
    %swap3A_15 = vector.load %arg6[%swap3A, %swap3A_14] : memref<1x384xf32, #tpu.memory_space<vmem>>, vector<1x384xf32>
    tpu.vector_store %arg6[%swap3A, %swap3A_14], %div3A_4 {strides = array<i32>} : memref<1x384xf32, #tpu.memory_space<vmem>>, vector<1x384xf32>,
    %swap3A_16 = arith.constant 0 : index
    %swap3A_17 = arith.constant 0 : index
    %swap3A_18 = vector.load %arg7[%swap3A_16, %swap3A_17] : memref<1x384xf32, #tpu.memory_space<vmem>>, vector<1x384xf32>
    tpu.vector_store %arg7[%swap3A_16, %swap3A_17], %rsqrt3A {strides = array<i32>} : memref<1x384xf32, #tpu.memory_space<vmem>>, vector<1x384xf32>,
    %sub3A_19 = vector.broadcast %div3A_4 : vector<1x384xf32> to vector<10000x384xf32>
    %sub3A_20 = arith.subf %get3A_1, %sub3A_19 : vector<10000x384xf32>
    %mul3A = vector.broadcast %rsqrt3A : vector<1x384xf32> to vector<10000x384xf32>
    %mul3A_21 = arith.mulf %sub3A_20, %mul3A : vector<10000x384xf32>
    %get3A_22 = arith.constant 0 : index
    %get3A_23 = arith.constant 0 : index
    %get3A_24 = vector.load %arg1[%get3A_22, %get3A_23] : memref<1x384xf32, #tpu.memory_space<vmem>>, vector<1x384xf32>
    %mul3A_25 = vector.broadcast %get3A_24 : vector<1x384xf32> to vector<10000x384xf32>
    %mul3A_26 = arith.mulf %mul3A_21, %mul3A_25 : vector<10000x384xf32>
    %get3A_27 = arith.constant 0 : index
    %get3A_28 = arith.constant 0 : index
    %get3A_29 = vector.load %arg2[%get3A_27, %get3A_28] : memref<1x384xf32, #tpu.memory_space<vmem>>, vector<1x384xf32>
    %add3A_30 = vector.broadcast %get3A_29 : vector<1x384xf32> to vector<10000x384xf32>
    %add3A_31 = arith.addf %mul3A_26, %add3A_30 : vector<10000x384xf32>
    %swap3A_32 = arith.constant 0 : index
    %swap3A_33 = arith.constant 0 : index
    %swap3A_34 = vector.load %arg4[%swap3A_32, %swap3A_33] : memref<10000x384xf32, #tpu.memory_space<vmem>>, vector<10000x384xf32>
    tpu.vector_store %arg4[%swap3A_32, %swap3A_33], %add3A_31 {strides = array<i32>} : memref<10000x384xf32, #tpu.memory_space<vmem>>, vector<10000x384xf32>,
    %get3A_35 = arith.constant 0 : index
    %get3A_36 = arith.constant 0 : index
    %get3A_37 = vector.load %arg3[%get3A_35, %get3A_36] : memref<384x128xf32, #tpu.memory_space<vmem>>, vector<384x128xf32>
    %dot_general3A = arith.constant dense<0.000000e+00> : vector<10000x128xf32>
    %dot_general3A_38 = tpu.matmul %add3A_31, %get3A_37, %dot_general3A {dimension_numbers = #tpu.dot_dimension_numbers<[1], [0], [0], [1], [0, 0, 1, 1], [], []>, transpose_lhs_hint = false} : vector<10000x384xf32>, vector<384x128xf32>, vector<10000x128xf32> -> vector<10000x128xf32>
    %swap3A_39 = arith.constant 0 : index
    %swap3A_40 = arith.constant 0 : index
    %swap3A_41 = vector.load %arg5[%swap3A_39, %swap3A_40] : memref<10000x128xf32, #tpu.memory_space<vmem>>, vector<10000x128xf32>
    tpu.vector_store %arg5[%swap3A_39, %swap3A_40], %dot_general3A_38 {strides = array<i32>} : memref<10000x128xf32, #tpu.memory_space<vmem>>, vector<10000x128xf32>,
    return
  }
}

module attributes {stable_mosaic.version = 14 : i64} {
  func.func @_fv_body(%arg0: memref<512x384xf32, #tpu.memory_space<vmem>>, %arg1: memref<1x384xf32, #tpu.memory_space<vmem>>, %arg2: memref<1x384xf32, #tpu.memory_space<vmem>>, %arg3: memref<1x384xf32, #tpu.memory_space<vmem>>, %arg4: memref<1x384xf32, #tpu.memory_space<vmem>>, %arg5: memref<384x128xf32, #tpu.memory_space<vmem>>, %arg6: memref<1x128xf32, #tpu.memory_space<vmem>>, %arg7: memref<512x128xf32, #tpu.memory_space<vmem>>) attributes {dimension_semantics = [], scalar_prefetch = 0 : i64, scratch_operands = 0 : i64, tpu.core_type = #tpu.core_type<tc>} {
    %get3A = arith.constant 0 : index
    %get3A_0 = arith.constant 0 : index
    %get3A_1 = vector.load %arg0[%get3A, %get3A_0] : memref<512x384xf32, #tpu.memory_space<vmem>>, vector<512x384xf32>
    %get3A_2 = arith.constant 0 : index
    %get3A_3 = arith.constant 0 : index
    %get3A_4 = vector.load %arg1[%get3A_2, %get3A_3] : memref<1x384xf32, #tpu.memory_space<vmem>>, vector<1x384xf32>
    %sub3A = vector.broadcast %get3A_4 : vector<1x384xf32> to vector<512x384xf32>
    %sub3A_5 = arith.subf %get3A_1, %sub3A : vector<512x384xf32>
    %get3A_6 = arith.constant 0 : index
    %get3A_7 = arith.constant 0 : index
    %get3A_8 = vector.load %arg2[%get3A_6, %get3A_7] : memref<1x384xf32, #tpu.memory_space<vmem>>, vector<1x384xf32>
    %mul3A = vector.broadcast %get3A_8 : vector<1x384xf32> to vector<512x384xf32>
    %mul3A_9 = arith.mulf %sub3A_5, %mul3A : vector<512x384xf32>
    %get3A_10 = arith.constant 0 : index
    %get3A_11 = arith.constant 0 : index
    %get3A_12 = vector.load %arg3[%get3A_10, %get3A_11] : memref<1x384xf32, #tpu.memory_space<vmem>>, vector<1x384xf32>
    %mul3A_13 = vector.broadcast %get3A_12 : vector<1x384xf32> to vector<512x384xf32>
    %mul3A_14 = arith.mulf %mul3A_9, %mul3A_13 : vector<512x384xf32>
    %get3A_15 = arith.constant 0 : index
    %get3A_16 = arith.constant 0 : index
    %get3A_17 = vector.load %arg4[%get3A_15, %get3A_16] : memref<1x384xf32, #tpu.memory_space<vmem>>, vector<1x384xf32>
    %add3A = vector.broadcast %get3A_17 : vector<1x384xf32> to vector<512x384xf32>
    %add3A_18 = arith.addf %mul3A_14, %add3A : vector<512x384xf32>
    %get3A_19 = arith.constant 0 : index
    %get3A_20 = arith.constant 0 : index
    %get3A_21 = vector.load %arg5[%get3A_19, %get3A_20] : memref<384x128xf32, #tpu.memory_space<vmem>>, vector<384x128xf32>
    %dot_general3A = arith.constant dense<0.000000e+00> : vector<512x128xf32>
    %dot_general3A_22 = tpu.matmul %add3A_18, %get3A_21, %dot_general3A {dimension_numbers = #tpu.dot_dimension_numbers<[1], [0], [0], [1], [0, 0, 1, 1], [], []>, transpose_lhs_hint = false} : vector<512x384xf32>, vector<384x128xf32>, vector<512x128xf32> -> vector<512x128xf32>
    %get3A_23 = arith.constant 0 : index
    %get3A_24 = arith.constant 0 : index
    %get3A_25 = vector.load %arg6[%get3A_23, %get3A_24] : memref<1x128xf32, #tpu.memory_space<vmem>>, vector<1x128xf32>
    %add3A_26 = vector.broadcast %get3A_25 : vector<1x128xf32> to vector<512x128xf32>
    %add3A_27 = arith.addf %dot_general3A_22, %add3A_26 : vector<512x128xf32>
    %swap3A = arith.constant 0 : index
    %swap3A_28 = arith.constant 0 : index
    %swap3A_29 = vector.load %arg7[%swap3A, %swap3A_28] : memref<512x128xf32, #tpu.memory_space<vmem>>, vector<512x128xf32>
    tpu.vector_store %arg7[%swap3A, %swap3A_28], %add3A_27 {strides = array<i32>} : memref<512x128xf32, #tpu.memory_space<vmem>>, vector<512x128xf32>,
    return
  }
}

module attributes {stable_mosaic.version = 14 : i64} {
  func.func @_read_a_body(%arg0: i32, %arg1: memref<2000x128xf32, #tpu.memory_space<vmem>>, %arg2: memref<2000x1xi32, #tpu.memory_space<vmem>>, %arg3: memref<512x128xf32, #tpu.memory_space<vmem>>, %arg4: memref<1x128xf32, #tpu.memory_space<vmem>>, %arg5: memref<2000x1xf32, #tpu.memory_space<vmem>>) attributes {dimension_semantics = [#tpu.dimension_semantics<arbitrary>], iteration_bounds = array<i64: 5>, scalar_prefetch = 0 : i64, scratch_operands = 0 : i64, tpu.core_type = #tpu.core_type<tc>, window_params = [{transform_indices = @transform_0, window_bounds = array<i64: 2000, 128>}, {transform_indices = @transform_1, window_bounds = array<i64: 2000, 1>}, {pipeline_mode = #tpu.pipeline_mode<synchronous>, transform_indices = @transform_2, window_bounds = array<i64: 512, 128>}, {pipeline_mode = #tpu.pipeline_mode<synchronous>, transform_indices = @transform_3, window_bounds = array<i64: 1, 128>}, {transform_indices = @transform_4, window_bounds = array<i64: 2000, 1>}]} {
    %get3A = arith.constant 0 : index
    %get3A_0 = arith.constant 0 : index
    %get3A_1 = vector.load %arg2[%get3A, %get3A_0] : memref<2000x1xi32, #tpu.memory_space<vmem>>, vector<2000x1xi32>
    %iota3A = tpu.iota {dimensions = array<i32: 1>} : vector<2000x512xi32>
    %eq3A = vector.broadcast %get3A_1 : vector<2000x1xi32> to vector<2000x512xi32>
    %eq3A_2 = arith.cmpi eq, %eq3A, %iota3A : vector<2000x512xi32>
    %convert_element_type3A = arith.extui %eq3A_2 : vector<2000x512xi1> to vector<2000x512xi32>
    %convert_element_type3A_3 = arith.sitofp %convert_element_type3A : vector<2000x512xi32> to vector<2000x512xf32>
    %get3A_4 = arith.constant 0 : index
    %get3A_5 = arith.constant 0 : index
    %get3A_6 = vector.load %arg3[%get3A_4, %get3A_5] : memref<512x128xf32, #tpu.memory_space<vmem>>, vector<512x128xf32>
    %dot_general3A = arith.constant dense<0.000000e+00> : vector<2000x128xf32>
    %dot_general3A_7 = tpu.matmul %convert_element_type3A_3, %get3A_6, %dot_general3A {dimension_numbers = #tpu.dot_dimension_numbers<[1], [0], [0], [1], [0, 0, 1, 1], [], []>, transpose_lhs_hint = false} : vector<2000x512xf32>, vector<512x128xf32>, vector<2000x128xf32> -> vector<2000x128xf32>
    %get3A_8 = arith.constant 0 : index
    %get3A_9 = arith.constant 0 : index
    %get3A_10 = vector.load %arg1[%get3A_8, %get3A_9] : memref<2000x128xf32, #tpu.memory_space<vmem>>, vector<2000x128xf32>
    %add3A = arith.addf %get3A_10, %dot_general3A_7 : vector<2000x128xf32>
    %logistic3A = arith.negf %add3A : vector<2000x128xf32>
    %logistic3A_11 = math.exp %logistic3A : vector<2000x128xf32>
    %logistic3A_12 = arith.constant 1.000000e+00 : f32
    %logistic3A_13 = vector.broadcast %logistic3A_12 : f32 to vector<2000x128xf32>
    %logistic3A_14 = arith.addf %logistic3A_13, %logistic3A_11 : vector<2000x128xf32>
    %logistic3A_15 = arith.divf %logistic3A_13, %logistic3A_14 : vector<2000x128xf32>
    %get3A_16 = arith.constant 0 : index
    %get3A_17 = arith.constant 0 : index
    %get3A_18 = vector.load %arg4[%get3A_16, %get3A_17] : memref<1x128xf32, #tpu.memory_space<vmem>>, vector<1x128xf32>
    %mul3A = vector.broadcast %get3A_18 : vector<1x128xf32> to vector<2000x128xf32>
    %mul3A_19 = arith.mulf %logistic3A_15, %mul3A : vector<2000x128xf32>
    %reduce_sum3A = arith.constant dense<0.000000e+00> : vector<2000xf32>
    %reduce_sum3A_20 = vector.multi_reduction <add>, %mul3A_19, %reduce_sum3A [1] : vector<2000x128xf32> to vector<2000xf32>
    %broadcast_in_dim3A = vector.shape_cast %reduce_sum3A_20 : vector<2000xf32> to vector<2000x1xf32>
    %swap3A = arith.constant 0 : index
    %swap3A_21 = arith.constant 0 : index
    %swap3A_22 = vector.load %arg5[%swap3A, %swap3A_21] : memref<2000x1xf32, #tpu.memory_space<vmem>>, vector<2000x1xf32>
    tpu.vector_store %arg5[%swap3A, %swap3A_21], %broadcast_in_dim3A {strides = array<i32>} : memref<2000x1xf32, #tpu.memory_space<vmem>>, vector<2000x1xf32>,
    return
  }
  func.func @transform_0(%arg0: i32) -> (i32, i32) {
    %c0_i32 = arith.constant 0 : i32
    %c0_i32_0 = arith.constant 0 : i32
    return %arg0, %c0_i32 : i32, i32
  }
  func.func @transform_1(%arg0: i32) -> (i32, i32) {
    %c0_i32 = arith.constant 0 : i32
    %c0_i32_0 = arith.constant 0 : i32
    return %arg0, %c0_i32 : i32, i32
  }
  func.func @transform_2(%arg0: i32) -> (i32, i32) {
    %c0_i32 = arith.constant 0 : i32
    %c0_i32_0 = arith.constant 0 : i32
    %c0_i32_1 = arith.constant 0 : i32
    return %c0_i32, %c0_i32_0 : i32, i32
  }
  func.func @transform_3(%arg0: i32) -> (i32, i32) {
    %c0_i32 = arith.constant 0 : i32
    %c0_i32_0 = arith.constant 0 : i32
    %c0_i32_1 = arith.constant 0 : i32
    return %c0_i32, %c0_i32_0 : i32, i32
  }
  func.func @transform_4(%arg0: i32) -> (i32, i32) {
    %c0_i32 = arith.constant 0 : i32
    %c0_i32_0 = arith.constant 0 : i32
    return %arg0, %c0_i32 : i32, i32
  }
}

module attributes {stable_mosaic.version = 14 : i64} {
  func.func @_read_b_body(%arg0: i32, %arg1: memref<2000x1xf32, #tpu.memory_space<vmem>>, %arg2: memref<1xf32, #tpu.memory_space<smem>>, %arg3: memref<2000x1xi32, #tpu.memory_space<vmem>>, %arg4: memref<2000x384xf32, #tpu.memory_space<vmem>>, %arg5: memref<512x384xf32, #tpu.memory_space<vmem>>, %arg6: memref<512x8xf32, #tpu.memory_space<vmem>>) attributes {dimension_semantics = [#tpu.dimension_semantics<arbitrary>], iteration_bounds = array<i64: 5>, scalar_prefetch = 0 : i64, scratch_operands = 0 : i64, tpu.core_type = #tpu.core_type<tc>, window_params = [{transform_indices = @transform_0, window_bounds = array<i64: 2000, 1>}, {transform_indices = @transform_1, window_bounds = array<i64: 1>}, {transform_indices = @transform_2, window_bounds = array<i64: 2000, 1>}, {transform_indices = @transform_3, window_bounds = array<i64: 2000, 384>}, {pipeline_mode = #tpu.pipeline_mode<synchronous>, transform_indices = @transform_4, window_bounds = array<i64: 512, 384>}, {pipeline_mode = #tpu.pipeline_mode<synchronous>, transform_indices = @transform_5, window_bounds = array<i64: 512, 8>}]} {
    %eq3A = arith.constant 0 : i32
    %eq3A_0 = arith.cmpi eq, %arg0, %eq3A : i32
    %convert_element_type3A = arith.extui %eq3A_0 : i1 to i32
    %cond3A = arith.constant 0 : i32
    %cond3A_1 = arith.cmpi ne, %convert_element_type3A, %cond3A : i32
    scf.if %cond3A_1 {
      %broadcast_in_dim3A_34 = arith.constant 0.000000e+00 : f32
      %broadcast_in_dim3A_35 = vector.broadcast %broadcast_in_dim3A_34 : f32 to vector<512x384xf32>
      %swap3A_36 = arith.constant 0 : index
      %swap3A_37 = arith.constant 0 : index
      %swap3A_38 = vector.load %arg5[%swap3A_36, %swap3A_37] : memref<512x384xf32, #tpu.memory_space<vmem>>, vector<512x384xf32>
      tpu.vector_store %arg5[%swap3A_36, %swap3A_37], %broadcast_in_dim3A_35 {strides = array<i32>} : memref<512x384xf32, #tpu.memory_space<vmem>>, vector<512x384xf32>,
      %broadcast_in_dim3A_39 = arith.constant 0.000000e+00 : f32
      %broadcast_in_dim3A_40 = vector.broadcast %broadcast_in_dim3A_39 : f32 to vector<512x8xf32>
      %swap3A_41 = arith.constant 0 : index
      %swap3A_42 = arith.constant 0 : index
      %swap3A_43 = vector.load %arg6[%swap3A_41, %swap3A_42] : memref<512x8xf32, #tpu.memory_space<vmem>>, vector<512x8xf32>
      tpu.vector_store %arg6[%swap3A_41, %swap3A_42], %broadcast_in_dim3A_40 {strides = array<i32>} : memref<512x8xf32, #tpu.memory_space<vmem>>, vector<512x8xf32>,
    } else {
    }
    %get3A = arith.constant 0 : index
    %get3A_2 = arith.constant 0 : index
    %get3A_3 = vector.load %arg1[%get3A, %get3A_2] : memref<2000x1xf32, #tpu.memory_space<vmem>>, vector<2000x1xf32>
    %get3A_4 = arith.constant 0 : index
    %get3A_5 = memref.load %arg2[%get3A_4] : memref<1xf32, #tpu.memory_space<smem>>
    %sub3A = vector.broadcast %get3A_5 : f32 to vector<2000x1xf32>
    %sub3A_6 = arith.subf %get3A_3, %sub3A : vector<2000x1xf32>
    %exp3A = math.exp %sub3A_6 : vector<2000x1xf32>
    %get3A_7 = arith.constant 0 : index
    %get3A_8 = arith.constant 0 : index
    %get3A_9 = vector.load %arg3[%get3A_7, %get3A_8] : memref<2000x1xi32, #tpu.memory_space<vmem>>, vector<2000x1xi32>
    %iota3A = tpu.iota {dimensions = array<i32: 1>} : vector<2000x512xi32>
    %eq3A_10 = vector.broadcast %get3A_9 : vector<2000x1xi32> to vector<2000x512xi32>
    %eq3A_11 = arith.cmpi eq, %eq3A_10, %iota3A : vector<2000x512xi32>
    %convert_element_type3A_12 = arith.extui %eq3A_11 : vector<2000x512xi1> to vector<2000x512xi32>
    %convert_element_type3A_13 = arith.sitofp %convert_element_type3A_12 : vector<2000x512xi32> to vector<2000x512xf32>
    %mul3A = vector.broadcast %exp3A : vector<2000x1xf32> to vector<2000x512xf32>
    %mul3A_14 = arith.mulf %convert_element_type3A_13, %mul3A : vector<2000x512xf32>
    %get3A_15 = arith.constant 0 : index
    %get3A_16 = arith.constant 0 : index
    %get3A_17 = vector.load %arg5[%get3A_15, %get3A_16] : memref<512x384xf32, #tpu.memory_space<vmem>>, vector<512x384xf32>
    %get3A_18 = arith.constant 0 : index
    %get3A_19 = arith.constant 0 : index
    %get3A_20 = vector.load %arg4[%get3A_18, %get3A_19] : memref<2000x384xf32, #tpu.memory_space<vmem>>, vector<2000x384xf32>
    %dot_general3A = arith.constant dense<0.000000e+00> : vector<512x384xf32>
    %dot_general3A_21 = tpu.matmul %mul3A_14, %get3A_20, %dot_general3A {dimension_numbers = #tpu.dot_dimension_numbers<[0], [0], [1], [1], [0, 1, 1, 1], [], []>, transpose_lhs_hint = false} : vector<2000x512xf32>, vector<2000x384xf32>, vector<512x384xf32> -> vector<512x384xf32>
    %add3A = arith.addf %get3A_17, %dot_general3A_21 : vector<512x384xf32>
    %swap3A = arith.constant 0 : index
    %swap3A_22 = arith.constant 0 : index
    %swap3A_23 = vector.load %arg5[%swap3A, %swap3A_22] : memref<512x384xf32, #tpu.memory_space<vmem>>, vector<512x384xf32>
    tpu.vector_store %arg5[%swap3A, %swap3A_22], %add3A {strides = array<i32>} : memref<512x384xf32, #tpu.memory_space<vmem>>, vector<512x384xf32>,
    %get3A_24 = arith.constant 0 : index
    %get3A_25 = arith.constant 0 : index
    %get3A_26 = vector.load %arg6[%get3A_24, %get3A_25] : memref<512x8xf32, #tpu.memory_space<vmem>>, vector<512x8xf32>
    %broadcast_in_dim3A = arith.constant 1.000000e+00 : f32
    %broadcast_in_dim3A_27 = vector.broadcast %broadcast_in_dim3A : f32 to vector<2000x8xf32>
    %dot_general3A_28 = arith.constant dense<0.000000e+00> : vector<512x8xf32>
    %dot_general3A_29 = tpu.matmul %mul3A_14, %broadcast_in_dim3A_27, %dot_general3A_28 {dimension_numbers = #tpu.dot_dimension_numbers<[0], [0], [1], [1], [0, 1, 1, 1], [], []>, transpose_lhs_hint = false} : vector<2000x512xf32>, vector<2000x8xf32>, vector<512x8xf32> -> vector<512x8xf32>
    %add3A_30 = arith.addf %get3A_26, %dot_general3A_29 : vector<512x8xf32>
    %swap3A_31 = arith.constant 0 : index
    %swap3A_32 = arith.constant 0 : index
    %swap3A_33 = vector.load %arg6[%swap3A_31, %swap3A_32] : memref<512x8xf32, #tpu.memory_space<vmem>>, vector<512x8xf32>
    tpu.vector_store %arg6[%swap3A_31, %swap3A_32], %add3A_30 {strides = array<i32>} : memref<512x8xf32, #tpu.memory_space<vmem>>, vector<512x8xf32>,
    return
  }
  func.func @transform_0(%arg0: i32) -> (i32, i32) {
    %c0_i32 = arith.constant 0 : i32
    %c0_i32_0 = arith.constant 0 : i32
    return %arg0, %c0_i32 : i32, i32
  }
  func.func @transform_1(%arg0: i32) -> i32 {
    %c0_i32 = arith.constant 0 : i32
    %c0_i32_0 = arith.constant 0 : i32
    return %c0_i32 : i32
  }
  func.func @transform_2(%arg0: i32) -> (i32, i32) {
    %c0_i32 = arith.constant 0 : i32
    %c0_i32_0 = arith.constant 0 : i32
    return %arg0, %c0_i32 : i32, i32
  }
  func.func @transform_3(%arg0: i32) -> (i32, i32) {
    %c0_i32 = arith.constant 0 : i32
    %c0_i32_0 = arith.constant 0 : i32
    return %arg0, %c0_i32 : i32, i32
  }
  func.func @transform_4(%arg0: i32) -> (i32, i32) {
    %c0_i32 = arith.constant 0 : i32
    %c0_i32_0 = arith.constant 0 : i32
    %c0_i32_1 = arith.constant 0 : i32
    return %c0_i32, %c0_i32_0 : i32, i32
  }
  func.func @transform_5(%arg0: i32) -> (i32, i32) {
    %c0_i32 = arith.constant 0 : i32
    %c0_i32_0 = arith.constant 0 : i32
    %c0_i32_1 = arith.constant 0 : i32
    return %c0_i32, %c0_i32_0 : i32, i32
  }
}

module attributes {stable_mosaic.version = 14 : i64} {
  func.func @_final_body(%arg0: memref<512x384xf32, #tpu.memory_space<vmem>>, %arg1: memref<512x8xf32, #tpu.memory_space<vmem>>, %arg2: memref<384x128xf32, #tpu.memory_space<vmem>>, %arg3: memref<1x128xf32, #tpu.memory_space<vmem>>, %arg4: memref<512x384xf32, #tpu.memory_space<vmem>>, %arg5: memref<512x512xf32, #tpu.memory_space<vmem>>, %arg6: memref<1x512xf32, #tpu.memory_space<vmem>>, %arg7: memref<512x128xf32, #tpu.memory_space<vmem>>, %arg8: memref<512x512xf32, #tpu.memory_space<vmem>>, %arg9: memref<512x128xf32, #tpu.memory_space<vmem>>) attributes {dimension_semantics = [], scalar_prefetch = 0 : i64, scratch_operands = 0 : i64, tpu.core_type = #tpu.core_type<tc>} {
    %get3A = arith.constant 0 : index
    %get3A_0 = arith.constant 0 : index
    %get3A_1 = vector.load %arg1[%get3A, %get3A_0] : memref<512x8xf32, #tpu.memory_space<vmem>>, vector<512x8xf32>
    %slice3A = vector.extract_strided_slice %get3A_1 {offsets = [0, 0], sizes = [512, 1], strides = [1, 1]} : vector<512x8xf32> to vector<512x1xf32>
    %gt3A = arith.constant 0.000000e+00 : f32
    %gt3A_2 = vector.broadcast %gt3A : f32 to vector<512x1xf32>
    %gt3A_3 = arith.cmpf ogt, %slice3A, %gt3A_2 : vector<512x1xf32>
    %get3A_4 = arith.constant 0 : index
    %get3A_5 = arith.constant 0 : index
    %get3A_6 = vector.load %arg0[%get3A_4, %get3A_5] : memref<512x384xf32, #tpu.memory_space<vmem>>, vector<512x384xf32>
    %div3A = vector.broadcast %slice3A : vector<512x1xf32> to vector<512x384xf32>
    %div3A_7 = arith.divf %get3A_6, %div3A : vector<512x384xf32>
    %jit3A = arith.constant 0.000000e+00 : f32
    %broadcast_in_dim3A = vector.shape_cast %gt3A_3 : vector<512x1xi1> to vector<512x1xi1>
    %broadcast_in_dim3A_8 = vector.broadcast %broadcast_in_dim3A : vector<512x1xi1> to vector<512x384xi1>
    %broadcast_in_dim3A_9 = vector.broadcast %jit3A : f32 to vector<512x384xf32>
    %select_n3A = arith.select %broadcast_in_dim3A_8, %div3A_7, %broadcast_in_dim3A_9 : vector<512x384xi1>, vector<512x384xf32>
    %get3A_10 = arith.constant 0 : index
    %get3A_11 = arith.constant 0 : index
    %get3A_12 = vector.load %arg2[%get3A_10, %get3A_11] : memref<384x128xf32, #tpu.memory_space<vmem>>, vector<384x128xf32>
    %dot_general3A = arith.constant dense<0.000000e+00> : vector<512x128xf32>
    %dot_general3A_13 = tpu.matmul %select_n3A, %get3A_12, %dot_general3A {dimension_numbers = #tpu.dot_dimension_numbers<[1], [0], [0], [1], [0, 0, 1, 1], [], []>, transpose_lhs_hint = false} : vector<512x384xf32>, vector<384x128xf32>, vector<512x128xf32> -> vector<512x128xf32>
    %get3A_14 = arith.constant 0 : index
    %get3A_15 = arith.constant 0 : index
    %get3A_16 = vector.load %arg3[%get3A_14, %get3A_15] : memref<1x128xf32, #tpu.memory_space<vmem>>, vector<1x128xf32>
    %gt3A_17 = arith.constant 0.000000e+00 : f32
    %gt3A_18 = vector.broadcast %gt3A_17 : f32 to vector<512x128xf32>
    %gt3A_19 = arith.cmpf ogt, %dot_general3A_13, %gt3A_18 : vector<512x128xf32>
    %mul3A = vector.broadcast %get3A_16 : vector<1x128xf32> to vector<512x128xf32>
    %mul3A_20 = arith.mulf %mul3A, %dot_general3A_13 : vector<512x128xf32>
    %select_n3A_21 = arith.select %gt3A_19, %dot_general3A_13, %mul3A_20 : vector<512x128xi1>, vector<512x128xf32>
    %get3A_22 = arith.constant 0 : index
    %get3A_23 = arith.constant 0 : index
    %get3A_24 = vector.load %arg4[%get3A_22, %get3A_23] : memref<512x384xf32, #tpu.memory_space<vmem>>, vector<512x384xf32>
    %concatenate3A = tpu.concatenate %get3A_24, %select_n3A_21 in 1 : vector<512x384xf32>, vector<512x128xf32> -> vector<512x512xf32>
    %get3A_25 = arith.constant 0 : index
    %get3A_26 = arith.constant 0 : index
    %get3A_27 = vector.load %arg5[%get3A_25, %get3A_26] : memref<512x512xf32, #tpu.memory_space<vmem>>, vector<512x512xf32>
    %dot_general3A_28 = arith.constant dense<0.000000e+00> : vector<512x512xf32>
    %dot_general3A_29 = tpu.matmul %concatenate3A, %get3A_27, %dot_general3A_28 {dimension_numbers = #tpu.dot_dimension_numbers<[1], [0], [0], [1], [0, 0, 1, 1], [], []>, transpose_lhs_hint = false} : vector<512x512xf32>, vector<512x512xf32>, vector<512x512xf32> -> vector<512x512xf32>
    %get3A_30 = arith.constant 0 : index
    %get3A_31 = arith.constant 0 : index
    %get3A_32 = vector.load %arg6[%get3A_30, %get3A_31] : memref<1x512xf32, #tpu.memory_space<vmem>>, vector<1x512xf32>
    %add3A = vector.broadcast %get3A_32 : vector<1x512xf32> to vector<512x512xf32>
    %add3A_33 = arith.addf %dot_general3A_29, %add3A : vector<512x512xf32>
    %swap3A = arith.constant 0 : index
    %swap3A_34 = arith.constant 0 : index
    %swap3A_35 = vector.load %arg8[%swap3A, %swap3A_34] : memref<512x512xf32, #tpu.memory_space<vmem>>, vector<512x512xf32>
    tpu.vector_store %arg8[%swap3A, %swap3A_34], %add3A_33 {strides = array<i32>} : memref<512x512xf32, #tpu.memory_space<vmem>>, vector<512x512xf32>,
    %get3A_36 = arith.constant 0 : index
    %get3A_37 = arith.constant 0 : index
    %get3A_38 = vector.load %arg7[%get3A_36, %get3A_37] : memref<512x128xf32, #tpu.memory_space<vmem>>, vector<512x128xf32>
    %dot_general3A_39 = arith.constant dense<0.000000e+00> : vector<512x128xf32>
    %dot_general3A_40 = tpu.matmul %concatenate3A, %get3A_38, %dot_general3A_39 {dimension_numbers = #tpu.dot_dimension_numbers<[1], [0], [0], [1], [0, 0, 1, 1], [], []>, transpose_lhs_hint = false} : vector<512x512xf32>, vector<512x128xf32>, vector<512x128xf32> -> vector<512x128xf32>
    %swap3A_41 = arith.constant 0 : index
    %swap3A_42 = arith.constant 0 : index
    %swap3A_43 = vector.load %arg9[%swap3A_41, %swap3A_42] : memref<512x128xf32, #tpu.memory_space<vmem>>, vector<512x128xf32>
    tpu.vector_store %arg9[%swap3A_41, %swap3A_42], %dot_general3A_40 {strides = array<i32>} : memref<512x128xf32, #tpu.memory_space<vmem>>, vector<512x128xf32>,
    return
  }
}

</mosaic_0001>

<sc_bundles>
// kernel: gather_offload_async_start.1
scs
__scs_entry_jumppad:
0x0: {  	(pc) =	sbr.rel $0x88, $3  }
0x1: {  	(tag) =	ssettag $0x0;
	lr =	simm.s32 $0x1  }
0x2: {  	[smem:$0x3F7F] =	sst lr;
	_ =	strace $0xD0000000  }
0x3: {  	_ = 	snop  }
0x4: {  	_ = 	snop  }
0x5: {  	_ = 	snop  }
0x6: {  	_ = 	snop  }
0x7: {  	_ = 	snop  }
__scs_overlays_trampoline_lowered:
0x8: {  	[smem:$0x3F8E] =	sst s0  }
0x9: {  	[smem:$0x3F8F] =	sst s1  }
0xa: {  	[smem:$0x3F90] =	sst s2  }
0xb: {  	[smem:$0x3F91] =	sst s3  }
0xc: {  	[smem:$0x3F92] =	sst s4  }
0xd: {  	[smem:$0x3F93] =	sst s5  }
0xe: {  	[smem:$0x3F94] =	sst s6  }
0xf: {  	[smem:$0x3F95] =	sst s7  }
0x10: {  	[smem:$0x3F96] =	sst s8  }
0x11: {  	[smem:$0x3F97] =	sst s9;
	s0 =	simm.s32 @!p0 $0x0  }
0x12: {  	s1 =	sld [smem:$0x3F7D];
	s0 =	simm.s32 @p0 $0x1  }
0x13: {  	[smem:$0x3F98] =	sst s0;
	s0 =	simm.s32 @!p1 $0x0  }
0x14: {  	s2 =	sld [smem:$0x3F7C];
	s0 =	simm.s32 @p1 $0x1  }
0x15: {  	[smem:$0x3F99] =	sst s0;
	s0 =	simm.s32 @!p2 $0x0  }
0x16: {  	s3 =	sld [smem:$0x3FDB];
	s0 =	simm.s32 @p2 $0x1  }
0x17: {  	s4 =	simm.s32 $0x1BF5;
	[smem:$0x3F9B] =	sst s0  }
0x18: {  	s0 =	sld [smem:$0x3F7E];
	_ =	swait.ge [sflag:s4], $0x0  }
0x19: {  	s7 =	sld [smem:$0x3F7F]  }
0x1a: {  	s8 =	sadd.s32 $0xFFFFE003, lr  }
0x1b: {  	s9 =	sadd.s32 $0xFFFFFEF7, lr;
	s5 =	simm.s32 $0xFFFFFFFF;
	p2 =	slt.u32 s8, $0xFFFFF086  }
0x1c: {  	p1 =	slt.u32 s9, $0xF7A;
	s5 =	simm.s32 @!p2 $0x0  }
0x1d: {  	s5 =	simm.s32 @p1 $0x1;
	p0 =	seq.s32 s7, s2  }
0x1e: {  	s7 =	smul.u32 @!p0 $0xF7A, s2;
	p2 =	seq.s32 @!p0 s5, $0x0  }
0x1f: {  	s9 =	smul.u32 $0xF7A, s1;
	s8 =	simm.s32 @!p0 $0x1BF5;
	p2 =	por !p2, p0  }
0x20: {  	[sflag:s8] =	ssyncset.s32 @!p0 $0xFFFFF086;
	s6 =	sadd.s32 @!p0 s3, s7;
	s7 =	simm.s32 @!p0 $0x108  }
0x21: {  	s3 =	sadd.s32 s3, s9;
	s6 =	sadd.s32 @!p0 $0x88, s6;
	s7 =	simm.s32 @p2 $0x1082  }
0x22: {  	[simem:s7], [sflag:s8] =	dma.local @!p0 [hbm:s6], $0xF7A  }
0x23: {  	s9 =	sor.u32 $0xD0000000, s2;
	s6 =	simm.s32 $0x108;
	_ =	swait.ge @!p0 [sflag:s8], $0x0  }
0x24: {  	s3 =	sadd.s32 $0x88, s3;
	s6 =	simm.s32 @!p1 $0x1082;
	[sflag:s4] =	ssyncset.s32 $0xFFFFF086  }
0x25: {  	[simem:s6], [sflag:s4] =	dma.local [hbm:s3], $0xF7A  }
0x26: {  	[smem:$0x3F7F] =	sst s1;
	(tag) =	ssettag s2;
	_ =	strace s9  }
0x27: {  	s1 =	sld [smem:$0x3F8F]  }
0x28: {  	s2 =	sld [smem:$0x3F90]  }
0x29: {  	s4 =	sld [smem:$0x3F92]  }
0x2a: {  	p0 =	seq.s32 s5, $0x0;
	s5 =	sld [smem:$0x3F93]  }
0x2b: {  	s6 =	sld [smem:$0x3F94]  }
0x2c: {  	s7 =	sld [smem:$0x3F95]  }
0x2d: {  	s3 =	simm.s32 $0x108;
	s8 =	sld [smem:$0x3F96]  }
0x2e: {  	s3 =	simm.s32 @!p0 $0x1082;
	s9 =	sld [smem:$0x3F97]  }
0x2f: {  	lr =	sadd.s32 s0, s3;
	s0 =	sld [smem:$0x3F8E]  }
0x30: {  	s3 =	sld [smem:$0x3F91]  }
0x31: {  	[smem:$0x3F9A] =	sst s10  }
0x32: {  	s10 =	sld [smem:$0x3F98];
	_ =	sdelay $0x3  }
0x33: {  	p0 =	seq.s32 s10, $0x1;
	s10 =	sld [smem:$0x3F9A];
	_ =	sdelay $0x3  }
0x34: {  	[smem:$0x3F9A] =	sst s10  }
0x35: {  	s10 =	sld [smem:$0x3F99];
	_ =	sdelay $0x3  }
0x36: {  	p1 =	seq.s32 s10, $0x1;
	s10 =	sld [smem:$0x3F9A];
	_ =	sdelay $0x3  }
0x37: {  	[smem:$0x3F9A] =	sst s10  }
0x38: {  	s10 =	sld [smem:$0x3F9B]  }
0x39: {  	_ = 	snop;
	(pc) =	sbr.ind lr, $3  }
0x3a: {  	_ = 	snop  }
0x3b: {  	_ = 	snop  }
0x3c: {  	p2 =	seq.s32 s10, $0x1;
	s10 =	sld [smem:$0x3F9A]  }
0x3d: {  	_ =	shalt  }
0x3e: {  	_ =	shalt  }
0x3f: {  	_ =	shalt  }
0x40: {  	_ =	shalt  }
0x41: {  	_ =	shalt  }
0x42: {  	_ =	shalt  }
0x43: {  	_ =	shalt  }
0x44: {  	_ =	shalt  }
0x45: {  	_ =	shalt  }
0x46: {  	_ =	shalt  }
0x47: {  	_ =	shalt  }
0x48: {  	_ =	shalt  }
0x49: {  	_ =	shalt  }
0x4a: {  	_ =	shalt  }
0x4b: {  	_ =	shalt  }
0x4c: {  	_ =	shalt  }
0x4d: {  	_ =	shalt  }
0x4e: {  	_ =	shalt  }
0x4f: {  	_ =	shalt  }
0x50: {  	_ =	shalt  }
0x51: {  	_ =	shalt  }
0x52: {  	_ =	shalt  }
0x53: {  	_ =	shalt  }
0x54: {  	_ =	shalt  }
0x55: {  	_ =	shalt  }
0x56: {  	_ =	shalt  }
0x57: {  	_ =	shalt  }
0x58: {  	_ =	shalt  }
0x59: {  	_ =	shalt  }
0x5a: {  	_ =	shalt  }
0x5b: {  	_ =	shalt  }
0x5c: {  	_ =	shalt  }
0x5d: {  	_ =	shalt  }
0x5e: {  	_ =	shalt  }
0x5f: {  	_ =	shalt  }
0x60: {  	_ =	shalt  }
0x61: {  	_ =	shalt  }
0x62: {  	_ =	shalt  }
0x63: {  	_ =	shalt  }
0x64: {  	_ =	shalt  }
0x65: {  	_ =	shalt  }
0x66: {  	_ =	shalt  }
0x67: {  	_ =	shalt  }
0x68: {  	_ =	shalt  }
0x69: {  	_ =	shalt  }
0x6a: {  	_ =	shalt  }
0x6b: {  	_ =	shalt  }
0x6c: {  	_ =	shalt  }
0x6d: {  	_ =	shalt  }
0x6e: {  	_ =	shalt  }
0x6f: {  	_ =	shalt  }
0x70: {  	_ =	shalt  }
0x71: {  	_ =	shalt  }
0x72: {  	_ =	shalt  }
0x73: {  	_ =	shalt  }
0x74: {  	_ =	shalt  }
0x75: {  	_ =	shalt  }
0x76: {  	_ =	shalt  }
0x77: {  	_ =	shalt  }
0x78: {  	_ =	shalt  }
0x79: {  	_ =	shalt  }
0x7a: {  	_ =	shalt  }
0x7b: {  	_ =	shalt  }
0x7c: {  	_ =	shalt  }
0x7d: {  	_ =	shalt  }
0x7e: {  	_ =	shalt  }
0x7f: {  	_ =	shalt  }
0x80: {  	_ =	shalt  }
0x81: {  	_ =	shalt  }
0x82: {  	_ =	shalt  }
0x83: {  	_ =	shalt  }
0x84: {  	_ =	shalt  }
0x85: {  	_ =	shalt  }
0x86: {  	_ =	shalt  }
0x87: {  	_ =	shalt  }
.Lfunc_end0:
.L_simem_size_0:
called_computation.4_lowered:
.L_overlay_start_0:
0x88: {  	s2 =	sld [smem:$0x3FD9]  }
0x89: {  	s3 =	sld [smem:$0x3FFE];
	_ =	sdelay $0x1  }
0x8a: {  	s1 =	srdreg.scid  }
0x8b: {  	s0 =	sand.u32 $0x1, s1  }
0x8c: {  	s16 =	sshll.u32 s0, $0xA;
	s2 =	sadd.s32 s3, s2  }
0x8d: {  	s2 =	sadd.s32 s2, s16  }
0x8e: {  	[smem:$0x3FA6] =	sst s2  }
0x8f: {  	_ = 	snop  }
0x90: {  	(tm) =	ssettm $0x1  }
0x91: {  	s17 =	sld [smem:$0x3FFB];
	_ =	sdelay $0x3  }
0x92: {  	_ =	strace s17  }
0x93: {  	s2 =	sld [smem:$0x3FFC];
	_ =	sdelay $0x3  }
0x94: {  	_ =	strace s2  }
0x95: {  	s2 =	sld [smem:$0x3FFD];
	_ =	sdelay $0x3  }
0x96: {  	_ =	strace s2  }
0x97: {  	_ =	strace $0x8FFFFFFF  }
0x98: {  	s18 =	sld [smem:$0x3FDB];
	_ =	sdelay $0x1  }
0x99: {  	s19 =	simm.s32 $_scs_section_size  }
0x9a: {  	s4 =	simm.s32 $_size__tile_overlayer_lowered;
	s5 =	simm.s32 $_tile_overlayer_lowered  }
0x9b: {  	s22 =	simm.s32 $0x1BFF;
	s21 =	sshll.u32 s5, $0x1;
	s2 =	sadd.s32 s19, s18  }
0x9c: {  	s6 =	simm.s32 $0x0;
	s20 =	sshll.u32 s4, $0x1;
	s4 =	sadd.s32 s21, s2  }
0x9d: {  	[timem:s6], [sflag:s22] =	dma.local [hbm:s4], s20  }
0x9e: {  	_ =	swait.ge [sflag:s22], s20  }
0x9f: {  	s3 =	ssub.s32 $0x0, s20;
	[sflag:s22] =	ssyncset.done $0x0  }
0xa0: {  	[sflag:s22] =	ssyncadd.s32 s3;
	_ =	sdelay $0x1  }
0xa1: {  	s23 =	simm.s32 $0x1B8B  }
0xa2: {  	_ =	swait.ge [sflag:s23], $0x1  }
0xa3: {  	[sflag:s23] =	ssyncset.done $0x0  }
0xa4: {  	s25 =	simm.s32 $0x1B8E;
	s24 =	sld [smem:$0x3FFE];
	[sflag:s23] =	ssyncadd.s32 $0xFFFFFFFF  }
0xa5: {  	s26 =	simm.s32 $execute0_lowered;
	[smem:$0x3FD2] =	sst s25  }
0xa6: {  	s4 =	sshll.u32 s26, $0x1;
	_ =	strace $0x8000004C;
	[dreg:$0x1] =	wrdreg $0xFFFFFFFF  }
0xa7: {  	s28 =	simm.s32 $_size_execute0_lowered;
	s2 =	sadd.s32 s2, s4;
	[dreg:$0x0] =	wrdreg $0x0  }
0xa8: {  	s4 =	sshll.u32 s28, $0x1;
	[dreg:$0x2] =	wrdreg s2  }
0xa9: {  	[dreg:$0x3] =	wrdreg s4  }
0xaa: {  	[dreg:$0x4] =	wrdreg $0xC0  }
0xab: {  	_ =	task [dreg:s6], $0x5FFFF  }
0xac: {  	[dreg:$0x1] =	wrdreg $0xFFFFFFFF  }
0xad: {  	[dreg:$0x0] =	wrdreg $0x60  }
0xae: {  	[dreg:$0x2] =	wrdreg s24  }
0xaf: {  	[dreg:$0x3] =	wrdreg $0xA  }
0xb0: {  	_ =	task.clear_ibuf [dreg:s6], $0x4FFFF;
	_ =	strace $0x9000004C  }
0xb1: {  	s29 =	simm.s32 $0xA;
	_ =	strace $0x8000004E  }
0xb2: {  	_ =	swait.ge [sflag:s29], $0x1  }
0xb3: {  	[sflag:s29] =	ssyncadd.s32 $0xFFFFFFFF  }
0xb4: {  	_ =	strace $0x9000004E  }
0xb5: {  	_ =	sfence  }
0xb6: {  	s30 =	sld [smem:$0x0];
	_ =	sdelay $0x2  }
0xb7: {  	s31 =	sshll.u32 s1, $0xD;
	s1 =	sshrl.u32 s1, $0x2  }
0xb8: {  	s3 =	sand.u32 $0x4000, s31;
	s1 =	sadd.s32 s1, s30  }
0xb9: {  	s0 =	sor.u32 s3, s0;
	s1 =	sshll.u32 s1, $0x11  }
0xba: {  	s0 =	sor.u32 s1, s0  }
0xbb: {  	s0 =	sadd.s32 $0x8F2B, s0  }
0xbc: {  	[sflag:s0] =	ssyncadd.remote.s32 $0x1  }
0xbd: {  	_ =	sfence.sel $0xFFFF  }
0xbe: {  	[dreg:$0x0] =	wrdreg $0xFFFFFFFF;
	(pc) =	sbr.abs _section_cstart, $3  }
0xbf: {  	[dreg:$0x1] =	wrdreg $0xFFFFFFFF  }
0xc0: {  	_ =	task.clear_ibuf [dreg:s6], $0x2FFFF;
	_ =	strace $0x9FFFFFFF  }
0xc1: {  	(tm) =	ssettm $0x7FFFFFFF  }
tec
execute0_lowered:
.L_overlay_start_1:
0x0: {  	(tag) =	ssettag $0x1  }
0x1: {  	s2 =	rddreg [dreg:$0x0]  }
0x2: {  	s0 =	rddreg [dreg:$0x1];
	s1 =	stileid.u32  }
0x3: {  	s3 =	srdreg.scid;
	_ =	strace $0x8000004D;
	s4 =	simm.s32 $0x1  }
0x4: {  	s7 =	simm.s32 $0x1;
	s8 =	simm.s32 $0x1;
	s9 =	simm.s32 $0x3  }
0x5: {  	s10 =	simm.s32 $0x0;
	s5 =	sand.u32 $0x1, s3;
	s6 =	sshll.u32 s1, $0x1  }
0x6: {  	s13 =	simm.s32 $0x0;
	s12 =	simm.s32 $0x0;
	s5 =	sor.u32 s6, s5  }
.Ltmp0:
0x7: {  	[sflag:s4] =	ssyncpa.u1 $0x0;
	p0 =	slt.u32 s5, $0x9;
	(pc) =	sbr.rel .LBB2_1-.Ltmp0, $4  }
0x8: {  	s6 =	simm.s32 $0x2;
	s7 =	simm.s32 @!p0 $0x0;
	p0 =	sne.s32 s5, $0x8  }
0x9: {  	[sflag:s6] =	ssyncpa.u1 $0x0;
	s5 =	smul.u32 $0xFA0, s5;
	s8 =	simm.s32 @!p0 $0x0  }
0xa: {  	s3 =	sadd.s32 $0xA000, s2;
	[sflag:s9] =	ssyncpa.u1 $0x0;
	s7 =	sadd.s32 s8, s7  }
0xb: {  	vm0 =	vmmov $0xffff;
	s8 =	sadd.s32 $0x14600, s2;
	s11 =	smov.u32 s5;
	s9 =	sadd.s32 $0x1, s7  }
.LBB2_4:
0xc: {  	v2 =	vnsel vm1, $0x0, v2  }
0xd: {  	vm1 =	vgt.s32 v0, $0x0;
	v2 =	vmin.u32 v2, $0x270FF  }
0xe: {  	v0 =	vnsel vm1, $0x0, v0  }
0xf: {  	v0 =	vmin.u32 v0, $0x270FF  }
0x10: {  	[tilespmem:s18], [sflag:$0x1] =	stream.indirect_vreg.gather [hbm4b:s2+s10], $0x1, v1, vm0, $0x4038;
	[tilespmem:$0x3E80] =	vst v63  }
0x11: {  	(ifvalue) =	ssetifvalue $0x7FFFFFFF  }
0x12: {  	[tilespmem:s15], [sflag:$0x1] =	stream.indirect_vreg.gather [hbm4b:s2+s10], $0x1, v2, vm0, $0x4038;
	[tilespmem:$0x3E80] =	vst v63  }
0x13: {  	s29 =	sadd.s32 $0x10, s15;
	(ifvalue) =	ssetifvalue $0x7FFFFFFF  }
0x14: {  	[tilespmem:s29], [sflag:$0x1] =	stream.indirect_vreg.gather [hbm4b:s2+s10], $0x1, v0, vm0, $0x4038;
	[tilespmem:$0x3E80] =	vst v63  }
0x15: {  	_ =	swait.ge [sflag:s4], $0xFA0  }
0x16: {  	s30 =	sshrl.u32 s13, $0x3;
	[sflag:s4] =	ssyncset.done $0x0  }
0x17: {  	s31 =	sand.u32 $0x7, s13;
	s15 =	sadd.s32 s8, s30;
	[sflag:s4] =	ssyncadd.s32 $0xFFFFF060  }
0x18: {  	[hbm4b:s15+s31] =	stream.linear.scatter [tilespmem:s14], [sflag:$0x3], $0xFA0, $0x38;
	[tilespmem:$0x3E80] =	vst v63  }
.LBB2_5:
0x19: {  	s15 =	sadd.s32 $0x1F400, s11  }
0x1a: {  	p1 =	sgt.s32 s15, $0x270FF  }
0x1b: {  	s15 =	smov.u32 @p1 s5;
	p1 =	sne.s32 s12, s9  }
.Ltmp1:
0x1c: {  	p0 =	slt.u32 s12, $0x2;
	(pc) =	sbr.rel @!p1 .LBB2_6-.Ltmp1, $4  }
0x1d: {  	s14 =	simm.s32 @!p0 $0x3  }
0x1e: {  	_ =	swait.ge @!p0 [sflag:s14], $0xFA0  }
0x1f: {  	s16 =	sadd.s32 $0x1, s12;
	s13 =	smov.u32 s11;
	[sflag:s14] =	ssyncset.done @!p0 $0x0  }
0x20: {  	s12 =	smov.u32 s16;
	s11 =	smov.u32 s15;
	[sflag:s14] =	ssyncadd.s32 @!p0 $0xFFFFF060  }
.LBB2_1:
0x21: {  	p0 =	sge.u32 s12, s7  }
0x22: {  	s14 =	sxor.u32 @!p0 $0x1, s12  }
0x23: {  	s14 =	smul.u32 @!p0 $0x3E80, s14  }
0x24: {  	s31 =	sadd.s32 $0xFFFFFFFF, s12;
	s15 =	sshrl.u32 @!p0 s11, $0x3  }
0x25: {  	s16 =	sand.u32 @!p0 $0x7, s11;
	s15 =	sadd.s32 @!p0 s3, s15;
	s14 =	sshra.s32 @!p0 s14, $0x2  }
0x26: {  	[tilespmem:s14], [sflag:$0x2] =	stream.linear.gather @!p0 [hbm4b:s15+s16], $0xFA0, $0x38;
	[tilespmem:$0x3E80] =	vst v63  }
0x27: {  	p0 =	sge.u32 s31, s7  }
.Ltmp2:
0x28: {  	_ = 	snop;
	(pc) =	sbr.rel @p0 .LBB2_5-.Ltmp2, $1  }
0x29: {  	_ =	sdelay $0x3  }
0x2a: {  	s14 =	sand.u32 $0x1, s12  }
0x2b: {  	_ =	swait.ge [sflag:s6], $0xFA0;
	p0 =	seq.s32 s14, $0x1;
	s14 =	simm.s32 $0xFA0  }
0x2c: {  	[sflag:s6] =	ssyncset.done $0x0;
	s14 =	simm.s32 @!p0 $0x0  }
0x2d: {  	[sflag:s6] =	ssyncadd.s32 $0xFFFFF060;
	(ifvalue) =	ssetifvalue $0x7FFFFFFF;
	v0 =	vld.msk [tilespmem:s14+$0x0 ss:$0x1], $0xffff;
	_ =	sdelay $0x4  }
0x2e: {  	s15 =	sadd.s32 $0x10, s14;
	vm1 =	vgt.s32 v0, $0x0  }
0x2f: {  	v2 =	vld.msk [tilespmem:s15+$0x0 ss:$0x1], $0xffff;
	v1 =	vnsel vm1, $0x0, v0  }
0x30: {  	v1 =	vmin.u32 v1, $0x270FF;
	_ =	sdelay $0x2  }
0x31: {  	s17 =	simm.s32 $0x20;
	s14 =	sadd.s32 $0x1F40, s14;
	s16 =	sadd.s32 $0x10, s15  }
0x32: {  	s15 =	sadd.s32 $0x10, s14;
	s18 =	smov.u32 s14;
	v0 =	vld.msk [tilespmem:s16+$0x0 ss:$0x1], $0xffff;
	vm1 =	vgt.s32 v2, $0x0;
	(ifvalue) =	ssetifvalue $0x7FFFFFFF  }
.LBB2_3:
0x33: {  	[tilespmem:s18], [sflag:$0x1] =	stream.indirect_vreg.gather [hbm4b:s2+s10], $0x1, v1, vm0, $0x4038;
	[tilespmem:$0x3E80] =	vst v63  }
0x34: {  	s17 =	sadd.s32 $0x10, s17  }
0x35: {  	v2 =	vnsel vm1, $0x0, v2;
	p0 =	slt.u32 s17, $0xF90  }
.Ltmp3:
0x36: {  	s18 =	smov.u32 s15;
	v1 =	vmin.u32 v2, $0x270FF;
	(pc) =	sbr.rel @p0 .LBB2_3-.Ltmp3, $3  }
0x37: {  	_ =	sdelay $0x1  }
0x38: {  	s16 =	sadd.s32 $0x10, s16  }
0x39: {  	vm1 =	vgt.s32 v0, $0x0;
	s15 =	sadd.s32 $0x10, s15;
	v2 =	vmov v0;
	(ifvalue) =	ssetifvalue $0x7FFFFFFF;
	v0 =	vld.msk [tilespmem:s16+$0x0 ss:$0x1], $0xffff  }
.Ltmp4:
0x3a: {  	_ = 	snop;
	(pc) =	sbr.rel .LBB2_4-.Ltmp4, $1  }
0x3b: {  	_ =	sdelay $0x3  }
.LBB2_6:
0x3c: {  	_ =	sfence.sel $0x180000  }
0x3d: {  	s2 =	simm.s32 $0x2;
	[bflag:$0x0] =	sbarrier.arrive $0xFFFF  }
0x3e: {  	s30 =	simm.s32 $0x3;
	[sflag:s2] =	ssyncpa.u1 $0x1  }
0x3f: {  	s31 =	simm.s32 $0x1;
	[sflag:s30] =	ssyncpa.u1 $0x1  }
0x40: {  	[sflag:s31] =	ssyncpa.u1 $0x1  }
0x41: {  	p0 =	sne.s32 s1, $0x0;
	_ =	strace $0x9000004D  }
0x42: {  	s0 =	sadd.s32 @!p0 $0x100000, s0;
	[bflag:$0x2] =	sbarrier.arrive $0xFFFF  }
0x43: {  	[sflag:s0] =	ssyncadd.tile.s32 @!p0 $0x1;
	_ =	shalt  }
.Lfunc_end2:
_tile_overlayer_lowered:
.L_overlay_start_2:
0x44: {  	(tag) =	ssettag $0x2  }
0x45: {  	s0 =	rddreg [dreg:$0x0];
	s2 =	stileid.u32  }
0x46: {  	s1 =	rddreg [dreg:$0x1];
	p0 =	sne.s32 s2, $0x0  }
0x47: {  	s3 =	rddreg [dreg:$0x2];
	[bflag:$0x3] =	sbarrier.arrive $0xFFFF;
	s2 =	simm.s32 @!p0 $0x1C01  }
0x48: {  	[timem:s3], [sflag:s2] =	dma.local @!p0 [hbm:s0], s1  }
0x49: {  	s0 =	simm.s32 @!p0 $0x1  }
0x4a: {  	_ =	swait.ge @!p0 [sflag:s0], s1  }
0x4b: {  	s1 =	ssub.s32 @!p0 $0x0, s1;
	[sflag:s0] =	ssyncset.done @!p0 $0x0  }
0x4c: {  	[sflag:s0] =	ssyncadd.s32 @!p0 s1  }
0x4d: {  	[bflag:$0x3] =	sbarrier.arrive $0xFFFF  }
0x4e: {  	_ =	shalt  }

// kernel: gather_offload_async_start.2
scs
__scs_entry_jumppad:
0x0: {  	(pc) =	sbr.rel $0x88, $3  }
0x1: {  	(tag) =	ssettag $0x0;
	lr =	simm.s32 $0x1  }
0x2: {  	[smem:$0x3F7F] =	sst lr;
	_ =	strace $0xD0000000  }
0x3: {  	_ = 	snop  }
0x4: {  	_ = 	snop  }
0x5: {  	_ = 	snop  }
0x6: {  	_ = 	snop  }
0x7: {  	_ = 	snop  }
__scs_overlays_trampoline_lowered:
0x8: {  	[smem:$0x3F8E] =	sst s0  }
0x9: {  	[smem:$0x3F8F] =	sst s1  }
0xa: {  	[smem:$0x3F90] =	sst s2  }
0xb: {  	[smem:$0x3F91] =	sst s3  }
0xc: {  	[smem:$0x3F92] =	sst s4  }
0xd: {  	[smem:$0x3F93] =	sst s5  }
0xe: {  	[smem:$0x3F94] =	sst s6  }
0xf: {  	[smem:$0x3F95] =	sst s7  }
0x10: {  	[smem:$0x3F96] =	sst s8  }
0x11: {  	[smem:$0x3F97] =	sst s9;
	s0 =	simm.s32 @!p0 $0x0  }
0x12: {  	s1 =	sld [smem:$0x3F7D];
	s0 =	simm.s32 @p0 $0x1  }
0x13: {  	[smem:$0x3F98] =	sst s0;
	s0 =	simm.s32 @!p1 $0x0  }
0x14: {  	s2 =	sld [smem:$0x3F7C];
	s0 =	simm.s32 @p1 $0x1  }
0x15: {  	[smem:$0x3F99] =	sst s0;
	s0 =	simm.s32 @!p2 $0x0  }
0x16: {  	s3 =	sld [smem:$0x3FDB];
	s0 =	simm.s32 @p2 $0x1  }
0x17: {  	s4 =	simm.s32 $0x1BF5;
	[smem:$0x3F9B] =	sst s0  }
0x18: {  	s0 =	sld [smem:$0x3F7E];
	_ =	swait.ge [sflag:s4], $0x0  }
0x19: {  	s7 =	sld [smem:$0x3F7F]  }
0x1a: {  	s8 =	sadd.s32 $0xFFFFE003, lr  }
0x1b: {  	s9 =	sadd.s32 $0xFFFFFEF7, lr;
	s5 =	simm.s32 $0xFFFFFFFF;
	p2 =	slt.u32 s8, $0xFFFFF086  }
0x1c: {  	p1 =	slt.u32 s9, $0xF7A;
	s5 =	simm.s32 @!p2 $0x0  }
0x1d: {  	s5 =	simm.s32 @p1 $0x1;
	p0 =	seq.s32 s7, s2  }
0x1e: {  	s7 =	smul.u32 @!p0 $0xF7A, s2;
	p2 =	seq.s32 @!p0 s5, $0x0  }
0x1f: {  	s9 =	smul.u32 $0xF7A, s1;
	s8 =	simm.s32 @!p0 $0x1BF5;
	p2 =	por !p2, p0  }
0x20: {  	[sflag:s8] =	ssyncset.s32 @!p0 $0xFFFFF086;
	s6 =	sadd.s32 @!p0 s3, s7;
	s7 =	simm.s32 @!p0 $0x108  }
0x21: {  	s3 =	sadd.s32 s3, s9;
	s6 =	sadd.s32 @!p0 $0x88, s6;
	s7 =	simm.s32 @p2 $0x1082  }
0x22: {  	[simem:s7], [sflag:s8] =	dma.local @!p0 [hbm:s6], $0xF7A  }
0x23: {  	s9 =	sor.u32 $0xD0000000, s2;
	s6 =	simm.s32 $0x108;
	_ =	swait.ge @!p0 [sflag:s8], $0x0  }
0x24: {  	s3 =	sadd.s32 $0x88, s3;
	s6 =	simm.s32 @!p1 $0x1082;
	[sflag:s4] =	ssyncset.s32 $0xFFFFF086  }
0x25: {  	[simem:s6], [sflag:s4] =	dma.local [hbm:s3], $0xF7A  }
0x26: {  	[smem:$0x3F7F] =	sst s1;
	(tag) =	ssettag s2;
	_ =	strace s9  }
0x27: {  	s1 =	sld [smem:$0x3F8F]  }
0x28: {  	s2 =	sld [smem:$0x3F90]  }
0x29: {  	s4 =	sld [smem:$0x3F92]  }
0x2a: {  	p0 =	seq.s32 s5, $0x0;
	s5 =	sld [smem:$0x3F93]  }
0x2b: {  	s6 =	sld [smem:$0x3F94]  }
0x2c: {  	s7 =	sld [smem:$0x3F95]  }
0x2d: {  	s3 =	simm.s32 $0x108;
	s8 =	sld [smem:$0x3F96]  }
0x2e: {  	s3 =	simm.s32 @!p0 $0x1082;
	s9 =	sld [smem:$0x3F97]  }
0x2f: {  	lr =	sadd.s32 s0, s3;
	s0 =	sld [smem:$0x3F8E]  }
0x30: {  	s3 =	sld [smem:$0x3F91]  }
0x31: {  	[smem:$0x3F9A] =	sst s10  }
0x32: {  	s10 =	sld [smem:$0x3F98];
	_ =	sdelay $0x3  }
0x33: {  	p0 =	seq.s32 s10, $0x1;
	s10 =	sld [smem:$0x3F9A];
	_ =	sdelay $0x3  }
0x34: {  	[smem:$0x3F9A] =	sst s10  }
0x35: {  	s10 =	sld [smem:$0x3F99];
	_ =	sdelay $0x3  }
0x36: {  	p1 =	seq.s32 s10, $0x1;
	s10 =	sld [smem:$0x3F9A];
	_ =	sdelay $0x3  }
0x37: {  	[smem:$0x3F9A] =	sst s10  }
0x38: {  	s10 =	sld [smem:$0x3F9B]  }
0x39: {  	_ = 	snop;
	(pc) =	sbr.ind lr, $3  }
0x3a: {  	_ = 	snop  }
0x3b: {  	_ = 	snop  }
0x3c: {  	p2 =	seq.s32 s10, $0x1;
	s10 =	sld [smem:$0x3F9A]  }
0x3d: {  	_ =	shalt  }
0x3e: {  	_ =	shalt  }
0x3f: {  	_ =	shalt  }
0x40: {  	_ =	shalt  }
0x41: {  	_ =	shalt  }
0x42: {  	_ =	shalt  }
0x43: {  	_ =	shalt  }
0x44: {  	_ =	shalt  }
0x45: {  	_ =	shalt  }
0x46: {  	_ =	shalt  }
0x47: {  	_ =	shalt  }
0x48: {  	_ =	shalt  }
0x49: {  	_ =	shalt  }
0x4a: {  	_ =	shalt  }
0x4b: {  	_ =	shalt  }
0x4c: {  	_ =	shalt  }
0x4d: {  	_ =	shalt  }
0x4e: {  	_ =	shalt  }
0x4f: {  	_ =	shalt  }
0x50: {  	_ =	shalt  }
0x51: {  	_ =	shalt  }
0x52: {  	_ =	shalt  }
0x53: {  	_ =	shalt  }
0x54: {  	_ =	shalt  }
0x55: {  	_ =	shalt  }
0x56: {  	_ =	shalt  }
0x57: {  	_ =	shalt  }
0x58: {  	_ =	shalt  }
0x59: {  	_ =	shalt  }
0x5a: {  	_ =	shalt  }
0x5b: {  	_ =	shalt  }
0x5c: {  	_ =	shalt  }
0x5d: {  	_ =	shalt  }
0x5e: {  	_ =	shalt  }
0x5f: {  	_ =	shalt  }
0x60: {  	_ =	shalt  }
0x61: {  	_ =	shalt  }
0x62: {  	_ =	shalt  }
0x63: {  	_ =	shalt  }
0x64: {  	_ =	shalt  }
0x65: {  	_ =	shalt  }
0x66: {  	_ =	shalt  }
0x67: {  	_ =	shalt  }
0x68: {  	_ =	shalt  }
0x69: {  	_ =	shalt  }
0x6a: {  	_ =	shalt  }
0x6b: {  	_ =	shalt  }
0x6c: {  	_ =	shalt  }
0x6d: {  	_ =	shalt  }
0x6e: {  	_ =	shalt  }
0x6f: {  	_ =	shalt  }
0x70: {  	_ =	shalt  }
0x71: {  	_ =	shalt  }
0x72: {  	_ =	shalt  }
0x73: {  	_ =	shalt  }
0x74: {  	_ =	shalt  }
0x75: {  	_ =	shalt  }
0x76: {  	_ =	shalt  }
0x77: {  	_ =	shalt  }
0x78: {  	_ =	shalt  }
0x79: {  	_ =	shalt  }
0x7a: {  	_ =	shalt  }
0x7b: {  	_ =	shalt  }
0x7c: {  	_ =	shalt  }
0x7d: {  	_ =	shalt  }
0x7e: {  	_ =	shalt  }
0x7f: {  	_ =	shalt  }
0x80: {  	_ =	shalt  }
0x81: {  	_ =	shalt  }
0x82: {  	_ =	shalt  }
0x83: {  	_ =	shalt  }
0x84: {  	_ =	shalt  }
0x85: {  	_ =	shalt  }
0x86: {  	_ =	shalt  }
0x87: {  	_ =	shalt  }
.Lfunc_end0:
.L_simem_size_0:
called_computation.5_lowered:
.L_overlay_start_0:
0x88: {  	s2 =	sld [smem:$0x3FD9]  }
0x89: {  	s3 =	sld [smem:$0x3FFE];
	_ =	sdelay $0x1  }
0x8a: {  	s1 =	srdreg.scid  }
0x8b: {  	s0 =	sand.u32 $0x1, s1  }
0x8c: {  	s16 =	sshll.u32 s0, $0xA;
	s2 =	sadd.s32 s3, s2  }
0x8d: {  	s2 =	sadd.s32 s2, s16  }
0x8e: {  	[smem:$0x3FA6] =	sst s2  }
0x8f: {  	_ = 	snop  }
0x90: {  	(tm) =	ssettm $0x1  }
0x91: {  	s17 =	sld [smem:$0x3FFB];
	_ =	sdelay $0x3  }
0x92: {  	_ =	strace s17  }
0x93: {  	s2 =	sld [smem:$0x3FFC];
	_ =	sdelay $0x3  }
0x94: {  	_ =	strace s2  }
0x95: {  	s2 =	sld [smem:$0x3FFD];
	_ =	sdelay $0x3  }
0x96: {  	_ =	strace s2  }
0x97: {  	_ =	strace $0x8FFFFFFF  }
0x98: {  	s18 =	sld [smem:$0x3FDB];
	_ =	sdelay $0x1  }
0x99: {  	s19 =	simm.s32 $_scs_section_size  }
0x9a: {  	s4 =	simm.s32 $_size__tile_overlayer_lowered;
	s5 =	simm.s32 $_tile_overlayer_lowered  }
0x9b: {  	s22 =	simm.s32 $0x1BFF;
	s21 =	sshll.u32 s5, $0x1;
	s2 =	sadd.s32 s19, s18  }
0x9c: {  	s6 =	simm.s32 $0x0;
	s20 =	sshll.u32 s4, $0x1;
	s4 =	sadd.s32 s21, s2  }
0x9d: {  	[timem:s6], [sflag:s22] =	dma.local [hbm:s4], s20  }
0x9e: {  	_ =	swait.ge [sflag:s22], s20  }
0x9f: {  	s3 =	ssub.s32 $0x0, s20;
	[sflag:s22] =	ssyncset.done $0x0  }
0xa0: {  	[sflag:s22] =	ssyncadd.s32 s3;
	_ =	sdelay $0x1  }
0xa1: {  	s23 =	simm.s32 $0x1B8B  }
0xa2: {  	_ =	swait.ge [sflag:s23], $0x1  }
0xa3: {  	[sflag:s23] =	ssyncset.done $0x0  }
0xa4: {  	s25 =	simm.s32 $0x1B8E;
	s24 =	sld [smem:$0x3FFE];
	[sflag:s23] =	ssyncadd.s32 $0xFFFFFFFF  }
0xa5: {  	s26 =	simm.s32 $execute0_lowered;
	[smem:$0x3FD2] =	sst s25  }
0xa6: {  	s4 =	sshll.u32 s26, $0x1;
	_ =	strace $0x80000046;
	[dreg:$0x1] =	wrdreg $0xFFFFFFFF  }
0xa7: {  	s28 =	simm.s32 $_size_execute0_lowered;
	s2 =	sadd.s32 s2, s4;
	[dreg:$0x0] =	wrdreg $0x0  }
0xa8: {  	s4 =	sshll.u32 s28, $0x1;
	[dreg:$0x2] =	wrdreg s2  }
0xa9: {  	[dreg:$0x3] =	wrdreg s4  }
0xaa: {  	[dreg:$0x4] =	wrdreg $0xC0  }
0xab: {  	_ =	task [dreg:s6], $0x5FFFF  }
0xac: {  	[dreg:$0x1] =	wrdreg $0xFFFFFFFF  }
0xad: {  	[dreg:$0x0] =	wrdreg $0x60  }
0xae: {  	[dreg:$0x2] =	wrdreg s24  }
0xaf: {  	[dreg:$0x3] =	wrdreg $0x9  }
0xb0: {  	_ =	task.clear_ibuf [dreg:s6], $0x4FFFF;
	_ =	strace $0x90000046  }
0xb1: {  	s29 =	simm.s32 $0x9;
	_ =	strace $0x80000048  }
0xb2: {  	_ =	swait.ge [sflag:s29], $0x1  }
0xb3: {  	[sflag:s29] =	ssyncadd.s32 $0xFFFFFFFF  }
0xb4: {  	_ =	strace $0x90000048  }
0xb5: {  	_ =	sfence  }
0xb6: {  	s30 =	sld [smem:$0x0];
	_ =	sdelay $0x2  }
0xb7: {  	s31 =	sshll.u32 s1, $0xD;
	s1 =	sshrl.u32 s1, $0x2  }
0xb8: {  	s3 =	sand.u32 $0x4000, s31;
	s1 =	sadd.s32 s1, s30  }
0xb9: {  	s0 =	sor.u32 s3, s0;
	s1 =	sshll.u32 s1, $0x11  }
0xba: {  	s0 =	sor.u32 s1, s0  }
0xbb: {  	s0 =	sadd.s32 $0x8F2B, s0  }
0xbc: {  	[sflag:s0] =	ssyncadd.remote.s32 $0x1  }
0xbd: {  	_ =	sfence.sel $0xFFFF  }
0xbe: {  	[dreg:$0x0] =	wrdreg $0xFFFFFFFF;
	(pc) =	sbr.abs _section_cstart, $3  }
0xbf: {  	[dreg:$0x1] =	wrdreg $0xFFFFFFFF  }
0xc0: {  	_ =	task.clear_ibuf [dreg:s6], $0x2FFFF;
	_ =	strace $0x9FFFFFFF  }
0xc1: {  	(tm) =	ssettm $0x7FFFFFFF  }
tec
execute0_lowered:
.L_overlay_start_1:
0x0: {  	(tag) =	ssettag $0x1  }
0x1: {  	s8 =	rddreg [dreg:$0x0]  }
0x2: {  	s0 =	rddreg [dreg:$0x1];
	_ =	strace $0x80000047;
	s1 =	stileid.u32  }
0x3: {  	s3 =	srdreg.scid;
	s4 =	simm.s32 $0x1;
	s7 =	simm.s32 $0x1  }
0x4: {  	s9 =	simm.s32 $0x1;
	s10 =	simm.s32 $0x3;
	s13 =	simm.s32 $0x0  }
0x5: {  	s12 =	simm.s32 $0x0;
	s5 =	sand.u32 $0x1, s3;
	s6 =	sshll.u32 s1, $0x1  }
0x6: {  	s2 =	sadd.s32 $0x5000, s8;
	s3 =	sadd.s32 $0xA000, s8;
	s5 =	sor.u32 s6, s5  }
.Ltmp0:
0x7: {  	[sflag:s4] =	ssyncpa.u1 $0x0;
	p0 =	slt.u32 s5, $0x9;
	(pc) =	sbr.rel .LBB2_1-.Ltmp0, $4  }
0x8: {  	s6 =	simm.s32 $0x2;
	s7 =	simm.s32 @!p0 $0x0;
	p0 =	sne.s32 s5, $0x8  }
0x9: {  	[sflag:s6] =	ssyncpa.u1 $0x0;
	s5 =	smul.u32 $0xFA0, s5;
	s9 =	simm.s32 @!p0 $0x0  }
0xa: {  	s8 =	sadd.s32 $0xF600, s8;
	[sflag:s10] =	ssyncpa.u1 $0x0;
	s7 =	sadd.s32 s9, s7  }
0xb: {  	vm0 =	vmmov $0xffff;
	s10 =	simm.s32 $0x0;
	s11 =	smov.u32 s5;
	s9 =	sadd.s32 $0x1, s7  }
.LBB2_4:
0xc: {  	v2 =	vnsel vm1, $0x0, v2  }
0xd: {  	vm1 =	vgt.s32 v0, $0x0;
	v2 =	vmin.u32 v2, $0x270FF  }
0xe: {  	v0 =	vnsel vm1, $0x0, v0  }
0xf: {  	v0 =	vmin.u32 v0, $0x270FF  }
0x10: {  	[tilespmem:s18], [sflag:$0x1] =	stream.indirect_vreg.gather [hbm4b:s2+s10], $0x1, v1, vm0, $0x4038;
	[tilespmem:$0x3E80] =	vst v63  }
0x11: {  	(ifvalue) =	ssetifvalue $0x7FFFFFFF  }
0x12: {  	[tilespmem:s15], [sflag:$0x1] =	stream.indirect_vreg.gather [hbm4b:s2+s10], $0x1, v2, vm0, $0x4038;
	[tilespmem:$0x3E80] =	vst v63  }
0x13: {  	s29 =	sadd.s32 $0x10, s15;
	(ifvalue) =	ssetifvalue $0x7FFFFFFF  }
0x14: {  	[tilespmem:s29], [sflag:$0x1] =	stream.indirect_vreg.gather [hbm4b:s2+s10], $0x1, v0, vm0, $0x4038;
	[tilespmem:$0x3E80] =	vst v63  }
0x15: {  	_ =	swait.ge [sflag:s4], $0xFA0  }
0x16: {  	s30 =	sshrl.u32 s13, $0x3;
	[sflag:s4] =	ssyncset.done $0x0  }
0x17: {  	s31 =	sand.u32 $0x7, s13;
	s15 =	sadd.s32 s8, s30;
	[sflag:s4] =	ssyncadd.s32 $0xFFFFF060  }
0x18: {  	[hbm4b:s15+s31] =	stream.linear.scatter [tilespmem:s14], [sflag:$0x3], $0xFA0, $0x38;
	[tilespmem:$0x3E80] =	vst v63  }
.LBB2_5:
0x19: {  	s15 =	sadd.s32 $0x1F400, s11  }
0x1a: {  	p1 =	sgt.s32 s15, $0x270FF  }
0x1b: {  	s15 =	smov.u32 @p1 s5;
	p1 =	sne.s32 s12, s9  }
.Ltmp1:
0x1c: {  	p0 =	slt.u32 s12, $0x2;
	(pc) =	sbr.rel @!p1 .LBB2_6-.Ltmp1, $4  }
0x1d: {  	s14 =	simm.s32 @!p0 $0x3  }
0x1e: {  	_ =	swait.ge @!p0 [sflag:s14], $0xFA0  }
0x1f: {  	s16 =	sadd.s32 $0x1, s12;
	s13 =	smov.u32 s11;
	[sflag:s14] =	ssyncset.done @!p0 $0x0  }
0x20: {  	s12 =	smov.u32 s16;
	s11 =	smov.u32 s15;
	[sflag:s14] =	ssyncadd.s32 @!p0 $0xFFFFF060  }
.LBB2_1:
0x21: {  	p0 =	sge.u32 s12, s7  }
0x22: {  	s14 =	sxor.u32 @!p0 $0x1, s12  }
0x23: {  	s14 =	smul.u32 @!p0 $0x3E80, s14  }
0x24: {  	s31 =	sadd.s32 $0xFFFFFFFF, s12;
	s15 =	sshrl.u32 @!p0 s11, $0x3  }
0x25: {  	s16 =	sand.u32 @!p0 $0x7, s11;
	s15 =	sadd.s32 @!p0 s3, s15;
	s14 =	sshra.s32 @!p0 s14, $0x2  }
0x26: {  	[tilespmem:s14], [sflag:$0x2] =	stream.linear.gather @!p0 [hbm4b:s15+s16], $0xFA0, $0x38;
	[tilespmem:$0x3E80] =	vst v63  }
0x27: {  	p0 =	sge.u32 s31, s7  }
.Ltmp2:
0x28: {  	_ = 	snop;
	(pc) =	sbr.rel @p0 .LBB2_5-.Ltmp2, $1  }
0x29: {  	_ =	sdelay $0x3  }
0x2a: {  	s14 =	sand.u32 $0x1, s12  }
0x2b: {  	_ =	swait.ge [sflag:s6], $0xFA0;
	p0 =	seq.s32 s14, $0x1;
	s14 =	simm.s32 $0xFA0  }
0x2c: {  	[sflag:s6] =	ssyncset.done $0x0;
	s14 =	simm.s32 @!p0 $0x0  }
0x2d: {  	[sflag:s6] =	ssyncadd.s32 $0xFFFFF060;
	(ifvalue) =	ssetifvalue $0x7FFFFFFF;
	v0 =	vld.msk [tilespmem:s14+$0x0 ss:$0x1], $0xffff;
	_ =	sdelay $0x4  }
0x2e: {  	s15 =	sadd.s32 $0x10, s14;
	vm1 =	vgt.s32 v0, $0x0  }
0x2f: {  	v2 =	vld.msk [tilespmem:s15+$0x0 ss:$0x1], $0xffff;
	v1 =	vnsel vm1, $0x0, v0  }
0x30: {  	v1 =	vmin.u32 v1, $0x270FF;
	_ =	sdelay $0x2  }
0x31: {  	s17 =	simm.s32 $0x20;
	s14 =	sadd.s32 $0x1F40, s14;
	s16 =	sadd.s32 $0x10, s15  }
0x32: {  	s15 =	sadd.s32 $0x10, s14;
	s18 =	smov.u32 s14;
	v0 =	vld.msk [tilespmem:s16+$0x0 ss:$0x1], $0xffff;
	vm1 =	vgt.s32 v2, $0x0;
	(ifvalue) =	ssetifvalue $0x7FFFFFFF  }
.LBB2_3:
0x33: {  	[tilespmem:s18], [sflag:$0x1] =	stream.indirect_vreg.gather [hbm4b:s2+s10], $0x1, v1, vm0, $0x4038;
	[tilespmem:$0x3E80] =	vst v63  }
0x34: {  	s17 =	sadd.s32 $0x10, s17  }
0x35: {  	v2 =	vnsel vm1, $0x0, v2;
	p0 =	slt.u32 s17, $0xF90  }
.Ltmp3:
0x36: {  	s18 =	smov.u32 s15;
	v1 =	vmin.u32 v2, $0x270FF;
	(pc) =	sbr.rel @p0 .LBB2_3-.Ltmp3, $3  }
0x37: {  	_ =	sdelay $0x1  }
0x38: {  	s16 =	sadd.s32 $0x10, s16  }
0x39: {  	vm1 =	vgt.s32 v0, $0x0;
	s15 =	sadd.s32 $0x10, s15;
	v2 =	vmov v0;
	(ifvalue) =	ssetifvalue $0x7FFFFFFF;
	v0 =	vld.msk [tilespmem:s16+$0x0 ss:$0x1], $0xffff  }
.Ltmp4:
0x3a: {  	_ = 	snop;
	(pc) =	sbr.rel .LBB2_4-.Ltmp4, $1  }
0x3b: {  	_ =	sdelay $0x3  }
.LBB2_6:
0x3c: {  	_ =	sfence.sel $0x180000  }
0x3d: {  	s2 =	simm.s32 $0x2;
	[bflag:$0x0] =	sbarrier.arrive $0xFFFF  }
0x3e: {  	s30 =	simm.s32 $0x3;
	[sflag:s2] =	ssyncpa.u1 $0x1  }
0x3f: {  	s31 =	simm.s32 $0x1;
	[sflag:s30] =	ssyncpa.u1 $0x1  }
0x40: {  	[sflag:s31] =	ssyncpa.u1 $0x1  }
0x41: {  	p0 =	sne.s32 s1, $0x0;
	_ =	strace $0x90000047  }
0x42: {  	s0 =	sadd.s32 @!p0 $0x100000, s0;
	[bflag:$0x2] =	sbarrier.arrive $0xFFFF  }
0x43: {  	[sflag:s0] =	ssyncadd.tile.s32 @!p0 $0x1;
	_ =	shalt  }
.Lfunc_end2:
_tile_overlayer_lowered:
.L_overlay_start_2:
0x44: {  	(tag) =	ssettag $0x2  }
0x45: {  	s0 =	rddreg [dreg:$0x0];
	s2 =	stileid.u32  }
0x46: {  	s1 =	rddreg [dreg:$0x1];
	p0 =	sne.s32 s2, $0x0  }
0x47: {  	s3 =	rddreg [dreg:$0x2];
	[bflag:$0x3] =	sbarrier.arrive $0xFFFF;
	s2 =	simm.s32 @!p0 $0x1C01  }
0x48: {  	[timem:s3], [sflag:s2] =	dma.local @!p0 [hbm:s0], s1  }
0x49: {  	s0 =	simm.s32 @!p0 $0x1  }
0x4a: {  	_ =	swait.ge @!p0 [sflag:s0], s1  }
0x4b: {  	s1 =	ssub.s32 @!p0 $0x0, s1;
	[sflag:s0] =	ssyncset.done @!p0 $0x0  }
0x4c: {  	[sflag:s0] =	ssyncadd.s32 @!p0 s1  }
0x4d: {  	[bflag:$0x3] =	sbarrier.arrive $0xFFFF  }
0x4e: {  	_ =	shalt  }

// kernel: gather_offload_async_start.3
scs
__scs_entry_jumppad:
0x0: {  	(pc) =	sbr.rel $0x88, $3  }
0x1: {  	(tag) =	ssettag $0x0;
	lr =	simm.s32 $0x1  }
0x2: {  	[smem:$0x3F7F] =	sst lr;
	_ =	strace $0xD0000000  }
0x3: {  	_ = 	snop  }
0x4: {  	_ = 	snop  }
0x5: {  	_ = 	snop  }
0x6: {  	_ = 	snop  }
0x7: {  	_ = 	snop  }
__scs_overlays_trampoline_lowered:
0x8: {  	[smem:$0x3F8E] =	sst s0  }
0x9: {  	[smem:$0x3F8F] =	sst s1  }
0xa: {  	[smem:$0x3F90] =	sst s2  }
0xb: {  	[smem:$0x3F91] =	sst s3  }
0xc: {  	[smem:$0x3F92] =	sst s4  }
0xd: {  	[smem:$0x3F93] =	sst s5  }
0xe: {  	[smem:$0x3F94] =	sst s6  }
0xf: {  	[smem:$0x3F95] =	sst s7  }
0x10: {  	[smem:$0x3F96] =	sst s8  }
0x11: {  	[smem:$0x3F97] =	sst s9;
	s0 =	simm.s32 @!p0 $0x0  }
0x12: {  	s1 =	sld [smem:$0x3F7D];
	s0 =	simm.s32 @p0 $0x1  }
0x13: {  	[smem:$0x3F98] =	sst s0;
	s0 =	simm.s32 @!p1 $0x0  }
0x14: {  	s2 =	sld [smem:$0x3F7C];
	s0 =	simm.s32 @p1 $0x1  }
0x15: {  	[smem:$0x3F99] =	sst s0;
	s0 =	simm.s32 @!p2 $0x0  }
0x16: {  	s3 =	sld [smem:$0x3FDB];
	s0 =	simm.s32 @p2 $0x1  }
0x17: {  	s4 =	simm.s32 $0x1BF5;
	[smem:$0x3F9B] =	sst s0  }
0x18: {  	s0 =	sld [smem:$0x3F7E];
	_ =	swait.ge [sflag:s4], $0x0  }
0x19: {  	s7 =	sld [smem:$0x3F7F]  }
0x1a: {  	s8 =	sadd.s32 $0xFFFFE003, lr  }
0x1b: {  	s9 =	sadd.s32 $0xFFFFFEF7, lr;
	s5 =	simm.s32 $0xFFFFFFFF;
	p2 =	slt.u32 s8, $0xFFFFF086  }
0x1c: {  	p1 =	slt.u32 s9, $0xF7A;
	s5 =	simm.s32 @!p2 $0x0  }
0x1d: {  	s5 =	simm.s32 @p1 $0x1;
	p0 =	seq.s32 s7, s2  }
0x1e: {  	s7 =	smul.u32 @!p0 $0xF7A, s2;
	p2 =	seq.s32 @!p0 s5, $0x0  }
0x1f: {  	s9 =	smul.u32 $0xF7A, s1;
	s8 =	simm.s32 @!p0 $0x1BF5;
	p2 =	por !p2, p0  }
0x20: {  	[sflag:s8] =	ssyncset.s32 @!p0 $0xFFFFF086;
	s6 =	sadd.s32 @!p0 s3, s7;
	s7 =	simm.s32 @!p0 $0x108  }
0x21: {  	s3 =	sadd.s32 s3, s9;
	s6 =	sadd.s32 @!p0 $0x88, s6;
	s7 =	simm.s32 @p2 $0x1082  }
0x22: {  	[simem:s7], [sflag:s8] =	dma.local @!p0 [hbm:s6], $0xF7A  }
0x23: {  	s9 =	sor.u32 $0xD0000000, s2;
	s6 =	simm.s32 $0x108;
	_ =	swait.ge @!p0 [sflag:s8], $0x0  }
0x24: {  	s3 =	sadd.s32 $0x88, s3;
	s6 =	simm.s32 @!p1 $0x1082;
	[sflag:s4] =	ssyncset.s32 $0xFFFFF086  }
0x25: {  	[simem:s6], [sflag:s4] =	dma.local [hbm:s3], $0xF7A  }
0x26: {  	[smem:$0x3F7F] =	sst s1;
	(tag) =	ssettag s2;
	_ =	strace s9  }
0x27: {  	s1 =	sld [smem:$0x3F8F]  }
0x28: {  	s2 =	sld [smem:$0x3F90]  }
0x29: {  	s4 =	sld [smem:$0x3F92]  }
0x2a: {  	p0 =	seq.s32 s5, $0x0;
	s5 =	sld [smem:$0x3F93]  }
0x2b: {  	s6 =	sld [smem:$0x3F94]  }
0x2c: {  	s7 =	sld [smem:$0x3F95]  }
0x2d: {  	s3 =	simm.s32 $0x108;
	s8 =	sld [smem:$0x3F96]  }
0x2e: {  	s3 =	simm.s32 @!p0 $0x1082;
	s9 =	sld [smem:$0x3F97]  }
0x2f: {  	lr =	sadd.s32 s0, s3;
	s0 =	sld [smem:$0x3F8E]  }
0x30: {  	s3 =	sld [smem:$0x3F91]  }
0x31: {  	[smem:$0x3F9A] =	sst s10  }
0x32: {  	s10 =	sld [smem:$0x3F98];
	_ =	sdelay $0x3  }
0x33: {  	p0 =	seq.s32 s10, $0x1;
	s10 =	sld [smem:$0x3F9A];
	_ =	sdelay $0x3  }
0x34: {  	[smem:$0x3F9A] =	sst s10  }
0x35: {  	s10 =	sld [smem:$0x3F99];
	_ =	sdelay $0x3  }
0x36: {  	p1 =	seq.s32 s10, $0x1;
	s10 =	sld [smem:$0x3F9A];
	_ =	sdelay $0x3  }
0x37: {  	[smem:$0x3F9A] =	sst s10  }
0x38: {  	s10 =	sld [smem:$0x3F9B]  }
0x39: {  	_ = 	snop;
	(pc) =	sbr.ind lr, $3  }
0x3a: {  	_ = 	snop  }
0x3b: {  	_ = 	snop  }
0x3c: {  	p2 =	seq.s32 s10, $0x1;
	s10 =	sld [smem:$0x3F9A]  }
0x3d: {  	_ =	shalt  }
0x3e: {  	_ =	shalt  }
0x3f: {  	_ =	shalt  }
0x40: {  	_ =	shalt  }
0x41: {  	_ =	shalt  }
0x42: {  	_ =	shalt  }
0x43: {  	_ =	shalt  }
0x44: {  	_ =	shalt  }
0x45: {  	_ =	shalt  }
0x46: {  	_ =	shalt  }
0x47: {  	_ =	shalt  }
0x48: {  	_ =	shalt  }
0x49: {  	_ =	shalt  }
0x4a: {  	_ =	shalt  }
0x4b: {  	_ =	shalt  }
0x4c: {  	_ =	shalt  }
0x4d: {  	_ =	shalt  }
0x4e: {  	_ =	shalt  }
0x4f: {  	_ =	shalt  }
0x50: {  	_ =	shalt  }
0x51: {  	_ =	shalt  }
0x52: {  	_ =	shalt  }
0x53: {  	_ =	shalt  }
0x54: {  	_ =	shalt  }
0x55: {  	_ =	shalt  }
0x56: {  	_ =	shalt  }
0x57: {  	_ =	shalt  }
0x58: {  	_ =	shalt  }
0x59: {  	_ =	shalt  }
0x5a: {  	_ =	shalt  }
0x5b: {  	_ =	shalt  }
0x5c: {  	_ =	shalt  }
0x5d: {  	_ =	shalt  }
0x5e: {  	_ =	shalt  }
0x5f: {  	_ =	shalt  }
0x60: {  	_ =	shalt  }
0x61: {  	_ =	shalt  }
0x62: {  	_ =	shalt  }
0x63: {  	_ =	shalt  }
0x64: {  	_ =	shalt  }
0x65: {  	_ =	shalt  }
0x66: {  	_ =	shalt  }
0x67: {  	_ =	shalt  }
0x68: {  	_ =	shalt  }
0x69: {  	_ =	shalt  }
0x6a: {  	_ =	shalt  }
0x6b: {  	_ =	shalt  }
0x6c: {  	_ =	shalt  }
0x6d: {  	_ =	shalt  }
0x6e: {  	_ =	shalt  }
0x6f: {  	_ =	shalt  }
0x70: {  	_ =	shalt  }
0x71: {  	_ =	shalt  }
0x72: {  	_ =	shalt  }
0x73: {  	_ =	shalt  }
0x74: {  	_ =	shalt  }
0x75: {  	_ =	shalt  }
0x76: {  	_ =	shalt  }
0x77: {  	_ =	shalt  }
0x78: {  	_ =	shalt  }
0x79: {  	_ =	shalt  }
0x7a: {  	_ =	shalt  }
0x7b: {  	_ =	shalt  }
0x7c: {  	_ =	shalt  }
0x7d: {  	_ =	shalt  }
0x7e: {  	_ =	shalt  }
0x7f: {  	_ =	shalt  }
0x80: {  	_ =	shalt  }
0x81: {  	_ =	shalt  }
0x82: {  	_ =	shalt  }
0x83: {  	_ =	shalt  }
0x84: {  	_ =	shalt  }
0x85: {  	_ =	shalt  }
0x86: {  	_ =	shalt  }
0x87: {  	_ =	shalt  }
.Lfunc_end0:
.L_simem_size_0:
called_computation.6_lowered:
.L_overlay_start_0:
0x88: {  	s0 =	sld [smem:$0x3FD9]  }
0x89: {  	s1 =	sld [smem:$0x3FFE];
	_ =	sdelay $0x3  }
0x8a: {  	s0 =	sadd.s32 s1, s0  }
0x8b: {  	[smem:$0x3FA6] =	sst s0  }
0x8c: {  	_ = 	snop  }
0x8d: {  	(tm) =	ssettm $0x1  }
0x8e: {  	s15 =	sld [smem:$0x3FFB];
	_ =	sdelay $0x3  }
0x8f: {  	_ =	strace s15  }
0x90: {  	s0 =	sld [smem:$0x3FFC];
	_ =	sdelay $0x3  }
0x91: {  	_ =	strace s0  }
0x92: {  	s0 =	sld [smem:$0x3FFD];
	_ =	sdelay $0x3  }
0x93: {  	_ =	strace s0  }
0x94: {  	_ =	strace $0x8FFFFFFF  }
0x95: {  	s16 =	sld [smem:$0x3FDB];
	_ =	sdelay $0x1  }
0x96: {  	s17 =	simm.s32 $_scs_section_size  }
0x97: {  	s2 =	simm.s32 $_size__tile_overlayer_lowered;
	s3 =	simm.s32 $_tile_overlayer_lowered  }
0x98: {  	s20 =	simm.s32 $0x1BFF;
	s19 =	sshll.u32 s3, $0x1;
	s0 =	sadd.s32 s17, s16  }
0x99: {  	s4 =	simm.s32 $0x0;
	s18 =	sshll.u32 s2, $0x1;
	s2 =	sadd.s32 s19, s0  }
0x9a: {  	[timem:s4], [sflag:s20] =	dma.local [hbm:s2], s18  }
0x9b: {  	_ =	swait.ge [sflag:s20], s18  }
0x9c: {  	s1 =	ssub.s32 $0x0, s18;
	[sflag:s20] =	ssyncset.done $0x0  }
0x9d: {  	[sflag:s20] =	ssyncadd.s32 s1;
	_ =	sdelay $0x1  }
0x9e: {  	s21 =	simm.s32 $0x1B8B  }
0x9f: {  	_ =	swait.ge [sflag:s21], $0x1  }
0xa0: {  	[sflag:s21] =	ssyncset.done $0x0  }
0xa1: {  	s23 =	simm.s32 $0x1B8E;
	s22 =	sld [smem:$0x3FFE];
	[sflag:s21] =	ssyncadd.s32 $0xFFFFFFFF  }
0xa2: {  	s24 =	simm.s32 $execute0_lowered;
	[smem:$0x3FD2] =	sst s23  }
0xa3: {  	s2 =	sshll.u32 s24, $0x1;
	_ =	strace $0x80000055;
	[dreg:$0x1] =	wrdreg $0xFFFFFFFF  }
0xa4: {  	s25 =	simm.s32 $_size_execute0_lowered;
	s0 =	sadd.s32 s0, s2;
	[dreg:$0x0] =	wrdreg $0x0  }
0xa5: {  	s2 =	sshll.u32 s25, $0x1;
	[dreg:$0x2] =	wrdreg s0  }
0xa6: {  	[dreg:$0x3] =	wrdreg s2  }
0xa7: {  	[dreg:$0x4] =	wrdreg $0xC0  }
0xa8: {  	_ =	task [dreg:s4], $0x5FFFF  }
0xa9: {  	[dreg:$0x1] =	wrdreg $0xFFFFFFFF  }
0xaa: {  	[dreg:$0x0] =	wrdreg $0x60  }
0xab: {  	[dreg:$0x2] =	wrdreg s22  }
0xac: {  	[dreg:$0x3] =	wrdreg $0x9  }
0xad: {  	_ =	task.clear_ibuf [dreg:s4], $0x4FFFF;
	_ =	strace $0x90000055  }
0xae: {  	s26 =	simm.s32 $0x9;
	_ =	strace $0x80000057  }
0xaf: {  	_ =	swait.ge [sflag:s26], $0x1  }
0xb0: {  	[sflag:s26] =	ssyncadd.s32 $0xFFFFFFFF  }
0xb1: {  	_ =	strace $0x90000057  }
0xb2: {  	_ =	sfence  }
0xb3: {  	s28 =	sld [smem:$0x0];
	_ =	sdelay $0x1  }
0xb4: {  	s29 =	srdreg.scid  }
0xb5: {  	s30 =	sshll.u32 s29, $0xD;
	s31 =	sshrl.u32 s29, $0x2  }
0xb6: {  	s1 =	sand.u32 $0x1, s29;
	s2 =	sand.u32 $0x4000, s30;
	s0 =	sadd.s32 s31, s28  }
0xb7: {  	s1 =	sor.u32 s2, s1;
	s0 =	sshll.u32 s0, $0x11  }
0xb8: {  	s0 =	sor.u32 s0, s1  }
0xb9: {  	s0 =	sadd.s32 $0x8F2B, s0  }
0xba: {  	[sflag:s0] =	ssyncadd.remote.s32 $0x1  }
0xbb: {  	_ =	sfence.sel $0xFFFF  }
0xbc: {  	[dreg:$0x0] =	wrdreg $0xFFFFFFFF;
	(pc) =	sbr.abs _section_cstart, $3  }
0xbd: {  	[dreg:$0x1] =	wrdreg $0xFFFFFFFF  }
0xbe: {  	_ =	task.clear_ibuf [dreg:s4], $0x2FFFF;
	_ =	strace $0x9FFFFFFF  }
0xbf: {  	(tm) =	ssettm $0x7FFFFFFF  }
tec
execute0_lowered:
.L_overlay_start_1:
0x0: {  	(tag) =	ssettag $0x1  }
0x1: {  	s2 =	rddreg [dreg:$0x0]  }
0x2: {  	s0 =	rddreg [dreg:$0x1]  }
0x3: {  	_ =	strace $0x80000056;
	s4 =	simm.s32 $0x1;
	s1 =	stileid.u32  }
0x4: {  	s7 =	simm.s32 $0x1;
	s8 =	simm.s32 $0x1;
	s6 =	simm.s32 $0x2  }
0x5: {  	s9 =	simm.s32 $0x3;
	s10 =	simm.s32 $0x0;
	s13 =	simm.s32 $0x0  }
.Ltmp0:
0x6: {  	s12 =	simm.s32 $0x0;
	p0 =	slt.u32 s1, $0xA;
	(pc) =	sbr.rel .LBB2_1-.Ltmp0, $4  }
0x7: {  	[sflag:s4] =	ssyncpa.u1 $0x0;
	s7 =	simm.s32 @!p0 $0x0;
	p0 =	sne.s32 s1, $0x9  }
0x8: {  	s5 =	smul.u32 $0x190, s1;
	[sflag:s6] =	ssyncpa.u1 $0x0;
	s8 =	simm.s32 @!p0 $0x0  }
0x9: {  	s3 =	sadd.s32 $0x19600, s2;
	[sflag:s9] =	ssyncpa.u1 $0x0;
	s7 =	sadd.s32 s8, s7  }
0xa: {  	vm0 =	vmmov $0xffff;
	s11 =	smov.u32 s5;
	s8 =	sadd.s32 $0x5800, s2;
	s9 =	sadd.s32 $0x1, s7  }
.LBB2_4:
0xb: {  	v2 =	vnsel vm1, $0x0, v2  }
0xc: {  	vm1 =	vgt.s32 v0, $0x0;
	v2 =	vmin.u32 v2, $0x270F  }
0xd: {  	v0 =	vnsel vm1, $0x0, v0  }
0xe: {  	v0 =	vmin.u32 v0, $0x270F  }
0xf: {  	[tilespmem:s18], [sflag:$0x1] =	stream.indirect_vreg.gather [hbm4b:s3+s10], $0x1, v1, vm0, $0x4038;
	[tilespmem:$0x640] =	vst v63  }
0x10: {  	(ifvalue) =	ssetifvalue $0x7FFFFFFF  }
0x11: {  	[tilespmem:s15], [sflag:$0x1] =	stream.indirect_vreg.gather [hbm4b:s3+s10], $0x1, v2, vm0, $0x4038;
	[tilespmem:$0x640] =	vst v63  }
0x12: {  	s29 =	sadd.s32 $0x10, s15;
	(ifvalue) =	ssetifvalue $0x7FFFFFFF  }
0x13: {  	[tilespmem:s29], [sflag:$0x1] =	stream.indirect_vreg.gather [hbm4b:s3+s10], $0x1, v0, vm0, $0x4038;
	[tilespmem:$0x640] =	vst v63  }
0x14: {  	_ =	swait.ge [sflag:s4], $0x190  }
0x15: {  	s30 =	sshrl.u32 s13, $0x3;
	[sflag:s4] =	ssyncset.done $0x0  }
0x16: {  	s31 =	sand.u32 $0x7, s13;
	s15 =	sadd.s32 s2, s30;
	[sflag:s4] =	ssyncadd.s32 $0xFFFFFE70  }
0x17: {  	[hbm4b:s15+s31] =	stream.linear.scatter [tilespmem:s14], [sflag:$0x3], $0x190, $0x38;
	[tilespmem:$0x640] =	vst v63  }
.LBB2_5:
0x18: {  	s15 =	sadd.s32 $0x1900, s11  }
0x19: {  	p1 =	sgt.s32 s15, $0x270F  }
0x1a: {  	s15 =	smov.u32 @p1 s5;
	p1 =	sne.s32 s12, s9  }
.Ltmp1:
0x1b: {  	p0 =	slt.u32 s12, $0x2;
	(pc) =	sbr.rel @!p1 .LBB2_6-.Ltmp1, $4  }
0x1c: {  	s14 =	simm.s32 @!p0 $0x3  }
0x1d: {  	_ =	swait.ge @!p0 [sflag:s14], $0x190  }
0x1e: {  	s16 =	sadd.s32 $0x1, s12;
	s13 =	smov.u32 s11;
	[sflag:s14] =	ssyncset.done @!p0 $0x0  }
0x1f: {  	s12 =	smov.u32 s16;
	s11 =	smov.u32 s15;
	[sflag:s14] =	ssyncadd.s32 @!p0 $0xFFFFFE70  }
.LBB2_1:
0x20: {  	p0 =	sge.u32 s12, s7  }
0x21: {  	s14 =	sxor.u32 @!p0 $0x1, s12  }
0x22: {  	s14 =	smul.u32 @!p0 $0x640, s14  }
0x23: {  	s31 =	sadd.s32 $0xFFFFFFFF, s12;
	s15 =	sshrl.u32 @!p0 s11, $0x3  }
0x24: {  	s16 =	sand.u32 @!p0 $0x7, s11;
	s15 =	sadd.s32 @!p0 s8, s15;
	s14 =	sshra.s32 @!p0 s14, $0x2  }
0x25: {  	[tilespmem:s14], [sflag:$0x2] =	stream.linear.gather @!p0 [hbm4b:s15+s16], $0x190, $0x38;
	[tilespmem:$0x640] =	vst v63  }
0x26: {  	p0 =	sge.u32 s31, s7  }
.Ltmp2:
0x27: {  	_ = 	snop;
	(pc) =	sbr.rel @p0 .LBB2_5-.Ltmp2, $1  }
0x28: {  	_ =	sdelay $0x3  }
0x29: {  	s14 =	sand.u32 $0x1, s12  }
0x2a: {  	_ =	swait.ge [sflag:s6], $0x190;
	p0 =	seq.s32 s14, $0x1;
	s14 =	simm.s32 $0x190  }
0x2b: {  	[sflag:s6] =	ssyncset.done $0x0;
	s14 =	simm.s32 @!p0 $0x0  }
0x2c: {  	[sflag:s6] =	ssyncadd.s32 $0xFFFFFE70;
	(ifvalue) =	ssetifvalue $0x7FFFFFFF;
	v0 =	vld.msk [tilespmem:s14+$0x0 ss:$0x1], $0xffff;
	_ =	sdelay $0x4  }
0x2d: {  	s15 =	sadd.s32 $0x10, s14;
	vm1 =	vgt.s32 v0, $0x0  }
0x2e: {  	v2 =	vld.msk [tilespmem:s15+$0x0 ss:$0x1], $0xffff;
	v1 =	vnsel vm1, $0x0, v0  }
0x2f: {  	v1 =	vmin.u32 v1, $0x270F;
	_ =	sdelay $0x2  }
0x30: {  	s17 =	simm.s32 $0x20;
	s14 =	sadd.s32 $0x320, s14;
	s16 =	sadd.s32 $0x10, s15  }
0x31: {  	s15 =	sadd.s32 $0x10, s14;
	s18 =	smov.u32 s14;
	v0 =	vld.msk [tilespmem:s16+$0x0 ss:$0x1], $0xffff;
	vm1 =	vgt.s32 v2, $0x0;
	(ifvalue) =	ssetifvalue $0x7FFFFFFF  }
.LBB2_3:
0x32: {  	[tilespmem:s18], [sflag:$0x1] =	stream.indirect_vreg.gather [hbm4b:s3+s10], $0x1, v1, vm0, $0x4038;
	[tilespmem:$0x640] =	vst v63  }
0x33: {  	s17 =	sadd.s32 $0x10, s17  }
0x34: {  	v2 =	vnsel vm1, $0x0, v2;
	p0 =	slt.u32 s17, $0x180  }
.Ltmp3:
0x35: {  	s18 =	smov.u32 s15;
	v1 =	vmin.u32 v2, $0x270F;
	(pc) =	sbr.rel @p0 .LBB2_3-.Ltmp3, $3  }
0x36: {  	_ =	sdelay $0x1  }
0x37: {  	s16 =	sadd.s32 $0x10, s16  }
0x38: {  	vm1 =	vgt.s32 v0, $0x0;
	s15 =	sadd.s32 $0x10, s15;
	v2 =	vmov v0;
	(ifvalue) =	ssetifvalue $0x7FFFFFFF;
	v0 =	vld.msk [tilespmem:s16+$0x0 ss:$0x1], $0xffff  }
.Ltmp4:
0x39: {  	_ = 	snop;
	(pc) =	sbr.rel .LBB2_4-.Ltmp4, $1  }
0x3a: {  	_ =	sdelay $0x3  }
.LBB2_6:
0x3b: {  	_ =	sfence.sel $0x180000  }
0x3c: {  	s2 =	simm.s32 $0x2;
	[bflag:$0x0] =	sbarrier.arrive $0xFFFF  }
0x3d: {  	s30 =	simm.s32 $0x3;
	[sflag:s2] =	ssyncpa.u1 $0x1  }
0x3e: {  	s31 =	simm.s32 $0x1;
	[sflag:s30] =	ssyncpa.u1 $0x1  }
0x3f: {  	[sflag:s31] =	ssyncpa.u1 $0x1  }
0x40: {  	p0 =	sne.s32 s1, $0x0;
	_ =	strace $0x90000056  }
0x41: {  	s0 =	sadd.s32 @!p0 $0x100000, s0;
	[bflag:$0x2] =	sbarrier.arrive $0xFFFF  }
0x42: {  	[sflag:s0] =	ssyncadd.tile.s32 @!p0 $0x1;
	_ =	shalt  }
.Lfunc_end2:
_tile_overlayer_lowered:
.L_overlay_start_2:
0x43: {  	(tag) =	ssettag $0x2  }
0x44: {  	s0 =	rddreg [dreg:$0x0];
	s2 =	stileid.u32  }
0x45: {  	s1 =	rddreg [dreg:$0x1];
	p0 =	sne.s32 s2, $0x0  }
0x46: {  	s3 =	rddreg [dreg:$0x2];
	[bflag:$0x3] =	sbarrier.arrive $0xFFFF;
	s2 =	simm.s32 @!p0 $0x1C01  }
0x47: {  	[timem:s3], [sflag:s2] =	dma.local @!p0 [hbm:s0], s1  }
0x48: {  	s0 =	simm.s32 @!p0 $0x1  }
0x49: {  	_ =	swait.ge @!p0 [sflag:s0], s1  }
0x4a: {  	s1 =	ssub.s32 @!p0 $0x0, s1;
	[sflag:s0] =	ssyncset.done @!p0 $0x0  }
0x4b: {  	[sflag:s0] =	ssyncadd.s32 @!p0 s1  }
0x4c: {  	[bflag:$0x3] =	sbarrier.arrive $0xFFFF  }
0x4d: {  	_ =	shalt  }

// kernel: gather_offload_async_start.4
scs
__scs_entry_jumppad:
0x0: {  	(pc) =	sbr.rel $0x88, $3  }
0x1: {  	(tag) =	ssettag $0x0;
	lr =	simm.s32 $0x1  }
0x2: {  	[smem:$0x3F7F] =	sst lr;
	_ =	strace $0xD0000000  }
0x3: {  	_ = 	snop  }
0x4: {  	_ = 	snop  }
0x5: {  	_ = 	snop  }
0x6: {  	_ = 	snop  }
0x7: {  	_ = 	snop  }
__scs_overlays_trampoline_lowered:
0x8: {  	[smem:$0x3F8E] =	sst s0  }
0x9: {  	[smem:$0x3F8F] =	sst s1  }
0xa: {  	[smem:$0x3F90] =	sst s2  }
0xb: {  	[smem:$0x3F91] =	sst s3  }
0xc: {  	[smem:$0x3F92] =	sst s4  }
0xd: {  	[smem:$0x3F93] =	sst s5  }
0xe: {  	[smem:$0x3F94] =	sst s6  }
0xf: {  	[smem:$0x3F95] =	sst s7  }
0x10: {  	[smem:$0x3F96] =	sst s8  }
0x11: {  	[smem:$0x3F97] =	sst s9;
	s0 =	simm.s32 @!p0 $0x0  }
0x12: {  	s1 =	sld [smem:$0x3F7D];
	s0 =	simm.s32 @p0 $0x1  }
0x13: {  	[smem:$0x3F98] =	sst s0;
	s0 =	simm.s32 @!p1 $0x0  }
0x14: {  	s2 =	sld [smem:$0x3F7C];
	s0 =	simm.s32 @p1 $0x1  }
0x15: {  	[smem:$0x3F99] =	sst s0;
	s0 =	simm.s32 @!p2 $0x0  }
0x16: {  	s3 =	sld [smem:$0x3FDB];
	s0 =	simm.s32 @p2 $0x1  }
0x17: {  	s4 =	simm.s32 $0x1BF5;
	[smem:$0x3F9B] =	sst s0  }
0x18: {  	s0 =	sld [smem:$0x3F7E];
	_ =	swait.ge [sflag:s4], $0x0  }
0x19: {  	s7 =	sld [smem:$0x3F7F]  }
0x1a: {  	s8 =	sadd.s32 $0xFFFFE003, lr  }
0x1b: {  	s9 =	sadd.s32 $0xFFFFFEF7, lr;
	s5 =	simm.s32 $0xFFFFFFFF;
	p2 =	slt.u32 s8, $0xFFFFF086  }
0x1c: {  	p1 =	slt.u32 s9, $0xF7A;
	s5 =	simm.s32 @!p2 $0x0  }
0x1d: {  	s5 =	simm.s32 @p1 $0x1;
	p0 =	seq.s32 s7, s2  }
0x1e: {  	s7 =	smul.u32 @!p0 $0xF7A, s2;
	p2 =	seq.s32 @!p0 s5, $0x0  }
0x1f: {  	s9 =	smul.u32 $0xF7A, s1;
	s8 =	simm.s32 @!p0 $0x1BF5;
	p2 =	por !p2, p0  }
0x20: {  	[sflag:s8] =	ssyncset.s32 @!p0 $0xFFFFF086;
	s6 =	sadd.s32 @!p0 s3, s7;
	s7 =	simm.s32 @!p0 $0x108  }
0x21: {  	s3 =	sadd.s32 s3, s9;
	s6 =	sadd.s32 @!p0 $0x88, s6;
	s7 =	simm.s32 @p2 $0x1082  }
0x22: {  	[simem:s7], [sflag:s8] =	dma.local @!p0 [hbm:s6], $0xF7A  }
0x23: {  	s9 =	sor.u32 $0xD0000000, s2;
	s6 =	simm.s32 $0x108;
	_ =	swait.ge @!p0 [sflag:s8], $0x0  }
0x24: {  	s3 =	sadd.s32 $0x88, s3;
	s6 =	simm.s32 @!p1 $0x1082;
	[sflag:s4] =	ssyncset.s32 $0xFFFFF086  }
0x25: {  	[simem:s6], [sflag:s4] =	dma.local [hbm:s3], $0xF7A  }
0x26: {  	[smem:$0x3F7F] =	sst s1;
	(tag) =	ssettag s2;
	_ =	strace s9  }
0x27: {  	s1 =	sld [smem:$0x3F8F]  }
0x28: {  	s2 =	sld [smem:$0x3F90]  }
0x29: {  	s4 =	sld [smem:$0x3F92]  }
0x2a: {  	p0 =	seq.s32 s5, $0x0;
	s5 =	sld [smem:$0x3F93]  }
0x2b: {  	s6 =	sld [smem:$0x3F94]  }
0x2c: {  	s7 =	sld [smem:$0x3F95]  }
0x2d: {  	s3 =	simm.s32 $0x108;
	s8 =	sld [smem:$0x3F96]  }
0x2e: {  	s3 =	simm.s32 @!p0 $0x1082;
	s9 =	sld [smem:$0x3F97]  }
0x2f: {  	lr =	sadd.s32 s0, s3;
	s0 =	sld [smem:$0x3F8E]  }
0x30: {  	s3 =	sld [smem:$0x3F91]  }
0x31: {  	[smem:$0x3F9A] =	sst s10  }
0x32: {  	s10 =	sld [smem:$0x3F98];
	_ =	sdelay $0x3  }
0x33: {  	p0 =	seq.s32 s10, $0x1;
	s10 =	sld [smem:$0x3F9A];
	_ =	sdelay $0x3  }
0x34: {  	[smem:$0x3F9A] =	sst s10  }
0x35: {  	s10 =	sld [smem:$0x3F99];
	_ =	sdelay $0x3  }
0x36: {  	p1 =	seq.s32 s10, $0x1;
	s10 =	sld [smem:$0x3F9A];
	_ =	sdelay $0x3  }
0x37: {  	[smem:$0x3F9A] =	sst s10  }
0x38: {  	s10 =	sld [smem:$0x3F9B]  }
0x39: {  	_ = 	snop;
	(pc) =	sbr.ind lr, $3  }
0x3a: {  	_ = 	snop  }
0x3b: {  	_ = 	snop  }
0x3c: {  	p2 =	seq.s32 s10, $0x1;
	s10 =	sld [smem:$0x3F9A]  }
0x3d: {  	_ =	shalt  }
0x3e: {  	_ =	shalt  }
0x3f: {  	_ =	shalt  }
0x40: {  	_ =	shalt  }
0x41: {  	_ =	shalt  }
0x42: {  	_ =	shalt  }
0x43: {  	_ =	shalt  }
0x44: {  	_ =	shalt  }
0x45: {  	_ =	shalt  }
0x46: {  	_ =	shalt  }
0x47: {  	_ =	shalt  }
0x48: {  	_ =	shalt  }
0x49: {  	_ =	shalt  }
0x4a: {  	_ =	shalt  }
0x4b: {  	_ =	shalt  }
0x4c: {  	_ =	shalt  }
0x4d: {  	_ =	shalt  }
0x4e: {  	_ =	shalt  }
0x4f: {  	_ =	shalt  }
0x50: {  	_ =	shalt  }
0x51: {  	_ =	shalt  }
0x52: {  	_ =	shalt  }
0x53: {  	_ =	shalt  }
0x54: {  	_ =	shalt  }
0x55: {  	_ =	shalt  }
0x56: {  	_ =	shalt  }
0x57: {  	_ =	shalt  }
0x58: {  	_ =	shalt  }
0x59: {  	_ =	shalt  }
0x5a: {  	_ =	shalt  }
0x5b: {  	_ =	shalt  }
0x5c: {  	_ =	shalt  }
0x5d: {  	_ =	shalt  }
0x5e: {  	_ =	shalt  }
0x5f: {  	_ =	shalt  }
0x60: {  	_ =	shalt  }
0x61: {  	_ =	shalt  }
0x62: {  	_ =	shalt  }
0x63: {  	_ =	shalt  }
0x64: {  	_ =	shalt  }
0x65: {  	_ =	shalt  }
0x66: {  	_ =	shalt  }
0x67: {  	_ =	shalt  }
0x68: {  	_ =	shalt  }
0x69: {  	_ =	shalt  }
0x6a: {  	_ =	shalt  }
0x6b: {  	_ =	shalt  }
0x6c: {  	_ =	shalt  }
0x6d: {  	_ =	shalt  }
0x6e: {  	_ =	shalt  }
0x6f: {  	_ =	shalt  }
0x70: {  	_ =	shalt  }
0x71: {  	_ =	shalt  }
0x72: {  	_ =	shalt  }
0x73: {  	_ =	shalt  }
0x74: {  	_ =	shalt  }
0x75: {  	_ =	shalt  }
0x76: {  	_ =	shalt  }
0x77: {  	_ =	shalt  }
0x78: {  	_ =	shalt  }
0x79: {  	_ =	shalt  }
0x7a: {  	_ =	shalt  }
0x7b: {  	_ =	shalt  }
0x7c: {  	_ =	shalt  }
0x7d: {  	_ =	shalt  }
0x7e: {  	_ =	shalt  }
0x7f: {  	_ =	shalt  }
0x80: {  	_ =	shalt  }
0x81: {  	_ =	shalt  }
0x82: {  	_ =	shalt  }
0x83: {  	_ =	shalt  }
0x84: {  	_ =	shalt  }
0x85: {  	_ =	shalt  }
0x86: {  	_ =	shalt  }
0x87: {  	_ =	shalt  }
.Lfunc_end0:
.L_simem_size_0:
called_computation.7_lowered:
.L_overlay_start_0:
0x88: {  	s0 =	sld [smem:$0x3FD9]  }
0x89: {  	s1 =	sld [smem:$0x3FFE];
	_ =	sdelay $0x3  }
0x8a: {  	s0 =	sadd.s32 s1, s0  }
0x8b: {  	[smem:$0x3FA6] =	sst s0  }
0x8c: {  	_ = 	snop  }
0x8d: {  	s0 =	sld [smem:$0x3FD0];
	_ =	sdelay $0x2  }
0x8e: {  	s13 =	simm.s32 $0xB;
	s2 =	simm.s32 $0x10  }
0x8f: {  	[smem:s2], [sflag:s13] =	dma.local [hbm:s0], $0x1  }
0x90: {  	_ =	swait.eq [sflag:s13], $0x1  }
0x91: {  	[sflag:s13] =	ssyncset.done $0x0  }
0x92: {  	[sflag:s13] =	ssyncadd.s32 $0xFFFFFFFF  }
0x93: {  	s14 =	sld [smem:$0x11];
	(tm) =	ssettm $0x1  }
0x94: {  	s15 =	sld [smem:$0x3FFB];
	_ =	sdelay $0x3  }
0x95: {  	_ =	strace s15  }
0x96: {  	s1 =	sld [smem:$0x3FFC];
	_ =	sdelay $0x3  }
0x97: {  	_ =	strace s1  }
0x98: {  	s1 =	sld [smem:$0x3FFD];
	_ =	sdelay $0x3  }
0x99: {  	_ =	strace s1  }
0x9a: {  	_ =	strace $0x8FFFFFFF  }
0x9b: {  	s16 =	sld [smem:$0x3FDB];
	_ =	sdelay $0x1  }
0x9c: {  	s17 =	simm.s32 $_scs_section_size  }
0x9d: {  	s3 =	simm.s32 $_size__tile_overlayer_lowered;
	s4 =	simm.s32 $_tile_overlayer_lowered  }
0x9e: {  	s20 =	simm.s32 $0x1BFF;
	s19 =	sshll.u32 s4, $0x1;
	s1 =	sadd.s32 s17, s16  }
0x9f: {  	s5 =	simm.s32 $0x0;
	s18 =	sshll.u32 s3, $0x1;
	s3 =	sadd.s32 s19, s1  }
0xa0: {  	[timem:s5], [sflag:s20] =	dma.local [hbm:s3], s18  }
0xa1: {  	_ =	swait.ge [sflag:s20], s18  }
0xa2: {  	s2 =	ssub.s32 $0x0, s18;
	[sflag:s20] =	ssyncset.done $0x0  }
0xa3: {  	[sflag:s20] =	ssyncadd.s32 s2;
	_ =	sdelay $0x1  }
0xa4: {  	s21 =	simm.s32 $0x1B8B  }
0xa5: {  	_ =	swait.ge [sflag:s21], $0x1  }
0xa6: {  	[sflag:s21] =	ssyncset.done $0x0  }
0xa7: {  	s23 =	simm.s32 $0x1B8E;
	s22 =	sld [smem:$0x3FFE];
	[sflag:s21] =	ssyncadd.s32 $0xFFFFFFFF  }
0xa8: {  	s24 =	simm.s32 $execute0_lowered;
	[smem:$0x3FD2] =	sst s23  }
0xa9: {  	s3 =	sshll.u32 s24, $0x1;
	_ =	strace $0x8000005B;
	[dreg:$0x1] =	wrdreg $0xFFFFFFFF  }
0xaa: {  	s25 =	simm.s32 $_size_execute0_lowered;
	s1 =	sadd.s32 s1, s3;
	[dreg:$0x0] =	wrdreg $0x0  }
0xab: {  	s3 =	sshll.u32 s25, $0x1;
	[dreg:$0x2] =	wrdreg s1  }
0xac: {  	[dreg:$0x3] =	wrdreg s3  }
0xad: {  	[dreg:$0x4] =	wrdreg $0xC0  }
0xae: {  	_ =	task [dreg:s5], $0x5FFFF  }
0xaf: {  	[dreg:$0x1] =	wrdreg $0xFFFFFFFF  }
0xb0: {  	[dreg:$0x0] =	wrdreg $0x60  }
0xb1: {  	[dreg:$0x2] =	wrdreg s22  }
0xb2: {  	[dreg:$0x3] =	wrdreg s14  }
0xb3: {  	[dreg:$0x4] =	wrdreg $0x9  }
0xb4: {  	_ =	task.clear_ibuf [dreg:s5], $0x5FFFF;
	_ =	strace $0x9000005B  }
0xb5: {  	s26 =	simm.s32 $0x9;
	_ =	strace $0x8000005D  }
0xb6: {  	_ =	swait.ge [sflag:s26], $0x1  }
0xb7: {  	[sflag:s26] =	ssyncadd.s32 $0xFFFFFFFF  }
0xb8: {  	_ =	strace $0x9000005D  }
0xb9: {  	_ =	sfence  }
0xba: {  	s28 =	sld [smem:$0x0];
	_ =	sdelay $0x1  }
0xbb: {  	s29 =	srdreg.scid  }
0xbc: {  	s30 =	sshll.u32 s29, $0xD;
	s31 =	sshrl.u32 s29, $0x2  }
0xbd: {  	s2 =	sand.u32 $0x4000, s30;
	s1 =	sand.u32 $0x1, s29;
	s0 =	sadd.s32 s31, s28  }
0xbe: {  	s1 =	sor.u32 s2, s1;
	s0 =	sshll.u32 s0, $0x11  }
0xbf: {  	s0 =	sor.u32 s0, s1  }
0xc0: {  	s0 =	sadd.s32 $0x8F2B, s0  }
0xc1: {  	[sflag:s0] =	ssyncadd.remote.s32 $0x1  }
0xc2: {  	_ =	sfence.sel $0xFFFF  }
0xc3: {  	[dreg:$0x0] =	wrdreg $0xFFFFFFFF;
	(pc) =	sbr.abs _section_cstart, $3  }
0xc4: {  	[dreg:$0x1] =	wrdreg $0xFFFFFFFF  }
0xc5: {  	_ =	task.clear_ibuf [dreg:s5], $0x2FFFF;
	_ =	strace $0x9FFFFFFF  }
0xc6: {  	(tm) =	ssettm $0x7FFFFFFF  }
0xc7: {  	_ =	shalt  }
tec
execute0_lowered:
.L_overlay_start_1:
0x0: {  	(tag) =	ssettag $0x1  }
0x1: {  	s0 =	stileid.u32  }
0x2: {  	s1 =	smin.u32 s0, $0x9  }
0x3: {  	s1 =	sadd.s32 s0, s1  }
0x4: {  	s2 =	simm.s32 $0x320;
	p0 =	slt.u32 s0, $0x9;
	s1 =	smul.u32 $0x190, s1  }
0x5: {  	s2 =	simm.s32 @!p0 $0x190  }
0x6: {  	s2 =	sadd.s32 s2, s1  }
0x7: {  	s3 =	smin.u32 s2, $0x2710  }
0x8: {  	s7 =	ssub.s32 s3, s1  }
0x9: {  	p0 =	sgt.s32 s7, $0x0  }
0xa: {  	s7 =	simm.s32 @!p0 $0x0  }
0xb: {  	s31 =	sand.u32 $0xFFF0, s7  }
0xc: {  	s2 =	sshrl.u32 s31, $0x4  }
0xd: {  	s9 =	rddreg [dreg:$0x0];
	s2 =	smul.u32 $0xA3E, s2  }
0xe: {  	s4 =	rddreg [dreg:$0x1];
	s6 =	simm.s32 $0x1  }
0xf: {  	s11 =	simm.s32 $0x3;
	s13 =	simm.s32 $0x0;
	s8 =	sshrl.u32 s2, $0x10  }
0x10: {  	s12 =	simm.s32 $0x0;
	s5 =	sadd.s32 $0x94200, s9;
	s10 =	smul.u32 $0x190, s8  }
.Ltmp0:
0x11: {  	s9 =	sadd.s32 $0x45E00, s9;
	s2 =	rddreg [dreg:$0x2];
	(pc) =	sbr.rel .LBB2_1-.Ltmp0, $4  }
0x12: {  	_ =	strace $0x8000005C;
	p0 =	sne.s32 s7, s10;
	s10 =	simm.s32 $0x1  }
0x13: {  	[sflag:s6] =	ssyncpa.u1 $0x0;
	s7 =	simm.s32 $0x2;
	s10 =	simm.s32 @!p0 $0x0  }
0x14: {  	[sflag:s7] =	ssyncpa.u1 $0x0;
	p0 =	por $0x0, $0x0;
	s8 =	sadd.s32 s8, s10  }
0x15: {  	vm0 =	vmmov $0xff;
	vm1 =	vcmask $0x3F20;
	[sflag:s11] =	ssyncpa.u1 $0x0;
	s11 =	smov.u32 s1;
	s10 =	sadd.s32 $0x1, s8  }
.LBB2_6:
0x16: {  	[hbm:s17] =	stream.linear.scatter [tilespmem:s14], [sflag:$0x3], $0x400, $0x38;
	[tilespmem:$0x19320] =	vst v63  }
.LBB2_7:
0x17: {  	s13 =	sadd.s32 $0x190, s11  }
0x18: {  	s15 =	smov.u32 s1;
	p2 =	slt.s32 s13, s3  }
0x19: {  	s15 =	smov.u32 @p2 s13;
	p2 =	sne.s32 s12, s10  }
.Ltmp1:
0x1a: {  	p1 =	slt.u32 s12, $0x2;
	(pc) =	sbr.rel @!p2 .LBB2_8-.Ltmp1, $4  }
0x1b: {  	s14 =	simm.s32 @!p1 $0x3  }
0x1c: {  	s16 =	sadd.s32 $0x1, s12;
	_ =	swait.ge @!p1 [sflag:s14], $0xC800  }
0x1d: {  	p0 =	por !p0, !p0;
	s13 =	smov.u32 s11;
	[sflag:s14] =	ssyncset.done @!p1 $0x0  }
0x1e: {  	s12 =	smov.u32 s16;
	s11 =	smov.u32 s15;
	[sflag:s14] =	ssyncadd.s32 @!p1 $0xFFFF3800  }
.LBB2_1:
0x1f: {  	p1 =	sge.u32 s12, s8  }
0x20: {  	s14 =	sxor.u32 @!p1 $0xFFFFFFFF, s12  }
0x21: {  	s14 =	sand.u32 @!p1 $0x1, s14  }
0x22: {  	s14 =	smul.u32 @!p1 $0x640, s14  }
0x23: {  	s31 =	sadd.s32 $0xFFFFFFFF, s12;
	s15 =	sshrl.u32 @!p1 s11, $0x3  }
0x24: {  	s16 =	sand.u32 @!p1 $0x7, s11;
	s15 =	sadd.s32 @!p1 s4, s15;
	s14 =	sshrl.u32 @!p1 s14, $0x2  }
0x25: {  	[tilespmem:s14], [sflag:$0x2] =	stream.linear.gather @!p1 [hbm4b:s15+s16], $0x190, $0x38;
	[tilespmem:$0x19320] =	vst v63  }
0x26: {  	p1 =	sge.u32 s31, s8  }
.Ltmp2:
0x27: {  	_ = 	snop;
	(pc) =	sbr.rel @p1 .LBB2_7-.Ltmp2, $1  }
0x28: {  	_ =	sdelay $0x3  }
0x29: {  	s14 =	simm.s32 $0x1  }
0x2a: {  	s14 =	simm.s32 @!p0 $0x0  }
0x2b: {  	s15 =	smul.u32 $0x640, s14  }
0x2c: {  	_ =	swait.ge [sflag:s7], $0x190  }
0x2d: {  	[sflag:s7] =	ssyncset.done $0x0;
	s16 =	sshrl.u32 s15, $0x2  }
0x2e: {  	[sflag:s7] =	ssyncadd.s32 $0xFFFFFE70;
	s15 =	sadd.s32 $0x0, s16  }
0x2f: {  	v0 =	vld.msk [tilespmem:s15+$0x0 ss:$0x1], $0xffff;
	_ =	sdelay $0x4  }
0x30: {  	vm2 =	vgt.s32 v0, $0x0  }
0x31: {  	v0 =	vnsel vm2, $0x0, v0  }
0x32: {  	v0 =	vmin.u32 v0, $0x27FF  }
0x33: {  	v0 =	vshll.u32 v0, $0x4  }
0x34: {  	s14 =	smul.u32 $0x32000, s14;
	_ =	sdelay $0x1  }
0x35: {  	s14 =	sshrl.u32 s14, $0x2  }
0x36: {  	s14 =	sor.u32 $0x320, s14  }
0x37: {  	[tilespmem:s14], [sflag:$0x1] =	stream.indirect_vreg.gather [hbm:s5], $0x80, v0, vm0, $0x38;
	[tilespmem:$0x19320] =	vst v63  }
0x38: {  	s17 =	sadd.s32 $0x10, s16;
	s15 =	sadd.s32 $0x400, s14  }
0x39: {  	[tilespmem:s15], [sflag:$0x1] =	stream.indirect_vreg.gather [hbm:s5], $0x80, v0, vm1, $0x38;
	[tilespmem:$0x19320] =	vst v63  }
0x3a: {  	s18 =	simm.s32 $0x80;
	v0 =	vld.msk [tilespmem:s17+$0x0 ss:$0x1], $0xffff;
	s17 =	smov.u32 s14  }
.LBB2_3:
0x3b: {  	p1 =	sne.s32 s18, $0x600;
	_ =	sdelay $0x4  }
0x3c: {  	vm2 =	vgt.s32 v0, $0x0  }
0x3d: {  	v0 =	vnsel vm2, $0x0, v0  }
0x3e: {  	v0 =	vmin.u32 v0, $0x27FF  }
0x3f: {  	v0 =	vshll.u32 v0, $0x4;
	_ =	sdelay $0x3  }
.Ltmp3:
0x40: {  	s19 =	sshra.s32 s18, $0x2;
	s17 =	sadd.s32 $0x800, s17;
	(pc) =	sbr.rel @p1 .LBB2_3-.Ltmp3, $4  }
0x41: {  	[tilespmem:s17], [sflag:$0x1] =	stream.indirect_vreg.gather [hbm:s5], $0x80, v0, vm0, $0x38;
	[tilespmem:$0x19320] =	vst v63  }
0x42: {  	s19 =	sadd.s32 s19, s16;
	s20 =	sadd.s32 $0x400, s17  }
0x43: {  	[tilespmem:s20], [sflag:$0x1] =	stream.indirect_vreg.gather [hbm:s5], $0x80, v0, vm1, $0x38;
	[tilespmem:$0x19320] =	vst v63  }
0x44: {  	s18 =	sadd.s32 $0x40, s18;
	v0 =	vld.msk [tilespmem:s19+$0x0 ss:$0x1], $0xffff  }
0x45: {  	_ =	sdelay $0x3  }
0x46: {  	vm2 =	vgt.s32 v0, $0x0  }
0x47: {  	v0 =	vnsel vm2, $0x0, v0  }
0x48: {  	v0 =	vmin.u32 v0, $0x27FF  }
0x49: {  	v0 =	vshll.u32 v0, $0x4;
	_ =	sdelay $0x3  }
0x4a: {  	s16 =	sadd.s32 $0x800, s17  }
0x4b: {  	[tilespmem:s16], [sflag:$0x1] =	stream.indirect_vreg.gather [hbm:s5], $0x80, v0, vm0, $0x38;
	[tilespmem:$0x19320] =	vst v63  }
0x4c: {  	s16 =	sadd.s32 $0x400, s16  }
0x4d: {  	[tilespmem:s16], [sflag:$0x1] =	stream.indirect_vreg.gather [hbm:s5], $0x80, v0, vm1, $0x38;
	[tilespmem:$0x19320] =	vst v63  }
0x4e: {  	s13 =	sshll.u32 s13, $0x4;
	_ =	swait.ge [sflag:s6], $0xC800  }
0x4f: {  	s13 =	sadd.s32 s13, s9;
	[sflag:s6] =	ssyncset.done $0x0  }
0x50: {  	s17 =	sadd.s32 $0x0, s13;
	s16 =	simm.s32 $0x80;
	[sflag:s6] =	ssyncadd.s32 $0xFFFF3800  }
.LBB2_5:
0x51: {  	[hbm:s17] =	stream.linear.scatter [tilespmem:s14], [sflag:$0x3], $0x400, $0x38;
	[tilespmem:$0x19320] =	vst v63  }
0x52: {  	s17 =	smov.u32 s16;
	s14 =	smov.u32 s15;
	p1 =	sne.s32 s16, $0x1880  }
.Ltmp4:
0x53: {  	s16 =	sadd.s32 $0x80, s16;
	(pc) =	sbr.rel @p1 .LBB2_5-.Ltmp4, $2  }
0x54: {  	_ =	sdelay $0x2  }
0x55: {  	s15 =	sadd.s32 $0x400, s15;
	s17 =	sadd.s32 s17, s13  }
.Ltmp5:
0x56: {  	_ = 	snop;
	(pc) =	sbr.rel .LBB2_6-.Ltmp5, $1  }
0x57: {  	_ =	sdelay $0x3  }
.LBB2_8:
0x58: {  	_ =	sfence.sel $0x180000  }
0x59: {  	s1 =	simm.s32 $0x2;
	[bflag:$0x0] =	sbarrier.arrive $0xFFFF  }
0x5a: {  	s30 =	simm.s32 $0x3;
	[sflag:s1] =	ssyncpa.u1 $0x1  }
0x5b: {  	s31 =	simm.s32 $0x1;
	[sflag:s30] =	ssyncpa.u1 $0x1  }
0x5c: {  	[sflag:s31] =	ssyncpa.u1 $0x1  }
0x5d: {  	p0 =	sne.s32 s0, $0x0;
	_ =	strace $0x9000005C  }
0x5e: {  	s0 =	sadd.s32 @!p0 $0x100000, s2;
	[bflag:$0x2] =	sbarrier.arrive $0xFFFF  }
0x5f: {  	[sflag:s0] =	ssyncadd.tile.s32 @!p0 $0x1;
	_ =	shalt  }
.Lfunc_end2:
_tile_overlayer_lowered:
.L_overlay_start_2:
0x60: {  	(tag) =	ssettag $0x2  }
0x61: {  	s0 =	rddreg [dreg:$0x0];
	s2 =	stileid.u32  }
0x62: {  	s1 =	rddreg [dreg:$0x1];
	p0 =	sne.s32 s2, $0x0  }
0x63: {  	s3 =	rddreg [dreg:$0x2];
	[bflag:$0x3] =	sbarrier.arrive $0xFFFF;
	s2 =	simm.s32 @!p0 $0x1C01  }
0x64: {  	[timem:s3], [sflag:s2] =	dma.local @!p0 [hbm:s0], s1  }
0x65: {  	s0 =	simm.s32 @!p0 $0x1  }
0x66: {  	_ =	swait.ge @!p0 [sflag:s0], s1  }
0x67: {  	s1 =	ssub.s32 @!p0 $0x0, s1;
	[sflag:s0] =	ssyncset.done @!p0 $0x0  }
0x68: {  	[sflag:s0] =	ssyncadd.s32 @!p0 s1  }
0x69: {  	[bflag:$0x3] =	sbarrier.arrive $0xFFFF  }
0x6a: {  	_ =	shalt  }

// kernel: gather_offload_async_start
scs
__scs_entry_jumppad:
0x0: {  	(pc) =	sbr.rel $0x88, $3  }
0x1: {  	(tag) =	ssettag $0x0;
	lr =	simm.s32 $0x1  }
0x2: {  	[smem:$0x3F7F] =	sst lr;
	_ =	strace $0xD0000000  }
0x3: {  	_ = 	snop  }
0x4: {  	_ = 	snop  }
0x5: {  	_ = 	snop  }
0x6: {  	_ = 	snop  }
0x7: {  	_ = 	snop  }
__scs_overlays_trampoline_lowered:
0x8: {  	[smem:$0x3F8E] =	sst s0  }
0x9: {  	[smem:$0x3F8F] =	sst s1  }
0xa: {  	[smem:$0x3F90] =	sst s2  }
0xb: {  	[smem:$0x3F91] =	sst s3  }
0xc: {  	[smem:$0x3F92] =	sst s4  }
0xd: {  	[smem:$0x3F93] =	sst s5  }
0xe: {  	[smem:$0x3F94] =	sst s6  }
0xf: {  	[smem:$0x3F95] =	sst s7  }
0x10: {  	[smem:$0x3F96] =	sst s8  }
0x11: {  	[smem:$0x3F97] =	sst s9;
	s0 =	simm.s32 @!p0 $0x0  }
0x12: {  	s1 =	sld [smem:$0x3F7D];
	s0 =	simm.s32 @p0 $0x1  }
0x13: {  	[smem:$0x3F98] =	sst s0;
	s0 =	simm.s32 @!p1 $0x0  }
0x14: {  	s2 =	sld [smem:$0x3F7C];
	s0 =	simm.s32 @p1 $0x1  }
0x15: {  	[smem:$0x3F99] =	sst s0;
	s0 =	simm.s32 @!p2 $0x0  }
0x16: {  	s3 =	sld [smem:$0x3FDB];
	s0 =	simm.s32 @p2 $0x1  }
0x17: {  	s4 =	simm.s32 $0x1BF5;
	[smem:$0x3F9B] =	sst s0  }
0x18: {  	s0 =	sld [smem:$0x3F7E];
	_ =	swait.ge [sflag:s4], $0x0  }
0x19: {  	s7 =	sld [smem:$0x3F7F]  }
0x1a: {  	s8 =	sadd.s32 $0xFFFFE003, lr  }
0x1b: {  	s9 =	sadd.s32 $0xFFFFFEF7, lr;
	s5 =	simm.s32 $0xFFFFFFFF;
	p2 =	slt.u32 s8, $0xFFFFF086  }
0x1c: {  	p1 =	slt.u32 s9, $0xF7A;
	s5 =	simm.s32 @!p2 $0x0  }
0x1d: {  	s5 =	simm.s32 @p1 $0x1;
	p0 =	seq.s32 s7, s2  }
0x1e: {  	s7 =	smul.u32 @!p0 $0xF7A, s2;
	p2 =	seq.s32 @!p0 s5, $0x0  }
0x1f: {  	s9 =	smul.u32 $0xF7A, s1;
	s8 =	simm.s32 @!p0 $0x1BF5;
	p2 =	por !p2, p0  }
0x20: {  	[sflag:s8] =	ssyncset.s32 @!p0 $0xFFFFF086;
	s6 =	sadd.s32 @!p0 s3, s7;
	s7 =	simm.s32 @!p0 $0x108  }
0x21: {  	s3 =	sadd.s32 s3, s9;
	s6 =	sadd.s32 @!p0 $0x88, s6;
	s7 =	simm.s32 @p2 $0x1082  }
0x22: {  	[simem:s7], [sflag:s8] =	dma.local @!p0 [hbm:s6], $0xF7A  }
0x23: {  	s9 =	sor.u32 $0xD0000000, s2;
	s6 =	simm.s32 $0x108;
	_ =	swait.ge @!p0 [sflag:s8], $0x0  }
0x24: {  	s3 =	sadd.s32 $0x88, s3;
	s6 =	simm.s32 @!p1 $0x1082;
	[sflag:s4] =	ssyncset.s32 $0xFFFFF086  }
0x25: {  	[simem:s6], [sflag:s4] =	dma.local [hbm:s3], $0xF7A  }
0x26: {  	[smem:$0x3F7F] =	sst s1;
	(tag) =	ssettag s2;
	_ =	strace s9  }
0x27: {  	s1 =	sld [smem:$0x3F8F]  }
0x28: {  	s2 =	sld [smem:$0x3F90]  }
0x29: {  	s4 =	sld [smem:$0x3F92]  }
0x2a: {  	p0 =	seq.s32 s5, $0x0;
	s5 =	sld [smem:$0x3F93]  }
0x2b: {  	s6 =	sld [smem:$0x3F94]  }
0x2c: {  	s7 =	sld [smem:$0x3F95]  }
0x2d: {  	s3 =	simm.s32 $0x108;
	s8 =	sld [smem:$0x3F96]  }
0x2e: {  	s3 =	simm.s32 @!p0 $0x1082;
	s9 =	sld [smem:$0x3F97]  }
0x2f: {  	lr =	sadd.s32 s0, s3;
	s0 =	sld [smem:$0x3F8E]  }
0x30: {  	s3 =	sld [smem:$0x3F91]  }
0x31: {  	[smem:$0x3F9A] =	sst s10  }
0x32: {  	s10 =	sld [smem:$0x3F98];
	_ =	sdelay $0x3  }
0x33: {  	p0 =	seq.s32 s10, $0x1;
	s10 =	sld [smem:$0x3F9A];
	_ =	sdelay $0x3  }
0x34: {  	[smem:$0x3F9A] =	sst s10  }
0x35: {  	s10 =	sld [smem:$0x3F99];
	_ =	sdelay $0x3  }
0x36: {  	p1 =	seq.s32 s10, $0x1;
	s10 =	sld [smem:$0x3F9A];
	_ =	sdelay $0x3  }
0x37: {  	[smem:$0x3F9A] =	sst s10  }
0x38: {  	s10 =	sld [smem:$0x3F9B]  }
0x39: {  	_ = 	snop;
	(pc) =	sbr.ind lr, $3  }
0x3a: {  	_ = 	snop  }
0x3b: {  	_ = 	snop  }
0x3c: {  	p2 =	seq.s32 s10, $0x1;
	s10 =	sld [smem:$0x3F9A]  }
0x3d: {  	_ =	shalt  }
0x3e: {  	_ =	shalt  }
0x3f: {  	_ =	shalt  }
0x40: {  	_ =	shalt  }
0x41: {  	_ =	shalt  }
0x42: {  	_ =	shalt  }
0x43: {  	_ =	shalt  }
0x44: {  	_ =	shalt  }
0x45: {  	_ =	shalt  }
0x46: {  	_ =	shalt  }
0x47: {  	_ =	shalt  }
0x48: {  	_ =	shalt  }
0x49: {  	_ =	shalt  }
0x4a: {  	_ =	shalt  }
0x4b: {  	_ =	shalt  }
0x4c: {  	_ =	shalt  }
0x4d: {  	_ =	shalt  }
0x4e: {  	_ =	shalt  }
0x4f: {  	_ =	shalt  }
0x50: {  	_ =	shalt  }
0x51: {  	_ =	shalt  }
0x52: {  	_ =	shalt  }
0x53: {  	_ =	shalt  }
0x54: {  	_ =	shalt  }
0x55: {  	_ =	shalt  }
0x56: {  	_ =	shalt  }
0x57: {  	_ =	shalt  }
0x58: {  	_ =	shalt  }
0x59: {  	_ =	shalt  }
0x5a: {  	_ =	shalt  }
0x5b: {  	_ =	shalt  }
0x5c: {  	_ =	shalt  }
0x5d: {  	_ =	shalt  }
0x5e: {  	_ =	shalt  }
0x5f: {  	_ =	shalt  }
0x60: {  	_ =	shalt  }
0x61: {  	_ =	shalt  }
0x62: {  	_ =	shalt  }
0x63: {  	_ =	shalt  }
0x64: {  	_ =	shalt  }
0x65: {  	_ =	shalt  }
0x66: {  	_ =	shalt  }
0x67: {  	_ =	shalt  }
0x68: {  	_ =	shalt  }
0x69: {  	_ =	shalt  }
0x6a: {  	_ =	shalt  }
0x6b: {  	_ =	shalt  }
0x6c: {  	_ =	shalt  }
0x6d: {  	_ =	shalt  }
0x6e: {  	_ =	shalt  }
0x6f: {  	_ =	shalt  }
0x70: {  	_ =	shalt  }
0x71: {  	_ =	shalt  }
0x72: {  	_ =	shalt  }
0x73: {  	_ =	shalt  }
0x74: {  	_ =	shalt  }
0x75: {  	_ =	shalt  }
0x76: {  	_ =	shalt  }
0x77: {  	_ =	shalt  }
0x78: {  	_ =	shalt  }
0x79: {  	_ =	shalt  }
0x7a: {  	_ =	shalt  }
0x7b: {  	_ =	shalt  }
0x7c: {  	_ =	shalt  }
0x7d: {  	_ =	shalt  }
0x7e: {  	_ =	shalt  }
0x7f: {  	_ =	shalt  }
0x80: {  	_ =	shalt  }
0x81: {  	_ =	shalt  }
0x82: {  	_ =	shalt  }
0x83: {  	_ =	shalt  }
0x84: {  	_ =	shalt  }
0x85: {  	_ =	shalt  }
0x86: {  	_ =	shalt  }
0x87: {  	_ =	shalt  }
.Lfunc_end0:
.L_simem_size_0:
called_computation.3_lowered:
.L_overlay_start_0:
0x88: {  	s0 =	sld [smem:$0x3FD9]  }
0x89: {  	s1 =	sld [smem:$0x3FFE];
	_ =	sdelay $0x3  }
0x8a: {  	s0 =	sadd.s32 s1, s0  }
0x8b: {  	[smem:$0x3FA6] =	sst s0  }
0x8c: {  	_ = 	snop  }
0x8d: {  	s0 =	sld [smem:$0x3FC4];
	(tm) =	ssettm $0x1  }
0x8e: {  	s16 =	sld [smem:$0x3FFB];
	_ =	sdelay $0x3  }
0x8f: {  	_ =	strace s16  }
0x90: {  	s1 =	sld [smem:$0x3FFC];
	_ =	sdelay $0x3  }
0x91: {  	_ =	strace s1  }
0x92: {  	s1 =	sld [smem:$0x3FFD];
	_ =	sdelay $0x3  }
0x93: {  	_ =	strace s1  }
0x94: {  	_ =	strace $0x8FFFFFFF  }
0x95: {  	s17 =	sld [smem:$0x3FDB];
	_ =	sdelay $0x1  }
0x96: {  	s2 =	simm.s32 $_scs_section_size  }
0x97: {  	s3 =	simm.s32 $_size__tile_overlayer_lowered;
	s4 =	simm.s32 $_tile_overlayer_lowered  }
0x98: {  	s20 =	simm.s32 $0x1BFF;
	s19 =	sshll.u32 s4, $0x1;
	s1 =	sadd.s32 s2, s17  }
0x99: {  	s5 =	simm.s32 $0x0;
	s18 =	sshll.u32 s3, $0x1;
	s3 =	sadd.s32 s19, s1  }
0x9a: {  	[timem:s5], [sflag:s20] =	dma.local [hbm:s3], s18  }
0x9b: {  	_ =	swait.ge [sflag:s20], s18  }
0x9c: {  	s2 =	ssub.s32 $0x0, s18;
	[sflag:s20] =	ssyncset.done $0x0  }
0x9d: {  	[sflag:s20] =	ssyncadd.s32 s2;
	_ =	sdelay $0x1  }
0x9e: {  	s21 =	simm.s32 $0x1B8B  }
0x9f: {  	_ =	swait.ge [sflag:s21], $0x1  }
0xa0: {  	[sflag:s21] =	ssyncset.done $0x0  }
0xa1: {  	s23 =	simm.s32 $0x1B8E;
	s22 =	sld [smem:$0x3FFE];
	[sflag:s21] =	ssyncadd.s32 $0xFFFFFFFF  }
0xa2: {  	s24 =	simm.s32 $execute0_lowered;
	[smem:$0x3FD2] =	sst s23  }
0xa3: {  	s3 =	sshll.u32 s24, $0x1;
	_ =	strace $0x8000004F;
	[dreg:$0x1] =	wrdreg $0xFFFFFFFF  }
0xa4: {  	s25 =	simm.s32 $_size_execute0_lowered;
	s1 =	sadd.s32 s1, s3;
	[dreg:$0x0] =	wrdreg $0x0  }
0xa5: {  	s3 =	sshll.u32 s25, $0x1;
	[dreg:$0x2] =	wrdreg s1  }
0xa6: {  	[dreg:$0x3] =	wrdreg s3  }
0xa7: {  	[dreg:$0x4] =	wrdreg $0xC0  }
0xa8: {  	_ =	task [dreg:s5], $0x5FFFF  }
0xa9: {  	[dreg:$0x1] =	wrdreg $0xFFFFFFFF  }
0xaa: {  	[dreg:$0x0] =	wrdreg $0x60  }
0xab: {  	[dreg:$0x2] =	wrdreg s0  }
0xac: {  	[dreg:$0x3] =	wrdreg s22  }
0xad: {  	[dreg:$0x4] =	wrdreg $0x9  }
0xae: {  	_ =	task.clear_ibuf [dreg:s5], $0x5FFFF;
	_ =	strace $0x9000004F  }
0xaf: {  	s26 =	simm.s32 $0x9;
	_ =	strace $0x80000051  }
0xb0: {  	_ =	swait.ge [sflag:s26], $0x1  }
0xb1: {  	[sflag:s26] =	ssyncadd.s32 $0xFFFFFFFF  }
0xb2: {  	_ =	strace $0x90000051  }
0xb3: {  	_ =	sfence  }
0xb4: {  	s28 =	sld [smem:$0x0];
	_ =	sdelay $0x1  }
0xb5: {  	s29 =	srdreg.scid  }
0xb6: {  	s30 =	sshll.u32 s29, $0xD;
	s31 =	sshrl.u32 s29, $0x2  }
0xb7: {  	s2 =	sand.u32 $0x4000, s30;
	s1 =	sand.u32 $0x1, s29;
	s0 =	sadd.s32 s31, s28  }
0xb8: {  	s1 =	sor.u32 s2, s1;
	s0 =	sshll.u32 s0, $0x11  }
0xb9: {  	s0 =	sor.u32 s0, s1  }
0xba: {  	s0 =	sadd.s32 $0x8F2B, s0  }
0xbb: {  	[sflag:s0] =	ssyncadd.remote.s32 $0x1  }
0xbc: {  	_ =	sfence.sel $0xFFFF  }
0xbd: {  	[dreg:$0x0] =	wrdreg $0xFFFFFFFF;
	(pc) =	sbr.abs _section_cstart, $3  }
0xbe: {  	[dreg:$0x1] =	wrdreg $0xFFFFFFFF  }
0xbf: {  	_ =	task.clear_ibuf [dreg:s5], $0x2FFFF;
	_ =	strace $0x9FFFFFFF  }
0xc0: {  	(tm) =	ssettm $0x7FFFFFFF  }
0xc1: {  	_ =	shalt  }
tec
execute0_lowered:
.L_overlay_start_1:
0x0: {  	(tag) =	ssettag $0x1  }
0x1: {  	s0 =	stileid.u32  }
0x2: {  	s1 =	smin.u32 s0, $0x9  }
0x3: {  	s1 =	sadd.s32 s0, s1  }
0x4: {  	s2 =	simm.s32 $0x320;
	p0 =	slt.u32 s0, $0x9;
	s1 =	smul.u32 $0x190, s1  }
0x5: {  	s2 =	simm.s32 @!p0 $0x190  }
0x6: {  	s2 =	sadd.s32 s2, s1  }
0x7: {  	s3 =	smin.u32 s2, $0x2710  }
0x8: {  	s7 =	ssub.s32 s3, s1  }
0x9: {  	p0 =	sgt.s32 s7, $0x0  }
0xa: {  	s7 =	simm.s32 @!p0 $0x0  }
0xb: {  	s31 =	sand.u32 $0xFFF0, s7  }
0xc: {  	s2 =	sshrl.u32 s31, $0x4  }
0xd: {  	s4 =	rddreg [dreg:$0x0];
	s2 =	smul.u32 $0xA3E, s2  }
0xe: {  	s9 =	rddreg [dreg:$0x1];
	s6 =	simm.s32 $0x1  }
0xf: {  	s11 =	simm.s32 $0x3;
	s13 =	simm.s32 $0x0;
	s8 =	sshrl.u32 s2, $0x10  }
0x10: {  	s12 =	simm.s32 $0x0;
	s5 =	sadd.s32 $0xF000, s9;
	s10 =	smul.u32 $0x190, s8  }
.Ltmp0:
0x11: {  	s9 =	sadd.s32 $0x1EC00, s9;
	s2 =	rddreg [dreg:$0x2];
	(pc) =	sbr.rel .LBB2_1-.Ltmp0, $4  }
0x12: {  	_ =	strace $0x80000050;
	p0 =	sne.s32 s7, s10;
	s10 =	simm.s32 $0x1  }
0x13: {  	[sflag:s6] =	ssyncpa.u1 $0x0;
	s7 =	simm.s32 $0x2;
	s10 =	simm.s32 @!p0 $0x0  }
0x14: {  	[sflag:s7] =	ssyncpa.u1 $0x0;
	p0 =	por $0x0, $0x0;
	s8 =	sadd.s32 s8, s10  }
0x15: {  	vm0 =	vmmov $0xff;
	vm1 =	vcmask $0x3F20;
	[sflag:s11] =	ssyncpa.u1 $0x0;
	s11 =	smov.u32 s1;
	s10 =	sadd.s32 $0x1, s8  }
.LBB2_6:
0x16: {  	[hbm:s17] =	stream.linear.scatter [tilespmem:s14], [sflag:$0x3], $0x400, $0x38;
	[tilespmem:$0x19320] =	vst v63  }
.LBB2_7:
0x17: {  	s13 =	sadd.s32 $0x190, s11  }
0x18: {  	s15 =	smov.u32 s1;
	p2 =	slt.s32 s13, s3  }
0x19: {  	s15 =	smov.u32 @p2 s13;
	p2 =	sne.s32 s12, s10  }
.Ltmp1:
0x1a: {  	p1 =	slt.u32 s12, $0x2;
	(pc) =	sbr.rel @!p2 .LBB2_8-.Ltmp1, $4  }
0x1b: {  	s14 =	simm.s32 @!p1 $0x3  }
0x1c: {  	s16 =	sadd.s32 $0x1, s12;
	_ =	swait.ge @!p1 [sflag:s14], $0xC800  }
0x1d: {  	p0 =	por !p0, !p0;
	s13 =	smov.u32 s11;
	[sflag:s14] =	ssyncset.done @!p1 $0x0  }
0x1e: {  	s12 =	smov.u32 s16;
	s11 =	smov.u32 s15;
	[sflag:s14] =	ssyncadd.s32 @!p1 $0xFFFF3800  }
.LBB2_1:
0x1f: {  	p1 =	sge.u32 s12, s8  }
0x20: {  	s14 =	sxor.u32 @!p1 $0xFFFFFFFF, s12  }
0x21: {  	s14 =	sand.u32 @!p1 $0x1, s14  }
0x22: {  	s14 =	smul.u32 @!p1 $0x640, s14  }
0x23: {  	s31 =	sadd.s32 $0xFFFFFFFF, s12;
	s15 =	sshrl.u32 @!p1 s11, $0x3  }
0x24: {  	s16 =	sand.u32 @!p1 $0x7, s11;
	s15 =	sadd.s32 @!p1 s5, s15;
	s14 =	sshrl.u32 @!p1 s14, $0x2  }
0x25: {  	[tilespmem:s14], [sflag:$0x2] =	stream.linear.gather @!p1 [hbm4b:s15+s16], $0x190, $0x38;
	[tilespmem:$0x19320] =	vst v63  }
0x26: {  	p1 =	sge.u32 s31, s8  }
.Ltmp2:
0x27: {  	_ = 	snop;
	(pc) =	sbr.rel @p1 .LBB2_7-.Ltmp2, $1  }
0x28: {  	_ =	sdelay $0x3  }
0x29: {  	s14 =	simm.s32 $0x1  }
0x2a: {  	s14 =	simm.s32 @!p0 $0x0  }
0x2b: {  	s15 =	smul.u32 $0x640, s14  }
0x2c: {  	_ =	swait.ge [sflag:s7], $0x190  }
0x2d: {  	[sflag:s7] =	ssyncset.done $0x0;
	s16 =	sshrl.u32 s15, $0x2  }
0x2e: {  	[sflag:s7] =	ssyncadd.s32 $0xFFFFFE70;
	s15 =	sadd.s32 $0x0, s16  }
0x2f: {  	v0 =	vld.msk [tilespmem:s15+$0x0 ss:$0x1], $0xffff;
	_ =	sdelay $0x4  }
0x30: {  	vm2 =	vgt.s32 v0, $0x0  }
0x31: {  	v0 =	vnsel vm2, $0x0, v0  }
0x32: {  	v0 =	vmin.u32 v0, $0x1869F  }
0x33: {  	v0 =	vshll.u32 v0, $0x4  }
0x34: {  	s14 =	smul.u32 $0x32000, s14;
	_ =	sdelay $0x1  }
0x35: {  	s14 =	sshrl.u32 s14, $0x2  }
0x36: {  	s14 =	sor.u32 $0x320, s14  }
0x37: {  	[tilespmem:s14], [sflag:$0x1] =	stream.indirect_vreg.gather [hbm:s4], $0x80, v0, vm0, $0x38;
	[tilespmem:$0x19320] =	vst v63  }
0x38: {  	s17 =	sadd.s32 $0x10, s16;
	s15 =	sadd.s32 $0x400, s14  }
0x39: {  	[tilespmem:s15], [sflag:$0x1] =	stream.indirect_vreg.gather [hbm:s4], $0x80, v0, vm1, $0x38;
	[tilespmem:$0x19320] =	vst v63  }
0x3a: {  	s18 =	simm.s32 $0x80;
	v0 =	vld.msk [tilespmem:s17+$0x0 ss:$0x1], $0xffff;
	s17 =	smov.u32 s14  }
.LBB2_3:
0x3b: {  	p1 =	sne.s32 s18, $0x600;
	_ =	sdelay $0x4  }
0x3c: {  	vm2 =	vgt.s32 v0, $0x0  }
0x3d: {  	v0 =	vnsel vm2, $0x0, v0  }
0x3e: {  	v0 =	vmin.u32 v0, $0x1869F  }
0x3f: {  	v0 =	vshll.u32 v0, $0x4;
	_ =	sdelay $0x3  }
.Ltmp3:
0x40: {  	s19 =	sshra.s32 s18, $0x2;
	s17 =	sadd.s32 $0x800, s17;
	(pc) =	sbr.rel @p1 .LBB2_3-.Ltmp3, $4  }
0x41: {  	[tilespmem:s17], [sflag:$0x1] =	stream.indirect_vreg.gather [hbm:s4], $0x80, v0, vm0, $0x38;
	[tilespmem:$0x19320] =	vst v63  }
0x42: {  	s19 =	sadd.s32 s19, s16;
	s20 =	sadd.s32 $0x400, s17  }
0x43: {  	[tilespmem:s20], [sflag:$0x1] =	stream.indirect_vreg.gather [hbm:s4], $0x80, v0, vm1, $0x38;
	[tilespmem:$0x19320] =	vst v63  }
0x44: {  	s18 =	sadd.s32 $0x40, s18;
	v0 =	vld.msk [tilespmem:s19+$0x0 ss:$0x1], $0xffff  }
0x45: {  	_ =	sdelay $0x3  }
0x46: {  	vm2 =	vgt.s32 v0, $0x0  }
0x47: {  	v0 =	vnsel vm2, $0x0, v0  }
0x48: {  	v0 =	vmin.u32 v0, $0x1869F  }
0x49: {  	v0 =	vshll.u32 v0, $0x4;
	_ =	sdelay $0x3  }
0x4a: {  	s16 =	sadd.s32 $0x800, s17  }
0x4b: {  	[tilespmem:s16], [sflag:$0x1] =	stream.indirect_vreg.gather [hbm:s4], $0x80, v0, vm0, $0x38;
	[tilespmem:$0x19320] =	vst v63  }
0x4c: {  	s16 =	sadd.s32 $0x400, s16  }
0x4d: {  	[tilespmem:s16], [sflag:$0x1] =	stream.indirect_vreg.gather [hbm:s4], $0x80, v0, vm1, $0x38;
	[tilespmem:$0x19320] =	vst v63  }
0x4e: {  	s13 =	sshll.u32 s13, $0x4;
	_ =	swait.ge [sflag:s6], $0xC800  }
0x4f: {  	s13 =	sadd.s32 s13, s9;
	[sflag:s6] =	ssyncset.done $0x0  }
0x50: {  	s17 =	sadd.s32 $0x0, s13;
	s16 =	simm.s32 $0x80;
	[sflag:s6] =	ssyncadd.s32 $0xFFFF3800  }
.LBB2_5:
0x51: {  	[hbm:s17] =	stream.linear.scatter [tilespmem:s14], [sflag:$0x3], $0x400, $0x38;
	[tilespmem:$0x19320] =	vst v63  }
0x52: {  	s17 =	smov.u32 s16;
	s14 =	smov.u32 s15;
	p1 =	sne.s32 s16, $0x1880  }
.Ltmp4:
0x53: {  	s16 =	sadd.s32 $0x80, s16;
	(pc) =	sbr.rel @p1 .LBB2_5-.Ltmp4, $2  }
0x54: {  	_ =	sdelay $0x2  }
0x55: {  	s15 =	sadd.s32 $0x400, s15;
	s17 =	sadd.s32 s17, s13  }
.Ltmp5:
0x56: {  	_ = 	snop;
	(pc) =	sbr.rel .LBB2_6-.Ltmp5, $1  }
0x57: {  	_ =	sdelay $0x3  }
.LBB2_8:
0x58: {  	_ =	sfence.sel $0x180000  }
0x59: {  	s1 =	simm.s32 $0x2;
	[bflag:$0x0] =	sbarrier.arrive $0xFFFF  }
0x5a: {  	s30 =	simm.s32 $0x3;
	[sflag:s1] =	ssyncpa.u1 $0x1  }
0x5b: {  	s31 =	simm.s32 $0x1;
	[sflag:s30] =	ssyncpa.u1 $0x1  }
0x5c: {  	[sflag:s31] =	ssyncpa.u1 $0x1  }
0x5d: {  	p0 =	sne.s32 s0, $0x0;
	_ =	strace $0x90000050  }
0x5e: {  	s0 =	sadd.s32 @!p0 $0x100000, s2;
	[bflag:$0x2] =	sbarrier.arrive $0xFFFF  }
0x5f: {  	[sflag:s0] =	ssyncadd.tile.s32 @!p0 $0x1;
	_ =	shalt  }
.Lfunc_end2:
_tile_overlayer_lowered:
.L_overlay_start_2:
0x60: {  	(tag) =	ssettag $0x2  }
0x61: {  	s0 =	rddreg [dreg:$0x0];
	s2 =	stileid.u32  }
0x62: {  	s1 =	rddreg [dreg:$0x1];
	p0 =	sne.s32 s2, $0x0  }
0x63: {  	s3 =	rddreg [dreg:$0x2];
	[bflag:$0x3] =	sbarrier.arrive $0xFFFF;
	s2 =	simm.s32 @!p0 $0x1C01  }
0x64: {  	[timem:s3], [sflag:s2] =	dma.local @!p0 [hbm:s0], s1  }
0x65: {  	s0 =	simm.s32 @!p0 $0x1  }
0x66: {  	_ =	swait.ge @!p0 [sflag:s0], s1  }
0x67: {  	s1 =	ssub.s32 @!p0 $0x0, s1;
	[sflag:s0] =	ssyncset.done @!p0 $0x0  }
0x68: {  	[sflag:s0] =	ssyncadd.s32 @!p0 s1  }
0x69: {  	[bflag:$0x3] =	sbarrier.arrive $0xFFFF  }
0x6a: {  	_ =	shalt  }

// kernel: kernel.15.cloned.1.call-start
scs
__scs_entry_jumppad:
0x0: {  	(pc) =	sbr.rel $0x88, $3  }
0x1: {  	(tag) =	ssettag $0x0;
	lr =	simm.s32 $0x1  }
0x2: {  	[smem:$0x3F7F] =	sst lr;
	_ =	strace $0xD0000000  }
0x3: {  	_ = 	snop  }
0x4: {  	_ = 	snop  }
0x5: {  	_ = 	snop  }
0x6: {  	_ = 	snop  }
0x7: {  	_ = 	snop  }
__scs_overlays_trampoline_lowered:
0x8: {  	[smem:$0x3F8E] =	sst s0  }
0x9: {  	[smem:$0x3F8F] =	sst s1  }
0xa: {  	[smem:$0x3F90] =	sst s2  }
0xb: {  	[smem:$0x3F91] =	sst s3  }
0xc: {  	[smem:$0x3F92] =	sst s4  }
0xd: {  	[smem:$0x3F93] =	sst s5  }
0xe: {  	[smem:$0x3F94] =	sst s6  }
0xf: {  	[smem:$0x3F95] =	sst s7  }
0x10: {  	[smem:$0x3F96] =	sst s8  }
0x11: {  	[smem:$0x3F97] =	sst s9;
	s0 =	simm.s32 @!p0 $0x0  }
0x12: {  	s1 =	sld [smem:$0x3F7D];
	s0 =	simm.s32 @p0 $0x1  }
0x13: {  	[smem:$0x3F98] =	sst s0;
	s0 =	simm.s32 @!p1 $0x0  }
0x14: {  	s2 =	sld [smem:$0x3F7C];
	s0 =	simm.s32 @p1 $0x1  }
0x15: {  	[smem:$0x3F99] =	sst s0;
	s0 =	simm.s32 @!p2 $0x0  }
0x16: {  	s3 =	sld [smem:$0x3FDB];
	s0 =	simm.s32 @p2 $0x1  }
0x17: {  	s4 =	simm.s32 $0x1BF5;
	[smem:$0x3F9B] =	sst s0  }
0x18: {  	s0 =	sld [smem:$0x3F7E];
	_ =	swait.ge [sflag:s4], $0x0  }
0x19: {  	s7 =	sld [smem:$0x3F7F]  }
0x1a: {  	s8 =	sadd.s32 $0xFFFFE003, lr  }
0x1b: {  	s9 =	sadd.s32 $0xFFFFFEF7, lr;
	s5 =	simm.s32 $0xFFFFFFFF;
	p2 =	slt.u32 s8, $0xFFFFF086  }
0x1c: {  	p1 =	slt.u32 s9, $0xF7A;
	s5 =	simm.s32 @!p2 $0x0  }
0x1d: {  	s5 =	simm.s32 @p1 $0x1;
	p0 =	seq.s32 s7, s2  }
0x1e: {  	s7 =	smul.u32 @!p0 $0xF7A, s2;
	p2 =	seq.s32 @!p0 s5, $0x0  }
0x1f: {  	s9 =	smul.u32 $0xF7A, s1;
	s8 =	simm.s32 @!p0 $0x1BF5;
	p2 =	por !p2, p0  }
0x20: {  	[sflag:s8] =	ssyncset.s32 @!p0 $0xFFFFF086;
	s6 =	sadd.s32 @!p0 s3, s7;
	s7 =	simm.s32 @!p0 $0x108  }
0x21: {  	s3 =	sadd.s32 s3, s9;
	s6 =	sadd.s32 @!p0 $0x88, s6;
	s7 =	simm.s32 @p2 $0x1082  }
0x22: {  	[simem:s7], [sflag:s8] =	dma.local @!p0 [hbm:s6], $0xF7A  }
0x23: {  	s9 =	sor.u32 $0xD0000000, s2;
	s6 =	simm.s32 $0x108;
	_ =	swait.ge @!p0 [sflag:s8], $0x0  }
0x24: {  	s3 =	sadd.s32 $0x88, s3;
	s6 =	simm.s32 @!p1 $0x1082;
	[sflag:s4] =	ssyncset.s32 $0xFFFFF086  }
0x25: {  	[simem:s6], [sflag:s4] =	dma.local [hbm:s3], $0xF7A  }
0x26: {  	[smem:$0x3F7F] =	sst s1;
	(tag) =	ssettag s2;
	_ =	strace s9  }
0x27: {  	s1 =	sld [smem:$0x3F8F]  }
0x28: {  	s2 =	sld [smem:$0x3F90]  }
0x29: {  	s4 =	sld [smem:$0x3F92]  }
0x2a: {  	p0 =	seq.s32 s5, $0x0;
	s5 =	sld [smem:$0x3F93]  }
0x2b: {  	s6 =	sld [smem:$0x3F94]  }
0x2c: {  	s7 =	sld [smem:$0x3F95]  }
0x2d: {  	s3 =	simm.s32 $0x108;
	s8 =	sld [smem:$0x3F96]  }
0x2e: {  	s3 =	simm.s32 @!p0 $0x1082;
	s9 =	sld [smem:$0x3F97]  }
0x2f: {  	lr =	sadd.s32 s0, s3;
	s0 =	sld [smem:$0x3F8E]  }
0x30: {  	s3 =	sld [smem:$0x3F91]  }
0x31: {  	[smem:$0x3F9A] =	sst s10  }
0x32: {  	s10 =	sld [smem:$0x3F98];
	_ =	sdelay $0x3  }
0x33: {  	p0 =	seq.s32 s10, $0x1;
	s10 =	sld [smem:$0x3F9A];
	_ =	sdelay $0x3  }
0x34: {  	[smem:$0x3F9A] =	sst s10  }
0x35: {  	s10 =	sld [smem:$0x3F99];
	_ =	sdelay $0x3  }
0x36: {  	p1 =	seq.s32 s10, $0x1;
	s10 =	sld [smem:$0x3F9A];
	_ =	sdelay $0x3  }
0x37: {  	[smem:$0x3F9A] =	sst s10  }
0x38: {  	s10 =	sld [smem:$0x3F9B]  }
0x39: {  	_ = 	snop;
	(pc) =	sbr.ind lr, $3  }
0x3a: {  	_ = 	snop  }
0x3b: {  	_ = 	snop  }
0x3c: {  	p2 =	seq.s32 s10, $0x1;
	s10 =	sld [smem:$0x3F9A]  }
0x3d: {  	_ =	shalt  }
0x3e: {  	_ =	shalt  }
0x3f: {  	_ =	shalt  }
0x40: {  	_ =	shalt  }
0x41: {  	_ =	shalt  }
0x42: {  	_ =	shalt  }
0x43: {  	_ =	shalt  }
0x44: {  	_ =	shalt  }
0x45: {  	_ =	shalt  }
0x46: {  	_ =	shalt  }
0x47: {  	_ =	shalt  }
0x48: {  	_ =	shalt  }
0x49: {  	_ =	shalt  }
0x4a: {  	_ =	shalt  }
0x4b: {  	_ =	shalt  }
0x4c: {  	_ =	shalt  }
0x4d: {  	_ =	shalt  }
0x4e: {  	_ =	shalt  }
0x4f: {  	_ =	shalt  }
0x50: {  	_ =	shalt  }
0x51: {  	_ =	shalt  }
0x52: {  	_ =	shalt  }
0x53: {  	_ =	shalt  }
0x54: {  	_ =	shalt  }
0x55: {  	_ =	shalt  }
0x56: {  	_ =	shalt  }
0x57: {  	_ =	shalt  }
0x58: {  	_ =	shalt  }
0x59: {  	_ =	shalt  }
0x5a: {  	_ =	shalt  }
0x5b: {  	_ =	shalt  }
0x5c: {  	_ =	shalt  }
0x5d: {  	_ =	shalt  }
0x5e: {  	_ =	shalt  }
0x5f: {  	_ =	shalt  }
0x60: {  	_ =	shalt  }
0x61: {  	_ =	shalt  }
0x62: {  	_ =	shalt  }
0x63: {  	_ =	shalt  }
0x64: {  	_ =	shalt  }
0x65: {  	_ =	shalt  }
0x66: {  	_ =	shalt  }
0x67: {  	_ =	shalt  }
0x68: {  	_ =	shalt  }
0x69: {  	_ =	shalt  }
0x6a: {  	_ =	shalt  }
0x6b: {  	_ =	shalt  }
0x6c: {  	_ =	shalt  }
0x6d: {  	_ =	shalt  }
0x6e: {  	_ =	shalt  }
0x6f: {  	_ =	shalt  }
0x70: {  	_ =	shalt  }
0x71: {  	_ =	shalt  }
0x72: {  	_ =	shalt  }
0x73: {  	_ =	shalt  }
0x74: {  	_ =	shalt  }
0x75: {  	_ =	shalt  }
0x76: {  	_ =	shalt  }
0x77: {  	_ =	shalt  }
0x78: {  	_ =	shalt  }
0x79: {  	_ =	shalt  }
0x7a: {  	_ =	shalt  }
0x7b: {  	_ =	shalt  }
0x7c: {  	_ =	shalt  }
0x7d: {  	_ =	shalt  }
0x7e: {  	_ =	shalt  }
0x7f: {  	_ =	shalt  }
0x80: {  	_ =	shalt  }
0x81: {  	_ =	shalt  }
0x82: {  	_ =	shalt  }
0x83: {  	_ =	shalt  }
0x84: {  	_ =	shalt  }
0x85: {  	_ =	shalt  }
0x86: {  	_ =	shalt  }
0x87: {  	_ =	shalt  }
.Lfunc_end0:
.L_simem_size_0:
called_computation.8_lowered:
.L_overlay_start_0:
0x88: {  	s2 =	sld [smem:$0x3FD9]  }
0x89: {  	s3 =	sld [smem:$0x3FFE];
	_ =	sdelay $0x1  }
0x8a: {  	s1 =	srdreg.scid  }
0x8b: {  	s0 =	sand.u32 $0x1, s1  }
0x8c: {  	s15 =	sshll.u32 s0, $0xA;
	s2 =	sadd.s32 s3, s2  }
0x8d: {  	s2 =	sadd.s32 s2, s15  }
0x8e: {  	[smem:$0x3FA6] =	sst s2  }
0x8f: {  	_ = 	snop  }
0x90: {  	s2 =	sld [smem:$0x3FD0];
	_ =	sdelay $0x2  }
0x91: {  	s16 =	simm.s32 $0xB;
	s4 =	simm.s32 $0x10  }
0x92: {  	[smem:s4], [sflag:s16] =	dma.local [hbm:s2], $0x1  }
0x93: {  	_ =	swait.eq [sflag:s16], $0x1  }
0x94: {  	[sflag:s16] =	ssyncset.done $0x0  }
0x95: {  	[sflag:s16] =	ssyncadd.s32 $0xFFFFFFFF  }
0x96: {  	s17 =	sld [smem:$0x10];
	(tm) =	ssettm $0x1  }
0x97: {  	s18 =	sld [smem:$0x3FFB];
	_ =	sdelay $0x3  }
0x98: {  	_ =	strace s18  }
0x99: {  	s2 =	sld [smem:$0x3FFC];
	_ =	sdelay $0x3  }
0x9a: {  	_ =	strace s2  }
0x9b: {  	s2 =	sld [smem:$0x3FFD];
	_ =	sdelay $0x3  }
0x9c: {  	_ =	strace s2  }
0x9d: {  	_ =	strace $0x8FFFFFFF  }
0x9e: {  	s19 =	sld [smem:$0x3FDB];
	_ =	sdelay $0x1  }
0x9f: {  	s20 =	simm.s32 $_scs_section_size  }
0xa0: {  	s5 =	simm.s32 $_size__tile_overlayer_lowered;
	s6 =	simm.s32 $_tile_overlayer_lowered  }
0xa1: {  	s7 =	simm.s32 $0x1BFF;
	s21 =	sshll.u32 s6, $0x1;
	s4 =	sadd.s32 s20, s19  }
0xa2: {  	s22 =	simm.s32 $0x0;
	s5 =	sshll.u32 s5, $0x1;
	s6 =	sadd.s32 s21, s4  }
0xa3: {  	[timem:s22], [sflag:s7] =	dma.local [hbm:s6], s5  }
0xa4: {  	_ =	swait.ge [sflag:s7], s5  }
0xa5: {  	s5 =	ssub.s32 $0x0, s5;
	[sflag:s7] =	ssyncset.done $0x0  }
0xa6: {  	[sflag:s7] =	ssyncadd.s32 s5;
	_ =	sdelay $0x1  }
0xa7: {  	s23 =	simm.s32 $0x1B8B  }
0xa8: {  	_ =	swait.ge [sflag:s23], $0x1  }
0xa9: {  	[sflag:s23] =	ssyncset.done $0x0  }
0xaa: {  	[sflag:s23] =	ssyncadd.s32 $0xFFFFFFFF  }
0xab: {  	s5 =	sld [smem:$0x0]  }
0xac: {  	s6 =	sand.u32 $0xFFFFFFFE, s1  }
0xad: {  	p0 =	sne.s32 s1, s6  }
0xae: {  	s6 =	sshll.u32 @p0 s6, $0xE  }
0xaf: {  	s6 =	sadd.s32 @p0 $0x11B8D, s6;
	s7 =	sshll.u32 @p0 s5, $0x11  }
0xb0: {  	s6 =	sor.u32 @p0 s7, s6  }
0xb1: {  	[sflag:s6] =	ssyncadd.remote.s32 @p0 $0x1;
	_ =	sdelay $0x1  }
0xb2: {  	s6 =	simm.s32 @p0 $0x1B8D  }
0xb3: {  	_ =	swait.eq @p0 [sflag:s6], $0x1  }
0xb4: {  	[sflag:s6] =	ssyncadd.s32 @p0 $0xFFFFFFFF  }
0xb5: {  	s7 =	sshll.u32 @!p0 s1, $0xE  }
0xb6: {  	s7 =	sor.u32 @!p0 $0x4000, s7;
	s6 =	simm.s32 @!p0 $0x1B8D  }
0xb7: {  	s5 =	sshll.u32 @!p0 s5, $0x11;
	s7 =	sadd.s32 @!p0 $0x11B8D, s7;
	_ =	swait.eq @!p0 [sflag:s6], $0x1  }
0xb8: {  	s5 =	sor.u32 @!p0 s5, s7;
	[sflag:s6] =	ssyncadd.s32 @!p0 $0xFFFFFFFF  }
0xb9: {  	s25 =	simm.s32 $0x1B8E;
	s24 =	sld [smem:$0x3FFE];
	[sflag:s5] =	ssyncadd.remote.s32 @!p0 $0x1  }
0xba: {  	s26 =	simm.s32 $execute0_lowered;
	[smem:$0x3FD2] =	sst s25  }
0xbb: {  	s6 =	sshll.u32 s26, $0x1;
	_ =	strace $0x80000058;
	[dreg:$0x1] =	wrdreg $0xFFFFFFFF  }
0xbc: {  	s28 =	simm.s32 $_size_execute0_lowered;
	s4 =	sadd.s32 s4, s6;
	[dreg:$0x0] =	wrdreg $0x0  }
0xbd: {  	s6 =	sshll.u32 s28, $0x1;
	[dreg:$0x2] =	wrdreg s4  }
0xbe: {  	[dreg:$0x3] =	wrdreg s6  }
0xbf: {  	[dreg:$0x4] =	wrdreg $0xC0  }
0xc0: {  	_ =	task [dreg:s22], $0x5FFFF  }
0xc1: {  	[dreg:$0x1] =	wrdreg $0xFFFFFFFF  }
0xc2: {  	[dreg:$0x0] =	wrdreg $0x60  }
0xc3: {  	[dreg:$0x2] =	wrdreg s24  }
0xc4: {  	[dreg:$0x3] =	wrdreg s17  }
0xc5: {  	[dreg:$0x4] =	wrdreg $0xA  }
0xc6: {  	_ =	task.clear_ibuf [dreg:s22], $0x5FFFF;
	_ =	strace $0x90000058  }
0xc7: {  	s29 =	simm.s32 $0xA;
	_ =	strace $0x8000005A  }
0xc8: {  	_ =	swait.ge [sflag:s29], $0x1  }
0xc9: {  	[sflag:s29] =	ssyncadd.s32 $0xFFFFFFFF  }
0xca: {  	_ =	strace $0x9000005A  }
0xcb: {  	_ =	sfence  }
0xcc: {  	s30 =	sld [smem:$0x0];
	_ =	sdelay $0x2  }
0xcd: {  	s31 =	sshll.u32 s1, $0xD;
	s1 =	sshrl.u32 s1, $0x2  }
0xce: {  	s4 =	sand.u32 $0x4000, s31;
	s1 =	sadd.s32 s1, s30  }
0xcf: {  	s0 =	sor.u32 s4, s0;
	s1 =	sshll.u32 s1, $0x11  }
0xd0: {  	s0 =	sor.u32 s1, s0  }
0xd1: {  	s0 =	sadd.s32 $0x8F2B, s0  }
0xd2: {  	[sflag:s0] =	ssyncadd.remote.s32 $0x1  }
0xd3: {  	_ =	sfence.sel $0xFFFF  }
0xd4: {  	[dreg:$0x0] =	wrdreg $0xFFFFFFFF;
	(pc) =	sbr.abs _section_cstart, $3  }
0xd5: {  	[dreg:$0x1] =	wrdreg $0xFFFFFFFF  }
0xd6: {  	_ =	task.clear_ibuf [dreg:s22], $0x2FFFF;
	_ =	strace $0x9FFFFFFF  }
0xd7: {  	(tm) =	ssettm $0x7FFFFFFF  }
tec
execute0_lowered:
.L_overlay_start_1:
0x0: {  	(tag) =	ssettag $0x1  }
0x1: {  	s6 =	rddreg [dreg:$0x0];
	s1 =	srdreg.scid  }
0x2: {  	s0 =	stileid.u32;
	s7 =	rddreg [dreg:$0x1];
	s2 =	simm.s32 $0x0  }
0x3: {  	s12 =	simm.s32 $0x1400;
	s13 =	simm.s32 $0x2800;
	s14 =	simm.s32 $0x3F00  }
0x4: {  	s15 =	simm.s32 $0x3C00;
	s16 =	simm.s32 $0x3D00;
	s17 =	simm.s32 $0x80  }
0x5: {  	s18 =	simm.s32 $0x7;
	s19 =	simm.s32 $0x8;
	s20 =	simm.s32 $0x0  }
0x6: {  	s5 =	sand.u32 $0x1, s1;
	s3 =	sshll.u32 s0, $0x1;
	s1 =	rddreg [dreg:$0x2]  }
0x7: {  	[smem:$0x7FF] =	sst s2;
	s4 =	sadd.s32 $0x14600, s6;
	s3 =	sor.u32 s5, s3  }
.Ltmp0:
0x8: {  	_ =	strace $0x80000059;
	s10 =	ssub.s32 $0x2, s5;
	(pc) =	sbr.rel .LBB2_1-.Ltmp0, $4  }
0x9: {  	s5 =	sadd.s32 $0x5E00, s6;
	s8 =	smul.u32 $0x280, s3;
	s11 =	sshrl.u32 s10, $0x1  }
0xa: {  	s3 =	sadd.s32 $0x45E00, s6;
	s10 =	ssub.s32 s10, s11;
	s11 =	simm.s32 $0x9  }
0xb: {  	s9 =	sadd.s32 s8, s6;
	s6 =	sadd.s32 $0x94200, s6;
	s7 =	sadd.s32 s7, s8  }
0xc: {  	s10 =	smax.u32 s10, $0x1;
	s8 =	sadd.s32 $0x19C00, s9;
	s9 =	sadd.s32 $0xF600, s9  }
.LBB2_7:
0xd: {  	s20 =	sadd.s32 $0x1, s20  }
0xe: {  	_ =	swait.ge [sflag:s18], $0x4000;
	p0 =	sne.s32 s20, s10  }
.Ltmp1:
0xf: {  	[sflag:s18] =	ssyncset.done $0x0;
	(pc) =	sbr.rel @!p0 .LBB2_8-.Ltmp1, $4  }
0x10: {  	[sflag:s18] =	ssyncadd.s32 $0xFFFFC000  }
0x11: {  	_ =	swait.ge [sflag:s19], $0x4000  }
0x12: {  	[sflag:s19] =	ssyncset.done $0x0  }
0x13: {  	[sflag:s19] =	ssyncadd.s32 $0xFFFFC000  }
.LBB2_1:
0x14: {  	[tilespmem:s2], [sflag:$0x9] =	stream.linear.gather [hbm4b:s7+s2], $0x1400, $0x38;
	[tilespmem:$0xBF00] =	vst v63  }
0x15: {  	_ =	swait.ge [sflag:s11], $0x1400  }
0x16: {  	[sflag:s11] =	ssyncset.done $0x0  }
0x17: {  	[sflag:s11] =	ssyncadd.s32 $0xFFFFEC00  }
0x18: {  	[tilespmem:s12], [sflag:$0x9] =	stream.linear.gather [hbm4b:s8+s2], $0x1400, $0x38;
	[tilespmem:$0xBF00] =	vst v63  }
0x19: {  	_ =	swait.ge [sflag:s11], $0x1400  }
0x1a: {  	[sflag:s11] =	ssyncset.done $0x0  }
0x1b: {  	[sflag:s11] =	ssyncadd.s32 $0xFFFFEC00  }
0x1c: {  	[tilespmem:s13], [sflag:$0x9] =	stream.linear.gather [hbm4b:s9+s2], $0x1400, $0x38;
	[tilespmem:$0xBF00] =	vst v63  }
0x1d: {  	_ =	swait.ge [sflag:s11], $0x1400  }
0x1e: {  	[sflag:s11] =	ssyncset.done $0x0  }
0x1f: {  	[sflag:s11] =	ssyncadd.s32 $0xFFFFEC00  }
0x20: {  	[tilespmem:s14], [sflag:$0x1] =	stream.indirect.gather [hbm4b:s3+s17], $0x80, s2, s17, $0xb8;
	[tilespmem:$0xBF00] =	vst v63  }
.Ltmp2:
0x21: {  	_ = 	snop;
	(pc) =	sbr.rel .LBB2_2-.Ltmp2, $4  }
0x22: {  	s21 =	simm.s32 $0x1  }
0x23: {  	[tilespmem:s15], [sflag:$0x3] =	stream.indirect.gather [hbm4b:s4+s17], $0x1, s12, s17, $0xb8;
	[tilespmem:$0xBF00] =	vst v63  }
0x24: {  	s22 =	simm.s32 $0x1480;
	s23 =	simm.s32 $0x2880;
	s24 =	simm.s32 $0x80  }
0x25: {  	[tilespmem:s16], [sflag:$0x5] =	stream.indirect.gather [hbm4b:s5+s17], $0x1, s13, s17, $0xb8;
	[tilespmem:$0xBF00] =	vst v63  }
.LBB2_5:
0x26: {  	s28 =	sshll.u32 s26, $0xE  }
0x27: {  	s29 =	sadd.s32 $0x1, s26;
	s28 =	sor.u32 $0x3F00, s28  }
0x28: {  	[tilespmem:s28], [sflag:s29] =	stream.indirect.gather [hbm4b:s3+s17], $0x80, s24, s17, $0xb8;
	[tilespmem:$0xBF00] =	vst v63  }
0x29: {  	s28 =	sshll.u32 s26, $0x7  }
0x2a: {  	s30 =	sadd.s32 $0x3, s26;
	s31 =	sor.u32 $0x3C00, s28  }
0x2b: {  	[tilespmem:s31], [sflag:s30] =	stream.indirect.gather [hbm4b:s4+s17], $0x1, s22, s17, $0xb8;
	[tilespmem:$0xBF00] =	vst v63  }
0x2c: {  	s28 =	sor.u32 $0x3D00, s28;
	s31 =	sadd.s32 $0x5, s26  }
0x2d: {  	[tilespmem:s28], [sflag:s31] =	stream.indirect.gather [hbm4b:s5+s17], $0x1, s23, s17, $0xb8;
	[tilespmem:$0xBF00] =	vst v63  }
.LBB2_6:
0x2e: {  	s25 =	sand.u32 $0x1, s25  }
0x2f: {  	s26 =	sadd.s32 $0x3, s25  }
0x30: {  	_ =	swait.ge [sflag:s26], $0x80  }
0x31: {  	[sflag:s26] =	ssyncset.done $0x0  }
0x32: {  	s29 =	sadd.s32 $0x5, s25;
	[sflag:s26] =	ssyncadd.s32 $0xFFFFFF80  }
0x33: {  	_ =	swait.ge [sflag:s29], $0x80  }
0x34: {  	[sflag:s29] =	ssyncset.done $0x0  }
0x35: {  	p0 =	seq.s32 s25, $0x1;
	[sflag:s29] =	ssyncadd.s32 $0xFFFFFF80  }
0x36: {  	v0 =	vld @p0 [tilespmem:$0x3C80]  }
0x37: {  	v1 =	vld @p0 [tilespmem:$0x3D80]  }
0x38: {  	v2 =	vld @p0 [tilespmem:$0x3C90]  }
0x39: {  	v3 =	vld @p0 [tilespmem:$0x3D90]  }
0x3a: {  	v4 =	vld @p0 [tilespmem:$0x3CA0]  }
0x3b: {  	v5 =	vld @p0 [tilespmem:$0x3DA0]  }
0x3c: {  	v6 =	vld @p0 [tilespmem:$0x3CB0]  }
0x3d: {  	v7 =	vld @p0 [tilespmem:$0x3DB0]  }
0x3e: {  	v8 =	vld @p0 [tilespmem:$0x3CC0]  }
0x3f: {  	v9 =	vld @p0 [tilespmem:$0x3DC0]  }
0x40: {  	v10 =	vld @p0 [tilespmem:$0x3CD0]  }
0x41: {  	v11 =	vld @p0 [tilespmem:$0x3DD0]  }
0x42: {  	v12 =	vld @p0 [tilespmem:$0x3CE0]  }
0x43: {  	v13 =	vld @p0 [tilespmem:$0x3DE0]  }
0x44: {  	v14 =	vld @p0 [tilespmem:$0x3CF0]  }
0x45: {  	v15 =	vld @p0 [tilespmem:$0x3DF0]  }
0x46: {  	v16 =	vld @!p0 [tilespmem:$0x3C00]  }
0x47: {  	v17 =	vld @!p0 [tilespmem:$0x3D00]  }
0x48: {  	v18 =	vld @!p0 [tilespmem:$0x3C10]  }
0x49: {  	v19 =	vld @!p0 [tilespmem:$0x3D10]  }
0x4a: {  	v20 =	vld @!p0 [tilespmem:$0x3C20]  }
0x4b: {  	v0 =	vadd.s32 @p0 v0, v1;
	v1 =	vld @!p0 [tilespmem:$0x3D20]  }
0x4c: {  	v2 =	vadd.s32 @p0 v2, v3;
	v3 =	vld @!p0 [tilespmem:$0x3C30];
	vm0 =	vlt.s32 @p0 v0, $0x28FFF  }
0x4d: {  	v4 =	vadd.s32 @p0 v4, v5;
	v5 =	vld @!p0 [tilespmem:$0x3D30];
	v0 =	vnsel @p0 vm0, $0x28FFF, v0;
	vm0 =	vlt.s32 @p0 v2, $0x28FFF  }
0x4e: {  	[tilespmem:$0x3E80] =	vst @p0 v0;
	v0 =	vnsel @p0 vm0, $0x28FFF, v2;
	vm0 =	vlt.s32 @p0 v4, $0x28FFF;
	v2 =	vadd.s32 @p0 v6, v7;
	v6 =	vld @!p0 [tilespmem:$0x3C40]  }
0x4f: {  	v7 =	vld @!p0 [tilespmem:$0x3D40];
	[tilespmem:$0x3E90] =	vst @p0 v0;
	v0 =	vnsel @p0 vm0, $0x28FFF, v4;
	vm0 =	vlt.s32 @p0 v2, $0x28FFF;
	v4 =	vadd.s32 @p0 v8, v9  }
0x50: {  	v8 =	vld @!p0 [tilespmem:$0x3C50];
	[tilespmem:$0x3EA0] =	vst @p0 v0;
	v0 =	vnsel @p0 vm0, $0x28FFF, v2;
	vm0 =	vlt.s32 @p0 v4, $0x28FFF;
	v2 =	vadd.s32 @p0 v10, v11  }
0x51: {  	v9 =	vld @!p0 [tilespmem:$0x3D50];
	[tilespmem:$0x3EB0] =	vst @p0 v0;
	v0 =	vnsel @p0 vm0, $0x28FFF, v4;
	vm0 =	vlt.s32 @p0 v2, $0x28FFF;
	v4 =	vadd.s32 @p0 v12, v13  }
0x52: {  	v10 =	vld @!p0 [tilespmem:$0x3C60];
	[tilespmem:$0x3EC0] =	vst @p0 v0;
	v0 =	vnsel @p0 vm0, $0x28FFF, v2;
	vm0 =	vlt.s32 @p0 v4, $0x28FFF;
	v2 =	vadd.s32 @p0 v14, v15  }
0x53: {  	v11 =	vld @!p0 [tilespmem:$0x3D60];
	[tilespmem:$0x3ED0] =	vst @p0 v0;
	v0 =	vnsel @p0 vm0, $0x28FFF, v4;
	vm0 =	vlt.s32 @p0 v2, $0x28FFF;
	v4 =	vadd.s32 @!p0 v16, v17  }
0x54: {  	v12 =	vld @!p0 [tilespmem:$0x3C70];
	[tilespmem:$0x3EE0] =	vst @p0 v0;
	v0 =	vnsel @p0 vm0, $0x28FFF, v2;
	vm0 =	vlt.s32 @!p0 v4, $0x28FFF;
	v2 =	vadd.s32 @!p0 v18, v19  }
0x55: {  	v1 =	vadd.s32 @!p0 v20, v1;
	[tilespmem:$0x3EF0] =	vst @p0 v0;
	v0 =	vnsel @!p0 vm0, $0x28FFF, v4;
	vm0 =	vlt.s32 @!p0 v2, $0x28FFF;
	v4 =	vld @!p0 [tilespmem:$0x3D70]  }
0x56: {  	[tilespmem:$0x3E00] =	vst @!p0 v0;
	v0 =	vadd.s32 @!p0 v3, v5;
	v2 =	vnsel @!p0 vm0, $0x28FFF, v2;
	vm0 =	vlt.s32 @!p0 v1, $0x28FFF  }
0x57: {  	[tilespmem:$0x3E10] =	vst @!p0 v2;
	v2 =	vadd.s32 @!p0 v6, v7;
	v1 =	vnsel @!p0 vm0, $0x28FFF, v1;
	vm0 =	vlt.s32 @!p0 v0, $0x28FFF  }
0x58: {  	[tilespmem:$0x3E20] =	vst @!p0 v1;
	v1 =	vadd.s32 @!p0 v8, v9;
	v0 =	vnsel @!p0 vm0, $0x28FFF, v0;
	vm0 =	vlt.s32 @!p0 v2, $0x28FFF  }
0x59: {  	[tilespmem:$0x3E30] =	vst @!p0 v0;
	v0 =	vadd.s32 @!p0 v10, v11;
	v2 =	vnsel @!p0 vm0, $0x28FFF, v2;
	vm0 =	vlt.s32 @!p0 v1, $0x28FFF  }
0x5a: {  	[tilespmem:$0x3E40] =	vst @!p0 v2;
	v2 =	vadd.s32 @!p0 v12, v4;
	v1 =	vnsel @!p0 vm0, $0x28FFF, v1;
	vm0 =	vlt.s32 @!p0 v0, $0x28FFF  }
0x5b: {  	[tilespmem:$0x3E50] =	vst @!p0 v1;
	v0 =	vnsel @!p0 vm0, $0x28FFF, v0;
	vm0 =	vlt.s32 @!p0 v2, $0x28FFF  }
0x5c: {  	s21 =	sadd.s32 $0x1, s21;
	[tilespmem:$0x3E60] =	vst @!p0 v0;
	v0 =	vnsel @!p0 vm0, $0x28FFF, v2  }
0x5d: {  	s24 =	sadd.s32 $0x80, s24;
	[tilespmem:$0x3E70] =	vst @!p0 v0;
	p0 =	sne.s32 s21, $0x29  }
.Ltmp3:
0x5e: {  	s22 =	sadd.s32 $0x80, s22;
	s30 =	sadd.s32 $0x1, s25;
	(pc) =	sbr.rel @!p0 .LBB2_7-.Ltmp3, $4  }
0x5f: {  	s23 =	sadd.s32 $0x80, s23;
	s28 =	sshll.u32 s25, $0xE;
	_ =	swait.ge [sflag:s30], $0x4000  }
0x60: {  	s31 =	sshll.u32 s25, $0x7;
	s25 =	sadd.s32 $0x7, s25;
	[sflag:s30] =	ssyncset.done $0x0  }
0x61: {  	s28 =	sor.u32 $0x3F00, s28;
	s26 =	sor.u32 $0x3E00, s31;
	[sflag:s30] =	ssyncadd.s32 $0xFFFFC000  }
0x62: {  	[hbm4b:s6+s17] =	stream.indirect.scatter [tilespmem:s28], [sflag:s25], $0x80, s26, s17, $0xb8;
	[tilespmem:$0xBF00] =	vst v63  }
.LBB2_2:
0x63: {  	s25 =	sadd.s32 $0xFFFFFFFF, s21  }
0x64: {  	p0 =	seq.s32 s25, $0x0  }
.Ltmp4:
0x65: {  	_ = 	snop;
	(pc) =	sbr.rel @p0 .LBB2_5-.Ltmp4, $2  }
0x66: {  	_ =	sdelay $0x2  }
0x67: {  	s26 =	sand.u32 $0x1, s21  }
0x68: {  	p0 =	seq.s32 s25, $0x27  }
.Ltmp5:
0x69: {  	_ = 	snop;
	(pc) =	sbr.rel @p0 .LBB2_6-.Ltmp5, $1  }
0x6a: {  	_ =	sdelay $0x3  }
.Ltmp6:
0x6b: {  	(pc) =	sbr.rel .LBB2_5-.Ltmp6, $4  }
0x6c: {  	s28 =	sadd.s32 $0x7, s26  }
0x6d: {  	_ =	swait.ge [sflag:s28], $0x4000  }
0x6e: {  	[sflag:s28] =	ssyncset.done $0x0  }
0x6f: {  	[sflag:s28] =	ssyncadd.s32 $0xFFFFC000  }
.LBB2_8:
0x70: {  	_ =	sfence.sel $0x180000  }
0x71: {  	[bflag:$0x0] =	sbarrier.arrive $0xFFFF  }
0x72: {  	p0 =	sne.s32 s0, $0x0;
	_ =	strace $0x90000059  }
0x73: {  	s0 =	sadd.s32 @!p0 $0x100000, s1;
	[bflag:$0x2] =	sbarrier.arrive $0xFFFF  }
0x74: {  	[sflag:s0] =	ssyncadd.tile.s32 @!p0 $0x1;
	_ =	shalt  }
.Lfunc_end2:
_tile_overlayer_lowered:
.L_overlay_start_2:
0x75: {  	(tag) =	ssettag $0x2  }
0x76: {  	s0 =	rddreg [dreg:$0x0];
	s2 =	stileid.u32  }
0x77: {  	s1 =	rddreg [dreg:$0x1];
	p0 =	sne.s32 s2, $0x0  }
0x78: {  	s3 =	rddreg [dreg:$0x2];
	[bflag:$0x3] =	sbarrier.arrive $0xFFFF;
	s2 =	simm.s32 @!p0 $0x1C09  }
0x79: {  	[timem:s3], [sflag:s2] =	dma.local @!p0 [hbm:s0], s1  }
0x7a: {  	s0 =	simm.s32 @!p0 $0x9  }
0x7b: {  	_ =	swait.ge @!p0 [sflag:s0], s1  }
0x7c: {  	s1 =	ssub.s32 @!p0 $0x0, s1;
	[sflag:s0] =	ssyncset.done @!p0 $0x0  }
0x7d: {  	[sflag:s0] =	ssyncadd.s32 @!p0 s1  }
0x7e: {  	[bflag:$0x3] =	sbarrier.arrive $0xFFFF  }
0x7f: {  	_ =	shalt  }

// kernel: kernel.18.cloned.1.call-start
scs
__scs_entry_jumppad:
0x0: {  	(pc) =	sbr.rel $0x88, $3  }
0x1: {  	(tag) =	ssettag $0x0;
	lr =	simm.s32 $0x1  }
0x2: {  	[smem:$0x3F7F] =	sst lr;
	_ =	strace $0xD0000000  }
0x3: {  	_ = 	snop  }
0x4: {  	_ = 	snop  }
0x5: {  	_ = 	snop  }
0x6: {  	_ = 	snop  }
0x7: {  	_ = 	snop  }
__scs_overlays_trampoline_lowered:
0x8: {  	[smem:$0x3F8E] =	sst s0  }
0x9: {  	[smem:$0x3F8F] =	sst s1  }
0xa: {  	[smem:$0x3F90] =	sst s2  }
0xb: {  	[smem:$0x3F91] =	sst s3  }
0xc: {  	[smem:$0x3F92] =	sst s4  }
0xd: {  	[smem:$0x3F93] =	sst s5  }
0xe: {  	[smem:$0x3F94] =	sst s6  }
0xf: {  	[smem:$0x3F95] =	sst s7  }
0x10: {  	[smem:$0x3F96] =	sst s8  }
0x11: {  	[smem:$0x3F97] =	sst s9;
	s0 =	simm.s32 @!p0 $0x0  }
0x12: {  	s1 =	sld [smem:$0x3F7D];
	s0 =	simm.s32 @p0 $0x1  }
0x13: {  	[smem:$0x3F98] =	sst s0;
	s0 =	simm.s32 @!p1 $0x0  }
0x14: {  	s2 =	sld [smem:$0x3F7C];
	s0 =	simm.s32 @p1 $0x1  }
0x15: {  	[smem:$0x3F99] =	sst s0;
	s0 =	simm.s32 @!p2 $0x0  }
0x16: {  	s3 =	sld [smem:$0x3FDB];
	s0 =	simm.s32 @p2 $0x1  }
0x17: {  	s4 =	simm.s32 $0x1BF5;
	[smem:$0x3F9B] =	sst s0  }
0x18: {  	s0 =	sld [smem:$0x3F7E];
	_ =	swait.ge [sflag:s4], $0x0  }
0x19: {  	s7 =	sld [smem:$0x3F7F]  }
0x1a: {  	s8 =	sadd.s32 $0xFFFFE003, lr  }
0x1b: {  	s9 =	sadd.s32 $0xFFFFFEF7, lr;
	s5 =	simm.s32 $0xFFFFFFFF;
	p2 =	slt.u32 s8, $0xFFFFF086  }
0x1c: {  	p1 =	slt.u32 s9, $0xF7A;
	s5 =	simm.s32 @!p2 $0x0  }
0x1d: {  	s5 =	simm.s32 @p1 $0x1;
	p0 =	seq.s32 s7, s2  }
0x1e: {  	s7 =	smul.u32 @!p0 $0xF7A, s2;
	p2 =	seq.s32 @!p0 s5, $0x0  }
0x1f: {  	s9 =	smul.u32 $0xF7A, s1;
	s8 =	simm.s32 @!p0 $0x1BF5;
	p2 =	por !p2, p0  }
0x20: {  	[sflag:s8] =	ssyncset.s32 @!p0 $0xFFFFF086;
	s6 =	sadd.s32 @!p0 s3, s7;
	s7 =	simm.s32 @!p0 $0x108  }
0x21: {  	s3 =	sadd.s32 s3, s9;
	s6 =	sadd.s32 @!p0 $0x88, s6;
	s7 =	simm.s32 @p2 $0x1082  }
0x22: {  	[simem:s7], [sflag:s8] =	dma.local @!p0 [hbm:s6], $0xF7A  }
0x23: {  	s9 =	sor.u32 $0xD0000000, s2;
	s6 =	simm.s32 $0x108;
	_ =	swait.ge @!p0 [sflag:s8], $0x0  }
0x24: {  	s3 =	sadd.s32 $0x88, s3;
	s6 =	simm.s32 @!p1 $0x1082;
	[sflag:s4] =	ssyncset.s32 $0xFFFFF086  }
0x25: {  	[simem:s6], [sflag:s4] =	dma.local [hbm:s3], $0xF7A  }
0x26: {  	[smem:$0x3F7F] =	sst s1;
	(tag) =	ssettag s2;
	_ =	strace s9  }
0x27: {  	s1 =	sld [smem:$0x3F8F]  }
0x28: {  	s2 =	sld [smem:$0x3F90]  }
0x29: {  	s4 =	sld [smem:$0x3F92]  }
0x2a: {  	p0 =	seq.s32 s5, $0x0;
	s5 =	sld [smem:$0x3F93]  }
0x2b: {  	s6 =	sld [smem:$0x3F94]  }
0x2c: {  	s7 =	sld [smem:$0x3F95]  }
0x2d: {  	s3 =	simm.s32 $0x108;
	s8 =	sld [smem:$0x3F96]  }
0x2e: {  	s3 =	simm.s32 @!p0 $0x1082;
	s9 =	sld [smem:$0x3F97]  }
0x2f: {  	lr =	sadd.s32 s0, s3;
	s0 =	sld [smem:$0x3F8E]  }
0x30: {  	s3 =	sld [smem:$0x3F91]  }
0x31: {  	[smem:$0x3F9A] =	sst s10  }
0x32: {  	s10 =	sld [smem:$0x3F98];
	_ =	sdelay $0x3  }
0x33: {  	p0 =	seq.s32 s10, $0x1;
	s10 =	sld [smem:$0x3F9A];
	_ =	sdelay $0x3  }
0x34: {  	[smem:$0x3F9A] =	sst s10  }
0x35: {  	s10 =	sld [smem:$0x3F99];
	_ =	sdelay $0x3  }
0x36: {  	p1 =	seq.s32 s10, $0x1;
	s10 =	sld [smem:$0x3F9A];
	_ =	sdelay $0x3  }
0x37: {  	[smem:$0x3F9A] =	sst s10  }
0x38: {  	s10 =	sld [smem:$0x3F9B]  }
0x39: {  	_ = 	snop;
	(pc) =	sbr.ind lr, $3  }
0x3a: {  	_ = 	snop  }
0x3b: {  	_ = 	snop  }
0x3c: {  	p2 =	seq.s32 s10, $0x1;
	s10 =	sld [smem:$0x3F9A]  }
0x3d: {  	_ =	shalt  }
0x3e: {  	_ =	shalt  }
0x3f: {  	_ =	shalt  }
0x40: {  	_ =	shalt  }
0x41: {  	_ =	shalt  }
0x42: {  	_ =	shalt  }
0x43: {  	_ =	shalt  }
0x44: {  	_ =	shalt  }
0x45: {  	_ =	shalt  }
0x46: {  	_ =	shalt  }
0x47: {  	_ =	shalt  }
0x48: {  	_ =	shalt  }
0x49: {  	_ =	shalt  }
0x4a: {  	_ =	shalt  }
0x4b: {  	_ =	shalt  }
0x4c: {  	_ =	shalt  }
0x4d: {  	_ =	shalt  }
0x4e: {  	_ =	shalt  }
0x4f: {  	_ =	shalt  }
0x50: {  	_ =	shalt  }
0x51: {  	_ =	shalt  }
0x52: {  	_ =	shalt  }
0x53: {  	_ =	shalt  }
0x54: {  	_ =	shalt  }
0x55: {  	_ =	shalt  }
0x56: {  	_ =	shalt  }
0x57: {  	_ =	shalt  }
0x58: {  	_ =	shalt  }
0x59: {  	_ =	shalt  }
0x5a: {  	_ =	shalt  }
0x5b: {  	_ =	shalt  }
0x5c: {  	_ =	shalt  }
0x5d: {  	_ =	shalt  }
0x5e: {  	_ =	shalt  }
0x5f: {  	_ =	shalt  }
0x60: {  	_ =	shalt  }
0x61: {  	_ =	shalt  }
0x62: {  	_ =	shalt  }
0x63: {  	_ =	shalt  }
0x64: {  	_ =	shalt  }
0x65: {  	_ =	shalt  }
0x66: {  	_ =	shalt  }
0x67: {  	_ =	shalt  }
0x68: {  	_ =	shalt  }
0x69: {  	_ =	shalt  }
0x6a: {  	_ =	shalt  }
0x6b: {  	_ =	shalt  }
0x6c: {  	_ =	shalt  }
0x6d: {  	_ =	shalt  }
0x6e: {  	_ =	shalt  }
0x6f: {  	_ =	shalt  }
0x70: {  	_ =	shalt  }
0x71: {  	_ =	shalt  }
0x72: {  	_ =	shalt  }
0x73: {  	_ =	shalt  }
0x74: {  	_ =	shalt  }
0x75: {  	_ =	shalt  }
0x76: {  	_ =	shalt  }
0x77: {  	_ =	shalt  }
0x78: {  	_ =	shalt  }
0x79: {  	_ =	shalt  }
0x7a: {  	_ =	shalt  }
0x7b: {  	_ =	shalt  }
0x7c: {  	_ =	shalt  }
0x7d: {  	_ =	shalt  }
0x7e: {  	_ =	shalt  }
0x7f: {  	_ =	shalt  }
0x80: {  	_ =	shalt  }
0x81: {  	_ =	shalt  }
0x82: {  	_ =	shalt  }
0x83: {  	_ =	shalt  }
0x84: {  	_ =	shalt  }
0x85: {  	_ =	shalt  }
0x86: {  	_ =	shalt  }
0x87: {  	_ =	shalt  }
.Lfunc_end0:
.L_simem_size_0:
called_computation.9_lowered:
.L_overlay_start_0:
0x88: {  	s2 =	sld [smem:$0x3FD9]  }
0x89: {  	s3 =	sld [smem:$0x3FFE];
	_ =	sdelay $0x1  }
0x8a: {  	s1 =	srdreg.scid  }
0x8b: {  	s0 =	sand.u32 $0x1, s1  }
0x8c: {  	s16 =	sshll.u32 s0, $0xA;
	s2 =	sadd.s32 s3, s2  }
0x8d: {  	s2 =	sadd.s32 s2, s16  }
0x8e: {  	[smem:$0x3FA6] =	sst s2  }
0x8f: {  	_ = 	snop  }
0x90: {  	(tm) =	ssettm $0x1  }
0x91: {  	s17 =	sld [smem:$0x3FFB];
	_ =	sdelay $0x3  }
0x92: {  	_ =	strace s17  }
0x93: {  	s2 =	sld [smem:$0x3FFC];
	_ =	sdelay $0x3  }
0x94: {  	_ =	strace s2  }
0x95: {  	s2 =	sld [smem:$0x3FFD];
	_ =	sdelay $0x3  }
0x96: {  	_ =	strace s2  }
0x97: {  	_ =	strace $0x8FFFFFFF  }
0x98: {  	s18 =	sld [smem:$0x3FDB];
	_ =	sdelay $0x1  }
0x99: {  	s19 =	simm.s32 $_scs_section_size  }
0x9a: {  	s4 =	simm.s32 $_size__tile_overlayer_lowered;
	s5 =	simm.s32 $_tile_overlayer_lowered  }
0x9b: {  	s22 =	simm.s32 $0x1BFF;
	s21 =	sshll.u32 s5, $0x1;
	s2 =	sadd.s32 s19, s18  }
0x9c: {  	s6 =	simm.s32 $0x0;
	s20 =	sshll.u32 s4, $0x1;
	s4 =	sadd.s32 s21, s2  }
0x9d: {  	[timem:s6], [sflag:s22] =	dma.local [hbm:s4], s20  }
0x9e: {  	_ =	swait.ge [sflag:s22], s20  }
0x9f: {  	s3 =	ssub.s32 $0x0, s20;
	[sflag:s22] =	ssyncset.done $0x0  }
0xa0: {  	[sflag:s22] =	ssyncadd.s32 s3;
	_ =	sdelay $0x1  }
0xa1: {  	s23 =	simm.s32 $0x1B8B  }
0xa2: {  	_ =	swait.ge [sflag:s23], $0x1  }
0xa3: {  	[sflag:s23] =	ssyncset.done $0x0  }
0xa4: {  	s25 =	simm.s32 $0x1B8E;
	s24 =	sld [smem:$0x3FFE];
	[sflag:s23] =	ssyncadd.s32 $0xFFFFFFFF  }
0xa5: {  	s26 =	simm.s32 $execute0_lowered;
	[smem:$0x3FD2] =	sst s25  }
0xa6: {  	s4 =	sshll.u32 s26, $0x1;
	_ =	strace $0x8000005E;
	[dreg:$0x1] =	wrdreg $0xFFFFFFFF  }
0xa7: {  	s28 =	simm.s32 $_size_execute0_lowered;
	s2 =	sadd.s32 s2, s4;
	[dreg:$0x0] =	wrdreg $0x0  }
0xa8: {  	s4 =	sshll.u32 s28, $0x1;
	[dreg:$0x2] =	wrdreg s2  }
0xa9: {  	[dreg:$0x3] =	wrdreg s4  }
0xaa: {  	[dreg:$0x4] =	wrdreg $0xC0  }
0xab: {  	_ =	task [dreg:s6], $0x5FFFF  }
0xac: {  	[dreg:$0x1] =	wrdreg $0xFFFFFFFF  }
0xad: {  	[dreg:$0x0] =	wrdreg $0x60  }
0xae: {  	[dreg:$0x2] =	wrdreg s24  }
0xaf: {  	[dreg:$0x3] =	wrdreg $0x9  }
0xb0: {  	_ =	task.clear_ibuf [dreg:s6], $0x4FFFF;
	_ =	strace $0x9000005E  }
0xb1: {  	s29 =	simm.s32 $0x9;
	_ =	strace $0x80000060  }
0xb2: {  	_ =	swait.ge [sflag:s29], $0x1  }
0xb3: {  	[sflag:s29] =	ssyncadd.s32 $0xFFFFFFFF  }
0xb4: {  	_ =	strace $0x90000060  }
0xb5: {  	_ =	sfence  }
0xb6: {  	s30 =	sld [smem:$0x0];
	_ =	sdelay $0x2  }
0xb7: {  	s31 =	sshll.u32 s1, $0xD;
	s1 =	sshrl.u32 s1, $0x2  }
0xb8: {  	s3 =	sand.u32 $0x4000, s31;
	s1 =	sadd.s32 s1, s30  }
0xb9: {  	s0 =	sor.u32 s3, s0;
	s1 =	sshll.u32 s1, $0x11  }
0xba: {  	s0 =	sor.u32 s1, s0  }
0xbb: {  	s0 =	sadd.s32 $0x8F2B, s0  }
0xbc: {  	[sflag:s0] =	ssyncadd.remote.s32 $0x1  }
0xbd: {  	_ =	sfence.sel $0xFFFF  }
0xbe: {  	[dreg:$0x0] =	wrdreg $0xFFFFFFFF;
	(pc) =	sbr.abs _section_cstart, $3  }
0xbf: {  	[dreg:$0x1] =	wrdreg $0xFFFFFFFF  }
0xc0: {  	_ =	task.clear_ibuf [dreg:s6], $0x2FFFF;
	_ =	strace $0x9FFFFFFF  }
0xc1: {  	(tm) =	ssettm $0x7FFFFFFF  }
tec
execute0_lowered:
.L_overlay_start_1:
0x0: {  	(tag) =	ssettag $0x1  }
0x1: {  	s0 =	srdreg.scid  }
0x2: {  	s8 =	stileid.u32;
	s1 =	rddreg [dreg:$0x0];
	s2 =	simm.s32 $0x0  }
0x3: {  	s11 =	simm.s32 $0x1400;
	s28 =	simm.s32 $0xA000;
	s29 =	simm.s32 $0x80  }
0x4: {  	s30 =	simm.s32 $0x12800;
	s31 =	simm.s32 $0x5;
	s12 =	simm.s32 $0x8  }
0x5: {  	s13 =	simm.s32 $0x0;
	s0 =	sand.u32 $0x1, s0;
	s6 =	smul.u32 $0x50000, s8  }
0x6: {  	s3 =	sshll.u32 s8, $0x1;
	[smem:$0x7FF] =	sst s2;
	s23 =	smul.u32 $0x28000, s8  }
0x7: {  	s4 =	sadd.s32 $0xAB400, s1;
	s3 =	sor.u32 s0, s3;
	s9 =	smul.u32 $0x14000, s0  }
0x8: {  	_ =	strace $0x8000005F;
	s25 =	ssub.s32 $0x2, s0;
	s0 =	smul.u32 $0x28000, s0  }
0x9: {  	s5 =	smul.u32 $0x280, s3;
	s24 =	sadd.s32 s6, s1;
	s26 =	sshrl.u32 s25, $0x1  }
0xa: {  	s3 =	sadd.s32 $0xF000, s1;
	s10 =	ssub.s32 s25, s26;
	s0 =	sadd.s32 s0, s24  }
.Ltmp0:
0xb: {  	s24 =	simm.s32 $0x8800;
	s25 =	simm.s32 $0x9000;
	(pc) =	sbr.rel .LBB2_1-.Ltmp0, $4  }
0xc: {  	s26 =	simm.s32 $0x9800;
	s7 =	sadd.s32 s5, s1;
	s1 =	sadd.s32 s23, s1  }
0xd: {  	v2 =	vlaneseq.u32;
	s17 =	sadd.s32 $0x352600, s0;
	s0 =	simm.s32 $0x6;
	s5 =	sadd.s32 $0xA000, s7  }
0xe: {  	vm0 =	vmmov $0xffff;
	v1 =	vshrl.u32 v2, $0x3;
	s6 =	sadd.s32 $0x5000, s7;
	s7 =	smax.u32 s10, $0x1;
	s1 =	sadd.s32 s9, s1  }
0xf: {  	v0 =	vand.u32 $0x7, v2;
	v2 =	vor.u32 $0x8, v2;
	v1 =	vmul.u32 $0x8, v1;
	s10 =	simm.s32 $0x9;
	s18 =	sadd.s32 $0xD2600, s1;
	s1 =	simm.s32 $0x7  }
.LBB2_7:
0x10: {  	_ =	swait.ge [sflag:s31], $0x8000  }
0x11: {  	[sflag:s31] =	ssyncset.done $0x0  }
0x12: {  	[sflag:s31] =	ssyncadd.s32 $0xFFFF8000  }
0x13: {  	_ =	swait.ge [sflag:s1], $0x4000  }
0x14: {  	[sflag:s1] =	ssyncset.done $0x0  }
0x15: {  	s13 =	sadd.s32 $0x1, s13;
	[sflag:s1] =	ssyncadd.s32 $0xFFFFC000  }
0x16: {  	p0 =	sne.s32 s13, s7;
	_ =	swait.ge [sflag:s0], $0x8000  }
.Ltmp1:
0x17: {  	[sflag:s0] =	ssyncset.done $0x0;
	(pc) =	sbr.rel @!p0 .LBB2_8-.Ltmp1, $4  }
0x18: {  	[sflag:s0] =	ssyncadd.s32 $0xFFFF8000  }
0x19: {  	_ =	swait.ge [sflag:s12], $0x4000  }
0x1a: {  	[sflag:s12] =	ssyncset.done $0x0  }
0x1b: {  	[sflag:s12] =	ssyncadd.s32 $0xFFFFC000  }
.LBB2_1:
0x1c: {  	[tilespmem:s2], [sflag:$0x9] =	stream.linear.gather [hbm4b:s5+s2], $0x1400, $0x38;
	[tilespmem:$0x1A800] =	vst v63  }
0x1d: {  	_ =	swait.ge [sflag:s10], $0x1400  }
0x1e: {  	[sflag:s10] =	ssyncset.done $0x0  }
0x1f: {  	[sflag:s10] =	ssyncadd.s32 $0xFFFFEC00  }
0x20: {  	[tilespmem:s11], [sflag:$0x9] =	stream.linear.gather [hbm4b:s6+s2], $0x1400, $0x38;
	[tilespmem:$0x1A800] =	vst v63  }
0x21: {  	_ =	swait.ge [sflag:s10], $0x1400  }
0x22: {  	[sflag:s10] =	ssyncset.done $0x0  }
0x23: {  	[sflag:s10] =	ssyncadd.s32 $0xFFFFEC00  }
0x24: {  	v3 =	vld [tilespmem:$0x0];
	_ =	sdelay $0x4  }
0x25: {  	v4 =	vshll.u32 v3, $0x1  }
0x26: {  	v3 =	vand.u32 $0x7, v3;
	v4 =	vand.u32 $0xFFFFFFF0, v4  }
0x27: {  	v3 =	vor.u32 v3, v4  }
0x28: {  	v4 =	vperm.xlane v3, v0;
	_ =	sdelay $0x1  }
0x29: {  	v3 =	vperm.xlane v3, v2;
	v4 =	vadd.s32 v1, v4;
	_ =	sdelay $0x1  }
0x2a: {  	v3 =	vadd.s32 v1, v3;
	_ =	sdelay $0x1  }
0x2b: {  	s8 =	simm.s32 $0x2800  }
0x2c: {  	[tilespmem:s8], [sflag:$0x1] =	stream.indirect_vreg.gather [hbm4b:s3+s2], $0x80, v4, vm0, $0xb8;
	[tilespmem:$0x1A800] =	vst v63  }
0x2d: {  	s22 =	simm.s32 $0x3000  }
0x2e: {  	[tilespmem:s22], [sflag:$0x1] =	stream.indirect_vreg.gather [hbm4b:s3+s2], $0x80, v3, vm0, $0xb8;
	[tilespmem:$0x1A800] =	vst v63  }
0x2f: {  	v3 =	vld [tilespmem:$0x10];
	_ =	sdelay $0x4  }
0x30: {  	v57 =	vshll.u32 v3, $0x1  }
0x31: {  	v3 =	vand.u32 $0x7, v3;
	v4 =	vand.u32 $0xFFFFFFF0, v57  }
0x32: {  	v3 =	vor.u32 v3, v4  }
0x33: {  	v4 =	vperm.xlane v3, v0;
	_ =	sdelay $0x1  }
0x34: {  	v3 =	vperm.xlane v3, v2;
	v4 =	vadd.s32 v1, v4;
	_ =	sdelay $0x1  }
0x35: {  	v3 =	vadd.s32 v1, v3;
	_ =	sdelay $0x1  }
0x36: {  	s23 =	simm.s32 $0x3800  }
0x37: {  	[tilespmem:s23], [sflag:$0x1] =	stream.indirect_vreg.gather [hbm4b:s3+s2], $0x80, v4, vm0, $0xb8;
	[tilespmem:$0x1A800] =	vst v63  }
0x38: {  	s9 =	simm.s32 $0x4000  }
0x39: {  	[tilespmem:s9], [sflag:$0x1] =	stream.indirect_vreg.gather [hbm4b:s3+s2], $0x80, v3, vm0, $0xb8;
	[tilespmem:$0x1A800] =	vst v63  }
0x3a: {  	v3 =	vld [tilespmem:$0x20];
	_ =	sdelay $0x4  }
0x3b: {  	v58 =	vshll.u32 v3, $0x1  }
0x3c: {  	v3 =	vand.u32 $0x7, v3;
	v4 =	vand.u32 $0xFFFFFFF0, v58  }
0x3d: {  	v3 =	vor.u32 v3, v4  }
0x3e: {  	v4 =	vperm.xlane v3, v0;
	_ =	sdelay $0x1  }
0x3f: {  	v3 =	vperm.xlane v3, v2;
	v4 =	vadd.s32 v1, v4;
	_ =	sdelay $0x1  }
0x40: {  	v3 =	vadd.s32 v1, v3;
	_ =	sdelay $0x1  }
0x41: {  	s14 =	simm.s32 $0x4800  }
0x42: {  	[tilespmem:s14], [sflag:$0x1] =	stream.indirect_vreg.gather [hbm4b:s3+s2], $0x80, v4, vm0, $0xb8;
	[tilespmem:$0x1A800] =	vst v63  }
0x43: {  	s15 =	simm.s32 $0x5000  }
0x44: {  	[tilespmem:s15], [sflag:$0x1] =	stream.indirect_vreg.gather [hbm4b:s3+s2], $0x80, v3, vm0, $0xb8;
	[tilespmem:$0x1A800] =	vst v63  }
0x45: {  	v3 =	vld [tilespmem:$0x30];
	_ =	sdelay $0x4  }
0x46: {  	v59 =	vshll.u32 v3, $0x1  }
0x47: {  	v3 =	vand.u32 $0x7, v3;
	v4 =	vand.u32 $0xFFFFFFF0, v59  }
0x48: {  	v3 =	vor.u32 v3, v4  }
0x49: {  	v4 =	vperm.xlane v3, v0;
	_ =	sdelay $0x1  }
0x4a: {  	v3 =	vperm.xlane v3, v2;
	v4 =	vadd.s32 v1, v4;
	_ =	sdelay $0x1  }
0x4b: {  	v3 =	vadd.s32 v1, v3;
	_ =	sdelay $0x1  }
0x4c: {  	s16 =	simm.s32 $0x5800  }
0x4d: {  	[tilespmem:s16], [sflag:$0x1] =	stream.indirect_vreg.gather [hbm4b:s3+s2], $0x80, v4, vm0, $0xb8;
	[tilespmem:$0x1A800] =	vst v63  }
0x4e: {  	s19 =	simm.s32 $0x6000  }
0x4f: {  	[tilespmem:s19], [sflag:$0x1] =	stream.indirect_vreg.gather [hbm4b:s3+s2], $0x80, v3, vm0, $0xb8;
	[tilespmem:$0x1A800] =	vst v63  }
0x50: {  	v3 =	vld [tilespmem:$0x40];
	_ =	sdelay $0x4  }
0x51: {  	v60 =	vshll.u32 v3, $0x1  }
0x52: {  	v3 =	vand.u32 $0x7, v3;
	v4 =	vand.u32 $0xFFFFFFF0, v60  }
0x53: {  	v3 =	vor.u32 v3, v4  }
0x54: {  	v4 =	vperm.xlane v3, v0;
	_ =	sdelay $0x1  }
0x55: {  	v3 =	vperm.xlane v3, v2;
	v4 =	vadd.s32 v1, v4;
	_ =	sdelay $0x1  }
0x56: {  	v3 =	vadd.s32 v1, v3;
	_ =	sdelay $0x1  }
0x57: {  	s20 =	simm.s32 $0x6800  }
0x58: {  	[tilespmem:s20], [sflag:$0x1] =	stream.indirect_vreg.gather [hbm4b:s3+s2], $0x80, v4, vm0, $0xb8;
	[tilespmem:$0x1A800] =	vst v63  }
0x59: {  	s21 =	simm.s32 $0x7000  }
0x5a: {  	[tilespmem:s21], [sflag:$0x1] =	stream.indirect_vreg.gather [hbm4b:s3+s2], $0x80, v3, vm0, $0xb8;
	[tilespmem:$0x1A800] =	vst v63  }
0x5b: {  	v3 =	vld [tilespmem:$0x50];
	_ =	sdelay $0x4  }
0x5c: {  	v61 =	vshll.u32 v3, $0x1  }
0x5d: {  	v3 =	vand.u32 $0x7, v3;
	v4 =	vand.u32 $0xFFFFFFF0, v61  }
0x5e: {  	v3 =	vor.u32 v3, v4  }
0x5f: {  	v4 =	vperm.xlane v3, v0;
	_ =	sdelay $0x1  }
0x60: {  	v3 =	vperm.xlane v3, v2;
	v4 =	vadd.s32 v1, v4;
	_ =	sdelay $0x1  }
0x61: {  	v3 =	vadd.s32 v1, v3;
	_ =	sdelay $0x1  }
0x62: {  	s22 =	simm.s32 $0x7800  }
0x63: {  	[tilespmem:s22], [sflag:$0x1] =	stream.indirect_vreg.gather [hbm4b:s3+s2], $0x80, v4, vm0, $0xb8;
	[tilespmem:$0x1A800] =	vst v63  }
0x64: {  	s23 =	simm.s32 $0x8000  }
0x65: {  	[tilespmem:s23], [sflag:$0x1] =	stream.indirect_vreg.gather [hbm4b:s3+s2], $0x80, v3, vm0, $0xb8;
	[tilespmem:$0x1A800] =	vst v63  }
0x66: {  	v3 =	vld [tilespmem:$0x60];
	_ =	sdelay $0x4  }
0x67: {  	v62 =	vshll.u32 v3, $0x1  }
0x68: {  	v3 =	vand.u32 $0x7, v3;
	v4 =	vand.u32 $0xFFFFFFF0, v62  }
0x69: {  	v3 =	vor.u32 v3, v4  }
0x6a: {  	v4 =	vperm.xlane v3, v0;
	_ =	sdelay $0x1  }
0x6b: {  	v3 =	vperm.xlane v3, v2;
	v4 =	vadd.s32 v1, v4;
	_ =	sdelay $0x1  }
0x6c: {  	v3 =	vadd.s32 v1, v3;
	_ =	sdelay $0x2  }
0x6d: {  	[tilespmem:s24], [sflag:$0x1] =	stream.indirect_vreg.gather [hbm4b:s3+s2], $0x80, v4, vm0, $0xb8;
	[tilespmem:$0x1A800] =	vst v63  }
0x6e: {  	_ = 	snop  }
0x6f: {  	[tilespmem:s25], [sflag:$0x1] =	stream.indirect_vreg.gather [hbm4b:s3+s2], $0x80, v3, vm0, $0xb8;
	[tilespmem:$0x1A800] =	vst v63  }
0x70: {  	v3 =	vld [tilespmem:$0x70];
	_ =	sdelay $0x4  }
0x71: {  	v63 =	vshll.u32 v3, $0x1  }
0x72: {  	v3 =	vand.u32 $0x7, v3;
	v4 =	vand.u32 $0xFFFFFFF0, v63  }
0x73: {  	v3 =	vor.u32 v3, v4  }
0x74: {  	v4 =	vperm.xlane v3, v0;
	_ =	sdelay $0x1  }
0x75: {  	v4 =	vadd.s32 v1, v4  }
0x76: {  	v3 =	vperm.xlane v3, v2;
	_ =	sdelay $0x1  }
0x77: {  	v3 =	vadd.s32 v1, v3;
	_ =	sdelay $0x1  }
0x78: {  	[tilespmem:s26], [sflag:$0x1] =	stream.indirect_vreg.gather [hbm4b:s3+s2], $0x80, v4, vm0, $0xb8;
	[tilespmem:$0x1A800] =	vst v63  }
.Ltmp2:
0x79: {  	_ = 	snop;
	(pc) =	sbr.rel .LBB2_2-.Ltmp2, $4  }
0x7a: {  	s8 =	smov.u32 s18;
	s9 =	smov.u32 s17  }
0x7b: {  	[tilespmem:s28], [sflag:$0x1] =	stream.indirect_vreg.gather [hbm4b:s3+s2], $0x80, v3, vm0, $0xb8;
	[tilespmem:$0x1A800] =	vst v63  }
0x7c: {  	s14 =	simm.s32 $0x1;
	s15 =	simm.s32 $0x1480;
	s16 =	simm.s32 $0xF0  }
0x7d: {  	[tilespmem:s30], [sflag:$0x3] =	stream.indirect.gather [hbm4b:s4+s29], $0x80, s11, s29, $0xb8;
	[tilespmem:$0x1A800] =	vst v63  }
.LBB2_5:
0x7e: {  	v3 =	vld [tilespmem:s16+$0xFFFFFF90];
	_ =	sdelay $0x4  }
0x7f: {  	v4 =	vshll.u32 v3, $0x1  }
0x80: {  	v3 =	vand.u32 $0x7, v3;
	v4 =	vand.u32 $0xFFFFFFF0, v4  }
0x81: {  	v3 =	vor.u32 v3, v4  }
0x82: {  	v4 =	vperm.xlane v3, v0;
	_ =	sdelay $0x1  }
0x83: {  	v3 =	vperm.xlane v3, v2;
	v4 =	vadd.s32 v1, v4;
	_ =	sdelay $0x1  }
0x84: {  	v3 =	vadd.s32 v1, v3  }
0x85: {  	s21 =	sshll.u32 s20, $0xF  }
0x86: {  	s22 =	sadd.s32 $0x1, s20;
	s23 =	sor.u32 $0x2800, s21  }
0x87: {  	[tilespmem:s23], [sflag:s22] =	stream.indirect_vreg.gather [hbm4b:s3+s2], $0x80, v4, vm0, $0xb8;
	[tilespmem:$0x1A800] =	vst v63  }
0x88: {  	s23 =	sor.u32 $0x3000, s21  }
0x89: {  	[tilespmem:s23], [sflag:s22] =	stream.indirect_vreg.gather [hbm4b:s3+s2], $0x80, v3, vm0, $0xb8;
	[tilespmem:$0x1A800] =	vst v63  }
0x8a: {  	v3 =	vld [tilespmem:s16+$0xFFFFFFA0];
	_ =	sdelay $0x4  }
0x8b: {  	v57 =	vshll.u32 v3, $0x1  }
0x8c: {  	v3 =	vand.u32 $0x7, v3;
	v4 =	vand.u32 $0xFFFFFFF0, v57  }
0x8d: {  	v3 =	vor.u32 v3, v4  }
0x8e: {  	v4 =	vperm.xlane v3, v0;
	_ =	sdelay $0x1  }
0x8f: {  	v3 =	vperm.xlane v3, v2;
	v4 =	vadd.s32 v1, v4;
	_ =	sdelay $0x1  }
0x90: {  	v3 =	vadd.s32 v1, v3;
	_ =	sdelay $0x1  }
0x91: {  	s23 =	sor.u32 $0x3800, s21  }
0x92: {  	[tilespmem:s23], [sflag:s22] =	stream.indirect_vreg.gather [hbm4b:s3+s2], $0x80, v4, vm0, $0xb8;
	[tilespmem:$0x1A800] =	vst v63  }
0x93: {  	s23 =	sor.u32 $0x4000, s21  }
0x94: {  	[tilespmem:s23], [sflag:s22] =	stream.indirect_vreg.gather [hbm4b:s3+s2], $0x80, v3, vm0, $0xb8;
	[tilespmem:$0x1A800] =	vst v63  }
0x95: {  	v3 =	vld [tilespmem:s16+$0xFFFFFFB0];
	_ =	sdelay $0x4  }
0x96: {  	v58 =	vshll.u32 v3, $0x1  }
0x97: {  	v3 =	vand.u32 $0x7, v3;
	v4 =	vand.u32 $0xFFFFFFF0, v58  }
0x98: {  	v3 =	vor.u32 v3, v4  }
0x99: {  	v4 =	vperm.xlane v3, v0;
	_ =	sdelay $0x1  }
0x9a: {  	v3 =	vperm.xlane v3, v2;
	v4 =	vadd.s32 v1, v4;
	_ =	sdelay $0x1  }
0x9b: {  	v3 =	vadd.s32 v1, v3;
	_ =	sdelay $0x1  }
0x9c: {  	s23 =	sor.u32 $0x4800, s21  }
0x9d: {  	[tilespmem:s23], [sflag:s22] =	stream.indirect_vreg.gather [hbm4b:s3+s2], $0x80, v4, vm0, $0xb8;
	[tilespmem:$0x1A800] =	vst v63  }
0x9e: {  	s23 =	sor.u32 $0x5000, s21  }
0x9f: {  	[tilespmem:s23], [sflag:s22] =	stream.indirect_vreg.gather [hbm4b:s3+s2], $0x80, v3, vm0, $0xb8;
	[tilespmem:$0x1A800] =	vst v63  }
0xa0: {  	v3 =	vld [tilespmem:s16+$0xFFFFFFC0];
	_ =	sdelay $0x4  }
0xa1: {  	v59 =	vshll.u32 v3, $0x1  }
0xa2: {  	v3 =	vand.u32 $0x7, v3;
	v4 =	vand.u32 $0xFFFFFFF0, v59  }
0xa3: {  	v3 =	vor.u32 v3, v4  }
0xa4: {  	v4 =	vperm.xlane v3, v0;
	_ =	sdelay $0x1  }
0xa5: {  	v3 =	vperm.xlane v3, v2;
	v4 =	vadd.s32 v1, v4;
	_ =	sdelay $0x1  }
0xa6: {  	v3 =	vadd.s32 v1, v3;
	_ =	sdelay $0x1  }
0xa7: {  	s23 =	sor.u32 $0x5800, s21  }
0xa8: {  	[tilespmem:s23], [sflag:s22] =	stream.indirect_vreg.gather [hbm4b:s3+s2], $0x80, v4, vm0, $0xb8;
	[tilespmem:$0x1A800] =	vst v63  }
0xa9: {  	s23 =	sor.u32 $0x6000, s21  }
0xaa: {  	[tilespmem:s23], [sflag:s22] =	stream.indirect_vreg.gather [hbm4b:s3+s2], $0x80, v3, vm0, $0xb8;
	[tilespmem:$0x1A800] =	vst v63  }
0xab: {  	v3 =	vld [tilespmem:s16+$0xFFFFFFD0];
	_ =	sdelay $0x4  }
0xac: {  	v60 =	vshll.u32 v3, $0x1  }
0xad: {  	v3 =	vand.u32 $0x7, v3;
	v4 =	vand.u32 $0xFFFFFFF0, v60  }
0xae: {  	v3 =	vor.u32 v3, v4  }
0xaf: {  	v4 =	vperm.xlane v3, v0;
	_ =	sdelay $0x1  }
0xb0: {  	v3 =	vperm.xlane v3, v2;
	v4 =	vadd.s32 v1, v4;
	_ =	sdelay $0x1  }
0xb1: {  	v3 =	vadd.s32 v1, v3;
	_ =	sdelay $0x1  }
0xb2: {  	s23 =	sor.u32 $0x6800, s21  }
0xb3: {  	[tilespmem:s23], [sflag:s22] =	stream.indirect_vreg.gather [hbm4b:s3+s2], $0x80, v4, vm0, $0xb8;
	[tilespmem:$0x1A800] =	vst v63  }
0xb4: {  	s23 =	sor.u32 $0x7000, s21  }
0xb5: {  	[tilespmem:s23], [sflag:s22] =	stream.indirect_vreg.gather [hbm4b:s3+s2], $0x80, v3, vm0, $0xb8;
	[tilespmem:$0x1A800] =	vst v63  }
0xb6: {  	v3 =	vld [tilespmem:s16+$0xFFFFFFE0];
	_ =	sdelay $0x4  }
0xb7: {  	v61 =	vshll.u32 v3, $0x1  }
0xb8: {  	v3 =	vand.u32 $0x7, v3;
	v4 =	vand.u32 $0xFFFFFFF0, v61  }
0xb9: {  	v3 =	vor.u32 v3, v4  }
0xba: {  	v4 =	vperm.xlane v3, v0;
	_ =	sdelay $0x1  }
0xbb: {  	v3 =	vperm.xlane v3, v2;
	v4 =	vadd.s32 v1, v4;
	_ =	sdelay $0x1  }
0xbc: {  	v3 =	vadd.s32 v1, v3;
	_ =	sdelay $0x1  }
0xbd: {  	s23 =	sor.u32 $0x7800, s21  }
0xbe: {  	[tilespmem:s23], [sflag:s22] =	stream.indirect_vreg.gather [hbm4b:s3+s2], $0x80, v4, vm0, $0xb8;
	[tilespmem:$0x1A800] =	vst v63  }
0xbf: {  	s23 =	sadd.s32 $0x8000, s21  }
0xc0: {  	[tilespmem:s23], [sflag:s22] =	stream.indirect_vreg.gather [hbm4b:s3+s2], $0x80, v3, vm0, $0xb8;
	[tilespmem:$0x1A800] =	vst v63  }
0xc1: {  	v3 =	vld [tilespmem:s16+$0xFFFFFFF0];
	_ =	sdelay $0x4  }
0xc2: {  	v62 =	vshll.u32 v3, $0x1  }
0xc3: {  	v3 =	vand.u32 $0x7, v3;
	v4 =	vand.u32 $0xFFFFFFF0, v62  }
0xc4: {  	v3 =	vor.u32 v3, v4  }
0xc5: {  	v4 =	vperm.xlane v3, v0;
	_ =	sdelay $0x1  }
0xc6: {  	v3 =	vperm.xlane v3, v2;
	v4 =	vadd.s32 v1, v4;
	_ =	sdelay $0x1  }
0xc7: {  	v3 =	vadd.s32 v1, v3;
	_ =	sdelay $0x1  }
0xc8: {  	s23 =	sadd.s32 $0x8800, s21  }
0xc9: {  	[tilespmem:s23], [sflag:s22] =	stream.indirect_vreg.gather [hbm4b:s3+s2], $0x80, v4, vm0, $0xb8;
	[tilespmem:$0x1A800] =	vst v63  }
0xca: {  	s23 =	sadd.s32 $0x9000, s21  }
0xcb: {  	[tilespmem:s23], [sflag:s22] =	stream.indirect_vreg.gather [hbm4b:s3+s2], $0x80, v3, vm0, $0xb8;
	[tilespmem:$0x1A800] =	vst v63  }
0xcc: {  	v3 =	vld [tilespmem:s16+$0x0];
	_ =	sdelay $0x4  }
0xcd: {  	v63 =	vshll.u32 v3, $0x1  }
0xce: {  	v3 =	vand.u32 $0x7, v3;
	v4 =	vand.u32 $0xFFFFFFF0, v63  }
0xcf: {  	v3 =	vor.u32 v3, v4  }
0xd0: {  	v4 =	vperm.xlane v3, v0;
	_ =	sdelay $0x1  }
0xd1: {  	v3 =	vperm.xlane v3, v2;
	v4 =	vadd.s32 v1, v4;
	_ =	sdelay $0x1  }
0xd2: {  	v3 =	vadd.s32 v1, v3;
	_ =	sdelay $0x1  }
0xd3: {  	s23 =	sadd.s32 $0x9800, s21  }
0xd4: {  	[tilespmem:s23], [sflag:s22] =	stream.indirect_vreg.gather [hbm4b:s3+s2], $0x80, v4, vm0, $0xb8;
	[tilespmem:$0x1A800] =	vst v63  }
0xd5: {  	s21 =	sadd.s32 $0xA000, s21  }
0xd6: {  	[tilespmem:s21], [sflag:s22] =	stream.indirect_vreg.gather [hbm4b:s3+s2], $0x80, v3, vm0, $0xb8;
	[tilespmem:$0x1A800] =	vst v63  }
0xd7: {  	s22 =	sshll.u32 s20, $0xE  }
0xd8: {  	s23 =	sadd.s32 $0x3, s20;
	s21 =	sor.u32 $0x12800, s22  }
0xd9: {  	[tilespmem:s21], [sflag:s23] =	stream.indirect.gather [hbm4b:s4+s29], $0x80, s15, s29, $0xb8;
	[tilespmem:$0x1A800] =	vst v63  }
.LBB2_6:
0xda: {  	s19 =	sand.u32 $0x1, s19  }
0xdb: {  	s20 =	sadd.s32 $0x1, s19  }
0xdc: {  	_ =	swait.ge [sflag:s20], $0x8000  }
0xdd: {  	s14 =	sadd.s32 $0x1, s14;
	s21 =	sshll.u32 s19, $0xF;
	[sflag:s20] =	ssyncset.done $0x0  }
0xde: {  	s23 =	sadd.s32 $0x5, s19;
	s21 =	sor.u32 $0x2800, s21;
	[sflag:s20] =	ssyncadd.s32 $0xFFFF8000  }
0xdf: {  	[hbm4b:s9+s2] =	stream.linear.scatter [tilespmem:s21], [sflag:s23], $0x8000, $0x38;
	[tilespmem:$0x1A800] =	vst v63  }
0xe0: {  	p0 =	sne.s32 s14, $0x29;
	s21 =	sadd.s32 $0x3, s19  }
.Ltmp3:
0xe1: {  	_ =	swait.ge [sflag:s21], $0x4000;
	(pc) =	sbr.rel @!p0 .LBB2_7-.Ltmp3, $4  }
0xe2: {  	s15 =	sadd.s32 $0x80, s15;
	s22 =	sshll.u32 s19, $0xE;
	[sflag:s21] =	ssyncset.done $0x0  }
0xe3: {  	s19 =	sadd.s32 $0x7, s19;
	s23 =	sor.u32 $0x12800, s22;
	[sflag:s21] =	ssyncadd.s32 $0xFFFFC000  }
0xe4: {  	[hbm4b:s8+s2] =	stream.linear.scatter [tilespmem:s23], [sflag:s19], $0x4000, $0x38;
	[tilespmem:$0x1A800] =	vst v63  }
0xe5: {  	s16 =	sadd.s32 $0x80, s16;
	s9 =	sadd.s32 $0x1000, s9;
	s8 =	sadd.s32 $0x800, s8  }
.LBB2_2:
0xe6: {  	s19 =	sadd.s32 $0xFFFFFFFF, s14  }
0xe7: {  	p0 =	seq.s32 s19, $0x0  }
.Ltmp4:
0xe8: {  	_ = 	snop;
	(pc) =	sbr.rel @p0 .LBB2_5-.Ltmp4, $2  }
0xe9: {  	_ =	sdelay $0x2  }
0xea: {  	s20 =	sand.u32 $0x1, s14  }
0xeb: {  	p0 =	seq.s32 s19, $0x27  }
.Ltmp5:
0xec: {  	_ = 	snop;
	(pc) =	sbr.rel @p0 .LBB2_6-.Ltmp5, $1  }
0xed: {  	_ =	sdelay $0x3  }
0xee: {  	s21 =	sadd.s32 $0x5, s20  }
0xef: {  	_ =	swait.ge [sflag:s21], $0x8000  }
.Ltmp6:
0xf0: {  	[sflag:s21] =	ssyncset.done $0x0;
	(pc) =	sbr.rel .LBB2_5-.Ltmp6, $4  }
0xf1: {  	s23 =	sadd.s32 $0x7, s20;
	[sflag:s21] =	ssyncadd.s32 $0xFFFF8000  }
0xf2: {  	_ =	swait.ge [sflag:s23], $0x4000  }
0xf3: {  	[sflag:s23] =	ssyncset.done $0x0  }
0xf4: {  	[sflag:s23] =	ssyncadd.s32 $0xFFFFC000  }
.LBB2_8:
0xf5: {  	_ =	sfence.sel $0x180000  }
0xf6: {  	[bflag:$0x0] =	sbarrier.arrive $0xFFFF  }
0xf7: {  	_ =	strace $0x9000005F  }
0xf8: {  	s0 =	stileid.u32;
	[bflag:$0x2] =	sbarrier.arrive $0xFFFF  }
0xf9: {  	p0 =	sne.s32 s0, $0x0;
	s0 =	rddreg [dreg:$0x1]  }
0xfa: {  	s0 =	sadd.s32 @!p0 $0x100000, s0  }
0xfb: {  	[sflag:s0] =	ssyncadd.tile.s32 @!p0 $0x1;
	_ =	shalt  }
.Lfunc_end2:
_tile_overlayer_lowered:
.L_overlay_start_2:
0xfc: {  	(tag) =	ssettag $0x2  }
0xfd: {  	s0 =	rddreg [dreg:$0x0];
	s2 =	stileid.u32  }
0xfe: {  	s1 =	rddreg [dreg:$0x1];
	p0 =	sne.s32 s2, $0x0  }
0xff: {  	s3 =	rddreg [dreg:$0x2];
	[bflag:$0x3] =	sbarrier.arrive $0xFFFF;
	s2 =	simm.s32 @!p0 $0x1C09  }
0x100: {  	[timem:s3], [sflag:s2] =	dma.local @!p0 [hbm:s0], s1  }
0x101: {  	s0 =	simm.s32 @!p0 $0x9  }
0x102: {  	_ =	swait.ge @!p0 [sflag:s0], s1  }
0x103: {  	s1 =	ssub.s32 @!p0 $0x0, s1;
	[sflag:s0] =	ssyncset.done @!p0 $0x0  }
0x104: {  	[sflag:s0] =	ssyncadd.s32 @!p0 s1  }
0x105: {  	[bflag:$0x3] =	sbarrier.arrive $0xFFFF  }
0x106: {  	_ =	shalt  }

// kernel: kernel.21.cloned.1.call-start
scs
__scs_entry_jumppad:
0x0: {  	(pc) =	sbr.rel $0x88, $3  }
0x1: {  	(tag) =	ssettag $0x0;
	lr =	simm.s32 $0x1  }
0x2: {  	[smem:$0x3F7F] =	sst lr;
	_ =	strace $0xD0000000  }
0x3: {  	_ = 	snop  }
0x4: {  	_ = 	snop  }
0x5: {  	_ = 	snop  }
0x6: {  	_ = 	snop  }
0x7: {  	_ = 	snop  }
__scs_overlays_trampoline_lowered:
0x8: {  	[smem:$0x3F8E] =	sst s0  }
0x9: {  	[smem:$0x3F8F] =	sst s1  }
0xa: {  	[smem:$0x3F90] =	sst s2  }
0xb: {  	[smem:$0x3F91] =	sst s3  }
0xc: {  	[smem:$0x3F92] =	sst s4  }
0xd: {  	[smem:$0x3F93] =	sst s5  }
0xe: {  	[smem:$0x3F94] =	sst s6  }
0xf: {  	[smem:$0x3F95] =	sst s7  }
0x10: {  	[smem:$0x3F96] =	sst s8  }
0x11: {  	[smem:$0x3F97] =	sst s9;
	s0 =	simm.s32 @!p0 $0x0  }
0x12: {  	s1 =	sld [smem:$0x3F7D];
	s0 =	simm.s32 @p0 $0x1  }
0x13: {  	[smem:$0x3F98] =	sst s0;
	s0 =	simm.s32 @!p1 $0x0  }
0x14: {  	s2 =	sld [smem:$0x3F7C];
	s0 =	simm.s32 @p1 $0x1  }
0x15: {  	[smem:$0x3F99] =	sst s0;
	s0 =	simm.s32 @!p2 $0x0  }
0x16: {  	s3 =	sld [smem:$0x3FDB];
	s0 =	simm.s32 @p2 $0x1  }
0x17: {  	s4 =	simm.s32 $0x1BF5;
	[smem:$0x3F9B] =	sst s0  }
0x18: {  	s0 =	sld [smem:$0x3F7E];
	_ =	swait.ge [sflag:s4], $0x0  }
0x19: {  	s7 =	sld [smem:$0x3F7F]  }
0x1a: {  	s8 =	sadd.s32 $0xFFFFE003, lr  }
0x1b: {  	s9 =	sadd.s32 $0xFFFFFEF7, lr;
	s5 =	simm.s32 $0xFFFFFFFF;
	p2 =	slt.u32 s8, $0xFFFFF086  }
0x1c: {  	p1 =	slt.u32 s9, $0xF7A;
	s5 =	simm.s32 @!p2 $0x0  }
0x1d: {  	s5 =	simm.s32 @p1 $0x1;
	p0 =	seq.s32 s7, s2  }
0x1e: {  	s7 =	smul.u32 @!p0 $0xF7A, s2;
	p2 =	seq.s32 @!p0 s5, $0x0  }
0x1f: {  	s9 =	smul.u32 $0xF7A, s1;
	s8 =	simm.s32 @!p0 $0x1BF5;
	p2 =	por !p2, p0  }
0x20: {  	[sflag:s8] =	ssyncset.s32 @!p0 $0xFFFFF086;
	s6 =	sadd.s32 @!p0 s3, s7;
	s7 =	simm.s32 @!p0 $0x108  }
0x21: {  	s3 =	sadd.s32 s3, s9;
	s6 =	sadd.s32 @!p0 $0x88, s6;
	s7 =	simm.s32 @p2 $0x1082  }
0x22: {  	[simem:s7], [sflag:s8] =	dma.local @!p0 [hbm:s6], $0xF7A  }
0x23: {  	s9 =	sor.u32 $0xD0000000, s2;
	s6 =	simm.s32 $0x108;
	_ =	swait.ge @!p0 [sflag:s8], $0x0  }
0x24: {  	s3 =	sadd.s32 $0x88, s3;
	s6 =	simm.s32 @!p1 $0x1082;
	[sflag:s4] =	ssyncset.s32 $0xFFFFF086  }
0x25: {  	[simem:s6], [sflag:s4] =	dma.local [hbm:s3], $0xF7A  }
0x26: {  	[smem:$0x3F7F] =	sst s1;
	(tag) =	ssettag s2;
	_ =	strace s9  }
0x27: {  	s1 =	sld [smem:$0x3F8F]  }
0x28: {  	s2 =	sld [smem:$0x3F90]  }
0x29: {  	s4 =	sld [smem:$0x3F92]  }
0x2a: {  	p0 =	seq.s32 s5, $0x0;
	s5 =	sld [smem:$0x3F93]  }
0x2b: {  	s6 =	sld [smem:$0x3F94]  }
0x2c: {  	s7 =	sld [smem:$0x3F95]  }
0x2d: {  	s3 =	simm.s32 $0x108;
	s8 =	sld [smem:$0x3F96]  }
0x2e: {  	s3 =	simm.s32 @!p0 $0x1082;
	s9 =	sld [smem:$0x3F97]  }
0x2f: {  	lr =	sadd.s32 s0, s3;
	s0 =	sld [smem:$0x3F8E]  }
0x30: {  	s3 =	sld [smem:$0x3F91]  }
0x31: {  	[smem:$0x3F9A] =	sst s10  }
0x32: {  	s10 =	sld [smem:$0x3F98];
	_ =	sdelay $0x3  }
0x33: {  	p0 =	seq.s32 s10, $0x1;
	s10 =	sld [smem:$0x3F9A];
	_ =	sdelay $0x3  }
0x34: {  	[smem:$0x3F9A] =	sst s10  }
0x35: {  	s10 =	sld [smem:$0x3F99];
	_ =	sdelay $0x3  }
0x36: {  	p1 =	seq.s32 s10, $0x1;
	s10 =	sld [smem:$0x3F9A];
	_ =	sdelay $0x3  }
0x37: {  	[smem:$0x3F9A] =	sst s10  }
0x38: {  	s10 =	sld [smem:$0x3F9B]  }
0x39: {  	_ = 	snop;
	(pc) =	sbr.ind lr, $3  }
0x3a: {  	_ = 	snop  }
0x3b: {  	_ = 	snop  }
0x3c: {  	p2 =	seq.s32 s10, $0x1;
	s10 =	sld [smem:$0x3F9A]  }
0x3d: {  	_ =	shalt  }
0x3e: {  	_ =	shalt  }
0x3f: {  	_ =	shalt  }
0x40: {  	_ =	shalt  }
0x41: {  	_ =	shalt  }
0x42: {  	_ =	shalt  }
0x43: {  	_ =	shalt  }
0x44: {  	_ =	shalt  }
0x45: {  	_ =	shalt  }
0x46: {  	_ =	shalt  }
0x47: {  	_ =	shalt  }
0x48: {  	_ =	shalt  }
0x49: {  	_ =	shalt  }
0x4a: {  	_ =	shalt  }
0x4b: {  	_ =	shalt  }
0x4c: {  	_ =	shalt  }
0x4d: {  	_ =	shalt  }
0x4e: {  	_ =	shalt  }
0x4f: {  	_ =	shalt  }
0x50: {  	_ =	shalt  }
0x51: {  	_ =	shalt  }
0x52: {  	_ =	shalt  }
0x53: {  	_ =	shalt  }
0x54: {  	_ =	shalt  }
0x55: {  	_ =	shalt  }
0x56: {  	_ =	shalt  }
0x57: {  	_ =	shalt  }
0x58: {  	_ =	shalt  }
0x59: {  	_ =	shalt  }
0x5a: {  	_ =	shalt  }
0x5b: {  	_ =	shalt  }
0x5c: {  	_ =	shalt  }
0x5d: {  	_ =	shalt  }
0x5e: {  	_ =	shalt  }
0x5f: {  	_ =	shalt  }
0x60: {  	_ =	shalt  }
0x61: {  	_ =	shalt  }
0x62: {  	_ =	shalt  }
0x63: {  	_ =	shalt  }
0x64: {  	_ =	shalt  }
0x65: {  	_ =	shalt  }
0x66: {  	_ =	shalt  }
0x67: {  	_ =	shalt  }
0x68: {  	_ =	shalt  }
0x69: {  	_ =	shalt  }
0x6a: {  	_ =	shalt  }
0x6b: {  	_ =	shalt  }
0x6c: {  	_ =	shalt  }
0x6d: {  	_ =	shalt  }
0x6e: {  	_ =	shalt  }
0x6f: {  	_ =	shalt  }
0x70: {  	_ =	shalt  }
0x71: {  	_ =	shalt  }
0x72: {  	_ =	shalt  }
0x73: {  	_ =	shalt  }
0x74: {  	_ =	shalt  }
0x75: {  	_ =	shalt  }
0x76: {  	_ =	shalt  }
0x77: {  	_ =	shalt  }
0x78: {  	_ =	shalt  }
0x79: {  	_ =	shalt  }
0x7a: {  	_ =	shalt  }
0x7b: {  	_ =	shalt  }
0x7c: {  	_ =	shalt  }
0x7d: {  	_ =	shalt  }
0x7e: {  	_ =	shalt  }
0x7f: {  	_ =	shalt  }
0x80: {  	_ =	shalt  }
0x81: {  	_ =	shalt  }
0x82: {  	_ =	shalt  }
0x83: {  	_ =	shalt  }
0x84: {  	_ =	shalt  }
0x85: {  	_ =	shalt  }
0x86: {  	_ =	shalt  }
0x87: {  	_ =	shalt  }
.Lfunc_end0:
.L_simem_size_0:
called_computation.10_lowered:
.L_overlay_start_0:
0x88: {  	s2 =	sld [smem:$0x3FD9]  }
0x89: {  	s3 =	sld [smem:$0x3FFE];
	_ =	sdelay $0x1  }
0x8a: {  	s1 =	srdreg.scid  }
0x8b: {  	s0 =	sand.u32 $0x1, s1  }
0x8c: {  	s15 =	sshll.u32 s0, $0xA;
	s2 =	sadd.s32 s3, s2  }
0x8d: {  	s2 =	sadd.s32 s2, s15  }
0x8e: {  	[smem:$0x3FA6] =	sst s2  }
0x8f: {  	_ = 	snop  }
0x90: {  	s2 =	sld [smem:$0x3FD0];
	_ =	sdelay $0x2  }
0x91: {  	s16 =	simm.s32 $0xB;
	s4 =	simm.s32 $0x10  }
0x92: {  	[smem:s4], [sflag:s16] =	dma.local [hbm:s2], $0x1  }
0x93: {  	_ =	swait.eq [sflag:s16], $0x1  }
0x94: {  	[sflag:s16] =	ssyncset.done $0x0  }
0x95: {  	[sflag:s16] =	ssyncadd.s32 $0xFFFFFFFF  }
0x96: {  	s17 =	sld [smem:$0x10];
	(tm) =	ssettm $0x1  }
0x97: {  	s18 =	sld [smem:$0x3FFB];
	_ =	sdelay $0x3  }
0x98: {  	_ =	strace s18  }
0x99: {  	s2 =	sld [smem:$0x3FFC];
	_ =	sdelay $0x3  }
0x9a: {  	_ =	strace s2  }
0x9b: {  	s2 =	sld [smem:$0x3FFD];
	_ =	sdelay $0x3  }
0x9c: {  	_ =	strace s2  }
0x9d: {  	_ =	strace $0x8FFFFFFF  }
0x9e: {  	s19 =	sld [smem:$0x3FDB];
	_ =	sdelay $0x1  }
0x9f: {  	s20 =	simm.s32 $_scs_section_size  }
0xa0: {  	s5 =	simm.s32 $_size__tile_overlayer_lowered;
	s6 =	simm.s32 $_tile_overlayer_lowered  }
0xa1: {  	s7 =	simm.s32 $0x1BFF;
	s21 =	sshll.u32 s6, $0x1;
	s4 =	sadd.s32 s20, s19  }
0xa2: {  	s22 =	simm.s32 $0x0;
	s5 =	sshll.u32 s5, $0x1;
	s6 =	sadd.s32 s21, s4  }
0xa3: {  	[timem:s22], [sflag:s7] =	dma.local [hbm:s6], s5  }
0xa4: {  	_ =	swait.ge [sflag:s7], s5  }
0xa5: {  	s5 =	ssub.s32 $0x0, s5;
	[sflag:s7] =	ssyncset.done $0x0  }
0xa6: {  	[sflag:s7] =	ssyncadd.s32 s5;
	_ =	sdelay $0x1  }
0xa7: {  	s23 =	simm.s32 $0x1B8B  }
0xa8: {  	_ =	swait.ge [sflag:s23], $0x1  }
0xa9: {  	[sflag:s23] =	ssyncset.done $0x0  }
0xaa: {  	[sflag:s23] =	ssyncadd.s32 $0xFFFFFFFF  }
0xab: {  	s5 =	sld [smem:$0x0]  }
0xac: {  	s6 =	sand.u32 $0xFFFFFFFE, s1  }
0xad: {  	p0 =	sne.s32 s1, s6  }
0xae: {  	s6 =	sshll.u32 @p0 s6, $0xE  }
0xaf: {  	s6 =	sadd.s32 @p0 $0x11B8D, s6;
	s7 =	sshll.u32 @p0 s5, $0x11  }
0xb0: {  	s6 =	sor.u32 @p0 s7, s6  }
0xb1: {  	[sflag:s6] =	ssyncadd.remote.s32 @p0 $0x1;
	_ =	sdelay $0x1  }
0xb2: {  	s6 =	simm.s32 @p0 $0x1B8D  }
0xb3: {  	_ =	swait.eq @p0 [sflag:s6], $0x1  }
0xb4: {  	[sflag:s6] =	ssyncadd.s32 @p0 $0xFFFFFFFF  }
0xb5: {  	s7 =	sshll.u32 @!p0 s1, $0xE  }
0xb6: {  	s7 =	sor.u32 @!p0 $0x4000, s7;
	s6 =	simm.s32 @!p0 $0x1B8D  }
0xb7: {  	s5 =	sshll.u32 @!p0 s5, $0x11;
	s7 =	sadd.s32 @!p0 $0x11B8D, s7;
	_ =	swait.eq @!p0 [sflag:s6], $0x1  }
0xb8: {  	s5 =	sor.u32 @!p0 s5, s7;
	[sflag:s6] =	ssyncadd.s32 @!p0 $0xFFFFFFFF  }
0xb9: {  	s25 =	simm.s32 $0x1B8E;
	s24 =	sld [smem:$0x3FFE];
	[sflag:s5] =	ssyncadd.remote.s32 @!p0 $0x1  }
0xba: {  	s26 =	simm.s32 $execute0_lowered;
	[smem:$0x3FD2] =	sst s25  }
0xbb: {  	s6 =	sshll.u32 s26, $0x1;
	_ =	strace $0x80000064;
	[dreg:$0x1] =	wrdreg $0xFFFFFFFF  }
0xbc: {  	s28 =	simm.s32 $_size_execute0_lowered;
	s4 =	sadd.s32 s4, s6;
	[dreg:$0x0] =	wrdreg $0x0  }
0xbd: {  	s6 =	sshll.u32 s28, $0x1;
	[dreg:$0x2] =	wrdreg s4  }
0xbe: {  	[dreg:$0x3] =	wrdreg s6  }
0xbf: {  	[dreg:$0x4] =	wrdreg $0xC0  }
0xc0: {  	_ =	task [dreg:s22], $0x5FFFF  }
0xc1: {  	[dreg:$0x1] =	wrdreg $0xFFFFFFFF  }
0xc2: {  	[dreg:$0x0] =	wrdreg $0x60  }
0xc3: {  	[dreg:$0x2] =	wrdreg s24  }
0xc4: {  	[dreg:$0x3] =	wrdreg s17  }
0xc5: {  	[dreg:$0x4] =	wrdreg $0x94000  }
0xc6: {  	[dreg:$0x5] =	wrdreg $0xA  }
0xc7: {  	_ =	task.clear_ibuf [dreg:s22], $0x6FFFF;
	_ =	strace $0x90000064  }
0xc8: {  	s29 =	simm.s32 $0xA;
	_ =	strace $0x80000066  }
0xc9: {  	_ =	swait.ge [sflag:s29], $0x1  }
0xca: {  	[sflag:s29] =	ssyncadd.s32 $0xFFFFFFFF  }
0xcb: {  	_ =	strace $0x90000066  }
0xcc: {  	_ =	sfence  }
0xcd: {  	s30 =	sld [smem:$0x0];
	_ =	sdelay $0x2  }
0xce: {  	s31 =	sshll.u32 s1, $0xD;
	s1 =	sshrl.u32 s1, $0x2  }
0xcf: {  	s4 =	sand.u32 $0x4000, s31;
	s1 =	sadd.s32 s1, s30  }
0xd0: {  	s0 =	sor.u32 s4, s0;
	s1 =	sshll.u32 s1, $0x11  }
0xd1: {  	s0 =	sor.u32 s1, s0  }
0xd2: {  	s0 =	sadd.s32 $0x8F2B, s0  }
0xd3: {  	[sflag:s0] =	ssyncadd.remote.s32 $0x1  }
0xd4: {  	_ =	sfence.sel $0xFFFF  }
0xd5: {  	[dreg:$0x0] =	wrdreg $0xFFFFFFFF;
	(pc) =	sbr.abs _section_cstart, $3  }
0xd6: {  	[dreg:$0x1] =	wrdreg $0xFFFFFFFF  }
0xd7: {  	_ =	task.clear_ibuf [dreg:s22], $0x2FFFF;
	_ =	strace $0x9FFFFFFF  }
0xd8: {  	(tm) =	ssettm $0x7FFFFFFF  }
0xd9: {  	_ =	shalt  }
tec
execute0_lowered:
.L_overlay_start_1:
0x0: {  	(tag) =	ssettag $0x1  }
0x1: {  	s4 =	rddreg [dreg:$0x0]  }
0x2: {  	s5 =	rddreg [dreg:$0x1]  }
0x3: {  	s1 =	rddreg [dreg:$0x2];
	s2 =	srdreg.scid  }
0x4: {  	s7 =	stileid.u32;
	s0 =	rddreg [dreg:$0x3];
	s15 =	simm.s32 $0x0  }
0x5: {  	s3 =	sand.u32 $0x1, s2;
	s6 =	sshll.u32 s7, $0x1;
	s2 =	simm.s32 $0x0  }
0x6: {  	s10 =	smul.u32 $0x140000, s7;
	s11 =	sadd.s32 $0xAB400, s4;
	p0 =	sne.s32 s7, $0x0  }
0x7: {  	s8 =	smul.u32 $0x27180, s3;
	s6 =	sor.u32 s3, s6;
	[smem:$0x7FF] =	sst s2  }
0x8: {  	s12 =	ssub.s32 $0x2, s3;
	s13 =	smul.u32 $0xA0000, s3;
	s3 =	sadd.s32 $0xA000, s4  }
0x9: {  	s9 =	smul.u32 $0x280, s6;
	_ =	strace $0x80000065;
	s14 =	sshrl.u32 s12, $0x1  }
0xa: {  	s6 =	smul.u32 $0x14000, s6;
	s8 =	sadd.s32 s8, s4;
	s12 =	ssub.s32 s12, s14  }
.Ltmp0:
0xb: {  	s10 =	sadd.s32 s13, s10;
	s13 =	simm.s32 $0x3;
	(pc) =	sbr.rel .LBB2_1-.Ltmp0, $4  }
0xc: {  	s14 =	simm.s32 $0x4;
	s4 =	sadd.s32 s5, s9;
	s5 =	sadd.s32 s11, s6  }
0xd: {  	s30 =	sor.u32 $0x4000, s10;
	s6 =	sadd.s32 $0x32B400, s8;
	s7 =	smax.u32 s12, $0x1  }
0xe: {  	s9 =	sshrl.u32 @!p0 s1, $0x3;
	s10 =	simm.s32 $0x5;
	s31 =	sshrl.u32 s30, $0x3  }
0xf: {  	s12 =	simm.s32 $0x80;
	s8 =	sadd.s32 s31, s11;
	s11 =	simm.s32 $0x1400  }
.LBB2_7:
0x10: {  	_ =	swait.ge [sflag:s13], $0x4000  }
0x11: {  	[sflag:s13] =	ssyncset.done $0x0  }
0x12: {  	[sflag:s13] =	ssyncadd.s32 $0xFFFFC000  }
0x13: {  	_ =	swait.ge [sflag:s14], $0x4000  }
0x14: {  	[sflag:s14] =	ssyncset.done $0x0  }
0x15: {  	s15 =	sadd.s32 $0x1, s15;
	[sflag:s14] =	ssyncadd.s32 $0xFFFFC000  }
0x16: {  	s16 =	simm.s32 @!p0 $0x1C05;
	p1 =	sne.s32 s15, s7;
	[bflag:$0x0] =	sbarrier.arrive $0xFFFF  }
0x17: {  	[hbm:s6], [sflag:s16] =	dma.local @!p0 [spmem:s9], $0x27180  }
.Ltmp1:
0x18: {  	_ = 	snop;
	(pc) =	sbr.rel @!p1 .LBB2_8-.Ltmp1, $4  }
0x19: {  	s16 =	simm.s32 @!p0 $0x5  }
0x1a: {  	_ =	swait.ge @!p0 [sflag:s16], $0x27180  }
0x1b: {  	[sflag:s16] =	ssyncset.done @!p0 $0x0  }
0x1c: {  	[sflag:s16] =	ssyncadd.s32 @!p0 $0xFFFD8E80  }
.LBB2_1:
0x1d: {  	s16 =	simm.s32 @!p0 $0x1C05  }
0x1e: {  	[spmem:s9], [sflag:s16] =	dma.local @!p0 [hbm:s3], $0x27180  }
0x1f: {  	s16 =	simm.s32 @!p0 $0x5  }
0x20: {  	_ =	swait.ge @!p0 [sflag:s16], $0x27180  }
0x21: {  	[sflag:s16] =	ssyncset.done @!p0 $0x0  }
0x22: {  	[sflag:s16] =	ssyncadd.s32 @!p0 $0xFFFD8E80  }
0x23: {  	[bflag:$0x0] =	sbarrier.arrive $0xFFFF  }
0x24: {  	[tilespmem:s2], [sflag:$0x5] =	stream.linear.gather [hbm4b:s4+s2], $0x1400, $0x38;
	[tilespmem:$0x1CCC0] =	vst v63  }
.Ltmp2:
0x25: {  	_ = 	snop;
	(pc) =	sbr.rel .LBB2_2-.Ltmp2, $4  }
0x26: {  	_ =	swait.ge [sflag:s10], $0x1400  }
0x27: {  	s17 =	smov.u32 s8;
	[sflag:s10] =	ssyncset.done $0x0  }
0x28: {  	s18 =	simm.s32 $0x0;
	s16 =	simm.s32 $0x1;
	[sflag:s10] =	ssyncadd.s32 $0xFFFFEC00  }
0x29: {  	[tilespmem:s11], [sflag:$0x1] =	stream.linear.gather [hbm4b:s5+s2], $0x4000, $0x38;
	[tilespmem:$0x1CCC0] =	vst v63  }
.LBB2_5:
0x2a: {  	s21 =	sshll.u32 s20, $0xE  }
0x2b: {  	s31 =	sadd.s32 $0x1, s20;
	s21 =	sor.u32 $0x1400, s21  }
0x2c: {  	[tilespmem:s21], [sflag:s31] =	stream.linear.gather [hbm4b:s17+s2], $0x4000, $0x38;
	[tilespmem:$0x1CCC0] =	vst v63  }
.LBB2_6:
0x2d: {  	s19 =	sand.u32 $0x1, s19;
	s16 =	sadd.s32 $0x1, s16  }
0x2e: {  	s20 =	sadd.s32 $0x1, s19;
	p1 =	sne.s32 s16, $0x29  }
.Ltmp3:
0x2f: {  	_ =	swait.ge [sflag:s20], $0x4000;
	(pc) =	sbr.rel @!p1 .LBB2_7-.Ltmp3, $4  }
0x30: {  	s21 =	sshll.u32 s19, $0xE;
	[sflag:s20] =	ssyncset.done $0x0  }
0x31: {  	s19 =	sadd.s32 $0x3, s19;
	s21 =	sor.u32 $0x1400, s21;
	[sflag:s20] =	ssyncadd.s32 $0xFFFFC000  }
0x32: {  	[spmem:s1] =	stream.indirect.scatter.add.f32 [tilespmem:s21], [sflag:s19], $0x80, s18, s12, $0xb8;
	[tilespmem:$0x1CCC0] =	vst v63  }
0x33: {  	s17 =	sadd.s32 $0x800, s17;
	s18 =	sadd.s32 $0x80, s18  }
.LBB2_2:
0x34: {  	s19 =	sadd.s32 $0xFFFFFFFF, s16  }
0x35: {  	p1 =	seq.s32 s19, $0x0  }
.Ltmp4:
0x36: {  	_ = 	snop;
	(pc) =	sbr.rel @p1 .LBB2_5-.Ltmp4, $2  }
0x37: {  	_ =	sdelay $0x2  }
0x38: {  	s20 =	sand.u32 $0x1, s16  }
0x39: {  	p1 =	seq.s32 s19, $0x27  }
.Ltmp5:
0x3a: {  	_ = 	snop;
	(pc) =	sbr.rel @p1 .LBB2_6-.Ltmp5, $1  }
0x3b: {  	_ =	sdelay $0x3  }
.Ltmp6:
0x3c: {  	(pc) =	sbr.rel .LBB2_5-.Ltmp6, $4  }
0x3d: {  	s21 =	sadd.s32 $0x3, s20  }
0x3e: {  	_ =	swait.ge [sflag:s21], $0x4000  }
0x3f: {  	[sflag:s21] =	ssyncset.done $0x0  }
0x40: {  	[sflag:s21] =	ssyncadd.s32 $0xFFFFC000  }
.LBB2_8:
0x41: {  	_ =	sfence.sel $0x180000  }
0x42: {  	[bflag:$0x0] =	sbarrier.arrive $0xFFFF  }
0x43: {  	_ =	strace $0x90000065  }
0x44: {  	s0 =	sadd.s32 @!p0 $0x100000, s0;
	[bflag:$0x2] =	sbarrier.arrive $0xFFFF  }
0x45: {  	[sflag:s0] =	ssyncadd.tile.s32 @!p0 $0x1;
	_ =	shalt  }
.Lfunc_end2:
_tile_overlayer_lowered:
.L_overlay_start_2:
0x46: {  	(tag) =	ssettag $0x2  }
0x47: {  	s0 =	rddreg [dreg:$0x0];
	s2 =	stileid.u32  }
0x48: {  	s1 =	rddreg [dreg:$0x1];
	p0 =	sne.s32 s2, $0x0  }
0x49: {  	s3 =	rddreg [dreg:$0x2];
	[bflag:$0x3] =	sbarrier.arrive $0xFFFF;
	s2 =	simm.s32 @!p0 $0x1C05  }
0x4a: {  	[timem:s3], [sflag:s2] =	dma.local @!p0 [hbm:s0], s1  }
0x4b: {  	s0 =	simm.s32 @!p0 $0x5  }
0x4c: {  	_ =	swait.ge @!p0 [sflag:s0], s1  }
0x4d: {  	s1 =	ssub.s32 @!p0 $0x0, s1;
	[sflag:s0] =	ssyncset.done @!p0 $0x0  }
0x4e: {  	[sflag:s0] =	ssyncadd.s32 @!p0 s1  }
0x4f: {  	[bflag:$0x3] =	sbarrier.arrive $0xFFFF  }
0x50: {  	_ =	shalt  }

// kernel: scatter_offload_async_start.1
scs
__scs_entry_jumppad:
0x0: {  	(pc) =	sbr.rel $0x88, $3  }
0x1: {  	(tag) =	ssettag $0x0;
	lr =	simm.s32 $0x1  }
0x2: {  	[smem:$0x3F7F] =	sst lr;
	_ =	strace $0xD0000000  }
0x3: {  	_ = 	snop  }
0x4: {  	_ = 	snop  }
0x5: {  	_ = 	snop  }
0x6: {  	_ = 	snop  }
0x7: {  	_ = 	snop  }
__scs_overlays_trampoline_lowered:
0x8: {  	[smem:$0x3F8E] =	sst s0  }
0x9: {  	[smem:$0x3F8F] =	sst s1  }
0xa: {  	[smem:$0x3F90] =	sst s2  }
0xb: {  	[smem:$0x3F91] =	sst s3  }
0xc: {  	[smem:$0x3F92] =	sst s4  }
0xd: {  	[smem:$0x3F93] =	sst s5  }
0xe: {  	[smem:$0x3F94] =	sst s6  }
0xf: {  	[smem:$0x3F95] =	sst s7  }
0x10: {  	[smem:$0x3F96] =	sst s8  }
0x11: {  	[smem:$0x3F97] =	sst s9;
	s0 =	simm.s32 @!p0 $0x0  }
0x12: {  	s1 =	sld [smem:$0x3F7D];
	s0 =	simm.s32 @p0 $0x1  }
0x13: {  	[smem:$0x3F98] =	sst s0;
	s0 =	simm.s32 @!p1 $0x0  }
0x14: {  	s2 =	sld [smem:$0x3F7C];
	s0 =	simm.s32 @p1 $0x1  }
0x15: {  	[smem:$0x3F99] =	sst s0;
	s0 =	simm.s32 @!p2 $0x0  }
0x16: {  	s3 =	sld [smem:$0x3FDB];
	s0 =	simm.s32 @p2 $0x1  }
0x17: {  	s4 =	simm.s32 $0x1BF5;
	[smem:$0x3F9B] =	sst s0  }
0x18: {  	s0 =	sld [smem:$0x3F7E];
	_ =	swait.ge [sflag:s4], $0x0  }
0x19: {  	s7 =	sld [smem:$0x3F7F]  }
0x1a: {  	s8 =	sadd.s32 $0xFFFFE003, lr  }
0x1b: {  	s9 =	sadd.s32 $0xFFFFFEF7, lr;
	s5 =	simm.s32 $0xFFFFFFFF;
	p2 =	slt.u32 s8, $0xFFFFF086  }
0x1c: {  	p1 =	slt.u32 s9, $0xF7A;
	s5 =	simm.s32 @!p2 $0x0  }
0x1d: {  	s5 =	simm.s32 @p1 $0x1;
	p0 =	seq.s32 s7, s2  }
0x1e: {  	s7 =	smul.u32 @!p0 $0xF7A, s2;
	p2 =	seq.s32 @!p0 s5, $0x0  }
0x1f: {  	s9 =	smul.u32 $0xF7A, s1;
	s8 =	simm.s32 @!p0 $0x1BF5;
	p2 =	por !p2, p0  }
0x20: {  	[sflag:s8] =	ssyncset.s32 @!p0 $0xFFFFF086;
	s6 =	sadd.s32 @!p0 s3, s7;
	s7 =	simm.s32 @!p0 $0x108  }
0x21: {  	s3 =	sadd.s32 s3, s9;
	s6 =	sadd.s32 @!p0 $0x88, s6;
	s7 =	simm.s32 @p2 $0x1082  }
0x22: {  	[simem:s7], [sflag:s8] =	dma.local @!p0 [hbm:s6], $0xF7A  }
0x23: {  	s9 =	sor.u32 $0xD0000000, s2;
	s6 =	simm.s32 $0x108;
	_ =	swait.ge @!p0 [sflag:s8], $0x0  }
0x24: {  	s3 =	sadd.s32 $0x88, s3;
	s6 =	simm.s32 @!p1 $0x1082;
	[sflag:s4] =	ssyncset.s32 $0xFFFFF086  }
0x25: {  	[simem:s6], [sflag:s4] =	dma.local [hbm:s3], $0xF7A  }
0x26: {  	[smem:$0x3F7F] =	sst s1;
	(tag) =	ssettag s2;
	_ =	strace s9  }
0x27: {  	s1 =	sld [smem:$0x3F8F]  }
0x28: {  	s2 =	sld [smem:$0x3F90]  }
0x29: {  	s4 =	sld [smem:$0x3F92]  }
0x2a: {  	p0 =	seq.s32 s5, $0x0;
	s5 =	sld [smem:$0x3F93]  }
0x2b: {  	s6 =	sld [smem:$0x3F94]  }
0x2c: {  	s7 =	sld [smem:$0x3F95]  }
0x2d: {  	s3 =	simm.s32 $0x108;
	s8 =	sld [smem:$0x3F96]  }
0x2e: {  	s3 =	simm.s32 @!p0 $0x1082;
	s9 =	sld [smem:$0x3F97]  }
0x2f: {  	lr =	sadd.s32 s0, s3;
	s0 =	sld [smem:$0x3F8E]  }
0x30: {  	s3 =	sld [smem:$0x3F91]  }
0x31: {  	[smem:$0x3F9A] =	sst s10  }
0x32: {  	s10 =	sld [smem:$0x3F98];
	_ =	sdelay $0x3  }
0x33: {  	p0 =	seq.s32 s10, $0x1;
	s10 =	sld [smem:$0x3F9A];
	_ =	sdelay $0x3  }
0x34: {  	[smem:$0x3F9A] =	sst s10  }
0x35: {  	s10 =	sld [smem:$0x3F99];
	_ =	sdelay $0x3  }
0x36: {  	p1 =	seq.s32 s10, $0x1;
	s10 =	sld [smem:$0x3F9A];
	_ =	sdelay $0x3  }
0x37: {  	[smem:$0x3F9A] =	sst s10  }
0x38: {  	s10 =	sld [smem:$0x3F9B]  }
0x39: {  	_ = 	snop;
	(pc) =	sbr.ind lr, $3  }
0x3a: {  	_ = 	snop  }
0x3b: {  	_ = 	snop  }
0x3c: {  	p2 =	seq.s32 s10, $0x1;
	s10 =	sld [smem:$0x3F9A]  }
0x3d: {  	_ =	shalt  }
0x3e: {  	_ =	shalt  }
0x3f: {  	_ =	shalt  }
0x40: {  	_ =	shalt  }
0x41: {  	_ =	shalt  }
0x42: {  	_ =	shalt  }
0x43: {  	_ =	shalt  }
0x44: {  	_ =	shalt  }
0x45: {  	_ =	shalt  }
0x46: {  	_ =	shalt  }
0x47: {  	_ =	shalt  }
0x48: {  	_ =	shalt  }
0x49: {  	_ =	shalt  }
0x4a: {  	_ =	shalt  }
0x4b: {  	_ =	shalt  }
0x4c: {  	_ =	shalt  }
0x4d: {  	_ =	shalt  }
0x4e: {  	_ =	shalt  }
0x4f: {  	_ =	shalt  }
0x50: {  	_ =	shalt  }
0x51: {  	_ =	shalt  }
0x52: {  	_ =	shalt  }
0x53: {  	_ =	shalt  }
0x54: {  	_ =	shalt  }
0x55: {  	_ =	shalt  }
0x56: {  	_ =	shalt  }
0x57: {  	_ =	shalt  }
0x58: {  	_ =	shalt  }
0x59: {  	_ =	shalt  }
0x5a: {  	_ =	shalt  }
0x5b: {  	_ =	shalt  }
0x5c: {  	_ =	shalt  }
0x5d: {  	_ =	shalt  }
0x5e: {  	_ =	shalt  }
0x5f: {  	_ =	shalt  }
0x60: {  	_ =	shalt  }
0x61: {  	_ =	shalt  }
0x62: {  	_ =	shalt  }
0x63: {  	_ =	shalt  }
0x64: {  	_ =	shalt  }
0x65: {  	_ =	shalt  }
0x66: {  	_ =	shalt  }
0x67: {  	_ =	shalt  }
0x68: {  	_ =	shalt  }
0x69: {  	_ =	shalt  }
0x6a: {  	_ =	shalt  }
0x6b: {  	_ =	shalt  }
0x6c: {  	_ =	shalt  }
0x6d: {  	_ =	shalt  }
0x6e: {  	_ =	shalt  }
0x6f: {  	_ =	shalt  }
0x70: {  	_ =	shalt  }
0x71: {  	_ =	shalt  }
0x72: {  	_ =	shalt  }
0x73: {  	_ =	shalt  }
0x74: {  	_ =	shalt  }
0x75: {  	_ =	shalt  }
0x76: {  	_ =	shalt  }
0x77: {  	_ =	shalt  }
0x78: {  	_ =	shalt  }
0x79: {  	_ =	shalt  }
0x7a: {  	_ =	shalt  }
0x7b: {  	_ =	shalt  }
0x7c: {  	_ =	shalt  }
0x7d: {  	_ =	shalt  }
0x7e: {  	_ =	shalt  }
0x7f: {  	_ =	shalt  }
0x80: {  	_ =	shalt  }
0x81: {  	_ =	shalt  }
0x82: {  	_ =	shalt  }
0x83: {  	_ =	shalt  }
0x84: {  	_ =	shalt  }
0x85: {  	_ =	shalt  }
0x86: {  	_ =	shalt  }
0x87: {  	_ =	shalt  }
.Lfunc_end0:
.L_simem_size_0:
called_computation.1_lowered:
.L_overlay_start_0:
0x88: {  	s0 =	sld [smem:$0x3FD9]  }
0x89: {  	s1 =	sld [smem:$0x3FFE];
	_ =	sdelay $0x3  }
0x8a: {  	s0 =	sadd.s32 s1, s0  }
0x8b: {  	[smem:$0x3FA6] =	sst s0  }
0x8c: {  	_ = 	snop  }
0x8d: {  	(tm) =	ssettm $0x1  }
0x8e: {  	s15 =	sld [smem:$0x3FFB];
	_ =	sdelay $0x3  }
0x8f: {  	_ =	strace s15  }
0x90: {  	s0 =	sld [smem:$0x3FFC];
	_ =	sdelay $0x3  }
0x91: {  	_ =	strace s0  }
0x92: {  	s0 =	sld [smem:$0x3FFD];
	_ =	sdelay $0x3  }
0x93: {  	_ =	strace s0  }
0x94: {  	_ =	strace $0x8FFFFFFF  }
0x95: {  	s16 =	sld [smem:$0x3FDB];
	_ =	sdelay $0x1  }
0x96: {  	s17 =	simm.s32 $_scs_section_size  }
0x97: {  	s2 =	simm.s32 $_size__tile_overlayer_lowered;
	s3 =	simm.s32 $_tile_overlayer_lowered  }
0x98: {  	s20 =	simm.s32 $0x1BFF;
	s19 =	sshll.u32 s3, $0x1;
	s0 =	sadd.s32 s17, s16  }
0x99: {  	s4 =	simm.s32 $0x0;
	s18 =	sshll.u32 s2, $0x1;
	s2 =	sadd.s32 s19, s0  }
0x9a: {  	[timem:s4], [sflag:s20] =	dma.local [hbm:s2], s18  }
0x9b: {  	_ =	swait.ge [sflag:s20], s18  }
0x9c: {  	s1 =	ssub.s32 $0x0, s18;
	[sflag:s20] =	ssyncset.done $0x0  }
0x9d: {  	[sflag:s20] =	ssyncadd.s32 s1;
	_ =	sdelay $0x1  }
0x9e: {  	s21 =	simm.s32 $0x1B8B  }
0x9f: {  	_ =	swait.ge [sflag:s21], $0x1  }
0xa0: {  	[sflag:s21] =	ssyncset.done $0x0  }
0xa1: {  	s23 =	simm.s32 $0x1B8E;
	s22 =	sld [smem:$0x3FFE];
	[sflag:s21] =	ssyncadd.s32 $0xFFFFFFFF  }
0xa2: {  	s24 =	simm.s32 $execute0_lowered;
	[smem:$0x3FD2] =	sst s23  }
0xa3: {  	s2 =	sshll.u32 s24, $0x1;
	_ =	strace $0x80000052;
	[dreg:$0x1] =	wrdreg $0xFFFFFFFF  }
0xa4: {  	s25 =	simm.s32 $_size_execute0_lowered;
	s0 =	sadd.s32 s0, s2;
	[dreg:$0x0] =	wrdreg $0x0  }
0xa5: {  	s2 =	sshll.u32 s25, $0x1;
	[dreg:$0x2] =	wrdreg s0  }
0xa6: {  	[dreg:$0x3] =	wrdreg s2  }
0xa7: {  	[dreg:$0x4] =	wrdreg $0xC0  }
0xa8: {  	_ =	task [dreg:s4], $0x5FFFF  }
0xa9: {  	[dreg:$0x1] =	wrdreg $0xFFFFFFFF  }
0xaa: {  	[dreg:$0x0] =	wrdreg $0x60  }
0xab: {  	[dreg:$0x2] =	wrdreg s22  }
0xac: {  	[dreg:$0x3] =	wrdreg $0x9  }
0xad: {  	_ =	task.clear_ibuf [dreg:s4], $0x4FFFF;
	_ =	strace $0x90000052  }
0xae: {  	s26 =	simm.s32 $0x9;
	_ =	strace $0x80000054  }
0xaf: {  	_ =	swait.ge [sflag:s26], $0x1  }
0xb0: {  	[sflag:s26] =	ssyncadd.s32 $0xFFFFFFFF  }
0xb1: {  	_ =	strace $0x90000054  }
0xb2: {  	_ =	sfence  }
0xb3: {  	s28 =	sld [smem:$0x0];
	_ =	sdelay $0x1  }
0xb4: {  	s29 =	srdreg.scid  }
0xb5: {  	s30 =	sshll.u32 s29, $0xD;
	s31 =	sshrl.u32 s29, $0x2  }
0xb6: {  	s1 =	sand.u32 $0x1, s29;
	s2 =	sand.u32 $0x4000, s30;
	s0 =	sadd.s32 s31, s28  }
0xb7: {  	s1 =	sor.u32 s2, s1;
	s0 =	sshll.u32 s0, $0x11  }
0xb8: {  	s0 =	sor.u32 s0, s1  }
0xb9: {  	s0 =	sadd.s32 $0x8F2B, s0  }
0xba: {  	[sflag:s0] =	ssyncadd.remote.s32 $0x1  }
0xbb: {  	_ =	sfence.sel $0xFFFF  }
0xbc: {  	[dreg:$0x0] =	wrdreg $0xFFFFFFFF;
	(pc) =	sbr.abs _section_cstart, $3  }
0xbd: {  	[dreg:$0x1] =	wrdreg $0xFFFFFFFF  }
0xbe: {  	_ =	task.clear_ibuf [dreg:s4], $0x2FFFF;
	_ =	strace $0x9FFFFFFF  }
0xbf: {  	(tm) =	ssettm $0x7FFFFFFF  }
tec
execute0_lowered:
.L_overlay_start_1:
0x0: {  	(tag) =	ssettag $0x1  }
0x1: {  	s7 =	rddreg [dreg:$0x0]  }
0x2: {  	s0 =	rddreg [dreg:$0x1]  }
0x3: {  	_ =	strace $0x80000053;
	s3 =	stileid.u32;
	s4 =	simm.s32 $0x3E  }
0x4: {  	s1 =	sadd.s32 $0x1EC00, s7;
	p0 =	sne.s32 s3, $0x0;
	[sflag:s4] =	ssyncpa.u1 $0x0  }
0x5: {  	s30 =	smin.u32 s3, $0x9;
	s2 =	simm.s32 @!p0 $0x1C3E;
	s5 =	simm.s32 @!p0 $0x0  }
0x6: {  	[spmem:s5], [sflag:s2] =	dma.local @!p0 [hbm:s1], $0x4E80  }
0x7: {  	s2 =	sadd.s32 s3, s30  }
0x8: {  	p1 =	slt.u32 s3, $0x9;
	s3 =	simm.s32 $0x320;
	s2 =	smul.u32 $0x190, s2  }
0x9: {  	s3 =	simm.s32 @!p1 $0x190  }
0xa: {  	s3 =	sadd.s32 s3, s2  }
0xb: {  	s3 =	smin.u32 s3, $0x2710  }
0xc: {  	s8 =	ssub.s32 s3, s2  }
0xd: {  	p1 =	sgt.s32 s8, $0x0  }
0xe: {  	s8 =	simm.s32 @!p1 $0x0  }
0xf: {  	s6 =	sand.u32 $0xFFF0, s8  }
0x10: {  	s5 =	simm.s32 @!p0 $0x3E;
	s6 =	sshrl.u32 s6, $0x4  }
0x11: {  	_ =	swait.ge @!p0 [sflag:s5], $0x4E80;
	s31 =	smul.u32 $0xA3E, s6  }
0x12: {  	[sflag:s5] =	ssyncset.done @!p0 $0x0  }
0x13: {  	[sflag:s5] =	ssyncadd.s32 @!p0 $0xFFFFB180;
	s9 =	sshrl.u32 s31, $0x10  }
0x14: {  	s11 =	simm.s32 $0x0;
	[bflag:$0x0] =	sbarrier.arrive $0xFFFF;
	s10 =	smul.u32 $0x190, s9  }
.Ltmp0:
0x15: {  	[sflag:s4] =	ssyncpa.u1 $0x1;
	s4 =	simm.s32 $0x1;
	(pc) =	sbr.rel .LBB2_1-.Ltmp0, $4  }
0x16: {  	s5 =	sadd.s32 $0x5000, s7;
	s7 =	sadd.s32 $0x6400, s7;
	[sflag:s4] =	ssyncpa.u1 $0x0  }
0x17: {  	s6 =	simm.s32 $0x2;
	p1 =	sne.s32 s8, s10;
	s8 =	simm.s32 $0x1  }
0x18: {  	(ifvalue) =	ssetifvalue $0x27400;
	[sflag:s6] =	ssyncpa.u1 $0x0;
	s8 =	simm.s32 @!p1 $0x0  }
0x19: {  	vm0 =	vmmov $0xffff;
	s10 =	smov.u32 s2;
	s8 =	sadd.s32 s9, s8;
	s9 =	simm.s32 $0x0  }
.LBB2_5:
0x1a: {  	p2 =	sne.s32 s11, s8  }
.Ltmp1:
0x1b: {  	_ = 	snop;
	(pc) =	sbr.rel @!p2 .LBB2_6-.Ltmp1, $4  }
0x1c: {  	_ = 	snop  }
0x1d: {  	s12 =	sadd.s32 $0x190, s10  }
0x1e: {  	s10 =	smov.u32 s2;
	s13 =	sadd.s32 $0x1, s11;
	p1 =	slt.s32 s12, s3  }
0x1f: {  	s11 =	smov.u32 s13;
	s10 =	smov.u32 @p1 s12  }
.LBB2_1:
0x20: {  	p1 =	sge.u32 s11, s8  }
0x21: {  	s12 =	sxor.u32 @!p1 $0xFFFFFFFF, s11  }
0x22: {  	s12 =	sand.u32 @!p1 $0x1, s12  }
0x23: {  	s12 =	smul.u32 @!p1 $0x190, s12  }
0x24: {  	s13 =	sshrl.u32 @!p1 s10, $0x3  }
0x25: {  	s16 =	sand.u32 @!p1 $0x7, s10;
	s14 =	sadd.s32 @!p1 s5, s13;
	s15 =	sadd.s32 @!p1 $0x2740, s12  }
0x26: {  	[tilespmem:s15], [sflag:$0x2] =	stream.linear.gather @!p1 [hbm4b:s14+s16], $0x190, $0x38;
	[tilespmem:$0x2D80] =	vst v63  }
0x27: {  	s13 =	sadd.s32 @!p1 s7, s13;
	s12 =	sadd.s32 @!p1 $0x2A60, s12  }
0x28: {  	[tilespmem:s12], [sflag:$0x2] =	stream.linear.gather @!p1 [hbm4b:s13+s16], $0x190, $0x38;
	[tilespmem:$0x2D80] =	vst v63  }
0x29: {  	p1 =	seq.s32 s11, $0x0  }
.Ltmp2:
0x2a: {  	_ = 	snop;
	(pc) =	sbr.rel @p1 .LBB2_5-.Ltmp2, $1  }
0x2b: {  	_ =	sdelay $0x3  }
0x2c: {  	s12 =	sand.u32 $0x1, s11  }
0x2d: {  	_ =	swait.ge [sflag:s6], $0x320;
	p1 =	seq.s32 s12, $0x1;
	s12 =	simm.s32 $0x190  }
0x2e: {  	[sflag:s6] =	ssyncset.done $0x0;
	s12 =	simm.s32 @!p1 $0x0  }
0x2f: {  	[sflag:s6] =	ssyncadd.s32 $0xFFFFFCE0;
	s14 =	sadd.s32 $0x2740, s12  }
0x30: {  	v0 =	vld.msk [tilespmem:s14+$0x0 ss:$0x1], $0xffff;
	_ =	sdelay $0x4  }
0x31: {  	v0 =	vmin.u32 v0, $0x27400;
	_ =	sdelay $0x3  }
0x32: {  	s13 =	simm.s32 $0x0;
	s12 =	sor.u32 $0x2A60, s12;
	s14 =	sadd.s32 $0x10, s14  }
0x33: {  	[spmem:s9] =	stream.indirect_vreg.scatter.add.s32 [tilespmem:s12], [sflag:$0x1], $0x1, v0, vm0, $0x4038;
	[tilespmem:$0x2D80] =	vst v63  }
.LBB2_3:
0x34: {  	v0 =	vld.msk [tilespmem:s14+$0x0 ss:$0x1], $0xffff;
	s13 =	sadd.s32 $0x10, s13  }
0x35: {  	p1 =	slt.u32 s13, $0x180;
	_ =	sdelay $0x4  }
0x36: {  	v0 =	vmin.u32 v0, $0x27400  }
.Ltmp3:
0x37: {  	(pc) =	sbr.rel @p1 .LBB2_3-.Ltmp3, $3  }
0x38: {  	_ =	sdelay $0x1  }
0x39: {  	s14 =	sadd.s32 $0x10, s14;
	s12 =	sadd.s32 $0x10, s12  }
0x3a: {  	[spmem:s9] =	stream.indirect_vreg.scatter.add.s32 [tilespmem:s12], [sflag:$0x1], $0x1, v0, vm0, $0x4038;
	[tilespmem:$0x2D80] =	vst v63  }
.Ltmp4:
0x3b: {  	(pc) =	sbr.rel .LBB2_5-.Ltmp4, $4  }
0x3c: {  	_ = 	snop  }
0x3d: {  	_ =	swait.ge [sflag:s4], $0x190  }
0x3e: {  	[sflag:s4] =	ssyncset.done $0x0  }
0x3f: {  	[sflag:s4] =	ssyncadd.s32 $0xFFFFFE70  }
.LBB2_6:
0x40: {  	_ =	sfence.sel $0x180000  }
0x41: {  	s2 =	simm.s32 $0x2;
	[bflag:$0x0] =	sbarrier.arrive $0xFFFF  }
0x42: {  	s30 =	simm.s32 $0x1;
	[sflag:s2] =	ssyncpa.u1 $0x1  }
0x43: {  	[sflag:s30] =	ssyncpa.u1 $0x1  }
0x44: {  	_ =	sfence.stream.spmem  }
0x45: {  	s31 =	simm.s32 $0x3D;
	[bflag:$0x0] =	sbarrier.arrive $0xFFFF  }
0x46: {  	s2 =	simm.s32 @p0 $0x3D;
	[sflag:s31] =	ssyncpa.u1 $0x0  }
0x47: {  	[sflag:s2] =	ssyncpa.u1 @p0 $0x1  }
0x48: {  	[bflag:$0x0] =	sbarrier.arrive @p0 $0xFFFF  }
0x49: {  	_ =	strace @p0 $0x90000053  }
0x4a: {  	s3 =	simm.s32 @!p0 $0x1C3D;
	s2 =	simm.s32 @!p0 $0x0;
	[bflag:$0x2] =	sbarrier.arrive @p0 $0xFFFF  }
0x4b: {  	[hbm:s1], [sflag:s3] =	dma.local @!p0 [spmem:s2], $0x4E80  }
0x4c: {  	s1 =	simm.s32 @!p0 $0x3D  }
0x4d: {  	_ =	swait.ge @!p0 [sflag:s1], $0x4E80  }
0x4e: {  	[sflag:s1] =	ssyncset.done @!p0 $0x0  }
0x4f: {  	[sflag:s1] =	ssyncadd.s32 @!p0 $0xFFFFB180  }
0x50: {  	[sflag:s1] =	ssyncpa.u1 @!p0 $0x1  }
0x51: {  	[bflag:$0x0] =	sbarrier.arrive @!p0 $0xFFFF  }
0x52: {  	_ =	strace @!p0 $0x90000053  }
0x53: {  	s0 =	sadd.s32 @!p0 $0x100000, s0;
	[bflag:$0x2] =	sbarrier.arrive @!p0 $0xFFFF  }
0x54: {  	[sflag:s0] =	ssyncadd.tile.s32 @!p0 $0x1;
	_ =	shalt  }
.Lfunc_end2:
_tile_overlayer_lowered:
.L_overlay_start_2:
0x55: {  	(tag) =	ssettag $0x2  }
0x56: {  	s0 =	rddreg [dreg:$0x0];
	s2 =	stileid.u32  }
0x57: {  	s1 =	rddreg [dreg:$0x1];
	p0 =	sne.s32 s2, $0x0  }
0x58: {  	s3 =	rddreg [dreg:$0x2];
	[bflag:$0x3] =	sbarrier.arrive $0xFFFF;
	s2 =	simm.s32 @!p0 $0x1C01  }
0x59: {  	[timem:s3], [sflag:s2] =	dma.local @!p0 [hbm:s0], s1  }
0x5a: {  	s0 =	simm.s32 @!p0 $0x1  }
0x5b: {  	_ =	swait.ge @!p0 [sflag:s0], s1  }
0x5c: {  	s1 =	ssub.s32 @!p0 $0x0, s1;
	[sflag:s0] =	ssyncset.done @!p0 $0x0  }
0x5d: {  	[sflag:s0] =	ssyncadd.s32 @!p0 s1  }
0x5e: {  	[bflag:$0x3] =	sbarrier.arrive $0xFFFF  }
0x5f: {  	_ =	shalt  }

// kernel: scatter_offload_async_start.2
scs
__scs_entry_jumppad:
0x0: {  	(pc) =	sbr.rel $0x88, $3  }
0x1: {  	(tag) =	ssettag $0x0;
	lr =	simm.s32 $0x1  }
0x2: {  	[smem:$0x3F7F] =	sst lr;
	_ =	strace $0xD0000000  }
0x3: {  	_ = 	snop  }
0x4: {  	_ = 	snop  }
0x5: {  	_ = 	snop  }
0x6: {  	_ = 	snop  }
0x7: {  	_ = 	snop  }
__scs_overlays_trampoline_lowered:
0x8: {  	[smem:$0x3F8E] =	sst s0  }
0x9: {  	[smem:$0x3F8F] =	sst s1  }
0xa: {  	[smem:$0x3F90] =	sst s2  }
0xb: {  	[smem:$0x3F91] =	sst s3  }
0xc: {  	[smem:$0x3F92] =	sst s4  }
0xd: {  	[smem:$0x3F93] =	sst s5  }
0xe: {  	[smem:$0x3F94] =	sst s6  }
0xf: {  	[smem:$0x3F95] =	sst s7  }
0x10: {  	[smem:$0x3F96] =	sst s8  }
0x11: {  	[smem:$0x3F97] =	sst s9;
	s0 =	simm.s32 @!p0 $0x0  }
0x12: {  	s1 =	sld [smem:$0x3F7D];
	s0 =	simm.s32 @p0 $0x1  }
0x13: {  	[smem:$0x3F98] =	sst s0;
	s0 =	simm.s32 @!p1 $0x0  }
0x14: {  	s2 =	sld [smem:$0x3F7C];
	s0 =	simm.s32 @p1 $0x1  }
0x15: {  	[smem:$0x3F99] =	sst s0;
	s0 =	simm.s32 @!p2 $0x0  }
0x16: {  	s3 =	sld [smem:$0x3FDB];
	s0 =	simm.s32 @p2 $0x1  }
0x17: {  	s4 =	simm.s32 $0x1BF5;
	[smem:$0x3F9B] =	sst s0  }
0x18: {  	s0 =	sld [smem:$0x3F7E];
	_ =	swait.ge [sflag:s4], $0x0  }
0x19: {  	s7 =	sld [smem:$0x3F7F]  }
0x1a: {  	s8 =	sadd.s32 $0xFFFFE003, lr  }
0x1b: {  	s9 =	sadd.s32 $0xFFFFFEF7, lr;
	s5 =	simm.s32 $0xFFFFFFFF;
	p2 =	slt.u32 s8, $0xFFFFF086  }
0x1c: {  	p1 =	slt.u32 s9, $0xF7A;
	s5 =	simm.s32 @!p2 $0x0  }
0x1d: {  	s5 =	simm.s32 @p1 $0x1;
	p0 =	seq.s32 s7, s2  }
0x1e: {  	s7 =	smul.u32 @!p0 $0xF7A, s2;
	p2 =	seq.s32 @!p0 s5, $0x0  }
0x1f: {  	s9 =	smul.u32 $0xF7A, s1;
	s8 =	simm.s32 @!p0 $0x1BF5;
	p2 =	por !p2, p0  }
0x20: {  	[sflag:s8] =	ssyncset.s32 @!p0 $0xFFFFF086;
	s6 =	sadd.s32 @!p0 s3, s7;
	s7 =	simm.s32 @!p0 $0x108  }
0x21: {  	s3 =	sadd.s32 s3, s9;
	s6 =	sadd.s32 @!p0 $0x88, s6;
	s7 =	simm.s32 @p2 $0x1082  }
0x22: {  	[simem:s7], [sflag:s8] =	dma.local @!p0 [hbm:s6], $0xF7A  }
0x23: {  	s9 =	sor.u32 $0xD0000000, s2;
	s6 =	simm.s32 $0x108;
	_ =	swait.ge @!p0 [sflag:s8], $0x0  }
0x24: {  	s3 =	sadd.s32 $0x88, s3;
	s6 =	simm.s32 @!p1 $0x1082;
	[sflag:s4] =	ssyncset.s32 $0xFFFFF086  }
0x25: {  	[simem:s6], [sflag:s4] =	dma.local [hbm:s3], $0xF7A  }
0x26: {  	[smem:$0x3F7F] =	sst s1;
	(tag) =	ssettag s2;
	_ =	strace s9  }
0x27: {  	s1 =	sld [smem:$0x3F8F]  }
0x28: {  	s2 =	sld [smem:$0x3F90]  }
0x29: {  	s4 =	sld [smem:$0x3F92]  }
0x2a: {  	p0 =	seq.s32 s5, $0x0;
	s5 =	sld [smem:$0x3F93]  }
0x2b: {  	s6 =	sld [smem:$0x3F94]  }
0x2c: {  	s7 =	sld [smem:$0x3F95]  }
0x2d: {  	s3 =	simm.s32 $0x108;
	s8 =	sld [smem:$0x3F96]  }
0x2e: {  	s3 =	simm.s32 @!p0 $0x1082;
	s9 =	sld [smem:$0x3F97]  }
0x2f: {  	lr =	sadd.s32 s0, s3;
	s0 =	sld [smem:$0x3F8E]  }
0x30: {  	s3 =	sld [smem:$0x3F91]  }
0x31: {  	[smem:$0x3F9A] =	sst s10  }
0x32: {  	s10 =	sld [smem:$0x3F98];
	_ =	sdelay $0x3  }
0x33: {  	p0 =	seq.s32 s10, $0x1;
	s10 =	sld [smem:$0x3F9A];
	_ =	sdelay $0x3  }
0x34: {  	[smem:$0x3F9A] =	sst s10  }
0x35: {  	s10 =	sld [smem:$0x3F99];
	_ =	sdelay $0x3  }
0x36: {  	p1 =	seq.s32 s10, $0x1;
	s10 =	sld [smem:$0x3F9A];
	_ =	sdelay $0x3  }
0x37: {  	[smem:$0x3F9A] =	sst s10  }
0x38: {  	s10 =	sld [smem:$0x3F9B]  }
0x39: {  	_ = 	snop;
	(pc) =	sbr.ind lr, $3  }
0x3a: {  	_ = 	snop  }
0x3b: {  	_ = 	snop  }
0x3c: {  	p2 =	seq.s32 s10, $0x1;
	s10 =	sld [smem:$0x3F9A]  }
0x3d: {  	_ =	shalt  }
0x3e: {  	_ =	shalt  }
0x3f: {  	_ =	shalt  }
0x40: {  	_ =	shalt  }
0x41: {  	_ =	shalt  }
0x42: {  	_ =	shalt  }
0x43: {  	_ =	shalt  }
0x44: {  	_ =	shalt  }
0x45: {  	_ =	shalt  }
0x46: {  	_ =	shalt  }
0x47: {  	_ =	shalt  }
0x48: {  	_ =	shalt  }
0x49: {  	_ =	shalt  }
0x4a: {  	_ =	shalt  }
0x4b: {  	_ =	shalt  }
0x4c: {  	_ =	shalt  }
0x4d: {  	_ =	shalt  }
0x4e: {  	_ =	shalt  }
0x4f: {  	_ =	shalt  }
0x50: {  	_ =	shalt  }
0x51: {  	_ =	shalt  }
0x52: {  	_ =	shalt  }
0x53: {  	_ =	shalt  }
0x54: {  	_ =	shalt  }
0x55: {  	_ =	shalt  }
0x56: {  	_ =	shalt  }
0x57: {  	_ =	shalt  }
0x58: {  	_ =	shalt  }
0x59: {  	_ =	shalt  }
0x5a: {  	_ =	shalt  }
0x5b: {  	_ =	shalt  }
0x5c: {  	_ =	shalt  }
0x5d: {  	_ =	shalt  }
0x5e: {  	_ =	shalt  }
0x5f: {  	_ =	shalt  }
0x60: {  	_ =	shalt  }
0x61: {  	_ =	shalt  }
0x62: {  	_ =	shalt  }
0x63: {  	_ =	shalt  }
0x64: {  	_ =	shalt  }
0x65: {  	_ =	shalt  }
0x66: {  	_ =	shalt  }
0x67: {  	_ =	shalt  }
0x68: {  	_ =	shalt  }
0x69: {  	_ =	shalt  }
0x6a: {  	_ =	shalt  }
0x6b: {  	_ =	shalt  }
0x6c: {  	_ =	shalt  }
0x6d: {  	_ =	shalt  }
0x6e: {  	_ =	shalt  }
0x6f: {  	_ =	shalt  }
0x70: {  	_ =	shalt  }
0x71: {  	_ =	shalt  }
0x72: {  	_ =	shalt  }
0x73: {  	_ =	shalt  }
0x74: {  	_ =	shalt  }
0x75: {  	_ =	shalt  }
0x76: {  	_ =	shalt  }
0x77: {  	_ =	shalt  }
0x78: {  	_ =	shalt  }
0x79: {  	_ =	shalt  }
0x7a: {  	_ =	shalt  }
0x7b: {  	_ =	shalt  }
0x7c: {  	_ =	shalt  }
0x7d: {  	_ =	shalt  }
0x7e: {  	_ =	shalt  }
0x7f: {  	_ =	shalt  }
0x80: {  	_ =	shalt  }
0x81: {  	_ =	shalt  }
0x82: {  	_ =	shalt  }
0x83: {  	_ =	shalt  }
0x84: {  	_ =	shalt  }
0x85: {  	_ =	shalt  }
0x86: {  	_ =	shalt  }
0x87: {  	_ =	shalt  }
.Lfunc_end0:
.L_simem_size_0:
called_computation.2_lowered:
.L_overlay_start_0:
0x88: {  	s0 =	sld [smem:$0x3FD9]  }
0x89: {  	s1 =	sld [smem:$0x3FFE];
	_ =	sdelay $0x3  }
0x8a: {  	s0 =	sadd.s32 s1, s0  }
0x8b: {  	[smem:$0x3FA6] =	sst s0  }
0x8c: {  	_ = 	snop  }
0x8d: {  	s0 =	sld [smem:$0x3FD0];
	_ =	sdelay $0x2  }
0x8e: {  	s13 =	simm.s32 $0xB;
	s2 =	simm.s32 $0x10  }
0x8f: {  	[smem:s2], [sflag:s13] =	dma.local [hbm:s0], $0x1  }
0x90: {  	_ =	swait.eq [sflag:s13], $0x1  }
0x91: {  	[sflag:s13] =	ssyncset.done $0x0  }
0x92: {  	[sflag:s13] =	ssyncadd.s32 $0xFFFFFFFF  }
0x93: {  	s14 =	sld [smem:$0x11];
	(tm) =	ssettm $0x1  }
0x94: {  	s15 =	sld [smem:$0x3FFB];
	_ =	sdelay $0x3  }
0x95: {  	_ =	strace s15  }
0x96: {  	s1 =	sld [smem:$0x3FFC];
	_ =	sdelay $0x3  }
0x97: {  	_ =	strace s1  }
0x98: {  	s1 =	sld [smem:$0x3FFD];
	_ =	sdelay $0x3  }
0x99: {  	_ =	strace s1  }
0x9a: {  	_ =	strace $0x8FFFFFFF  }
0x9b: {  	s16 =	sld [smem:$0x3FDB];
	_ =	sdelay $0x1  }
0x9c: {  	s17 =	simm.s32 $_scs_section_size  }
0x9d: {  	s3 =	simm.s32 $_size__tile_overlayer_lowered;
	s4 =	simm.s32 $_tile_overlayer_lowered  }
0x9e: {  	s20 =	simm.s32 $0x1BFF;
	s19 =	sshll.u32 s4, $0x1;
	s1 =	sadd.s32 s17, s16  }
0x9f: {  	s5 =	simm.s32 $0x0;
	s18 =	sshll.u32 s3, $0x1;
	s3 =	sadd.s32 s19, s1  }
0xa0: {  	[timem:s5], [sflag:s20] =	dma.local [hbm:s3], s18  }
0xa1: {  	_ =	swait.ge [sflag:s20], s18  }
0xa2: {  	s2 =	ssub.s32 $0x0, s18;
	[sflag:s20] =	ssyncset.done $0x0  }
0xa3: {  	[sflag:s20] =	ssyncadd.s32 s2;
	_ =	sdelay $0x1  }
0xa4: {  	s21 =	simm.s32 $0x1B8B  }
0xa5: {  	_ =	swait.ge [sflag:s21], $0x1  }
0xa6: {  	[sflag:s21] =	ssyncset.done $0x0  }
0xa7: {  	s23 =	simm.s32 $0x1B8E;
	s22 =	sld [smem:$0x3FFE];
	[sflag:s21] =	ssyncadd.s32 $0xFFFFFFFF  }
0xa8: {  	s24 =	simm.s32 $execute0_lowered;
	[smem:$0x3FD2] =	sst s23  }
0xa9: {  	s3 =	sshll.u32 s24, $0x1;
	_ =	strace $0x80000061;
	[dreg:$0x1] =	wrdreg $0xFFFFFFFF  }
0xaa: {  	s25 =	simm.s32 $_size_execute0_lowered;
	s1 =	sadd.s32 s1, s3;
	[dreg:$0x0] =	wrdreg $0x0  }
0xab: {  	s3 =	sshll.u32 s25, $0x1;
	[dreg:$0x2] =	wrdreg s1  }
0xac: {  	[dreg:$0x3] =	wrdreg s3  }
0xad: {  	[dreg:$0x4] =	wrdreg $0xC0  }
0xae: {  	_ =	task [dreg:s5], $0x5FFFF  }
0xaf: {  	[dreg:$0x1] =	wrdreg $0xFFFFFFFF  }
0xb0: {  	[dreg:$0x0] =	wrdreg $0x60  }
0xb1: {  	[dreg:$0x2] =	wrdreg s14  }
0xb2: {  	[dreg:$0x3] =	wrdreg s22  }
0xb3: {  	[dreg:$0x4] =	wrdreg $0x9  }
0xb4: {  	_ =	task.clear_ibuf [dreg:s5], $0x5FFFF;
	_ =	strace $0x90000061  }
0xb5: {  	s26 =	simm.s32 $0x9;
	_ =	strace $0x80000063  }
0xb6: {  	_ =	swait.ge [sflag:s26], $0x1  }
0xb7: {  	[sflag:s26] =	ssyncadd.s32 $0xFFFFFFFF  }
0xb8: {  	_ =	strace $0x90000063  }
0xb9: {  	_ =	sfence  }
0xba: {  	s28 =	sld [smem:$0x0];
	_ =	sdelay $0x1  }
0xbb: {  	s29 =	srdreg.scid  }
0xbc: {  	s30 =	sshll.u32 s29, $0xD;
	s31 =	sshrl.u32 s29, $0x2  }
0xbd: {  	s2 =	sand.u32 $0x4000, s30;
	s1 =	sand.u32 $0x1, s29;
	s0 =	sadd.s32 s31, s28  }
0xbe: {  	s1 =	sor.u32 s2, s1;
	s0 =	sshll.u32 s0, $0x11  }
0xbf: {  	s0 =	sor.u32 s0, s1  }
0xc0: {  	s0 =	sadd.s32 $0x8F2B, s0  }
0xc1: {  	[sflag:s0] =	ssyncadd.remote.s32 $0x1  }
0xc2: {  	_ =	sfence.sel $0xFFFF  }
0xc3: {  	[dreg:$0x0] =	wrdreg $0xFFFFFFFF;
	(pc) =	sbr.abs _section_cstart, $3  }
0xc4: {  	[dreg:$0x1] =	wrdreg $0xFFFFFFFF  }
0xc5: {  	_ =	task.clear_ibuf [dreg:s5], $0x2FFFF;
	_ =	strace $0x9FFFFFFF  }
0xc6: {  	(tm) =	ssettm $0x7FFFFFFF  }
0xc7: {  	_ =	shalt  }
tec
execute0_lowered:
.L_overlay_start_1:
0x0: {  	(tag) =	ssettag $0x1  }
0x1: {  	s1 =	rddreg [dreg:$0x0]  }
0x2: {  	s3 =	rddreg [dreg:$0x1]  }
0x3: {  	s14 =	stileid.u32;
	_ =	strace $0x80000062;
	s0 =	simm.s32 $0x1  }
0x4: {  	v1 =	vimm.s32 $0xFFFFFFFF;
	s2 =	smin.u32 s14, $0x4;
	[sflag:s0] =	ssyncpa.u1 $0x0  }
0x5: {  	s2 =	sadd.s32 s14, s2;
	[tilespmem:$0x10] =	vst v1  }
0x6: {  	v0 =	vimm.f32 $0.0e+00;
	p0 =	slt.u32 s14, $0x4;
	[tilespmem:$0x20] =	vst v1;
	s4 =	smul.u32 $0x1F40, s2;
	s2 =	simm.s32 $0x3E80  }
0x7: {  	[tilespmem:$0x30] =	vst v0;
	s2 =	simm.s32 @!p0 $0x1F40  }
0x8: {  	[tilespmem:$0x40] =	vst v0;
	s2 =	sadd.s32 s2, s4  }
0x9: {  	[tilespmem:$0x50] =	vst v0;
	s5 =	smin.u32 s2, $0x27100  }
0xa: {  	s7 =	simm.s32 $0x2;
	[tilespmem:$0x60] =	vst v1;
	s2 =	ssub.s32 s5, s4  }
0xb: {  	s8 =	simm.s32 $0x8;
	s31 =	simm.s32 $0x9;
	[tilespmem:$0x70] =	vst v1;
	p0 =	sgt.s32 s2, $0x0  }
0xc: {  	s16 =	simm.s32 $0x0;
	s17 =	simm.s32 $0xF0;
	[tilespmem:$0x80] =	vst v1;
	s2 =	simm.s32 @!p0 $0x0  }
0xd: {  	s18 =	simm.s32 $0xFFFFFFFF;
	s19 =	simm.s32 $0xFFFFC280;
	v1 =	vimm.s32 $0x0;
	[tilespmem:$0xB0] =	vst v0;
	s6 =	smulhi.u32 $0x10624DD3, s2  }
0xe: {  	s20 =	simm.s32 $0xFFFFFFFE;
	s21 =	simm.s32 $0xF;
	s25 =	simm.s32 $0x0;
	[tilespmem:$0x90] =	vst v1  }
0xf: {  	[tilespmem:$0xA0] =	vst v1;
	[sflag:s7] =	ssyncpa.u1 $0x0;
	s7 =	simm.s32 $0x7;
	s9 =	sshrl.u32 s6, $0x9  }
0x10: {  	s24 =	simm.s32 $0x0;
	[sflag:s7] =	ssyncpa.u1 $0x0;
	s10 =	smul.u32 $0x1F40, s9  }
.Ltmp0:
0x11: {  	[sflag:s8] =	ssyncpa.u1 $0x0;
	s23 =	smov.u32 s4;
	(pc) =	sbr.rel .LBB2_1-.Ltmp0, $4  }
0x12: {  	[sflag:s31] =	ssyncpa.u1 $0x0;
	s6 =	sadd.s32 $0x5000, s3;
	p0 =	sne.s32 s2, s10  }
0x13: {  	s10 =	sshll.u32 s14, $0x1;
	s14 =	sshllo.u32 s14, $0x1;
	s0 =	simm.s32 @!p0 $0x0  }
0x14: {  	vm0 =	vmmov $0xffff;
	v2 =	vlaneseq.u32;
	s13 =	sor.u32 $0x81, s10;
	s15 =	sor.u32 $0x80, s10;
	s9 =	sadd.s32 s0, s9  }
0x15: {  	vm1 =	vmxor vm1, vm1;
	vm2 =	vmmov $0x1;
	vm3 =	vcmask $0x3F3C;
	p0 =	por $0x0, $0x0;
	s11 =	sadd.s32 $0x1, s9;
	s12 =	sadd.s32 $0x2, s9  }
.LBB2_9:
0x16: {  	p1 =	slt.u32 s24, $0x3  }
0x17: {  	s0 =	simm.s32 @!p1 $0x2  }
0x18: {  	_ =	swait.ge @!p1 [sflag:s0], $0x1F40  }
0x19: {  	[sflag:s0] =	ssyncset.done @!p1 $0x0  }
0x1a: {  	[sflag:s0] =	ssyncadd.s32 @!p1 $0xFFFFE0C0;
	s0 =	simm.s32 @!p1 $0x9  }
0x1b: {  	_ =	swait.ge @!p1 [sflag:s0], $0x10  }
0x1c: {  	[sflag:s0] =	ssyncset.done @!p1 $0x0  }
0x1d: {  	[sflag:s0] =	ssyncadd.s32 @!p1 $0xFFFFFFF0;
	p1 =	sne.s32 s24, s12  }
.Ltmp1:
0x1e: {  	s2 =	sadd.s32 $0x1F40, s23;
	(pc) =	sbr.rel @!p1 .LBB2_10-.Ltmp1, $4  }
0x1f: {  	s22 =	smov.u32 s4;
	s31 =	sadd.s32 $0x1, s24;
	s17 =	sadd.s32 $0x1F40, s17  }
0x20: {  	s18 =	sadd.s32 $0x1, s18;
	s25 =	smov.u32 s23;
	p2 =	slt.s32 s2, s5  }
0x21: {  	p0 =	por !p0, !p0;
	s19 =	sadd.s32 $0x1F40, s19;
	s22 =	smov.u32 @p2 s2  }
0x22: {  	s20 =	sadd.s32 $0x1, s20;
	s23 =	smov.u32 s22;
	s24 =	smov.u32 s31  }
.LBB2_1:
0x23: {  	p1 =	sge.u32 s24, s9  }
0x24: {  	s0 =	smulhi.u32 @!p1 $0xAAAAAAAB, s24;
	_ =	sdelay $0x1  }
0x25: {  	s0 =	sshrl.u32 @!p1 s0, $0x1  }
0x26: {  	s0 =	smul.u32 @!p1 $0x3, s0;
	_ =	sdelay $0x1  }
0x27: {  	s0 =	ssub.s32 @!p1 s24, s0  }
0x28: {  	s0 =	smul.u32 @!p1 $0x7D00, s0;
	_ =	sdelay $0x1  }
0x29: {  	s2 =	sshrl.u32 @!p1 s23, $0x3;
	s0 =	sshrl.u32 @!p1 s0, $0x2  }
0x2a: {  	s22 =	sand.u32 @!p1 $0x7, s23;
	s2 =	sadd.s32 @!p1 s3, s2;
	s0 =	sadd.s32 @!p1 $0x100, s0  }
0x2b: {  	[tilespmem:s0], [sflag:$0x7] =	stream.linear.gather @!p1 [hbm4b:s2+s22], $0x1F40, $0x38;
	[tilespmem:$0x11A60] =	vst v63  }
0x2c: {  	s0 =	sadd.s32 $0xFFFFFFFF, s24  }
0x2d: {  	p1 =	sge.u32 s0, s9  }
.Ltmp2:
0x2e: {  	_ = 	snop;
	(pc) =	sbr.rel @p1 .LBB2_5-.Ltmp2, $1  }
0x2f: {  	_ =	sdelay $0x3  }
0x30: {  	s2 =	smulhi.u32 $0xAAAAAAAB, s0;
	_ =	sdelay $0x1  }
0x31: {  	s2 =	sshrl.u32 s2, $0x1  }
0x32: {  	s2 =	smul.u32 $0x3, s2;
	_ =	sdelay $0x1  }
0x33: {  	s2 =	ssub.s32 s0, s2  }
0x34: {  	s2 =	smul.u32 $0x7D00, s2  }
0x35: {  	_ =	swait.ge [sflag:s7], $0x1F40  }
0x36: {  	[sflag:s7] =	ssyncset.done $0x0;
	s2 =	sshrl.u32 s2, $0x2  }
0x37: {  	[sflag:s7] =	ssyncadd.s32 $0xFFFFE0C0;
	(ifvalue) =	ssetifvalue $0xFFFFFFFF;
	v3 =	vld.msk [tilespmem:s2+$0x100 ss:$0x1], $0xffff;
	_ =	sdelay $0x2  }
0x38: {  	s30 =	smulhi.u32 $0xAAAAAAAB, s18;
	p1 =	sne.s32 s24, $0x1  }
0x39: {  	v4 =	vimm.s32 @!p1 $0x0  }
0x3a: {  	s2 =	sshrl.u32 s30, $0x1;
	v4 =	vperm.xlane @!p1 v3, v4  }
0x3b: {  	s22 =	sshll.u32 s24, $0x4;
	s2 =	smul.u32 $0xFFFE8900, s2;
	vm4 =	vlt.u32 v3, $0x2800  }
0x3c: {  	s22 =	sand.u32 $0x10, s22;
	v3 =	vnsel vm4, $0xFFFFFFFE, v3;
	vm4 =	vlt.u32 @!p1 v4, $0x2800  }
0x3d: {  	s2 =	sshra.s32 s2, $0x2;
	[tilespmem:s22+$0x60] =	vst v3;
	v3 =	vnsel @!p1 vm4, $0xFFFFFFFE, v4  }
0x3e: {  	s28 =	sadd.s32 s2, s17;
	[tilespmem:$0x80] =	vst @!p1 v3  }
0x3f: {  	v3 =	vld.msk [tilespmem:s28+$0x0 ss:$0x1], $0xffff;
	_ =	sdelay $0x4  }
0x40: {  	(xrf1) =	vunique.msk.u32 $0xffff, v3;
	_ =	sdelay $0xd  }
0x41: {  	v4 =	vimm.s32 $0xFFFFFFFF;
	v5, _, _ =	vpop (xrf1)  }
0x42: {  	vm5 =	vne.s32 v3, v4;
	vm4 =	veq.s32 v5, v2  }
0x43: {  	vm6 =	vlt.u32 v3, $0x2800;
	vm4 =	vmand vm5, vm4  }
0x44: {  	vm4 =	vmand vm6, vm4  }
0x45: {  	v4 =	vnsel vm4, $0xFFFFFFFF, v3  }
0x46: {  	s31 =	sand.u32 $0x1, s0  }
0x47: {  	s0 =	simm.s32 $0x1F40;
	p1 =	seq.s32 s31, $0x1  }
0x48: {  	s0 =	simm.s32 @!p1 $0x0  }
0x49: {  	s26 =	sadd.s32 $0x7DF0, s0;
	(ifvalue) =	ssetifvalue $0xFFFFFFFF  }
0x4a: {  	v3 =	vperm.xlane v3, v1;
	[tilespmem:s26], [sflag:$0x8] =	stream.indirect_vreg.gather [hbm4b:s1+s16], $0x1, v4, vm0, $0x4038;
	v4 =	vnsel vm6, $0xFFFFFFFE, v4;
	[tilespmem:$0x11A60] =	vst v63  }
0x4b: {  	s2 =	simm.s32 $0x0;
	s22 =	sadd.s32 $0xFFFFFFF0, s28;
	[tilespmem:s28+$0x0] =	vst v4  }
.LBB2_3:
0x4c: {  	v4 =	vld.msk [tilespmem:s22+$0x0 ss:$0x1], $0xffff;
	s2 =	sadd.s32 $0x10, s2;
	v5 =	vmov v3;
	s28 =	smov.u32 s22  }
0x4d: {  	p1 =	slt.u32 s2, $0x1F30;
	_ =	sdelay $0x4  }
0x4e: {  	v3 =	vperm.xlane v4, v1;
	(xrf1) =	vunique.msk.u32 $0xffff, v4;
	_ =	sdelay $0xd  }
0x4f: {  	v6, _, _ =	vpop (xrf1)  }
0x50: {  	vm5 =	vne.s32 v4, v5;
	vm4 =	veq.s32 v6, v2  }
0x51: {  	vm6 =	vlt.u32 v4, $0x2800;
	vm4 =	vmand vm5, vm4  }
0x52: {  	vm4 =	vmand vm6, vm4  }
0x53: {  	v4 =	vnsel vm4, $0xFFFFFFFF, v4  }
.Ltmp3:
0x54: {  	v5 =	vnsel vm6, $0xFFFFFFFE, v4;
	(pc) =	sbr.rel @p1 .LBB2_3-.Ltmp3, $3  }
0x55: {  	_ =	sdelay $0x1  }
0x56: {  	s22 =	sadd.s32 $0xFFFFFFF0, s22;
	s26 =	sadd.s32 $0xFFFFFFF0, s26;
	(ifvalue) =	ssetifvalue $0xFFFFFFFF  }
0x57: {  	[tilespmem:s26], [sflag:$0x8] =	stream.indirect_vreg.gather [hbm4b:s1+s16], $0x1, v4, vm0, $0x4038;
	[tilespmem:s28+$0x0] =	vst v5  }
0x58: {  	s2 =	sshrl.u32 s25, $0x3  }
0x59: {  	s0 =	sadd.s32 $0x9D40, s0;
	s2 =	sadd.s32 s6, s2  }
0x5a: {  	[tilespmem:s0], [sflag:$0x8] =	stream.linear.gather [hbm:s2], $0x1F40, $0x38;
	[tilespmem:$0x11A60] =	vst v63  }
.LBB2_5:
0x5b: {  	p1 =	slt.u32 s24, $0x2  }
0x5c: {  	p2 =	sge.u32 @!p1 s24, s12  }
0x5d: {  	p1 =	por p1, p2  }
.Ltmp4:
0x5e: {  	_ = 	snop;
	(pc) =	sbr.rel @p1 .LBB2_9-.Ltmp4, $1  }
0x5f: {  	_ =	sdelay $0x3  }
0x60: {  	s0 =	sadd.s32 $0xFFFFFFFE, s24  }
0x61: {  	s2 =	smulhi.u32 $0xAAAAAAAB, s0;
	_ =	sdelay $0x1  }
0x62: {  	s2 =	sshrl.u32 s2, $0x1  }
0x63: {  	s2 =	smul.u32 $0x3, s2;
	_ =	sdelay $0x1  }
0x64: {  	s0 =	ssub.s32 s0, s2  }
0x65: {  	_ =	swait.ge [sflag:s8], $0x3E80;
	s0 =	smul.u32 $0x1F40, s0  }
0x66: {  	p1 =	sne.s32 s24, s11;
	[sflag:s8] =	ssyncset.done $0x0  }
0x67: {  	[sflag:s8] =	ssyncadd.s32 $0xFFFFC180;
	s2 =	sadd.s32 @!p1 $0x203F, s0  }
0x68: {  	[spmem:s13] =	stream.linear.scatter @!p1 [tilespmem:s2], [sflag:$0x1], $0x1, $0x38;
	[tilespmem:$0x11A60] =	vst v63  }
0x69: {  	s2 =	simm.s32 @!p1 $0x1  }
0x6a: {  	_ =	swait.ge @!p1 [sflag:s2], $0x1  }
0x6b: {  	s22 =	sshll.u32 s24, $0x4;
	[sflag:s2] =	ssyncset.done @!p1 $0x0  }
0x6c: {  	s25 =	sand.u32 $0x10, s22;
	[sflag:s2] =	ssyncadd.s32 @!p1 $0xFFFFFFFF  }
0x6d: {  	s2 =	sxor.u32 $0x10, s25;
	v4 =	vld [tilespmem:s25+$0x10]  }
0x6e: {  	v5 =	vld [tilespmem:s2+$0x60]  }
0x6f: {  	v3 =	vld [tilespmem:$0x80];
	_ =	sdelay $0x2  }
0x70: {  	(v2sf) =	vpush v4, $0x0  }
0x71: {  	(v2sf) =	vpush v5, $0x0  }
0x72: {  	(v2sf) =	vpush v3, $0x0;
	_ =	sdelay $0xc  }
0x73: {  	s22 =	spop (v2sf)  }
0x74: {  	s26 =	spop (v2sf)  }
0x75: {  	s28 =	spop (v2sf)  }
0x76: {  	p2 =	seq.s32 s22, s26;
	p3 =	seq.s32 s28, s22  }
0x77: {  	p3 =	por p2, p3  }
0x78: {  	s26 =	sand.u32 $0x1, s24;
	v4 =	vpsel p3, $0xFFFFFFFF, v4  }
0x79: {  	s29 =	smul.u32 $0x1F40, s26;
	[tilespmem:s25+$0x10] =	vst.msk $0x1, v4  }
0x7a: {  	v4 =	vld [tilespmem:$0x30]  }
0x7b: {  	v5 =	vld [tilespmem:s29+$0x9D40]  }
0x7c: {  	v6 =	vld [tilespmem:s25+$0x40];
	_ =	sdelay $0x3  }
0x7d: {  	vm4 =	vmmov vm1;
	v5 =	vadd.f32 v5, v4  }
0x7e: {  	vm5 =	vmmov vm2;
	vm4 =	vmmov @p2 vm2;
	s22 =	sshll.u32 s26, $0x4;
	v4 =	vadd.f32 v6, v4  }
0x7f: {  	s26 =	sor.u32 $0x11A40, s22;
	vm5 =	vmmov @p3 vm1;
	[tilespmem:s29+$0x9D40] =	vst.msk vm4, v5  }
0x80: {  	[tilespmem:s26+$0x0] =	vst.msk vm5, v4  }
0x81: {  	v4 =	vld [tilespmem:s29+$0x7DF0];
	_ =	sdelay $0x3  }
0x82: {  	v5 =	vimm.f32 $0.0e+00  }
0x83: {  	v4 =	vshift.insert v4, v5, s21  }
0x84: {  	s22 =	sor.u32 $0x40, s2  }
0x85: {  	[tilespmem:s22+$0x0] =	vst.msk $0x1, v4  }
0x86: {  	[tilespmem:s29+$0x7DFF] =	vst.msk $0x1, v5  }
0x87: {  	v4 =	vld [tilespmem:s0+$0x2030];
	_ =	sdelay $0x1  }
0x88: {  	s22 =	smulhi.u32 $0xAAAAAAAB, s20;
	s0 =	simm.s32 $0x1  }
0x89: {  	s0 =	simm.s32 @!p0 $0x0  }
0x8a: {  	s22 =	sshrl.u32 s22, $0x1;
	s0 =	smul.u32 $0x7D00, s0  }
0x8b: {  	s22 =	smul.u32 $0xFFFE8900, s22;
	v4 =	vshift.insert v4, v1, s21  }
0x8c: {  	s0 =	sshrl.u32 s0, $0x2  }
0x8d: {  	s22 =	sshra.s32 s22, $0x2;
	s30 =	sadd.s32 $0x9D40, s0;
	[tilespmem:s2+$0x10] =	vst.msk $0x1, v4  }
0x8e: {  	s22 =	sadd.s32 s22, s19;
	v6 =	vld [tilespmem:s30+$0x0]  }
0x8f: {  	v7 =	vld [tilespmem:s22+$0x0];
	_ =	sdelay $0x3  }
0x90: {  	v5 =	vadd.f32 v6, v5  }
0x91: {  	vm4 =	vne.s32 v7, $0xFFFFFFFF  }
0x92: {  	(xrf2) =	vadd.seg.scan.f32 vm4, v5;
	_ =	sdelay $0x3  }
0x93: {  	s31 =	sadd.s32 $0x5EC0, s0;
	v5 =	vperm.xlane v4, v1  }
0x94: {  	v6 =	vld [tilespmem:s31+$0x0]  }
0x95: {  	vm5 =	veq.s32 v7, v3;
	vm6 =	veq.s32 v7, v5  }
0x96: {  	vm7 =	vgt.u32 v7, $0xFFFFFFFD;
	vm6 =	vmor vm6, vm5  }
0x97: {  	vm6 =	vmor vm6, vm7  }
0x98: {  	v9 =	vld [tilespmem:$0xA0];
	v7 =	vsel vm6, $0xFFFFFFFF, v7  }
0x99: {  	v10 =	vld [tilespmem:$0x90];
	v6 =	vsel vm5, $0x0, v6;
	v8, _, _ =	vpop (xrf2)  }
0x9a: {  	v6 =	vadd.f32 v8, v6  }
0x9b: {  	s0 =	sadd.s32 $0xDBC0, s0  }
0x9c: {  	vm4 =	vmand vm4, vm3;
	[tilespmem:s0+$0x0] =	vst v6;
	(ifvalue) =	ssetifvalue $0xFFFFFFFF  }
0x9d: {  	vm6 =	veq.s32 v9, $0x1;
	[hbm4b:s1+s16] =	stream.indirect_vreg.scatter [tilespmem:s0], [sflag:$0x2], $0x1, v7, vm0, $0x4038;
	v7 =	vsel vm4, $0x0, v8;
	[tilespmem:$0x11A60] =	vst v63  }
0x9e: {  	s2 =	simm.s32 $0x0;
	s22 =	sadd.s32 $0x10, s22;
	vm4 =	vmor vm6, vm5;
	v6 =	vsel vm5, v8, v10;
	v7 =	vshift.insert v7, v0, s21  }
.LBB2_7:
0x9f: {  	v8 =	vld [tilespmem:s22+$0x0];
	s30 =	sadd.s32 $0x10, s30  }
0xa0: {  	s31 =	sadd.s32 $0x10, s31;
	v9 =	vld [tilespmem:s30+$0x0]  }
0xa1: {  	s2 =	sadd.s32 $0x10, s2;
	v10 =	vld [tilespmem:s31+$0x0]  }
0xa2: {  	p2 =	slt.u32 s2, $0x1F30;
	_ =	sdelay $0x2  }
0xa3: {  	v7 =	vadd.f32 v9, v7  }
0xa4: {  	vm5 =	vne.s32 v8, $0xFFFFFFFF  }
0xa5: {  	vm6 =	vmand vm5, vm3;
	(xrf2) =	vadd.seg.scan.f32 vm5, v7;
	_ =	sdelay $0x5  }
0xa6: {  	vm7 =	veq.s32 v8, v5;
	vm5 =	veq.s32 v8, v3  }
0xa7: {  	vm8 =	vgt.u32 v8, $0xFFFFFFFD;
	vm4 =	vmor vm4, vm5;
	vm7 =	vmor vm7, vm5  }
0xa8: {  	vm7 =	vmor vm7, vm8  }
0xa9: {  	v8 =	vsel vm7, $0xFFFFFFFF, v8  }
.Ltmp5:
0xaa: {  	v7 =	vsel vm5, $0x0, v10;
	v9, _, _ =	vpop (xrf2);
	(pc) =	sbr.rel @p2 .LBB2_7-.Ltmp5, $4  }
0xab: {  	v6 =	vsel vm5, v9, v6;
	v10 =	vadd.f32 v9, v7;
	v7 =	vsel vm6, $0x0, v9  }
0xac: {  	s0 =	sadd.s32 $0x10, s0;
	v7 =	vshift.insert v7, v0, s21  }
0xad: {  	s22 =	sadd.s32 $0x10, s22;
	[tilespmem:s0+$0x0] =	vst v10;
	(ifvalue) =	ssetifvalue $0xFFFFFFFF  }
0xae: {  	[hbm4b:s1+s16] =	stream.indirect_vreg.scatter [tilespmem:s0], [sflag:$0x2], $0x1, v8, vm0, $0x4038;
	[tilespmem:$0x11A60] =	vst v63  }
0xaf: {  	v3 =	vld [tilespmem:s29+$0xFAF0];
	_ =	sdelay $0x4  }
0xb0: {  	v3 =	vshift.insert v3, v0, s21  }
0xb1: {  	s0 =	simm.s32 $0x30  }
0xb2: {  	[tilespmem:s0+$0x0] =	vst.msk $0x1, v3  }
0xb3: {  	v3 =	vsel vm4, $0x1, v1;
	[tilespmem:$0x90] =	vst v6  }
0xb4: {  	s0 =	sadd.s32 @!p1 $0xFAFF, s29;
	[tilespmem:$0xA0] =	vst v3  }
0xb5: {  	[spmem:s14] =	stream.linear.scatter @!p1 [tilespmem:s0], [sflag:$0x1], $0x1, $0x38;
	[tilespmem:$0x11A60] =	vst v63  }
0xb6: {  	s0 =	simm.s32 @!p1 $0x1  }
0xb7: {  	v3 =	vmctz.xlane @!p1 vm4;
	_ =	swait.ge @!p1 [sflag:s0], $0x1  }
0xb8: {  	(v2sf) =	vpush @!p1 v4, $0x0  }
0xb9: {  	(v2sf) =	vpush @!p1 v3, $0x0;
	_ =	sdelay $0xd  }
0xba: {  	s2 =	spop @!p1 (v2sf)  }
0xbb: {  	s22 =	spop @!p1 (v2sf)  }
0xbc: {  	p2 =	sne.s32 @!p1 s28, s2;
	p3 =	slt.s32 @!p1 s22, $0xF  }
0xbd: {  	[sflag:s0] =	ssyncset.done @!p1 $0x0;
	p2 =	por p2, p1;
	p3 =	por !p3, p1  }
0xbe: {  	[sflag:s0] =	ssyncadd.s32 @!p1 $0xFFFFFFFF;
	v3 =	vimm.s32 @!p2 $0xFFFFFFFF;
	s22 =	simm.s32 @p3 $0xF  }
0xbf: {  	[tilespmem:$0x80] =	vst @!p2 v3;
	s2 =	sadd.s32 @!p1 $0x90, s22  }
0xc0: {  	[spmem:s10] =	stream.linear.scatter @!p1 [tilespmem:s2], [sflag:$0x1], $0x1, $0x38;
	[tilespmem:$0x11A60] =	vst v63  }
0xc1: {  	_ =	swait.ge @!p1 [sflag:s0], $0x1  }
0xc2: {  	[sflag:s0] =	ssyncset.done @!p1 $0x0  }
0xc3: {  	s2 =	simm.s32 @!p1 $0x80;
	[sflag:s0] =	ssyncadd.s32 @!p1 $0xFFFFFFFF  }
0xc4: {  	[spmem:s15] =	stream.linear.scatter @!p1 [tilespmem:s2], [sflag:$0x1], $0x1, $0x38;
	[tilespmem:$0x11A60] =	vst v63  }
0xc5: {  	_ =	swait.ge @!p1 [sflag:s0], $0x1  }
0xc6: {  	[sflag:s0] =	ssyncset.done @!p1 $0x0  }
0xc7: {  	[sflag:s0] =	ssyncadd.s32 @!p1 $0xFFFFFFFF;
	(ifvalue) =	ssetifvalue $0xFFFFFFFF;
	v3 =	vld [tilespmem:s25+$0x10];
	_ =	sdelay $0x3  }
.Ltmp6:
0xc8: {  	_ = 	snop;
	(pc) =	sbr.rel .LBB2_9-.Ltmp6, $3  }
0xc9: {  	_ =	sdelay $0x1  }
0xca: {  	(ifvalue) =	ssetifvalue $0xFFFFFFFF  }
0xcb: {  	[hbm4b:s1+s16] =	stream.indirect_vreg.scatter [tilespmem:s26], [sflag:$0x9], $0x1, v3, vm0, $0x4038;
	[tilespmem:$0x11A60] =	vst v63  }
.LBB2_10:
0xcc: {  	_ =	sfence.sel $0x180000  }
0xcd: {  	s0 =	simm.s32 $0x7;
	[bflag:$0x0] =	sbarrier.arrive $0xFFFF  }
0xce: {  	s26 =	simm.s32 $0x8;
	[sflag:s0] =	ssyncpa.u1 $0x1  }
0xcf: {  	s28 =	simm.s32 $0x9;
	[sflag:s26] =	ssyncpa.u1 $0x1  }
0xd0: {  	[sflag:s28] =	ssyncpa.u1 $0x1  }
0xd1: {  	_ =	sfence.stream.spmem  }
0xd2: {  	s29 =	simm.s32 $0x3;
	[bflag:$0x0] =	sbarrier.arrive $0xFFFF  }
0xd3: {  	s30 =	simm.s32 $0x4;
	[sflag:s29] =	ssyncpa.u1 $0x1  }
0xd4: {  	s31 =	simm.s32 $0x3C;
	s2 =	stileid.u32;
	[sflag:s30] =	ssyncpa.u1 $0x1  }
0xd5: {  	p0 =	sne.s32 s2, $0x0;
	[sflag:s31] =	ssyncpa.u1 $0x1  }
0xd6: {  	s0 =	simm.s32 @p0 $0x1;
	_ =	sfence @p0  }
0xd7: {  	[sflag:s0] =	ssyncpa.u1 @p0 $0x1;
	s0 =	simm.s32 @p0 $0x2  }
0xd8: {  	[sflag:s0] =	ssyncpa.u1 @p0 $0x1  }
0xd9: {  	_ =	strace @p0 $0x90000062  }
0xda: {  	[bflag:$0x2] =	sbarrier.arrive @p0 $0xFFFF  }
0xdb: {  	_ =	shalt @p0  }
.LBB2_11:
0xdc: {  	_ =	sfence.stream.spmem;
	s0 =	simm.s32 $0x5  }
0xdd: {  	s2 =	simm.s32 $0x80;
	s3 =	simm.s32 $0xC0;
	[sflag:s0] =	ssyncpa.u1 $0x0  }
0xde: {  	[tilespmem:s3], [sflag:$0x5] =	stream.linear.gather [spmem:s2], $0x20, $0x38;
	[tilespmem:$0x11A60] =	vst v63  }
0xdf: {  	s2 =	simm.s32 $0x0;
	s3 =	simm.s32 $0xE0  }
0xe0: {  	[tilespmem:s3], [sflag:$0x5] =	stream.linear.gather [spmem:s2], $0x20, $0x38;
	[tilespmem:$0x11A60] =	vst v63  }
.Ltmp7:
0xe1: {  	_ = 	snop;
	(pc) =	sbr.rel .LBB2_12-.Ltmp7, $4  }
0xe2: {  	_ =	swait.ge [sflag:s0], $0x40  }
0xe3: {  	[sflag:s0] =	ssyncset.done $0x0  }
0xe4: {  	s31 =	simm.s32 $0x6;
	[sflag:s0] =	ssyncadd.s32 $0xFFFFFFC0  }
0xe5: {  	s4 =	simm.s32 $0x0;
	[sflag:s31] =	ssyncpa.u1 $0x0  }
.LBB2_17:
0xe6: {  	p0 =	sgt.u32 s5, $0x27FF  }
0xe7: {  	s0 =	sshrl.u32 @!p0 s5, $0x3  }
0xe8: {  	s5 =	sand.u32 @!p0 $0x7, s5;
	s6 =	simm.s32 @!p0 $0xB0;
	s0 =	sadd.s32 @!p0 s1, s0  }
0xe9: {  	[tilespmem:s6], [sflag:$0x6] =	stream.linear.gather @!p0 [hbm4b:s0+s5], $0x1, $0x38;
	[tilespmem:$0x11A60] =	vst v63  }
0xea: {  	s0 =	simm.s32 @!p0 $0x6  }
0xeb: {  	_ =	swait.ge @!p0 [sflag:s0], $0x1  }
0xec: {  	[sflag:s0] =	ssyncset.done @!p0 $0x0  }
0xed: {  	[sflag:s0] =	ssyncadd.s32 @!p0 $0xFFFFFFFF  }
0xee: {  	v2 =	vmov @!p0 s4;
	v1 =	vld.msk @!p0 [tilespmem:$0xB0], $0x1;
	_ =	sdelay $0x3  }
0xef: {  	s0 =	simm.s32 @!p0 $0xE0  }
0xf0: {  	[tilespmem:v2+s0+$0x0], v1 =	vst.idx.ret.add.f32.msk @!p0 $0x1, v1  }
0xf1: {  	[tilespmem:s2+$0xC0] =	vst.msk $0x1, v0  }
0xf2: {  	v0 =	vld.msk [tilespmem:s4+$0xE0], $0x1;
	_ =	sdelay $0x4  }
0xf3: {  	[tilespmem:s2+$0xE0] =	vst.msk $0x1, v0;
	s2 =	sadd.s32 $0x1, s2  }
.LBB2_19:
0xf4: {  	s4 =	sadd.s32 $0x1, s4  }
0xf5: {  	p0 =	sne.s32 s4, $0x20  }
.Ltmp8:
0xf6: {  	_ = 	snop;
	(pc) =	sbr.rel @!p0 .LBB2_20-.Ltmp8, $1  }
0xf7: {  	_ =	sdelay $0x3  }
.LBB2_12:
0xf8: {  	v0 =	vld.msk [tilespmem:s4+$0xC0], $0x1;
	_ =	sdelay $0x4  }
0xf9: {  	(v2sf) =	vpush v0, $0x0;
	_ =	sdelay $0xe  }
0xfa: {  	s5 =	spop (v2sf)  }
0xfb: {  	p0 =	seq.s32 s5, $0xFFFFFFFF  }
.Ltmp9:
0xfc: {  	_ = 	snop;
	(pc) =	sbr.rel @p0 .LBB2_19-.Ltmp9, $1  }
0xfd: {  	_ =	sdelay $0x3  }
0xfe: {  	p0 =	slt.s32 s2, $0x1  }
.Ltmp10:
0xff: {  	_ = 	snop;
	(pc) =	sbr.rel @p0 .LBB2_17-.Ltmp10, $1  }
0x100: {  	_ =	sdelay $0x3  }
0x101: {  	s0 =	simm.s32 $0xC0;
	p0 =	por $0x0, $0x0  }
0x102: {  	v1 =	vld.msk @!p0 [tilespmem:s0+$0x0], $0x1;
	_ =	sdelay $0x4  }
0x103: {  	(v2sf) =	vpush @!p0 v1, $0x0;
	_ =	sdelay $0xd  }
0x104: {  	p2 =	sne.s32 s2, $0x1  }
.Ltmp11:
0x105: {  	s6 =	spop @!p0 (v2sf);
	(pc) =	sbr.rel @!p2 .LBB2_16-.Ltmp11, $4  }
0x106: {  	p1 =	seq.s32 @!p0 s5, s6  }
0x107: {  	s6 =	simm.s32 $0x0;
	p1 =	por !p1, p0  }
0x108: {  	s8 =	simm.s32 $0xFFFFFFFF;
	s6 =	simm.s32 @p1 $0xFFFFFFFF  }
0x109: {  	s7 =	simm.s32 $0x1;
	s6 =	smov.u32 @p0 s8  }
.LBB2_15:
0x10a: {  	s8 =	smov.u32 s6;
	p0 =	sne.s32 s6, $0xFFFFFFFF  }
0x10b: {  	s0 =	sadd.s32 $0x1, s0;
	s6 =	smov.u32 s7;
	s7 =	sadd.s32 $0x1, s7  }
0x10c: {  	p1 =	sne.s32 s2, s7;
	v1 =	vld.msk @!p0 [tilespmem:s0+$0x0], $0x1;
	_ =	sdelay $0x4  }
0x10d: {  	(v2sf) =	vpush @!p0 v1, $0x0;
	_ =	sdelay $0xe  }
.Ltmp12:
0x10e: {  	s9 =	spop @!p0 (v2sf);
	(pc) =	sbr.rel @p1 .LBB2_15-.Ltmp12, $4  }
0x10f: {  	p2 =	seq.s32 @!p0 s5, s9  }
0x110: {  	p2 =	por !p2, p0  }
0x111: {  	s6 =	simm.s32 @p2 $0xFFFFFFFF  }
0x112: {  	s6 =	smov.u32 @p0 s8  }
.LBB2_16:
0x113: {  	p0 =	sne.s32 s6, $0xFFFFFFFF  }
.Ltmp13:
0x114: {  	_ = 	snop;
	(pc) =	sbr.rel @!p0 .LBB2_17-.Ltmp13, $1  }
0x115: {  	_ =	sdelay $0x3  }
0x116: {  	v0 =	vld.msk [tilespmem:s4+$0xE0], $0x1;
	v1 =	vmov s6  }
.Ltmp14:
0x117: {  	_ = 	snop;
	(pc) =	sbr.rel .LBB2_19-.Ltmp14, $2  }
0x118: {  	_ =	sdelay $0x2  }
0x119: {  	[tilespmem:v1+s3+$0x0], v0 =	vst.idx.ret.add.f32.msk $0x1, v0  }
.LBB2_20:
0x11a: {  	p0 =	slt.s32 s2, $0x1  }
.Ltmp15:
0x11b: {  	_ = 	snop;
	(pc) =	sbr.rel @p0 .LBB2_24-.Ltmp15, $3  }
0x11c: {  	_ =	sdelay $0x1  }
0x11d: {  	s0 =	simm.s32 $0x6  }
0x11e: {  	s3 =	simm.s32 $0x0;
	[sflag:s0] =	ssyncpa.u1 $0x1  }
0x11f: {  	s0 =	simm.s32 $0xC0  }
0x120: {  	v0 =	vld.msk [tilespmem:s0+$0x0], $0x1;
	_ =	sdelay $0x4  }
0x121: {  	(v2sf) =	vpush v0, $0x0;
	_ =	sdelay $0xe  }
0x122: {  	s2 =	sadd.s32 $0xFFFFFFFF, s2;
	s4 =	spop (v2sf)  }
0x123: {  	p1 =	sne.s32 s2, $0x0;
	p0 =	sgt.u32 s4, $0x27FF  }
.Ltmp16:
0x124: {  	s5 =	sshrl.u32 @!p0 s4, $0x3;
	(pc) =	sbr.rel @!p1 .LBB2_23-.Ltmp16, $4  }
0x125: {  	s0 =	simm.s32 $0xE0;
	s4 =	sand.u32 @!p0 $0x7, s4;
	s5 =	sadd.s32 @!p0 s1, s5  }
0x126: {  	[hbm4b:s5+s4] =	stream.linear.scatter @!p0 [tilespmem:s0], [sflag:$0x5], $0x1, $0x38;
	[tilespmem:$0x11A60] =	vst v63  }
0x127: {  	s5 =	simm.s32 $0x0  }
0x128: {  	s4 =	simm.s32 $0xC1;
	s5 =	simm.s32 @!p0 $0x4  }
.LBB2_22:
0x129: {  	v0 =	vld.msk [tilespmem:s4+$0x0], $0x1;
	s2 =	sadd.s32 $0xFFFFFFFF, s2;
	s3 =	sadd.s32 s3, s5  }
0x12a: {  	p0 =	sne.s32 s2, $0x0;
	_ =	sdelay $0x3  }
0x12b: {  	(v2sf) =	vpush v0, $0x0;
	_ =	sdelay $0xe  }
.Ltmp17:
0x12c: {  	s6 =	spop (v2sf);
	(pc) =	sbr.rel @p0 .LBB2_22-.Ltmp17, $4  }
0x12d: {  	s5 =	simm.s32 $0x0;
	p1 =	sgt.u32 s6, $0x27FF  }
0x12e: {  	s0 =	sadd.s32 $0x1, s0;
	s5 =	simm.s32 @!p1 $0x4;
	s7 =	sshrl.u32 @!p1 s6, $0x3  }
0x12f: {  	s4 =	sadd.s32 $0x1, s4;
	s6 =	sand.u32 @!p1 $0x7, s6;
	s7 =	sadd.s32 @!p1 s1, s7  }
0x130: {  	[hbm4b:s7+s6] =	stream.linear.scatter @!p1 [tilespmem:s0], [sflag:$0x5], $0x1, $0x38;
	[tilespmem:$0x11A60] =	vst v63  }
.LBB2_23:
0x131: {  	s0 =	sadd.s32 s3, s5  }
0x132: {  	s3 =	sshrl.u32 s0, $0x2  }
.LBB2_24:
0x133: {  	s0 =	simm.s32 $0x5  }
0x134: {  	_ =	swait.ge [sflag:s0], s3  }
0x135: {  	s1 =	ssub.s32 $0x0, s3;
	[sflag:s0] =	ssyncset.done $0x0  }
0x136: {  	[sflag:s0] =	ssyncadd.s32 s1  }
0x137: {  	[sflag:s0] =	ssyncpa.u1 $0x1  }
0x138: {  	s29 =	simm.s32 $0x1;
	_ =	sfence  }
0x139: {  	s30 =	simm.s32 $0x2;
	[sflag:s29] =	ssyncpa.u1 $0x1  }
0x13a: {  	[sflag:s30] =	ssyncpa.u1 $0x1  }
0x13b: {  	_ =	strace $0x90000062  }
0x13c: {  	[bflag:$0x2] =	sbarrier.arrive $0xFFFF  }
0x13d: {  	s31 =	rddreg [dreg:$0x2]  }
0x13e: {  	s0 =	sadd.s32 $0x100000, s31  }
0x13f: {  	[sflag:s0] =	ssyncadd.tile.s32 $0x1;
	_ =	shalt  }
.Lfunc_end2:
_tile_overlayer_lowered:
.L_overlay_start_2:
0x140: {  	(tag) =	ssettag $0x2  }
0x141: {  	s0 =	rddreg [dreg:$0x0];
	s2 =	stileid.u32  }
0x142: {  	s1 =	rddreg [dreg:$0x1];
	p0 =	sne.s32 s2, $0x0  }
0x143: {  	s3 =	rddreg [dreg:$0x2];
	[bflag:$0x3] =	sbarrier.arrive $0xFFFF;
	s2 =	simm.s32 @!p0 $0x1C01  }
0x144: {  	[timem:s3], [sflag:s2] =	dma.local @!p0 [hbm:s0], s1  }
0x145: {  	s0 =	simm.s32 @!p0 $0x1  }
0x146: {  	_ =	swait.ge @!p0 [sflag:s0], s1  }
0x147: {  	s1 =	ssub.s32 @!p0 $0x0, s1;
	[sflag:s0] =	ssyncset.done @!p0 $0x0  }
0x148: {  	[sflag:s0] =	ssyncadd.s32 @!p0 s1  }
0x149: {  	[bflag:$0x3] =	sbarrier.arrive $0xFFFF  }
0x14a: {  	_ =	shalt  }

// kernel: scatter_offload_async_start
scs
__scs_entry_jumppad:
0x0: {  	(pc) =	sbr.rel $0x88, $3  }
0x1: {  	(tag) =	ssettag $0x0;
	lr =	simm.s32 $0x1  }
0x2: {  	[smem:$0x3F7F] =	sst lr;
	_ =	strace $0xD0000000  }
0x3: {  	_ = 	snop  }
0x4: {  	_ = 	snop  }
0x5: {  	_ = 	snop  }
0x6: {  	_ = 	snop  }
0x7: {  	_ = 	snop  }
__scs_overlays_trampoline_lowered:
0x8: {  	[smem:$0x3F8E] =	sst s0  }
0x9: {  	[smem:$0x3F8F] =	sst s1  }
0xa: {  	[smem:$0x3F90] =	sst s2  }
0xb: {  	[smem:$0x3F91] =	sst s3  }
0xc: {  	[smem:$0x3F92] =	sst s4  }
0xd: {  	[smem:$0x3F93] =	sst s5  }
0xe: {  	[smem:$0x3F94] =	sst s6  }
0xf: {  	[smem:$0x3F95] =	sst s7  }
0x10: {  	[smem:$0x3F96] =	sst s8  }
0x11: {  	[smem:$0x3F97] =	sst s9;
	s0 =	simm.s32 @!p0 $0x0  }
0x12: {  	s1 =	sld [smem:$0x3F7D];
	s0 =	simm.s32 @p0 $0x1  }
0x13: {  	[smem:$0x3F98] =	sst s0;
	s0 =	simm.s32 @!p1 $0x0  }
0x14: {  	s2 =	sld [smem:$0x3F7C];
	s0 =	simm.s32 @p1 $0x1  }
0x15: {  	[smem:$0x3F99] =	sst s0;
	s0 =	simm.s32 @!p2 $0x0  }
0x16: {  	s3 =	sld [smem:$0x3FDB];
	s0 =	simm.s32 @p2 $0x1  }
0x17: {  	s4 =	simm.s32 $0x1BF5;
	[smem:$0x3F9B] =	sst s0  }
0x18: {  	s0 =	sld [smem:$0x3F7E];
	_ =	swait.ge [sflag:s4], $0x0  }
0x19: {  	s7 =	sld [smem:$0x3F7F]  }
0x1a: {  	s8 =	sadd.s32 $0xFFFFE003, lr  }
0x1b: {  	s9 =	sadd.s32 $0xFFFFFEF7, lr;
	s5 =	simm.s32 $0xFFFFFFFF;
	p2 =	slt.u32 s8, $0xFFFFF086  }
0x1c: {  	p1 =	slt.u32 s9, $0xF7A;
	s5 =	simm.s32 @!p2 $0x0  }
0x1d: {  	s5 =	simm.s32 @p1 $0x1;
	p0 =	seq.s32 s7, s2  }
0x1e: {  	s7 =	smul.u32 @!p0 $0xF7A, s2;
	p2 =	seq.s32 @!p0 s5, $0x0  }
0x1f: {  	s9 =	smul.u32 $0xF7A, s1;
	s8 =	simm.s32 @!p0 $0x1BF5;
	p2 =	por !p2, p0  }
0x20: {  	[sflag:s8] =	ssyncset.s32 @!p0 $0xFFFFF086;
	s6 =	sadd.s32 @!p0 s3, s7;
	s7 =	simm.s32 @!p0 $0x108  }
0x21: {  	s3 =	sadd.s32 s3, s9;
	s6 =	sadd.s32 @!p0 $0x88, s6;
	s7 =	simm.s32 @p2 $0x1082  }
0x22: {  	[simem:s7], [sflag:s8] =	dma.local @!p0 [hbm:s6], $0xF7A  }
0x23: {  	s9 =	sor.u32 $0xD0000000, s2;
	s6 =	simm.s32 $0x108;
	_ =	swait.ge @!p0 [sflag:s8], $0x0  }
0x24: {  	s3 =	sadd.s32 $0x88, s3;
	s6 =	simm.s32 @!p1 $0x1082;
	[sflag:s4] =	ssyncset.s32 $0xFFFFF086  }
0x25: {  	[simem:s6], [sflag:s4] =	dma.local [hbm:s3], $0xF7A  }
0x26: {  	[smem:$0x3F7F] =	sst s1;
	(tag) =	ssettag s2;
	_ =	strace s9  }
0x27: {  	s1 =	sld [smem:$0x3F8F]  }
0x28: {  	s2 =	sld [smem:$0x3F90]  }
0x29: {  	s4 =	sld [smem:$0x3F92]  }
0x2a: {  	p0 =	seq.s32 s5, $0x0;
	s5 =	sld [smem:$0x3F93]  }
0x2b: {  	s6 =	sld [smem:$0x3F94]  }
0x2c: {  	s7 =	sld [smem:$0x3F95]  }
0x2d: {  	s3 =	simm.s32 $0x108;
	s8 =	sld [smem:$0x3F96]  }
0x2e: {  	s3 =	simm.s32 @!p0 $0x1082;
	s9 =	sld [smem:$0x3F97]  }
0x2f: {  	lr =	sadd.s32 s0, s3;
	s0 =	sld [smem:$0x3F8E]  }
0x30: {  	s3 =	sld [smem:$0x3F91]  }
0x31: {  	[smem:$0x3F9A] =	sst s10  }
0x32: {  	s10 =	sld [smem:$0x3F98];
	_ =	sdelay $0x3  }
0x33: {  	p0 =	seq.s32 s10, $0x1;
	s10 =	sld [smem:$0x3F9A];
	_ =	sdelay $0x3  }
0x34: {  	[smem:$0x3F9A] =	sst s10  }
0x35: {  	s10 =	sld [smem:$0x3F99];
	_ =	sdelay $0x3  }
0x36: {  	p1 =	seq.s32 s10, $0x1;
	s10 =	sld [smem:$0x3F9A];
	_ =	sdelay $0x3  }
0x37: {  	[smem:$0x3F9A] =	sst s10  }
0x38: {  	s10 =	sld [smem:$0x3F9B]  }
0x39: {  	_ = 	snop;
	(pc) =	sbr.ind lr, $3  }
0x3a: {  	_ = 	snop  }
0x3b: {  	_ = 	snop  }
0x3c: {  	p2 =	seq.s32 s10, $0x1;
	s10 =	sld [smem:$0x3F9A]  }
0x3d: {  	_ =	shalt  }
0x3e: {  	_ =	shalt  }
0x3f: {  	_ =	shalt  }
0x40: {  	_ =	shalt  }
0x41: {  	_ =	shalt  }
0x42: {  	_ =	shalt  }
0x43: {  	_ =	shalt  }
0x44: {  	_ =	shalt  }
0x45: {  	_ =	shalt  }
0x46: {  	_ =	shalt  }
0x47: {  	_ =	shalt  }
0x48: {  	_ =	shalt  }
0x49: {  	_ =	shalt  }
0x4a: {  	_ =	shalt  }
0x4b: {  	_ =	shalt  }
0x4c: {  	_ =	shalt  }
0x4d: {  	_ =	shalt  }
0x4e: {  	_ =	shalt  }
0x4f: {  	_ =	shalt  }
0x50: {  	_ =	shalt  }
0x51: {  	_ =	shalt  }
0x52: {  	_ =	shalt  }
0x53: {  	_ =	shalt  }
0x54: {  	_ =	shalt  }
0x55: {  	_ =	shalt  }
0x56: {  	_ =	shalt  }
0x57: {  	_ =	shalt  }
0x58: {  	_ =	shalt  }
0x59: {  	_ =	shalt  }
0x5a: {  	_ =	shalt  }
0x5b: {  	_ =	shalt  }
0x5c: {  	_ =	shalt  }
0x5d: {  	_ =	shalt  }
0x5e: {  	_ =	shalt  }
0x5f: {  	_ =	shalt  }
0x60: {  	_ =	shalt  }
0x61: {  	_ =	shalt  }
0x62: {  	_ =	shalt  }
0x63: {  	_ =	shalt  }
0x64: {  	_ =	shalt  }
0x65: {  	_ =	shalt  }
0x66: {  	_ =	shalt  }
0x67: {  	_ =	shalt  }
0x68: {  	_ =	shalt  }
0x69: {  	_ =	shalt  }
0x6a: {  	_ =	shalt  }
0x6b: {  	_ =	shalt  }
0x6c: {  	_ =	shalt  }
0x6d: {  	_ =	shalt  }
0x6e: {  	_ =	shalt  }
0x6f: {  	_ =	shalt  }
0x70: {  	_ =	shalt  }
0x71: {  	_ =	shalt  }
0x72: {  	_ =	shalt  }
0x73: {  	_ =	shalt  }
0x74: {  	_ =	shalt  }
0x75: {  	_ =	shalt  }
0x76: {  	_ =	shalt  }
0x77: {  	_ =	shalt  }
0x78: {  	_ =	shalt  }
0x79: {  	_ =	shalt  }
0x7a: {  	_ =	shalt  }
0x7b: {  	_ =	shalt  }
0x7c: {  	_ =	shalt  }
0x7d: {  	_ =	shalt  }
0x7e: {  	_ =	shalt  }
0x7f: {  	_ =	shalt  }
0x80: {  	_ =	shalt  }
0x81: {  	_ =	shalt  }
0x82: {  	_ =	shalt  }
0x83: {  	_ =	shalt  }
0x84: {  	_ =	shalt  }
0x85: {  	_ =	shalt  }
0x86: {  	_ =	shalt  }
0x87: {  	_ =	shalt  }
.Lfunc_end0:
.L_simem_size_0:
called_computation_lowered:
.L_overlay_start_0:
0x88: {  	s0 =	sld [smem:$0x3FD9]  }
0x89: {  	s1 =	sld [smem:$0x3FFE];
	_ =	sdelay $0x3  }
0x8a: {  	s0 =	sadd.s32 s1, s0  }
0x8b: {  	[smem:$0x3FA6] =	sst s0  }
0x8c: {  	_ = 	snop  }
0x8d: {  	s0 =	sld [smem:$0x3FD0];
	_ =	sdelay $0x2  }
0x8e: {  	s13 =	simm.s32 $0xB;
	s2 =	simm.s32 $0x10  }
0x8f: {  	[smem:s2], [sflag:s13] =	dma.local [hbm:s0], $0x1  }
0x90: {  	_ =	swait.eq [sflag:s13], $0x1  }
0x91: {  	[sflag:s13] =	ssyncset.done $0x0  }
0x92: {  	[sflag:s13] =	ssyncadd.s32 $0xFFFFFFFF  }
0x93: {  	s14 =	sld [smem:$0x10];
	(tm) =	ssettm $0x1  }
0x94: {  	s15 =	sld [smem:$0x3FFB];
	_ =	sdelay $0x3  }
0x95: {  	_ =	strace s15  }
0x96: {  	s1 =	sld [smem:$0x3FFC];
	_ =	sdelay $0x3  }
0x97: {  	_ =	strace s1  }
0x98: {  	s1 =	sld [smem:$0x3FFD];
	_ =	sdelay $0x3  }
0x99: {  	_ =	strace s1  }
0x9a: {  	_ =	strace $0x8FFFFFFF  }
0x9b: {  	s16 =	sld [smem:$0x3FDB];
	_ =	sdelay $0x1  }
0x9c: {  	s17 =	simm.s32 $_scs_section_size  }
0x9d: {  	s3 =	simm.s32 $_size__tile_overlayer_lowered;
	s4 =	simm.s32 $_tile_overlayer_lowered  }
0x9e: {  	s20 =	simm.s32 $0x1BFF;
	s19 =	sshll.u32 s4, $0x1;
	s1 =	sadd.s32 s17, s16  }
0x9f: {  	s5 =	simm.s32 $0x0;
	s18 =	sshll.u32 s3, $0x1;
	s3 =	sadd.s32 s19, s1  }
0xa0: {  	[timem:s5], [sflag:s20] =	dma.local [hbm:s3], s18  }
0xa1: {  	_ =	swait.ge [sflag:s20], s18  }
0xa2: {  	s2 =	ssub.s32 $0x0, s18;
	[sflag:s20] =	ssyncset.done $0x0  }
0xa3: {  	[sflag:s20] =	ssyncadd.s32 s2;
	_ =	sdelay $0x1  }
0xa4: {  	s21 =	simm.s32 $0x1B8B  }
0xa5: {  	_ =	swait.ge [sflag:s21], $0x1  }
0xa6: {  	[sflag:s21] =	ssyncset.done $0x0  }
0xa7: {  	s23 =	simm.s32 $0x1B8E;
	s22 =	sld [smem:$0x3FFE];
	[sflag:s21] =	ssyncadd.s32 $0xFFFFFFFF  }
0xa8: {  	s24 =	simm.s32 $execute0_lowered;
	[smem:$0x3FD2] =	sst s23  }
0xa9: {  	s3 =	sshll.u32 s24, $0x1;
	_ =	strace $0x80000049;
	[dreg:$0x1] =	wrdreg $0xFFFFFFFF  }
0xaa: {  	s25 =	simm.s32 $_size_execute0_lowered;
	s1 =	sadd.s32 s1, s3;
	[dreg:$0x0] =	wrdreg $0x0  }
0xab: {  	s3 =	sshll.u32 s25, $0x1;
	[dreg:$0x2] =	wrdreg s1  }
0xac: {  	[dreg:$0x3] =	wrdreg s3  }
0xad: {  	[dreg:$0x4] =	wrdreg $0xC0  }
0xae: {  	_ =	task [dreg:s5], $0x5FFFF  }
0xaf: {  	[dreg:$0x1] =	wrdreg $0xFFFFFFFF  }
0xb0: {  	[dreg:$0x0] =	wrdreg $0x60  }
0xb1: {  	[dreg:$0x2] =	wrdreg s22  }
0xb2: {  	[dreg:$0x3] =	wrdreg s14  }
0xb3: {  	[dreg:$0x4] =	wrdreg $0x9  }
0xb4: {  	_ =	task.clear_ibuf [dreg:s5], $0x5FFFF;
	_ =	strace $0x90000049  }
0xb5: {  	s26 =	simm.s32 $0x9;
	_ =	strace $0x8000004B  }
0xb6: {  	_ =	swait.ge [sflag:s26], $0x1  }
0xb7: {  	[sflag:s26] =	ssyncadd.s32 $0xFFFFFFFF  }
0xb8: {  	_ =	strace $0x9000004B  }
0xb9: {  	_ =	sfence  }
0xba: {  	s28 =	sld [smem:$0x0];
	_ =	sdelay $0x1  }
0xbb: {  	s29 =	srdreg.scid  }
0xbc: {  	s30 =	sshll.u32 s29, $0xD;
	s31 =	sshrl.u32 s29, $0x2  }
0xbd: {  	s2 =	sand.u32 $0x4000, s30;
	s1 =	sand.u32 $0x1, s29;
	s0 =	sadd.s32 s31, s28  }
0xbe: {  	s1 =	sor.u32 s2, s1;
	s0 =	sshll.u32 s0, $0x11  }
0xbf: {  	s0 =	sor.u32 s0, s1  }
0xc0: {  	s0 =	sadd.s32 $0x8F2B, s0  }
0xc1: {  	[sflag:s0] =	ssyncadd.remote.s32 $0x1  }
0xc2: {  	_ =	sfence.sel $0xFFFF  }
0xc3: {  	[dreg:$0x0] =	wrdreg $0xFFFFFFFF;
	(pc) =	sbr.abs _section_cstart, $3  }
0xc4: {  	[dreg:$0x1] =	wrdreg $0xFFFFFFFF  }
0xc5: {  	_ =	task.clear_ibuf [dreg:s5], $0x2FFFF;
	_ =	strace $0x9FFFFFFF  }
0xc6: {  	(tm) =	ssettm $0x7FFFFFFF  }
0xc7: {  	_ =	shalt  }
tec
execute0_lowered:
.L_overlay_start_1:
0x0: {  	(tag) =	ssettag $0x1  }
0x1: {  	s7 =	rddreg [dreg:$0x0]  }
0x2: {  	s2 =	rddreg [dreg:$0x1]  }
0x3: {  	s0 =	rddreg [dreg:$0x2]  }
0x4: {  	_ =	strace $0x8000004A;
	s4 =	stileid.u32;
	s5 =	simm.s32 $0x3E  }
0x5: {  	s1 =	sadd.s32 $0x19600, s7;
	p0 =	sne.s32 s4, $0x0;
	[sflag:s5] =	ssyncpa.u1 $0x0  }
0x6: {  	s30 =	smin.u32 s4, $0x4;
	s3 =	simm.s32 @!p0 $0x1C3E;
	s6 =	simm.s32 @!p0 $0x0  }
0x7: {  	[spmem:s6], [sflag:s3] =	dma.local @!p0 [hbm:s1], $0x500  }
0x8: {  	s3 =	sadd.s32 s4, s30  }
0x9: {  	p1 =	slt.u32 s4, $0x4;
	s4 =	simm.s32 $0x3E80;
	s3 =	smul.u32 $0x1F40, s3  }
0xa: {  	s4 =	simm.s32 @!p1 $0x1F40  }
0xb: {  	s4 =	sadd.s32 s4, s3  }
0xc: {  	s4 =	smin.u32 s4, $0x27100  }
0xd: {  	s8 =	ssub.s32 s4, s3  }
0xe: {  	p1 =	sgt.s32 s8, $0x0  }
0xf: {  	s8 =	simm.s32 @!p1 $0x0  }
0x10: {  	s6 =	simm.s32 @!p0 $0x3E;
	s31 =	smulhi.u32 $0x10624DD3, s8  }
0x11: {  	_ =	swait.ge @!p0 [sflag:s6], $0x500  }
0x12: {  	[sflag:s6] =	ssyncset.done @!p0 $0x0;
	s9 =	sshrl.u32 s31, $0x9  }
0x13: {  	s11 =	simm.s32 $0x0;
	[sflag:s6] =	ssyncadd.s32 @!p0 $0xFFFFFB00;
	s10 =	smul.u32 $0x1F40, s9  }
.Ltmp0:
0x14: {  	s7 =	sadd.s32 $0x14600, s7;
	[bflag:$0x0] =	sbarrier.arrive $0xFFFF;
	(pc) =	sbr.rel .LBB2_1-.Ltmp0, $4  }
0x15: {  	s6 =	simm.s32 $0x2;
	[sflag:s5] =	ssyncpa.u1 $0x1;
	s5 =	simm.s32 $0x1  }
0x16: {  	[sflag:s5] =	ssyncpa.u1 $0x0;
	p1 =	sne.s32 s8, s10;
	s8 =	simm.s32 $0x1  }
0x17: {  	(ifvalue) =	ssetifvalue $0x2800;
	[sflag:s6] =	ssyncpa.u1 $0x0;
	s8 =	simm.s32 @!p1 $0x0  }
0x18: {  	vm0 =	vmmov $0xffff;
	s10 =	smov.u32 s3;
	s8 =	sadd.s32 s8, s9;
	s9 =	simm.s32 $0x0  }
.LBB2_5:
0x19: {  	p2 =	sne.s32 s11, s8  }
.Ltmp1:
0x1a: {  	_ = 	snop;
	(pc) =	sbr.rel @!p2 .LBB2_6-.Ltmp1, $4  }
0x1b: {  	_ = 	snop  }
0x1c: {  	s12 =	sadd.s32 $0x1F40, s10  }
0x1d: {  	s10 =	smov.u32 s3;
	s13 =	sadd.s32 $0x1, s11;
	p1 =	slt.s32 s12, s4  }
0x1e: {  	s11 =	smov.u32 s13;
	s10 =	smov.u32 @p1 s12  }
.LBB2_1:
0x1f: {  	p1 =	sge.u32 s11, s8  }
0x20: {  	s12 =	sxor.u32 @!p1 $0xFFFFFFFF, s11  }
0x21: {  	s12 =	sand.u32 @!p1 $0x1, s12  }
0x22: {  	s12 =	smul.u32 @!p1 $0x1F40, s12  }
0x23: {  	s13 =	sshrl.u32 @!p1 s10, $0x3  }
0x24: {  	s16 =	sand.u32 @!p1 $0x7, s10;
	s14 =	sadd.s32 @!p1 s2, s13;
	s15 =	sadd.s32 @!p1 $0x280, s12  }
0x25: {  	[tilespmem:s15], [sflag:$0x2] =	stream.linear.gather @!p1 [hbm4b:s14+s16], $0x1F40, $0x38;
	[tilespmem:$0x7F80] =	vst v63  }
0x26: {  	s13 =	sadd.s32 @!p1 s7, s13;
	s12 =	sadd.s32 @!p1 $0x4100, s12  }
0x27: {  	[tilespmem:s12], [sflag:$0x2] =	stream.linear.gather @!p1 [hbm4b:s13+s16], $0x1F40, $0x38;
	[tilespmem:$0x7F80] =	vst v63  }
0x28: {  	p1 =	seq.s32 s11, $0x0  }
.Ltmp2:
0x29: {  	_ = 	snop;
	(pc) =	sbr.rel @p1 .LBB2_5-.Ltmp2, $1  }
0x2a: {  	_ =	sdelay $0x3  }
0x2b: {  	s12 =	sand.u32 $0x1, s11  }
0x2c: {  	_ =	swait.ge [sflag:s6], $0x3E80;
	p1 =	seq.s32 s12, $0x1;
	s12 =	simm.s32 $0x1F40  }
0x2d: {  	[sflag:s6] =	ssyncset.done $0x0;
	s12 =	simm.s32 @!p1 $0x0  }
0x2e: {  	[sflag:s6] =	ssyncadd.s32 $0xFFFFC180;
	s14 =	sadd.s32 $0x280, s12  }
0x2f: {  	v0 =	vld.msk [tilespmem:s14+$0x0 ss:$0x1], $0xffff;
	_ =	sdelay $0x4  }
0x30: {  	v0 =	vmin.u32 v0, $0x2800;
	_ =	sdelay $0x3  }
0x31: {  	s13 =	simm.s32 $0x0;
	s12 =	sadd.s32 $0x4100, s12;
	s14 =	sadd.s32 $0x10, s14  }
0x32: {  	[spmem:s9] =	stream.indirect_vreg.scatter.add.s32 [tilespmem:s12], [sflag:$0x1], $0x1, v0, vm0, $0x4038;
	[tilespmem:$0x7F80] =	vst v63  }
.LBB2_3:
0x33: {  	v0 =	vld.msk [tilespmem:s14+$0x0 ss:$0x1], $0xffff;
	s13 =	sadd.s32 $0x10, s13  }
0x34: {  	p1 =	slt.u32 s13, $0x1F30;
	_ =	sdelay $0x4  }
0x35: {  	v0 =	vmin.u32 v0, $0x2800  }
.Ltmp3:
0x36: {  	(pc) =	sbr.rel @p1 .LBB2_3-.Ltmp3, $3  }
0x37: {  	_ =	sdelay $0x1  }
0x38: {  	s14 =	sadd.s32 $0x10, s14;
	s12 =	sadd.s32 $0x10, s12  }
0x39: {  	[spmem:s9] =	stream.indirect_vreg.scatter.add.s32 [tilespmem:s12], [sflag:$0x1], $0x1, v0, vm0, $0x4038;
	[tilespmem:$0x7F80] =	vst v63  }
.Ltmp4:
0x3a: {  	(pc) =	sbr.rel .LBB2_5-.Ltmp4, $4  }
0x3b: {  	_ = 	snop  }
0x3c: {  	_ =	swait.ge [sflag:s5], $0x1F40  }
0x3d: {  	[sflag:s5] =	ssyncset.done $0x0  }
0x3e: {  	[sflag:s5] =	ssyncadd.s32 $0xFFFFE0C0  }
.LBB2_6:
0x3f: {  	_ =	sfence.sel $0x180000  }
0x40: {  	s2 =	simm.s32 $0x2;
	[bflag:$0x0] =	sbarrier.arrive $0xFFFF  }
0x41: {  	s30 =	simm.s32 $0x1;
	[sflag:s2] =	ssyncpa.u1 $0x1  }
0x42: {  	[sflag:s30] =	ssyncpa.u1 $0x1  }
0x43: {  	_ =	sfence.stream.spmem  }
0x44: {  	s31 =	simm.s32 $0x3D;
	[bflag:$0x0] =	sbarrier.arrive $0xFFFF  }
0x45: {  	s2 =	simm.s32 @p0 $0x3D;
	[sflag:s31] =	ssyncpa.u1 $0x0  }
0x46: {  	[sflag:s2] =	ssyncpa.u1 @p0 $0x1  }
0x47: {  	[bflag:$0x0] =	sbarrier.arrive @p0 $0xFFFF  }
0x48: {  	_ =	strace @p0 $0x9000004A  }
0x49: {  	s3 =	simm.s32 @!p0 $0x1C3D;
	s2 =	simm.s32 @!p0 $0x0;
	[bflag:$0x2] =	sbarrier.arrive @p0 $0xFFFF  }
0x4a: {  	[hbm:s1], [sflag:s3] =	dma.local @!p0 [spmem:s2], $0x500  }
0x4b: {  	s1 =	simm.s32 @!p0 $0x3D  }
0x4c: {  	_ =	swait.ge @!p0 [sflag:s1], $0x500  }
0x4d: {  	[sflag:s1] =	ssyncset.done @!p0 $0x0  }
0x4e: {  	[sflag:s1] =	ssyncadd.s32 @!p0 $0xFFFFFB00  }
0x4f: {  	[sflag:s1] =	ssyncpa.u1 @!p0 $0x1  }
0x50: {  	[bflag:$0x0] =	sbarrier.arrive @!p0 $0xFFFF  }
0x51: {  	_ =	strace @!p0 $0x9000004A  }
0x52: {  	s0 =	sadd.s32 @!p0 $0x100000, s0;
	[bflag:$0x2] =	sbarrier.arrive @!p0 $0xFFFF  }
0x53: {  	[sflag:s0] =	ssyncadd.tile.s32 @!p0 $0x1;
	_ =	shalt  }
.Lfunc_end2:
_tile_overlayer_lowered:
.L_overlay_start_2:
0x54: {  	(tag) =	ssettag $0x2  }
0x55: {  	s0 =	rddreg [dreg:$0x0];
	s2 =	stileid.u32  }
0x56: {  	s1 =	rddreg [dreg:$0x1];
	p0 =	sne.s32 s2, $0x0  }
0x57: {  	s3 =	rddreg [dreg:$0x2];
	[bflag:$0x3] =	sbarrier.arrive $0xFFFF;
	s2 =	simm.s32 @!p0 $0x1C01  }
0x58: {  	[timem:s3], [sflag:s2] =	dma.local @!p0 [hbm:s0], s1  }
0x59: {  	s0 =	simm.s32 @!p0 $0x1  }
0x5a: {  	_ =	swait.ge @!p0 [sflag:s0], s1  }
0x5b: {  	s1 =	ssub.s32 @!p0 $0x0, s1;
	[sflag:s0] =	ssyncset.done @!p0 $0x0  }
0x5c: {  	[sflag:s0] =	ssyncadd.s32 @!p0 s1  }
0x5d: {  	[bflag:$0x3] =	sbarrier.arrive $0xFFFF  }
0x5e: {  	_ =	shalt  }

</sc_bundles>
